<compile_context>
chip_gen: v7x
topology: tpu7x:2x2x1
jax: 0.10.2.dev20260603
libtpu: 0.0.44.dev20260713+nightly
codegen_flags: <defaults>
</compile_context>

<pallas_src>
import functools

import jax
import jax.numpy as jnp
from jax import lax
from jax.experimental import pallas as pl
from jax.experimental.pallas import tpu as pltpu
from jax.experimental.pallas import tpu_sc as plsc

BATCH = 16384
EMBED_DIM = 32
WIDE = 128
NUM_USERS = 1000000
NUM_FILMS = 100000
NUM_CORES = 2
NUM_SUBCORES = 16
NUM_WORKERS = NUM_CORES * NUM_SUBCORES
LANES = 16
BLK = 512
RES = 128

U_FULL = NUM_USERS // BLK
I_FULL = NUM_FILMS // BLK
CUT_U = U_FULL * BLK
CUT_I = I_FULL * BLK
LCAP = BATCH + LANES


def _gather_sc(uidx2, iidx2, ut_t, it_t):
    mesh = plsc.VectorSubcoreMesh(core_axis_name="c", subcore_axis_name="s")

    @functools.partial(
        pl.kernel,
        out_type=[
            jax.ShapeDtypeStruct((BATCH + RES, WIDE), jnp.float32),
            jax.ShapeDtypeStruct((BATCH + RES, WIDE), jnp.float32),
        ],
        mesh=mesh,
        compiler_params=pltpu.CompilerParams(needs_layout_passes=False),
        scratch_types=[
            pltpu.VMEM((BATCH // WIDE, WIDE), jnp.int32),
            pltpu.VMEM((LCAP,), jnp.int32),
            pltpu.VMEM((LCAP,), jnp.int32),
            pltpu.VMEM((3, EMBED_DIM, BLK), jnp.float32),
            pltpu.VMEM((RES, WIDE), jnp.float32),
            pltpu.VMEM((RES,), jnp.int32),
            pltpu.SemaphoreType.DMA,
            pltpu.SemaphoreType.DMA,
            pltpu.SemaphoreType.DMA,
        ],
    )
    def gather_kernel(uidx_hbm, iidx_hbm, ut_hbm, it_hbm, ou_hbm, oi_hbm,
                      idx_v, lidx_v, lpos_v, blk_v, res_v, row_v,
                      isem, bsem, osem):
        wid = lax.axis_index("s") * NUM_CORES + lax.axis_index("c")
        iota = lax.iota(jnp.int32, LANES)

        def init_rows():
            for k in range(RES // LANES):
                row_v[pl.ds(k * LANES, LANES)] = BATCH + k * LANES + iota

        def run_phase(tab_hbm, sidx_hbm, out_hbm, nfull):
            per_lo = nfull // NUM_WORKERS
            nlo = nfull % NUM_WORKERS
            nblk = per_lo + jnp.where(wid < nlo, 1, 0)
            blk0 = wid * per_lo + jnp.minimum(wid, nlo)
            c0 = blk0 * BLK
            c1 = c0 + nblk * BLK

            pltpu.sync_copy(sidx_hbm, idx_v)
            init_rows()

            def prefilter(r, cnt):
                for k in range(WIDE // LANES):
                    g16 = idx_v[r, pl.ds(k * LANES, LANES)]
                    p16 = r * WIDE + k * LANES + iota
                    m = (g16 >= c0) & (g16 < c1)
                    plsc.store_compressed(lidx_v.at[pl.ds(cnt, LANES)], g16, mask=m)
                    plsc.store_compressed(lpos_v.at[pl.ds(cnt, LANES)], p16, mask=m)
                    cnt = cnt + jnp.sum(m.astype(jnp.int32))
                return cnt

            cnt = lax.fori_loop(0, BATCH // WIDE, prefilter,
                                jnp.int32(0), unroll=False)
            lidx_v[pl.ds(cnt, LANES)] = jnp.full((LANES,), 2**30, jnp.int32)
            ngrp = (cnt + LANES - 1) // LANES

            def in_copy(b, slot):
                col0 = pl.multiple_of((blk0 + b) * BLK, BLK)
                return pltpu.make_async_copy(
                    tab_hbm.at[:, pl.ds(col0, BLK)], blk_v.at[slot], isem)

            def flush(fill):
                pltpu.async_copy(res_v, out_hbm.at[row_v], osem).wait()
                init_rows()
                return jnp.int32(0)

            def extract(slot, b0, g, fill):
                l16 = lidx_v[pl.ds(g * LANES, LANES)]
                p16 = lpos_v[pl.ds(g * LANES, LANES)]
                m = (l16 >= b0) & (l16 < b0 + BLK)
                pop = jnp.sum(m.astype(jnp.int32))

                def hit(fill):
                    fill = lax.cond(fill + pop > RES, flush,
                                    lambda f: f, fill)
                    slots = fill + plsc.cumsum(m.astype(jnp.int32)) - 1
                    cols = jnp.clip(l16 - b0, 0, BLK - 1)
                    for c in range(EMBED_DIM):
                        vals = plsc.load_gather(
                            blk_v.at[slot],
                            [jnp.full((LANES,), c, jnp.int32), cols])
                        plsc.store_scatter(
                            res_v, [slots, jnp.full((LANES,), c, jnp.int32)],
                            vals, mask=m)
                    plsc.store_scatter(row_v, [slots], p16, mask=m)
                    return fill + pop

                return lax.cond(pop > 0, hit, lambda f: f, fill)

            def block_body(b, fill):
                slot = lax.rem(b, 3)
                in_copy(b, slot).wait()
                in_copy(jnp.minimum(b + 2, nblk - 1),
                        lax.rem(b + 2, 3)).start()
                b0 = (blk0 + b) * BLK

                def grp_body(g, fill):
                    return extract(slot, b0, g, fill)

                return lax.fori_loop(0, ngrp, grp_body, fill, unroll=False)

            in_copy(0, 0).start()
            in_copy(1, 1).start()
            fill = lax.fori_loop(0, nblk, block_body,
                                 jnp.int32(0), unroll=False)
            in_copy(nblk - 1, lax.rem(nblk, 3)).wait()
            in_copy(nblk - 1, lax.rem(nblk + 1, 3)).wait()
            flush(fill)

        run_phase(ut_hbm, uidx_hbm, ou_hbm, U_FULL)
        run_phase(it_hbm, iidx_hbm, oi_hbm, I_FULL)

    return gather_kernel(uidx2, iidx2, ut_t, it_t)


def _mlp_body(uw_ref, iw_ref, ur_ref, ir_ref, utail_ref, itail_ref,
              w1_ref, b1_ref, w2_ref, b2_ref,
              w3_ref, b3_ref, w4_ref, b4_ref, o_ref):
    ue = uw_ref[:, 0:EMBED_DIM]
    ie = iw_ref[:, 0:EMBED_DIM]
    ur = ur_ref[...]
    ir = ir_ref[...]
    oh_u = (ur - CUT_U == lax.broadcasted_iota(jnp.int32, (1, NUM_USERS - CUT_U), 1)
            ).astype(jnp.float32)
    oh_i = (ir - CUT_I == lax.broadcasted_iota(jnp.int32, (1, NUM_FILMS - CUT_I), 1)
            ).astype(jnp.float32)
    ue_tail = jnp.dot(oh_u, utail_ref[...], preferred_element_type=jnp.float32)
    ie_tail = jnp.dot(oh_i, itail_ref[...], preferred_element_type=jnp.float32)
    ue = jnp.where(ur < CUT_U, ue, ue_tail)
    ie = jnp.where(ir < CUT_I, ie, ie_tail)
    h = (jnp.dot(ue, w1_ref[0:EMBED_DIM, :], preferred_element_type=jnp.float32)
         + jnp.dot(ie, w1_ref[EMBED_DIM:2 * EMBED_DIM, :],
                   preferred_element_type=jnp.float32)
         + b1_ref[...])
    h = jnp.maximum(h, 0.0)
    h = jnp.maximum(jnp.dot(h, w2_ref[...], preferred_element_type=jnp.float32)
                    + b2_ref[...], 0.0)
    h = jnp.maximum(jnp.dot(h, w3_ref[...], preferred_element_type=jnp.float32)
                    + b3_ref[...], 0.0)
    y = jax.nn.sigmoid(jnp.dot(h, w4_ref[...], preferred_element_type=jnp.float32)
                       + b4_ref[...])
    o_ref[...] = y * 5.0 + 1.0


def _mlp_tc(uw, iw, ur, ir, utail, itail, W1, b1, W2, b2, W3, b3, W4, b4):
    blk = 2048
    grid = (BATCH // blk,)
    full = lambda shape: pl.BlockSpec(shape, lambda i: (0,) * len(shape))
    return pl.pallas_call(
        _mlp_body,
        grid=grid,
        in_specs=[
            pl.BlockSpec((blk, WIDE), lambda i: (i, 0)),
            pl.BlockSpec((blk, WIDE), lambda i: (i, 0)),
            pl.BlockSpec((blk, 1), lambda i: (i, 0)),
            pl.BlockSpec((blk, 1), lambda i: (i, 0)),
            full(utail.shape), full(itail.shape),
            full(W1.shape), full(b1.shape),
            full(W2.shape), full(b2.shape),
            full(W3.shape), full(b3.shape),
            full(W4.shape), full(b4.shape),
        ],
        out_specs=pl.BlockSpec((blk, 1), lambda i: (i, 0)),
        out_shape=jax.ShapeDtypeStruct((BATCH, 1), jnp.float32),
    )(uw, iw, ur, ir, utail, itail, W1, b1, W2, b2, W3, b3, W4, b4)


def kernel(user_indices, item_indices, emb_user, emb_item,
           W1, b1, W2, b2, W3, b3, W4, b4):
    ui = user_indices.astype(jnp.int32)
    ii = item_indices.astype(jnp.int32)
    uw, iw = _gather_sc(ui.reshape(BATCH // WIDE, WIDE),
                        ii.reshape(BATCH // WIDE, WIDE),
                        emb_user.T, emb_item.T)
    return _mlp_tc(uw, iw, ui.reshape(BATCH, 1), ii.reshape(BATCH, 1),
                   emb_user[CUT_U:], emb_item[CUT_I:],
                   W1, b1.reshape(1, -1), W2, b2.reshape(1, -1),
                   W3, b3.reshape(1, -1), W4, b4.reshape(1, -1))

# --- scband reference (transcript-rebuilt; emitter-appended) ---
"""Pipeline reference for scband-ncf-42932493091104 (READ-ONLY COPY).

The authoritative reference and input builder live on the scoring server;
editing this copy changes nothing except your own understanding.
"""

import jax, jax.numpy as jnp
import numpy as np

NUM_USERS = 1000000
NUM_FILMS = 100000
EMBED_DIM = 32
BATCH = 16384
NORM_MIN = 1.0
NORM_RANGE = 5.0  # abs(5-1)+1


def _xavier(key, fan_in, fan_out):
    limit = jnp.sqrt(6.0 / (fan_in + fan_out))
    return jax.random.uniform(key, (fan_in, fan_out), minval=-limit, maxval=limit, dtype=jnp.float32)


def setup_inputs(seed: int = 0) -> dict:
    key = jax.random.key(seed)
    ks = jax.random.split(key, 8)
    user_indices = jax.random.randint(ks[0], (BATCH,), 0, NUM_USERS, dtype=jnp.int64 if jax.config.jax_enable_x64 else jnp.int32)
    item_indices = jax.random.randint(ks[1], (BATCH,), 0, NUM_FILMS, dtype=jnp.int64 if jax.config.jax_enable_x64 else jnp.int32)
    emb_user = jax.random.uniform(ks[2], (NUM_USERS, EMBED_DIM), minval=-0.05, maxval=0.05, dtype=jnp.float32)
    emb_item = jax.random.uniform(ks[3], (NUM_FILMS, EMBED_DIM), minval=-0.05, maxval=0.05, dtype=jnp.float32)
    W1 = _xavier(ks[4], 64, 32)
    b1 = jnp.zeros((32,), dtype=jnp.float32)
    W2 = _xavier(ks[5], 32, 16)
    b2 = jnp.zeros((16,), dtype=jnp.float32)
    W3 = _xavier(ks[6], 16, 8)
    b3 = jnp.zeros((8,), dtype=jnp.float32)
    W4 = _xavier(ks[7], 8, 1)
    b4 = jnp.zeros((1,), dtype=jnp.float32)
    return {
        'user_indices': user_indices,
        'item_indices': item_indices,
        'emb_user': emb_user,
        'emb_item': emb_item,
        'W1': W1, 'b1': b1,
        'W2': W2, 'b2': b2,
        'W3': W3, 'b3': b3,
        'W4': W4, 'b4': b4,
    }


def reference(user_indices, item_indices, emb_user, emb_item, W1, b1, W2, b2, W3, b3, W4, b4):
    # Embedding lookups (gather)
    ue = jnp.take(emb_user, user_indices, axis=0)
    ie = jnp.take(emb_item, item_indices, axis=0)
    x = jnp.concatenate([ue, ie], axis=-1)
    # MLP: Linear+ReLU x3, final Linear+Sigmoid
    x = jax.nn.relu(x @ W1 + b1)
    x = jax.nn.relu(x @ W2 + b2)
    x = jax.nn.relu(x @ W3 + b3)
    x = jax.nn.sigmoid(x @ W4 + b4)
    return x * NORM_RANGE + NORM_MIN

if __name__ == "__main__":
    import jax
    _d = setup_inputs()
    print(jax.jit(kernel)(*tuple(_d.values())))

</pallas_src>

<mosaic_0001>
#map = affine_map<(d0, d1) -> (0, 0)>
module attributes {stable_mosaic.version = 14 : i64} {
  func.func @gather_kernel(%arg0: i32, %arg1: i32, %arg2: memref<128x128xi32, #tpu.memory_space<hbm>>, %arg3: memref<128x128xi32, #tpu.memory_space<hbm>>, %arg4: memref<32x1000000xf32, #tpu.memory_space<hbm>>, %arg5: memref<32x100000xf32, #tpu.memory_space<hbm>>, %arg6: memref<16512x128xf32, #tpu.memory_space<hbm>>, %arg7: memref<16512x128xf32, #tpu.memory_space<hbm>>, %arg8: memref<128x128xi32, #tpu.memory_space<vmem>>, %arg9: memref<16400xi32, #tpu.memory_space<vmem>>, %arg10: memref<16400xi32, #tpu.memory_space<vmem>>, %arg11: memref<3x32x512xf32, #tpu.memory_space<vmem>>, %arg12: memref<128x128xf32, #tpu.memory_space<vmem>>, %arg13: memref<128xi32, #tpu.memory_space<vmem>>, %arg14: memref<!tpu.dma_semaphore, #tpu.memory_space<semaphore_mem>>, %arg15: memref<!tpu.dma_semaphore, #tpu.memory_space<semaphore_mem>>, %arg16: memref<!tpu.dma_semaphore, #tpu.memory_space<semaphore_mem>>) attributes {dimension_semantics = [#tpu.dimension_semantics<core_parallel>, #tpu.dimension_semantics<subcore_parallel>], iteration_bounds = array<i64: 2, 16>, scalar_prefetch = 0 : i64, scratch_operands = 9 : i64, tpu.core_type = #tpu.core_type<sc_vector_subcore>, window_params = [{transform_indices = #map}, {transform_indices = #map}, {transform_indices = #map}, {transform_indices = #map}, {transform_indices = #map}, {transform_indices = #map}]} {
    %mul3A = arith.constant 2 : i32
    %mul3A_0 = arith.muli %arg1, %mul3A : i32
    %add3A = arith.addi %mul3A_0, %arg0 : i32
    %iota3A = tpu.iota {dimensions = array<i32: 0>} : vector<16xi32>
    %lt3A = arith.constant 1 : i32
    %lt3A_1 = arith.cmpi slt, %add3A, %lt3A : i32
    %jit3A = arith.constant 1 : i32
    %jit3A_2 = arith.constant 0 : i32
    %select_n3A = arith.select %lt3A_1, %jit3A, %jit3A_2 : i32
    %add3A_3 = arith.constant 61 : i32
    %add3A_4 = arith.addi %add3A_3, %select_n3A : i32
    %mul3A_5 = arith.constant 61 : i32
    %mul3A_6 = arith.muli %add3A, %mul3A_5 : i32
    %min3A = arith.constant 1 : i32
    %min3A_7 = arith.minsi %add3A, %min3A : i32
    %add3A_8 = arith.addi %mul3A_6, %min3A_7 : i32
    %mul3A_9 = arith.constant 512 : i32
    %mul3A_10 = arith.muli %add3A_8, %mul3A_9 : i32
    %mul3A_11 = arith.constant 512 : i32
    %mul3A_12 = arith.muli %add3A_4, %mul3A_11 : i32
    %add3A_13 = arith.addi %mul3A_10, %mul3A_12 : i32
    "tpu.region"() ({
      %run_scoped3A = tpu.sem_alloc : memref<!tpu.dma_semaphore, #tpu.memory_space<semaphore_mem>>
      tpu.enqueue_dma source(%arg2 : memref<128x128xi32, #tpu.memory_space<hbm>>) target(%arg8 : memref<128x128xi32, #tpu.memory_space<vmem>>) target_semaphore(%run_scoped3A : memref<!tpu.dma_semaphore, #tpu.memory_space<semaphore_mem>>)
      tpu.wait_dma2 semaphore(%run_scoped3A : memref<!tpu.dma_semaphore, #tpu.memory_space<semaphore_mem>>) src(%arg2 : memref<128x128xi32, #tpu.memory_space<hbm>>) dst(%arg8 : memref<128x128xi32, #tpu.memory_space<vmem>>)
      tpu.yield
    }) : () -> ()
    %add3A_14 = arith.constant 16384 : i32
    %add3A_15 = vector.broadcast %add3A_14 : i32 to vector<16xi32>
    %add3A_16 = arith.addi %add3A_15, %iota3A : vector<16xi32>
    %swap3A = arith.constant 0 : index
    %swap3A_17 = tpu.vector_load %arg13[%swap3A] {strides = array<i32>} : memref<128xi32, #tpu.memory_space<vmem>>, vector<16xi32>,
    tpu.vector_store %arg13[%swap3A], %add3A_16 {strides = array<i32>} : memref<128xi32, #tpu.memory_space<vmem>>, vector<16xi32>,
    %add3A_18 = arith.constant 16400 : i32
    %add3A_19 = vector.broadcast %add3A_18 : i32 to vector<16xi32>
    %add3A_20 = arith.addi %add3A_19, %iota3A : vector<16xi32>
    %swap3A_21 = arith.constant 16 : index
    %swap3A_22 = tpu.vector_load %arg13[%swap3A_21] {strides = array<i32>} : memref<128xi32, #tpu.memory_space<vmem>>, vector<16xi32>,
    tpu.vector_store %arg13[%swap3A_21], %add3A_20 {strides = array<i32>} : memref<128xi32, #tpu.memory_space<vmem>>, vector<16xi32>,
    %add3A_23 = arith.constant 16416 : i32
    %add3A_24 = vector.broadcast %add3A_23 : i32 to vector<16xi32>
    %add3A_25 = arith.addi %add3A_24, %iota3A : vector<16xi32>
    %swap3A_26 = arith.constant 32 : index
    %swap3A_27 = tpu.vector_load %arg13[%swap3A_26] {strides = array<i32>} : memref<128xi32, #tpu.memory_space<vmem>>, vector<16xi32>,
    tpu.vector_store %arg13[%swap3A_26], %add3A_25 {strides = array<i32>} : memref<128xi32, #tpu.memory_space<vmem>>, vector<16xi32>,
    %add3A_28 = arith.constant 16432 : i32
    %add3A_29 = vector.broadcast %add3A_28 : i32 to vector<16xi32>
    %add3A_30 = arith.addi %add3A_29, %iota3A : vector<16xi32>
    %swap3A_31 = arith.constant 48 : index
    %swap3A_32 = tpu.vector_load %arg13[%swap3A_31] {strides = array<i32>} : memref<128xi32, #tpu.memory_space<vmem>>, vector<16xi32>,
    tpu.vector_store %arg13[%swap3A_31], %add3A_30 {strides = array<i32>} : memref<128xi32, #tpu.memory_space<vmem>>, vector<16xi32>,
    %add3A_33 = arith.constant 16448 : i32
    %add3A_34 = vector.broadcast %add3A_33 : i32 to vector<16xi32>
    %add3A_35 = arith.addi %add3A_34, %iota3A : vector<16xi32>
    %swap3A_36 = arith.constant 64 : index
    %swap3A_37 = tpu.vector_load %arg13[%swap3A_36] {strides = array<i32>} : memref<128xi32, #tpu.memory_space<vmem>>, vector<16xi32>,
    tpu.vector_store %arg13[%swap3A_36], %add3A_35 {strides = array<i32>} : memref<128xi32, #tpu.memory_space<vmem>>, vector<16xi32>,
    %add3A_38 = arith.constant 16464 : i32
    %add3A_39 = vector.broadcast %add3A_38 : i32 to vector<16xi32>
    %add3A_40 = arith.addi %add3A_39, %iota3A : vector<16xi32>
    %swap3A_41 = arith.constant 80 : index
    %swap3A_42 = tpu.vector_load %arg13[%swap3A_41] {strides = array<i32>} : memref<128xi32, #tpu.memory_space<vmem>>, vector<16xi32>,
    tpu.vector_store %arg13[%swap3A_41], %add3A_40 {strides = array<i32>} : memref<128xi32, #tpu.memory_space<vmem>>, vector<16xi32>,
    %add3A_43 = arith.constant 16480 : i32
    %add3A_44 = vector.broadcast %add3A_43 : i32 to vector<16xi32>
    %add3A_45 = arith.addi %add3A_44, %iota3A : vector<16xi32>
    %swap3A_46 = arith.constant 96 : index
    %swap3A_47 = tpu.vector_load %arg13[%swap3A_46] {strides = array<i32>} : memref<128xi32, #tpu.memory_space<vmem>>, vector<16xi32>,
    tpu.vector_store %arg13[%swap3A_46], %add3A_45 {strides = array<i32>} : memref<128xi32, #tpu.memory_space<vmem>>, vector<16xi32>,
    %add3A_48 = arith.constant 16496 : i32
    %add3A_49 = vector.broadcast %add3A_48 : i32 to vector<16xi32>
    %add3A_50 = arith.addi %add3A_49, %iota3A : vector<16xi32>
    %swap3A_51 = arith.constant 112 : index
    %swap3A_52 = tpu.vector_load %arg13[%swap3A_51] {strides = array<i32>} : memref<128xi32, #tpu.memory_space<vmem>>, vector<16xi32>,
    tpu.vector_store %arg13[%swap3A_51], %add3A_50 {strides = array<i32>} : memref<128xi32, #tpu.memory_space<vmem>>, vector<16xi32>,
    %scan3A = arith.constant 0 : i32
    %scan3A_53 = arith.constant 0 : i32
    %scan3A_54 = arith.constant 128 : i32
    %scan3A_55 = arith.addi %scan3A_53, %scan3A_54 : i32
    %scan3A_56 = arith.constant 1 : i32
    %scan3A_57 = scf.for %scan3A_448 = %scan3A_53 to %scan3A_55 step %scan3A_56 iter_args(%scan3A_449 = %scan3A) -> (i32)  : i32 {
      %get3A = arith.index_cast %scan3A_448 : i32 to index
      %get3A_450 = arith.constant 0 : index
      %get3A_451 = tpu.vector_load %arg8[%get3A, %get3A_450] {strides = array<i32>} : memref<128x128xi32, #tpu.memory_space<vmem>>, vector<16xi32>,
      %mul3A_452 = arith.constant 128 : i32
      %mul3A_453 = arith.muli %scan3A_448, %mul3A_452 : i32
      %add3A_454 = arith.constant 0 : i32
      %add3A_455 = arith.addi %mul3A_453, %add3A_454 : i32
      %add3A_456 = vector.broadcast %add3A_455 : i32 to vector<16xi32>
      %add3A_457 = arith.addi %add3A_456, %iota3A : vector<16xi32>
      %ge3A = vector.broadcast %mul3A_10 : i32 to vector<16xi32>
      %ge3A_458 = arith.cmpi sge, %get3A_451, %ge3A : vector<16xi32>
      %lt3A_459 = vector.broadcast %add3A_13 : i32 to vector<16xi32>
      %lt3A_460 = arith.cmpi slt, %get3A_451, %lt3A_459 : vector<16xi32>
      %and3A_461 = arith.andi %ge3A_458, %lt3A_460 : vector<16xi1>
      %swap3A_462 = arith.index_cast %scan3A_449 : i32 to index
      %swap3A_463 = tpu.vector_load %arg9[%swap3A_462] masked %and3A_461 {strides = array<i32>} : memref<16400xi32, #tpu.memory_space<vmem>>, vector<16xi32>, vector<16xi1>
      tpu.vector_store %arg9[%swap3A_462], %get3A_451 masked %and3A_461 {strides = array<i32>} : memref<16400xi32, #tpu.memory_space<vmem>>, vector<16xi32>, vector<16xi1>
      %swap3A_464 = arith.index_cast %scan3A_449 : i32 to index
      %swap3A_465 = tpu.vector_load %arg10[%swap3A_464] masked %and3A_461 {strides = array<i32>} : memref<16400xi32, #tpu.memory_space<vmem>>, vector<16xi32>, vector<16xi1>
      tpu.vector_store %arg10[%swap3A_464], %add3A_457 masked %and3A_461 {strides = array<i32>} : memref<16400xi32, #tpu.memory_space<vmem>>, vector<16xi32>, vector<16xi1>
      %convert_element_type3A = arith.extui %and3A_461 : vector<16xi1> to vector<16xi32>
      %reduce_sum3A = arith.constant true
      %reduce_sum3A_466 = vector.broadcast %reduce_sum3A : i1 to vector<16xi1>
      %reduce_sum3A_467 = tpu.scan <sum>, %convert_element_type3A masked %reduce_sum3A_466 : vector<16xi32>, vector<16xi1> -> vector<16xi32>
      %reduce_sum3A_468 = vector.extract %reduce_sum3A_467[15] : i32 from vector<16xi32>
      %add3A_469 = arith.addi %scan3A_449, %reduce_sum3A_468 : i32
      %get3A_470 = arith.index_cast %scan3A_448 : i32 to index
      %get3A_471 = arith.constant 16 : index
      %get3A_472 = tpu.vector_load %arg8[%get3A_470, %get3A_471] {strides = array<i32>} : memref<128x128xi32, #tpu.memory_space<vmem>>, vector<16xi32>,
      %mul3A_473 = arith.constant 128 : i32
      %mul3A_474 = arith.muli %scan3A_448, %mul3A_473 : i32
      %add3A_475 = arith.constant 16 : i32
      %add3A_476 = arith.addi %mul3A_474, %add3A_475 : i32
      %add3A_477 = vector.broadcast %add3A_476 : i32 to vector<16xi32>
      %add3A_478 = arith.addi %add3A_477, %iota3A : vector<16xi32>
      %ge3A_479 = vector.broadcast %mul3A_10 : i32 to vector<16xi32>
      %ge3A_480 = arith.cmpi sge, %get3A_472, %ge3A_479 : vector<16xi32>
      %lt3A_481 = vector.broadcast %add3A_13 : i32 to vector<16xi32>
      %lt3A_482 = arith.cmpi slt, %get3A_472, %lt3A_481 : vector<16xi32>
      %and3A_483 = arith.andi %ge3A_480, %lt3A_482 : vector<16xi1>
      %swap3A_484 = arith.index_cast %add3A_469 : i32 to index
      %swap3A_485 = tpu.vector_load %arg9[%swap3A_484] masked %and3A_483 {strides = array<i32>} : memref<16400xi32, #tpu.memory_space<vmem>>, vector<16xi32>, vector<16xi1>
      tpu.vector_store %arg9[%swap3A_484], %get3A_472 masked %and3A_483 {strides = array<i32>} : memref<16400xi32, #tpu.memory_space<vmem>>, vector<16xi32>, vector<16xi1>
      %swap3A_486 = arith.index_cast %add3A_469 : i32 to index
      %swap3A_487 = tpu.vector_load %arg10[%swap3A_486] masked %and3A_483 {strides = array<i32>} : memref<16400xi32, #tpu.memory_space<vmem>>, vector<16xi32>, vector<16xi1>
      tpu.vector_store %arg10[%swap3A_486], %add3A_478 masked %and3A_483 {strides = array<i32>} : memref<16400xi32, #tpu.memory_space<vmem>>, vector<16xi32>, vector<16xi1>
      %convert_element_type3A_488 = arith.extui %and3A_483 : vector<16xi1> to vector<16xi32>
      %reduce_sum3A_489 = arith.constant true
      %reduce_sum3A_490 = vector.broadcast %reduce_sum3A_489 : i1 to vector<16xi1>
      %reduce_sum3A_491 = tpu.scan <sum>, %convert_element_type3A_488 masked %reduce_sum3A_490 : vector<16xi32>, vector<16xi1> -> vector<16xi32>
      %reduce_sum3A_492 = vector.extract %reduce_sum3A_491[15] : i32 from vector<16xi32>
      %add3A_493 = arith.addi %add3A_469, %reduce_sum3A_492 : i32
      %get3A_494 = arith.index_cast %scan3A_448 : i32 to index
      %get3A_495 = arith.constant 32 : index
      %get3A_496 = tpu.vector_load %arg8[%get3A_494, %get3A_495] {strides = array<i32>} : memref<128x128xi32, #tpu.memory_space<vmem>>, vector<16xi32>,
      %mul3A_497 = arith.constant 128 : i32
      %mul3A_498 = arith.muli %scan3A_448, %mul3A_497 : i32
      %add3A_499 = arith.constant 32 : i32
      %add3A_500 = arith.addi %mul3A_498, %add3A_499 : i32
      %add3A_501 = vector.broadcast %add3A_500 : i32 to vector<16xi32>
      %add3A_502 = arith.addi %add3A_501, %iota3A : vector<16xi32>
      %ge3A_503 = vector.broadcast %mul3A_10 : i32 to vector<16xi32>
      %ge3A_504 = arith.cmpi sge, %get3A_496, %ge3A_503 : vector<16xi32>
      %lt3A_505 = vector.broadcast %add3A_13 : i32 to vector<16xi32>
      %lt3A_506 = arith.cmpi slt, %get3A_496, %lt3A_505 : vector<16xi32>
      %and3A_507 = arith.andi %ge3A_504, %lt3A_506 : vector<16xi1>
      %swap3A_508 = arith.index_cast %add3A_493 : i32 to index
      %swap3A_509 = tpu.vector_load %arg9[%swap3A_508] masked %and3A_507 {strides = array<i32>} : memref<16400xi32, #tpu.memory_space<vmem>>, vector<16xi32>, vector<16xi1>
      tpu.vector_store %arg9[%swap3A_508], %get3A_496 masked %and3A_507 {strides = array<i32>} : memref<16400xi32, #tpu.memory_space<vmem>>, vector<16xi32>, vector<16xi1>
      %swap3A_510 = arith.index_cast %add3A_493 : i32 to index
      %swap3A_511 = tpu.vector_load %arg10[%swap3A_510] masked %and3A_507 {strides = array<i32>} : memref<16400xi32, #tpu.memory_space<vmem>>, vector<16xi32>, vector<16xi1>
      tpu.vector_store %arg10[%swap3A_510], %add3A_502 masked %and3A_507 {strides = array<i32>} : memref<16400xi32, #tpu.memory_space<vmem>>, vector<16xi32>, vector<16xi1>
      %convert_element_type3A_512 = arith.extui %and3A_507 : vector<16xi1> to vector<16xi32>
      %reduce_sum3A_513 = arith.constant true
      %reduce_sum3A_514 = vector.broadcast %reduce_sum3A_513 : i1 to vector<16xi1>
      %reduce_sum3A_515 = tpu.scan <sum>, %convert_element_type3A_512 masked %reduce_sum3A_514 : vector<16xi32>, vector<16xi1> -> vector<16xi32>
      %reduce_sum3A_516 = vector.extract %reduce_sum3A_515[15] : i32 from vector<16xi32>
      %add3A_517 = arith.addi %add3A_493, %reduce_sum3A_516 : i32
      %get3A_518 = arith.index_cast %scan3A_448 : i32 to index
      %get3A_519 = arith.constant 48 : index
      %get3A_520 = tpu.vector_load %arg8[%get3A_518, %get3A_519] {strides = array<i32>} : memref<128x128xi32, #tpu.memory_space<vmem>>, vector<16xi32>,
      %mul3A_521 = arith.constant 128 : i32
      %mul3A_522 = arith.muli %scan3A_448, %mul3A_521 : i32
      %add3A_523 = arith.constant 48 : i32
      %add3A_524 = arith.addi %mul3A_522, %add3A_523 : i32
      %add3A_525 = vector.broadcast %add3A_524 : i32 to vector<16xi32>
      %add3A_526 = arith.addi %add3A_525, %iota3A : vector<16xi32>
      %ge3A_527 = vector.broadcast %mul3A_10 : i32 to vector<16xi32>
      %ge3A_528 = arith.cmpi sge, %get3A_520, %ge3A_527 : vector<16xi32>
      %lt3A_529 = vector.broadcast %add3A_13 : i32 to vector<16xi32>
      %lt3A_530 = arith.cmpi slt, %get3A_520, %lt3A_529 : vector<16xi32>
      %and3A_531 = arith.andi %ge3A_528, %lt3A_530 : vector<16xi1>
      %swap3A_532 = arith.index_cast %add3A_517 : i32 to index
      %swap3A_533 = tpu.vector_load %arg9[%swap3A_532] masked %and3A_531 {strides = array<i32>} : memref<16400xi32, #tpu.memory_space<vmem>>, vector<16xi32>, vector<16xi1>
      tpu.vector_store %arg9[%swap3A_532], %get3A_520 masked %and3A_531 {strides = array<i32>} : memref<16400xi32, #tpu.memory_space<vmem>>, vector<16xi32>, vector<16xi1>
      %swap3A_534 = arith.index_cast %add3A_517 : i32 to index
      %swap3A_535 = tpu.vector_load %arg10[%swap3A_534] masked %and3A_531 {strides = array<i32>} : memref<16400xi32, #tpu.memory_space<vmem>>, vector<16xi32>, vector<16xi1>
      tpu.vector_store %arg10[%swap3A_534], %add3A_526 masked %and3A_531 {strides = array<i32>} : memref<16400xi32, #tpu.memory_space<vmem>>, vector<16xi32>, vector<16xi1>
      %convert_element_type3A_536 = arith.extui %and3A_531 : vector<16xi1> to vector<16xi32>
      %reduce_sum3A_537 = arith.constant true
      %reduce_sum3A_538 = vector.broadcast %reduce_sum3A_537 : i1 to vector<16xi1>
      %reduce_sum3A_539 = tpu.scan <sum>, %convert_element_type3A_536 masked %reduce_sum3A_538 : vector<16xi32>, vector<16xi1> -> vector<16xi32>
      %reduce_sum3A_540 = vector.extract %reduce_sum3A_539[15] : i32 from vector<16xi32>
      %add3A_541 = arith.addi %add3A_517, %reduce_sum3A_540 : i32
      %get3A_542 = arith.index_cast %scan3A_448 : i32 to index
      %get3A_543 = arith.constant 64 : index
      %get3A_544 = tpu.vector_load %arg8[%get3A_542, %get3A_543] {strides = array<i32>} : memref<128x128xi32, #tpu.memory_space<vmem>>, vector<16xi32>,
      %mul3A_545 = arith.constant 128 : i32
      %mul3A_546 = arith.muli %scan3A_448, %mul3A_545 : i32
      %add3A_547 = arith.constant 64 : i32
      %add3A_548 = arith.addi %mul3A_546, %add3A_547 : i32
      %add3A_549 = vector.broadcast %add3A_548 : i32 to vector<16xi32>
      %add3A_550 = arith.addi %add3A_549, %iota3A : vector<16xi32>
      %ge3A_551 = vector.broadcast %mul3A_10 : i32 to vector<16xi32>
      %ge3A_552 = arith.cmpi sge, %get3A_544, %ge3A_551 : vector<16xi32>
      %lt3A_553 = vector.broadcast %add3A_13 : i32 to vector<16xi32>
      %lt3A_554 = arith.cmpi slt, %get3A_544, %lt3A_553 : vector<16xi32>
      %and3A_555 = arith.andi %ge3A_552, %lt3A_554 : vector<16xi1>
      %swap3A_556 = arith.index_cast %add3A_541 : i32 to index
      %swap3A_557 = tpu.vector_load %arg9[%swap3A_556] masked %and3A_555 {strides = array<i32>} : memref<16400xi32, #tpu.memory_space<vmem>>, vector<16xi32>, vector<16xi1>
      tpu.vector_store %arg9[%swap3A_556], %get3A_544 masked %and3A_555 {strides = array<i32>} : memref<16400xi32, #tpu.memory_space<vmem>>, vector<16xi32>, vector<16xi1>
      %swap3A_558 = arith.index_cast %add3A_541 : i32 to index
      %swap3A_559 = tpu.vector_load %arg10[%swap3A_558] masked %and3A_555 {strides = array<i32>} : memref<16400xi32, #tpu.memory_space<vmem>>, vector<16xi32>, vector<16xi1>
      tpu.vector_store %arg10[%swap3A_558], %add3A_550 masked %and3A_555 {strides = array<i32>} : memref<16400xi32, #tpu.memory_space<vmem>>, vector<16xi32>, vector<16xi1>
      %convert_element_type3A_560 = arith.extui %and3A_555 : vector<16xi1> to vector<16xi32>
      %reduce_sum3A_561 = arith.constant true
      %reduce_sum3A_562 = vector.broadcast %reduce_sum3A_561 : i1 to vector<16xi1>
      %reduce_sum3A_563 = tpu.scan <sum>, %convert_element_type3A_560 masked %reduce_sum3A_562 : vector<16xi32>, vector<16xi1> -> vector<16xi32>
      %reduce_sum3A_564 = vector.extract %reduce_sum3A_563[15] : i32 from vector<16xi32>
      %add3A_565 = arith.addi %add3A_541, %reduce_sum3A_564 : i32
      %get3A_566 = arith.index_cast %scan3A_448 : i32 to index
      %get3A_567 = arith.constant 80 : index
      %get3A_568 = tpu.vector_load %arg8[%get3A_566, %get3A_567] {strides = array<i32>} : memref<128x128xi32, #tpu.memory_space<vmem>>, vector<16xi32>,
      %mul3A_569 = arith.constant 128 : i32
      %mul3A_570 = arith.muli %scan3A_448, %mul3A_569 : i32
      %add3A_571 = arith.constant 80 : i32
      %add3A_572 = arith.addi %mul3A_570, %add3A_571 : i32
      %add3A_573 = vector.broadcast %add3A_572 : i32 to vector<16xi32>
      %add3A_574 = arith.addi %add3A_573, %iota3A : vector<16xi32>
      %ge3A_575 = vector.broadcast %mul3A_10 : i32 to vector<16xi32>
      %ge3A_576 = arith.cmpi sge, %get3A_568, %ge3A_575 : vector<16xi32>
      %lt3A_577 = vector.broadcast %add3A_13 : i32 to vector<16xi32>
      %lt3A_578 = arith.cmpi slt, %get3A_568, %lt3A_577 : vector<16xi32>
      %and3A_579 = arith.andi %ge3A_576, %lt3A_578 : vector<16xi1>
      %swap3A_580 = arith.index_cast %add3A_565 : i32 to index
      %swap3A_581 = tpu.vector_load %arg9[%swap3A_580] masked %and3A_579 {strides = array<i32>} : memref<16400xi32, #tpu.memory_space<vmem>>, vector<16xi32>, vector<16xi1>
      tpu.vector_store %arg9[%swap3A_580], %get3A_568 masked %and3A_579 {strides = array<i32>} : memref<16400xi32, #tpu.memory_space<vmem>>, vector<16xi32>, vector<16xi1>
      %swap3A_582 = arith.index_cast %add3A_565 : i32 to index
      %swap3A_583 = tpu.vector_load %arg10[%swap3A_582] masked %and3A_579 {strides = array<i32>} : memref<16400xi32, #tpu.memory_space<vmem>>, vector<16xi32>, vector<16xi1>
      tpu.vector_store %arg10[%swap3A_582], %add3A_574 masked %and3A_579 {strides = array<i32>} : memref<16400xi32, #tpu.memory_space<vmem>>, vector<16xi32>, vector<16xi1>
      %convert_element_type3A_584 = arith.extui %and3A_579 : vector<16xi1> to vector<16xi32>
      %reduce_sum3A_585 = arith.constant true
      %reduce_sum3A_586 = vector.broadcast %reduce_sum3A_585 : i1 to vector<16xi1>
      %reduce_sum3A_587 = tpu.scan <sum>, %convert_element_type3A_584 masked %reduce_sum3A_586 : vector<16xi32>, vector<16xi1> -> vector<16xi32>
      %reduce_sum3A_588 = vector.extract %reduce_sum3A_587[15] : i32 from vector<16xi32>
      %add3A_589 = arith.addi %add3A_565, %reduce_sum3A_588 : i32
      %get3A_590 = arith.index_cast %scan3A_448 : i32 to index
      %get3A_591 = arith.constant 96 : index
      %get3A_592 = tpu.vector_load %arg8[%get3A_590, %get3A_591] {strides = array<i32>} : memref<128x128xi32, #tpu.memory_space<vmem>>, vector<16xi32>,
      %mul3A_593 = arith.constant 128 : i32
      %mul3A_594 = arith.muli %scan3A_448, %mul3A_593 : i32
      %add3A_595 = arith.constant 96 : i32
      %add3A_596 = arith.addi %mul3A_594, %add3A_595 : i32
      %add3A_597 = vector.broadcast %add3A_596 : i32 to vector<16xi32>
      %add3A_598 = arith.addi %add3A_597, %iota3A : vector<16xi32>
      %ge3A_599 = vector.broadcast %mul3A_10 : i32 to vector<16xi32>
      %ge3A_600 = arith.cmpi sge, %get3A_592, %ge3A_599 : vector<16xi32>
      %lt3A_601 = vector.broadcast %add3A_13 : i32 to vector<16xi32>
      %lt3A_602 = arith.cmpi slt, %get3A_592, %lt3A_601 : vector<16xi32>
      %and3A_603 = arith.andi %ge3A_600, %lt3A_602 : vector<16xi1>
      %swap3A_604 = arith.index_cast %add3A_589 : i32 to index
      %swap3A_605 = tpu.vector_load %arg9[%swap3A_604] masked %and3A_603 {strides = array<i32>} : memref<16400xi32, #tpu.memory_space<vmem>>, vector<16xi32>, vector<16xi1>
      tpu.vector_store %arg9[%swap3A_604], %get3A_592 masked %and3A_603 {strides = array<i32>} : memref<16400xi32, #tpu.memory_space<vmem>>, vector<16xi32>, vector<16xi1>
      %swap3A_606 = arith.index_cast %add3A_589 : i32 to index
      %swap3A_607 = tpu.vector_load %arg10[%swap3A_606] masked %and3A_603 {strides = array<i32>} : memref<16400xi32, #tpu.memory_space<vmem>>, vector<16xi32>, vector<16xi1>
      tpu.vector_store %arg10[%swap3A_606], %add3A_598 masked %and3A_603 {strides = array<i32>} : memref<16400xi32, #tpu.memory_space<vmem>>, vector<16xi32>, vector<16xi1>
      %convert_element_type3A_608 = arith.extui %and3A_603 : vector<16xi1> to vector<16xi32>
      %reduce_sum3A_609 = arith.constant true
      %reduce_sum3A_610 = vector.broadcast %reduce_sum3A_609 : i1 to vector<16xi1>
      %reduce_sum3A_611 = tpu.scan <sum>, %convert_element_type3A_608 masked %reduce_sum3A_610 : vector<16xi32>, vector<16xi1> -> vector<16xi32>
      %reduce_sum3A_612 = vector.extract %reduce_sum3A_611[15] : i32 from vector<16xi32>
      %add3A_613 = arith.addi %add3A_589, %reduce_sum3A_612 : i32
      %get3A_614 = arith.index_cast %scan3A_448 : i32 to index
      %get3A_615 = arith.constant 112 : index
      %get3A_616 = tpu.vector_load %arg8[%get3A_614, %get3A_615] {strides = array<i32>} : memref<128x128xi32, #tpu.memory_space<vmem>>, vector<16xi32>,
      %mul3A_617 = arith.constant 128 : i32
      %mul3A_618 = arith.muli %scan3A_448, %mul3A_617 : i32
      %add3A_619 = arith.constant 112 : i32
      %add3A_620 = arith.addi %mul3A_618, %add3A_619 : i32
      %add3A_621 = vector.broadcast %add3A_620 : i32 to vector<16xi32>
      %add3A_622 = arith.addi %add3A_621, %iota3A : vector<16xi32>
      %ge3A_623 = vector.broadcast %mul3A_10 : i32 to vector<16xi32>
      %ge3A_624 = arith.cmpi sge, %get3A_616, %ge3A_623 : vector<16xi32>
      %lt3A_625 = vector.broadcast %add3A_13 : i32 to vector<16xi32>
      %lt3A_626 = arith.cmpi slt, %get3A_616, %lt3A_625 : vector<16xi32>
      %and3A_627 = arith.andi %ge3A_624, %lt3A_626 : vector<16xi1>
      %swap3A_628 = arith.index_cast %add3A_613 : i32 to index
      %swap3A_629 = tpu.vector_load %arg9[%swap3A_628] masked %and3A_627 {strides = array<i32>} : memref<16400xi32, #tpu.memory_space<vmem>>, vector<16xi32>, vector<16xi1>
      tpu.vector_store %arg9[%swap3A_628], %get3A_616 masked %and3A_627 {strides = array<i32>} : memref<16400xi32, #tpu.memory_space<vmem>>, vector<16xi32>, vector<16xi1>
      %swap3A_630 = arith.index_cast %add3A_613 : i32 to index
      %swap3A_631 = tpu.vector_load %arg10[%swap3A_630] masked %and3A_627 {strides = array<i32>} : memref<16400xi32, #tpu.memory_space<vmem>>, vector<16xi32>, vector<16xi1>
      tpu.vector_store %arg10[%swap3A_630], %add3A_622 masked %and3A_627 {strides = array<i32>} : memref<16400xi32, #tpu.memory_space<vmem>>, vector<16xi32>, vector<16xi1>
      %convert_element_type3A_632 = arith.extui %and3A_627 : vector<16xi1> to vector<16xi32>
      %reduce_sum3A_633 = arith.constant true
      %reduce_sum3A_634 = vector.broadcast %reduce_sum3A_633 : i1 to vector<16xi1>
      %reduce_sum3A_635 = tpu.scan <sum>, %convert_element_type3A_632 masked %reduce_sum3A_634 : vector<16xi32>, vector<16xi1> -> vector<16xi32>
      %reduce_sum3A_636 = vector.extract %reduce_sum3A_635[15] : i32 from vector<16xi32>
      %add3A_637 = arith.addi %add3A_613, %reduce_sum3A_636 : i32
      scf.yield %add3A_637 : i32
    }
    %scan3A_58 = arith.constant 128 : i32
    %broadcast_in_dim3A = arith.constant 1073741824 : i32
    %broadcast_in_dim3A_59 = vector.broadcast %broadcast_in_dim3A : i32 to vector<16xi32>
    %swap3A_60 = arith.index_cast %scan3A_57 : i32 to index
    %swap3A_61 = tpu.vector_load %arg9[%swap3A_60] {strides = array<i32>} : memref<16400xi32, #tpu.memory_space<vmem>>, vector<16xi32>,
    tpu.vector_store %arg9[%swap3A_60], %broadcast_in_dim3A_59 {strides = array<i32>} : memref<16400xi32, #tpu.memory_space<vmem>>, vector<16xi32>,
    %add3A_62 = arith.constant 16 : i32
    %add3A_63 = arith.addi %scan3A_57, %add3A_62 : i32
    %sub3A = arith.constant 1 : i32
    %sub3A_64 = arith.subi %add3A_63, %sub3A : i32
    %jit3A_65 = arith.constant 16 : i32
    %div3A = arith.divsi %sub3A_64, %jit3A_65 : i32
    %sign3A = arith.constant 0 : i32
    %sign3A_66 = arith.cmpi sgt, %sub3A_64, %sign3A : i32
    %sign3A_67 = arith.extui %sign3A_66 : i1 to i32
    %sign3A_68 = arith.constant 0 : i32
    %sign3A_69 = arith.cmpi slt, %sub3A_64, %sign3A_68 : i32
    %sign3A_70 = arith.extui %sign3A_69 : i1 to i32
    %sign3A_71 = arith.subi %sign3A_67, %sign3A_70 : i32
    %sign3A_72 = arith.constant 0 : i32
    %sign3A_73 = arith.cmpi sgt, %jit3A_65, %sign3A_72 : i32
    %sign3A_74 = arith.extui %sign3A_73 : i1 to i32
    %sign3A_75 = arith.constant 0 : i32
    %sign3A_76 = arith.cmpi slt, %jit3A_65, %sign3A_75 : i32
    %sign3A_77 = arith.extui %sign3A_76 : i1 to i32
    %sign3A_78 = arith.subi %sign3A_74, %sign3A_77 : i32
    %ne3A = arith.cmpi ne, %sign3A_71, %sign3A_78 : i32
    %rem3A = arith.remsi %sub3A_64, %jit3A_65 : i32
    %ne3A_79 = arith.constant 0 : i32
    %ne3A_80 = arith.cmpi ne, %rem3A, %ne3A_79 : i32
    %and3A = arith.andi %ne3A, %ne3A_80 : i1
    %sub3A_81 = arith.constant 1 : i32
    %sub3A_82 = arith.subi %div3A, %sub3A_81 : i32
    %select_n3A_83 = arith.select %and3A, %sub3A_82, %div3A : i32
    %add3A_84 = arith.constant 0 : i32
    %add3A_85 = arith.addi %add3A_8, %add3A_84 : i32
    %mul3A_86 = arith.constant 512 : i32
    %mul3A_87 = arith.muli %add3A_85, %mul3A_86 : i32
    %multiple_of3A = tpu.assume_multiple %mul3A_87, 512 : i32
    %dma_start3A = arith.constant 0 : i32
    %dma_start3A_88 = arith.constant 0 : i32
    %dma_start3A_89 = arith.constant 0 : i32
    %dma_start3A_90 = tpu.memref_slice %arg11[%dma_start3A, %dma_start3A_88, %dma_start3A_89] : memref<3x32x512xf32, #tpu.memory_space<vmem>> -> memref<1x32x512xf32, #tpu.memory_space<vmem>>
    %dma_start3A_91 = tpu.memref_squeeze %dma_start3A_90 : memref<1x32x512xf32, #tpu.memory_space<vmem>> -> memref<32x512xf32, #tpu.memory_space<vmem>>
    %dma_start3A_92 = arith.constant 0 : i32
    %dma_start3A_93 = tpu.memref_slice %arg4[%dma_start3A_92, %multiple_of3A] : memref<32x1000000xf32, #tpu.memory_space<hbm>> -> memref<32x512xf32, #tpu.memory_space<hbm>>
    %dma_start3A_94 = arith.constant 0 : i32
    %dma_start3A_95 = arith.constant 0 : i32
    %dma_start3A_96 = tpu.memref_slice %arg11[%dma_start3A, %dma_start3A_94, %dma_start3A_95] : memref<3x32x512xf32, #tpu.memory_space<vmem>> -> memref<1x32x512xf32, #tpu.memory_space<vmem>>
    %dma_start3A_97 = tpu.memref_squeeze %dma_start3A_96 : memref<1x32x512xf32, #tpu.memory_space<vmem>> -> memref<32x512xf32, #tpu.memory_space<vmem>>
    %dma_start3A_98 = arith.constant 0 : i32
    %dma_start3A_99 = tpu.memref_slice %arg4[%dma_start3A_98, %multiple_of3A] : memref<32x1000000xf32, #tpu.memory_space<hbm>> -> memref<32x512xf32, #tpu.memory_space<hbm>>
    tpu.enqueue_dma source(%dma_start3A_99 : memref<32x512xf32, #tpu.memory_space<hbm>>) target(%dma_start3A_97 : memref<32x512xf32, #tpu.memory_space<vmem>>) target_semaphore(%arg14 : memref<!tpu.dma_semaphore, #tpu.memory_space<semaphore_mem>>)
    %add3A_100 = arith.constant 1 : i32
    %add3A_101 = arith.addi %add3A_8, %add3A_100 : i32
    %mul3A_102 = arith.constant 512 : i32
    %mul3A_103 = arith.muli %add3A_101, %mul3A_102 : i32
    %multiple_of3A_104 = tpu.assume_multiple %mul3A_103, 512 : i32
    %dma_start3A_105 = arith.constant 1 : i32
    %dma_start3A_106 = arith.constant 0 : i32
    %dma_start3A_107 = arith.constant 0 : i32
    %dma_start3A_108 = tpu.memref_slice %arg11[%dma_start3A_105, %dma_start3A_106, %dma_start3A_107] : memref<3x32x512xf32, #tpu.memory_space<vmem>> -> memref<1x32x512xf32, #tpu.memory_space<vmem>>
    %dma_start3A_109 = tpu.memref_squeeze %dma_start3A_108 : memref<1x32x512xf32, #tpu.memory_space<vmem>> -> memref<32x512xf32, #tpu.memory_space<vmem>>
    %dma_start3A_110 = arith.constant 0 : i32
    %dma_start3A_111 = tpu.memref_slice %arg4[%dma_start3A_110, %multiple_of3A_104] : memref<32x1000000xf32, #tpu.memory_space<hbm>> -> memref<32x512xf32, #tpu.memory_space<hbm>>
    %dma_start3A_112 = arith.constant 0 : i32
    %dma_start3A_113 = arith.constant 0 : i32
    %dma_start3A_114 = tpu.memref_slice %arg11[%dma_start3A_105, %dma_start3A_112, %dma_start3A_113] : memref<3x32x512xf32, #tpu.memory_space<vmem>> -> memref<1x32x512xf32, #tpu.memory_space<vmem>>
    %dma_start3A_115 = tpu.memref_squeeze %dma_start3A_114 : memref<1x32x512xf32, #tpu.memory_space<vmem>> -> memref<32x512xf32, #tpu.memory_space<vmem>>
    %dma_start3A_116 = arith.constant 0 : i32
    %dma_start3A_117 = tpu.memref_slice %arg4[%dma_start3A_116, %multiple_of3A_104] : memref<32x1000000xf32, #tpu.memory_space<hbm>> -> memref<32x512xf32, #tpu.memory_space<hbm>>
    tpu.enqueue_dma source(%dma_start3A_117 : memref<32x512xf32, #tpu.memory_space<hbm>>) target(%dma_start3A_115 : memref<32x512xf32, #tpu.memory_space<vmem>>) target_semaphore(%arg14 : memref<!tpu.dma_semaphore, #tpu.memory_space<semaphore_mem>>)
    %while3A = arith.constant 0 : i32
    %while3A_118 = arith.constant 0 : i32
    %while3A_119 = arith.subi %add3A_4, %while3A : i32
    %while3A_120 = arith.addi %while3A, %while3A_119 : i32
    %while3A_121 = arith.constant 1 : i32
    %while3A_122 = arith.divsi %while3A_119, %while3A_121 : i32
    %while3A_123 = arith.muli %while3A_122, %while3A_121 : i32
    %while3A_124 = arith.addi %while3A, %while3A_123 : i32
    %while3A_125 = arith.constant 1 : i32
    %while3A_126 = scf.for %while3A_448 = %while3A to %while3A_124 step %while3A_125 iter_args(%while3A_449 = %while3A_118) -> (i32)  : i32 {
      %rem3A_450 = arith.constant 3 : i32
      %rem3A_451 = arith.remsi %while3A_448, %rem3A_450 : i32
      %add3A_452 = arith.addi %add3A_8, %while3A_448 : i32
      %mul3A_453 = arith.constant 512 : i32
      %mul3A_454 = arith.muli %add3A_452, %mul3A_453 : i32
      %multiple_of3A_455 = tpu.assume_multiple %mul3A_454, 512 : i32
      %dma_wait3A_456 = arith.constant 0 : i32
      %dma_wait3A_457 = arith.constant 0 : i32
      %dma_wait3A_458 = tpu.memref_slice %arg11[%rem3A_451, %dma_wait3A_456, %dma_wait3A_457] : memref<3x32x512xf32, #tpu.memory_space<vmem>> -> memref<1x32x512xf32, #tpu.memory_space<vmem>>
      %dma_wait3A_459 = tpu.memref_squeeze %dma_wait3A_458 : memref<1x32x512xf32, #tpu.memory_space<vmem>> -> memref<32x512xf32, #tpu.memory_space<vmem>>
      %dma_wait3A_460 = arith.constant 0 : i32
      %dma_wait3A_461 = tpu.memref_slice %arg4[%dma_wait3A_460, %multiple_of3A_455] : memref<32x1000000xf32, #tpu.memory_space<hbm>> -> memref<32x512xf32, #tpu.memory_space<hbm>>
      %dma_wait3A_462 = arith.constant 0 : i32
      %dma_wait3A_463 = arith.constant 0 : i32
      %dma_wait3A_464 = tpu.memref_slice %arg11[%rem3A_451, %dma_wait3A_462, %dma_wait3A_463] : memref<3x32x512xf32, #tpu.memory_space<vmem>> -> memref<1x32x512xf32, #tpu.memory_space<vmem>>
      %dma_wait3A_465 = tpu.memref_squeeze %dma_wait3A_464 : memref<1x32x512xf32, #tpu.memory_space<vmem>> -> memref<32x512xf32, #tpu.memory_space<vmem>>
      %dma_wait3A_466 = arith.constant 0 : i32
      %dma_wait3A_467 = tpu.memref_slice %arg4[%dma_wait3A_466, %multiple_of3A_455] : memref<32x1000000xf32, #tpu.memory_space<hbm>> -> memref<32x512xf32, #tpu.memory_space<hbm>>
      tpu.wait_dma2 semaphore(%arg14 : memref<!tpu.dma_semaphore, #tpu.memory_space<semaphore_mem>>) src(%dma_wait3A_467 : memref<32x512xf32, #tpu.memory_space<hbm>>) dst(%dma_wait3A_465 : memref<32x512xf32, #tpu.memory_space<vmem>>)
      %add3A_468 = arith.constant 2 : i32
      %add3A_469 = arith.addi %while3A_448, %add3A_468 : i32
      %sub3A_470 = arith.constant 1 : i32
      %sub3A_471 = arith.subi %add3A_4, %sub3A_470 : i32
      %min3A_472 = arith.minsi %add3A_469, %sub3A_471 : i32
      %add3A_473 = arith.constant 2 : i32
      %add3A_474 = arith.addi %while3A_448, %add3A_473 : i32
      %rem3A_475 = arith.constant 3 : i32
      %rem3A_476 = arith.remsi %add3A_474, %rem3A_475 : i32
      %add3A_477 = arith.addi %add3A_8, %min3A_472 : i32
      %mul3A_478 = arith.constant 512 : i32
      %mul3A_479 = arith.muli %add3A_477, %mul3A_478 : i32
      %multiple_of3A_480 = tpu.assume_multiple %mul3A_479, 512 : i32
      %dma_start3A_481 = arith.constant 0 : i32
      %dma_start3A_482 = arith.constant 0 : i32
      %dma_start3A_483 = tpu.memref_slice %arg11[%rem3A_476, %dma_start3A_481, %dma_start3A_482] : memref<3x32x512xf32, #tpu.memory_space<vmem>> -> memref<1x32x512xf32, #tpu.memory_space<vmem>>
      %dma_start3A_484 = tpu.memref_squeeze %dma_start3A_483 : memref<1x32x512xf32, #tpu.memory_space<vmem>> -> memref<32x512xf32, #tpu.memory_space<vmem>>
      %dma_start3A_485 = arith.constant 0 : i32
      %dma_start3A_486 = tpu.memref_slice %arg4[%dma_start3A_485, %multiple_of3A_480] : memref<32x1000000xf32, #tpu.memory_space<hbm>> -> memref<32x512xf32, #tpu.memory_space<hbm>>
      %dma_start3A_487 = arith.constant 0 : i32
      %dma_start3A_488 = arith.constant 0 : i32
      %dma_start3A_489 = tpu.memref_slice %arg11[%rem3A_476, %dma_start3A_487, %dma_start3A_488] : memref<3x32x512xf32, #tpu.memory_space<vmem>> -> memref<1x32x512xf32, #tpu.memory_space<vmem>>
      %dma_start3A_490 = tpu.memref_squeeze %dma_start3A_489 : memref<1x32x512xf32, #tpu.memory_space<vmem>> -> memref<32x512xf32, #tpu.memory_space<vmem>>
      %dma_start3A_491 = arith.constant 0 : i32
      %dma_start3A_492 = tpu.memref_slice %arg4[%dma_start3A_491, %multiple_of3A_480] : memref<32x1000000xf32, #tpu.memory_space<hbm>> -> memref<32x512xf32, #tpu.memory_space<hbm>>
      tpu.enqueue_dma source(%dma_start3A_492 : memref<32x512xf32, #tpu.memory_space<hbm>>) target(%dma_start3A_490 : memref<32x512xf32, #tpu.memory_space<vmem>>) target_semaphore(%arg14 : memref<!tpu.dma_semaphore, #tpu.memory_space<semaphore_mem>>)
      %add3A_493 = arith.addi %add3A_8, %while3A_448 : i32
      %mul3A_494 = arith.constant 512 : i32
      %mul3A_495 = arith.muli %add3A_493, %mul3A_494 : i32
      %while3A_496 = arith.constant 0 : i32
      %while3A_497 = arith.subi %select_n3A_83, %while3A_496 : i32
      %while3A_498 = arith.addi %while3A_496, %while3A_497 : i32
      %while3A_499 = arith.constant 1 : i32
      %while3A_500 = arith.divsi %while3A_497, %while3A_499 : i32
      %while3A_501 = arith.muli %while3A_500, %while3A_499 : i32
      %while3A_502 = arith.addi %while3A_496, %while3A_501 : i32
      %while3A_503 = arith.constant 1 : i32
      %while3A_504 = scf.for %while3A_507 = %while3A_496 to %while3A_502 step %while3A_503 iter_args(%while3A_508 = %while3A_449) -> (i32)  : i32 {
        %mul3A_509 = arith.constant 16 : i32
        %mul3A_510 = arith.muli %while3A_507, %mul3A_509 : i32
        %get3A = arith.index_cast %mul3A_510 : i32 to index
        %get3A_511 = tpu.vector_load %arg9[%get3A] {strides = array<i32>} : memref<16400xi32, #tpu.memory_space<vmem>>, vector<16xi32>,
        %mul3A_512 = arith.constant 16 : i32
        %mul3A_513 = arith.muli %while3A_507, %mul3A_512 : i32
        %get3A_514 = arith.index_cast %mul3A_513 : i32 to index
        %get3A_515 = tpu.vector_load %arg10[%get3A_514] {strides = array<i32>} : memref<16400xi32, #tpu.memory_space<vmem>>, vector<16xi32>,
        %ge3A = vector.broadcast %mul3A_495 : i32 to vector<16xi32>
        %ge3A_516 = arith.cmpi sge, %get3A_511, %ge3A : vector<16xi32>
        %add3A_517 = arith.constant 512 : i32
        %add3A_518 = arith.addi %mul3A_495, %add3A_517 : i32
        %lt3A_519 = vector.broadcast %add3A_518 : i32 to vector<16xi32>
        %lt3A_520 = arith.cmpi slt, %get3A_511, %lt3A_519 : vector<16xi32>
        %and3A_521 = arith.andi %ge3A_516, %lt3A_520 : vector<16xi1>
        %convert_element_type3A = arith.extui %and3A_521 : vector<16xi1> to vector<16xi32>
        %reduce_sum3A = arith.constant true
        %reduce_sum3A_522 = vector.broadcast %reduce_sum3A : i1 to vector<16xi1>
        %reduce_sum3A_523 = tpu.scan <sum>, %convert_element_type3A masked %reduce_sum3A_522 : vector<16xi32>, vector<16xi1> -> vector<16xi32>
        %reduce_sum3A_524 = vector.extract %reduce_sum3A_523[15] : i32 from vector<16xi32>
        %gt3A = arith.constant 0 : i32
        %gt3A_525 = arith.cmpi sgt, %reduce_sum3A_524, %gt3A : i32
        %convert_element_type3A_526 = arith.extui %gt3A_525 : i1 to i32
        %cond3A = arith.constant 0 : i32
        %cond3A_527 = arith.cmpi ne, %convert_element_type3A_526, %cond3A : i32
        %cond3A_528 = scf.if %cond3A_527 -> (i32) {
          %add3A_529 = arith.addi %while3A_508, %reduce_sum3A_524 : i32
          %gt3A_530 = arith.constant 128 : i32
          %gt3A_531 = arith.cmpi sgt, %add3A_529, %gt3A_530 : i32
          %convert_element_type3A_532 = arith.extui %gt3A_531 : i1 to i32
          %cond3A_533 = arith.constant 0 : i32
          %cond3A_534 = arith.cmpi ne, %convert_element_type3A_532, %cond3A_533 : i32
          %cond3A_535 = scf.if %cond3A_534 -> (i32) {
            %dma_start3A_839 = arith.constant 0 : i32
            %dma_start3A_840 = arith.constant 0 : i32
            %dma_start3A_841 = tpu.memref_slice %arg6[%dma_start3A_839, %dma_start3A_840] : memref<16512x128xf32, #tpu.memory_space<hbm>> -> memref<16512x128xf32, #tpu.memory_space<hbm>>
            tpu.enqueue_indirect_dma source(%arg12 : memref<128x128xf32, #tpu.memory_space<vmem>>) target(%dma_start3A_841 : memref<16512x128xf32, #tpu.memory_space<hbm>>) offsets(%arg13 : memref<128xi32, #tpu.memory_space<vmem>>) semaphore(%arg16 : memref<!tpu.dma_semaphore, #tpu.memory_space<semaphore_mem>>)
            %dma_wait3A_842 = arith.constant 0 : i32
            %dma_wait3A_843 = arith.constant 0 : i32
            %dma_wait3A_844 = tpu.memref_slice %arg6[%dma_wait3A_842, %dma_wait3A_843] : memref<16512x128xf32, #tpu.memory_space<hbm>> -> memref<16512x128xf32, #tpu.memory_space<hbm>>
            tpu.wait_indirect_dma semaphore(%arg16 : memref<!tpu.dma_semaphore, #tpu.memory_space<semaphore_mem>>) src(%arg12 : memref<128x128xf32, #tpu.memory_space<vmem>>) dst(%dma_wait3A_844 : memref<16512x128xf32, #tpu.memory_space<hbm>>)
            %add3A_845 = arith.constant 16384 : i32
            %add3A_846 = vector.broadcast %add3A_845 : i32 to vector<16xi32>
            %add3A_847 = arith.addi %add3A_846, %iota3A : vector<16xi32>
            %swap3A_848 = arith.constant 0 : index
            %swap3A_849 = tpu.vector_load %arg13[%swap3A_848] {strides = array<i32>} : memref<128xi32, #tpu.memory_space<vmem>>, vector<16xi32>,
            tpu.vector_store %arg13[%swap3A_848], %add3A_847 {strides = array<i32>} : memref<128xi32, #tpu.memory_space<vmem>>, vector<16xi32>,
            %add3A_850 = arith.constant 16400 : i32
            %add3A_851 = vector.broadcast %add3A_850 : i32 to vector<16xi32>
            %add3A_852 = arith.addi %add3A_851, %iota3A : vector<16xi32>
            %swap3A_853 = arith.constant 16 : index
            %swap3A_854 = tpu.vector_load %arg13[%swap3A_853] {strides = array<i32>} : memref<128xi32, #tpu.memory_space<vmem>>, vector<16xi32>,
            tpu.vector_store %arg13[%swap3A_853], %add3A_852 {strides = array<i32>} : memref<128xi32, #tpu.memory_space<vmem>>, vector<16xi32>,
            %add3A_855 = arith.constant 16416 : i32
            %add3A_856 = vector.broadcast %add3A_855 : i32 to vector<16xi32>
            %add3A_857 = arith.addi %add3A_856, %iota3A : vector<16xi32>
            %swap3A_858 = arith.constant 32 : index
            %swap3A_859 = tpu.vector_load %arg13[%swap3A_858] {strides = array<i32>} : memref<128xi32, #tpu.memory_space<vmem>>, vector<16xi32>,
            tpu.vector_store %arg13[%swap3A_858], %add3A_857 {strides = array<i32>} : memref<128xi32, #tpu.memory_space<vmem>>, vector<16xi32>,
            %add3A_860 = arith.constant 16432 : i32
            %add3A_861 = vector.broadcast %add3A_860 : i32 to vector<16xi32>
            %add3A_862 = arith.addi %add3A_861, %iota3A : vector<16xi32>
            %swap3A_863 = arith.constant 48 : index
            %swap3A_864 = tpu.vector_load %arg13[%swap3A_863] {strides = array<i32>} : memref<128xi32, #tpu.memory_space<vmem>>, vector<16xi32>,
            tpu.vector_store %arg13[%swap3A_863], %add3A_862 {strides = array<i32>} : memref<128xi32, #tpu.memory_space<vmem>>, vector<16xi32>,
            %add3A_865 = arith.constant 16448 : i32
            %add3A_866 = vector.broadcast %add3A_865 : i32 to vector<16xi32>
            %add3A_867 = arith.addi %add3A_866, %iota3A : vector<16xi32>
            %swap3A_868 = arith.constant 64 : index
            %swap3A_869 = tpu.vector_load %arg13[%swap3A_868] {strides = array<i32>} : memref<128xi32, #tpu.memory_space<vmem>>, vector<16xi32>,
            tpu.vector_store %arg13[%swap3A_868], %add3A_867 {strides = array<i32>} : memref<128xi32, #tpu.memory_space<vmem>>, vector<16xi32>,
            %add3A_870 = arith.constant 16464 : i32
            %add3A_871 = vector.broadcast %add3A_870 : i32 to vector<16xi32>
            %add3A_872 = arith.addi %add3A_871, %iota3A : vector<16xi32>
            %swap3A_873 = arith.constant 80 : index
            %swap3A_874 = tpu.vector_load %arg13[%swap3A_873] {strides = array<i32>} : memref<128xi32, #tpu.memory_space<vmem>>, vector<16xi32>,
            tpu.vector_store %arg13[%swap3A_873], %add3A_872 {strides = array<i32>} : memref<128xi32, #tpu.memory_space<vmem>>, vector<16xi32>,
            %add3A_875 = arith.constant 16480 : i32
            %add3A_876 = vector.broadcast %add3A_875 : i32 to vector<16xi32>
            %add3A_877 = arith.addi %add3A_876, %iota3A : vector<16xi32>
            %swap3A_878 = arith.constant 96 : index
            %swap3A_879 = tpu.vector_load %arg13[%swap3A_878] {strides = array<i32>} : memref<128xi32, #tpu.memory_space<vmem>>, vector<16xi32>,
            tpu.vector_store %arg13[%swap3A_878], %add3A_877 {strides = array<i32>} : memref<128xi32, #tpu.memory_space<vmem>>, vector<16xi32>,
            %add3A_880 = arith.constant 16496 : i32
            %add3A_881 = vector.broadcast %add3A_880 : i32 to vector<16xi32>
            %add3A_882 = arith.addi %add3A_881, %iota3A : vector<16xi32>
            %swap3A_883 = arith.constant 112 : index
            %swap3A_884 = tpu.vector_load %arg13[%swap3A_883] {strides = array<i32>} : memref<128xi32, #tpu.memory_space<vmem>>, vector<16xi32>,
            tpu.vector_store %arg13[%swap3A_883], %add3A_882 {strides = array<i32>} : memref<128xi32, #tpu.memory_space<vmem>>, vector<16xi32>,
            %cond3A_885 = arith.constant 0 : i32
            scf.yield %cond3A_885 : i32
          } else {
            scf.yield %while3A_508 : i32
          }
          %convert_element_type3A_536 = arith.extui %and3A_521 : vector<16xi1> to vector<16xi32>
          %broadcast_in_dim3A_537 = arith.constant true
          %broadcast_in_dim3A_538 = vector.broadcast %broadcast_in_dim3A_537 : i1 to vector<16xi1>
          %masked_cumsum3A = tpu.scan <sum>, %convert_element_type3A_536 masked %broadcast_in_dim3A_538 : vector<16xi32>, vector<16xi1> -> vector<16xi32>
          %add3A_539 = vector.broadcast %cond3A_535 : i32 to vector<16xi32>
          %add3A_540 = arith.addi %add3A_539, %masked_cumsum3A : vector<16xi32>
          %sub3A_541 = arith.constant 1 : i32
          %sub3A_542 = vector.broadcast %sub3A_541 : i32 to vector<16xi32>
          %sub3A_543 = arith.subi %add3A_540, %sub3A_542 : vector<16xi32>
          %sub3A_544 = vector.broadcast %mul3A_495 : i32 to vector<16xi32>
          %sub3A_545 = arith.subi %get3A_511, %sub3A_544 : vector<16xi32>
          %jit3A_546 = arith.constant 0 : i32
          %jit3A_547 = arith.constant 511 : i32
          %max3A = vector.broadcast %jit3A_546 : i32 to vector<16xi32>
          %max3A_548 = arith.maxsi %max3A, %sub3A_545 : vector<16xi32>
          %min3A_549 = vector.broadcast %jit3A_547 : i32 to vector<16xi32>
          %min3A_550 = arith.minsi %min3A_549, %max3A_548 : vector<16xi32>
          %broadcast_in_dim3A_551 = arith.constant 0 : i32
          %broadcast_in_dim3A_552 = vector.broadcast %broadcast_in_dim3A_551 : i32 to vector<16xi32>
          %gather3A = arith.constant 0 : i32
          %gather3A_553 = arith.constant 0 : i32
          %gather3A_554 = tpu.memref_slice %arg11[%rem3A_451, %gather3A, %gather3A_553] : memref<3x32x512xf32, #tpu.memory_space<vmem>> -> memref<1x32x512xf32, #tpu.memory_space<vmem>>
          %gather3A_555 = tpu.memref_squeeze %gather3A_554 : memref<1x32x512xf32, #tpu.memory_space<vmem>> -> memref<32x512xf32, #tpu.memory_space<vmem>>
          %gather3A_556 = tpu.vector_load_idx %gather3A_555[%broadcast_in_dim3A_552, %min3A_550] : memref<32x512xf32, #tpu.memory_space<vmem>>[vector<16xi32>, vector<16xi32>], vector<16xf32>,
          %broadcast_in_dim3A_557 = arith.constant 0 : i32
          %broadcast_in_dim3A_558 = vector.broadcast %broadcast_in_dim3A_557 : i32 to vector<16xi32>
          tpu.vector_store_idx %arg12[%sub3A_543, %broadcast_in_dim3A_558], %gather3A_556 masked %and3A_521 : memref<128x128xf32, #tpu.memory_space<vmem>>[vector<16xi32>, vector<16xi32>], vector<16xf32>, vector<16xi1>
          %broadcast_in_dim3A_559 = arith.constant 1 : i32
          %broadcast_in_dim3A_560 = vector.broadcast %broadcast_in_dim3A_559 : i32 to vector<16xi32>
          %gather3A_561 = arith.constant 0 : i32
          %gather3A_562 = arith.constant 0 : i32
          %gather3A_563 = tpu.memref_slice %arg11[%rem3A_451, %gather3A_561, %gather3A_562] : memref<3x32x512xf32, #tpu.memory_space<vmem>> -> memref<1x32x512xf32, #tpu.memory_space<vmem>>
          %gather3A_564 = tpu.memref_squeeze %gather3A_563 : memref<1x32x512xf32, #tpu.memory_space<vmem>> -> memref<32x512xf32, #tpu.memory_space<vmem>>
          %gather3A_565 = tpu.vector_load_idx %gather3A_564[%broadcast_in_dim3A_560, %min3A_550] : memref<32x512xf32, #tpu.memory_space<vmem>>[vector<16xi32>, vector<16xi32>], vector<16xf32>,
          %broadcast_in_dim3A_566 = arith.constant 1 : i32
          %broadcast_in_dim3A_567 = vector.broadcast %broadcast_in_dim3A_566 : i32 to vector<16xi32>
          tpu.vector_store_idx %arg12[%sub3A_543, %broadcast_in_dim3A_567], %gather3A_565 masked %and3A_521 : memref<128x128xf32, #tpu.memory_space<vmem>>[vector<16xi32>, vector<16xi32>], vector<16xf32>, vector<16xi1>
          %broadcast_in_dim3A_568 = arith.constant 2 : i32
          %broadcast_in_dim3A_569 = vector.broadcast %broadcast_in_dim3A_568 : i32 to vector<16xi32>
          %gather3A_570 = arith.constant 0 : i32
          %gather3A_571 = arith.constant 0 : i32
          %gather3A_572 = tpu.memref_slice %arg11[%rem3A_451, %gather3A_570, %gather3A_571] : memref<3x32x512xf32, #tpu.memory_space<vmem>> -> memref<1x32x512xf32, #tpu.memory_space<vmem>>
          %gather3A_573 = tpu.memref_squeeze %gather3A_572 : memref<1x32x512xf32, #tpu.memory_space<vmem>> -> memref<32x512xf32, #tpu.memory_space<vmem>>
          %gather3A_574 = tpu.vector_load_idx %gather3A_573[%broadcast_in_dim3A_569, %min3A_550] : memref<32x512xf32, #tpu.memory_space<vmem>>[vector<16xi32>, vector<16xi32>], vector<16xf32>,
          %broadcast_in_dim3A_575 = arith.constant 2 : i32
          %broadcast_in_dim3A_576 = vector.broadcast %broadcast_in_dim3A_575 : i32 to vector<16xi32>
          tpu.vector_store_idx %arg12[%sub3A_543, %broadcast_in_dim3A_576], %gather3A_574 masked %and3A_521 : memref<128x128xf32, #tpu.memory_space<vmem>>[vector<16xi32>, vector<16xi32>], vector<16xf32>, vector<16xi1>
          %broadcast_in_dim3A_577 = arith.constant 3 : i32
          %broadcast_in_dim3A_578 = vector.broadcast %broadcast_in_dim3A_577 : i32 to vector<16xi32>
          %gather3A_579 = arith.constant 0 : i32
          %gather3A_580 = arith.constant 0 : i32
          %gather3A_581 = tpu.memref_slice %arg11[%rem3A_451, %gather3A_579, %gather3A_580] : memref<3x32x512xf32, #tpu.memory_space<vmem>> -> memref<1x32x512xf32, #tpu.memory_space<vmem>>
          %gather3A_582 = tpu.memref_squeeze %gather3A_581 : memref<1x32x512xf32, #tpu.memory_space<vmem>> -> memref<32x512xf32, #tpu.memory_space<vmem>>
          %gather3A_583 = tpu.vector_load_idx %gather3A_582[%broadcast_in_dim3A_578, %min3A_550] : memref<32x512xf32, #tpu.memory_space<vmem>>[vector<16xi32>, vector<16xi32>], vector<16xf32>,
          %broadcast_in_dim3A_584 = arith.constant 3 : i32
          %broadcast_in_dim3A_585 = vector.broadcast %broadcast_in_dim3A_584 : i32 to vector<16xi32>
          tpu.vector_store_idx %arg12[%sub3A_543, %broadcast_in_dim3A_585], %gather3A_583 masked %and3A_521 : memref<128x128xf32, #tpu.memory_space<vmem>>[vector<16xi32>, vector<16xi32>], vector<16xf32>, vector<16xi1>
          %broadcast_in_dim3A_586 = arith.constant 4 : i32
          %broadcast_in_dim3A_587 = vector.broadcast %broadcast_in_dim3A_586 : i32 to vector<16xi32>
          %gather3A_588 = arith.constant 0 : i32
          %gather3A_589 = arith.constant 0 : i32
          %gather3A_590 = tpu.memref_slice %arg11[%rem3A_451, %gather3A_588, %gather3A_589] : memref<3x32x512xf32, #tpu.memory_space<vmem>> -> memref<1x32x512xf32, #tpu.memory_space<vmem>>
          %gather3A_591 = tpu.memref_squeeze %gather3A_590 : memref<1x32x512xf32, #tpu.memory_space<vmem>> -> memref<32x512xf32, #tpu.memory_space<vmem>>
          %gather3A_592 = tpu.vector_load_idx %gather3A_591[%broadcast_in_dim3A_587, %min3A_550] : memref<32x512xf32, #tpu.memory_space<vmem>>[vector<16xi32>, vector<16xi32>], vector<16xf32>,
          %broadcast_in_dim3A_593 = arith.constant 4 : i32
          %broadcast_in_dim3A_594 = vector.broadcast %broadcast_in_dim3A_593 : i32 to vector<16xi32>
          tpu.vector_store_idx %arg12[%sub3A_543, %broadcast_in_dim3A_594], %gather3A_592 masked %and3A_521 : memref<128x128xf32, #tpu.memory_space<vmem>>[vector<16xi32>, vector<16xi32>], vector<16xf32>, vector<16xi1>
          %broadcast_in_dim3A_595 = arith.constant 5 : i32
          %broadcast_in_dim3A_596 = vector.broadcast %broadcast_in_dim3A_595 : i32 to vector<16xi32>
          %gather3A_597 = arith.constant 0 : i32
          %gather3A_598 = arith.constant 0 : i32
          %gather3A_599 = tpu.memref_slice %arg11[%rem3A_451, %gather3A_597, %gather3A_598] : memref<3x32x512xf32, #tpu.memory_space<vmem>> -> memref<1x32x512xf32, #tpu.memory_space<vmem>>
          %gather3A_600 = tpu.memref_squeeze %gather3A_599 : memref<1x32x512xf32, #tpu.memory_space<vmem>> -> memref<32x512xf32, #tpu.memory_space<vmem>>
          %gather3A_601 = tpu.vector_load_idx %gather3A_600[%broadcast_in_dim3A_596, %min3A_550] : memref<32x512xf32, #tpu.memory_space<vmem>>[vector<16xi32>, vector<16xi32>], vector<16xf32>,
          %broadcast_in_dim3A_602 = arith.constant 5 : i32
          %broadcast_in_dim3A_603 = vector.broadcast %broadcast_in_dim3A_602 : i32 to vector<16xi32>
          tpu.vector_store_idx %arg12[%sub3A_543, %broadcast_in_dim3A_603], %gather3A_601 masked %and3A_521 : memref<128x128xf32, #tpu.memory_space<vmem>>[vector<16xi32>, vector<16xi32>], vector<16xf32>, vector<16xi1>
          %broadcast_in_dim3A_604 = arith.constant 6 : i32
          %broadcast_in_dim3A_605 = vector.broadcast %broadcast_in_dim3A_604 : i32 to vector<16xi32>
          %gather3A_606 = arith.constant 0 : i32
          %gather3A_607 = arith.constant 0 : i32
          %gather3A_608 = tpu.memref_slice %arg11[%rem3A_451, %gather3A_606, %gather3A_607] : memref<3x32x512xf32, #tpu.memory_space<vmem>> -> memref<1x32x512xf32, #tpu.memory_space<vmem>>
          %gather3A_609 = tpu.memref_squeeze %gather3A_608 : memref<1x32x512xf32, #tpu.memory_space<vmem>> -> memref<32x512xf32, #tpu.memory_space<vmem>>
          %gather3A_610 = tpu.vector_load_idx %gather3A_609[%broadcast_in_dim3A_605, %min3A_550] : memref<32x512xf32, #tpu.memory_space<vmem>>[vector<16xi32>, vector<16xi32>], vector<16xf32>,
          %broadcast_in_dim3A_611 = arith.constant 6 : i32
          %broadcast_in_dim3A_612 = vector.broadcast %broadcast_in_dim3A_611 : i32 to vector<16xi32>
          tpu.vector_store_idx %arg12[%sub3A_543, %broadcast_in_dim3A_612], %gather3A_610 masked %and3A_521 : memref<128x128xf32, #tpu.memory_space<vmem>>[vector<16xi32>, vector<16xi32>], vector<16xf32>, vector<16xi1>
          %broadcast_in_dim3A_613 = arith.constant 7 : i32
          %broadcast_in_dim3A_614 = vector.broadcast %broadcast_in_dim3A_613 : i32 to vector<16xi32>
          %gather3A_615 = arith.constant 0 : i32
          %gather3A_616 = arith.constant 0 : i32
          %gather3A_617 = tpu.memref_slice %arg11[%rem3A_451, %gather3A_615, %gather3A_616] : memref<3x32x512xf32, #tpu.memory_space<vmem>> -> memref<1x32x512xf32, #tpu.memory_space<vmem>>
          %gather3A_618 = tpu.memref_squeeze %gather3A_617 : memref<1x32x512xf32, #tpu.memory_space<vmem>> -> memref<32x512xf32, #tpu.memory_space<vmem>>
          %gather3A_619 = tpu.vector_load_idx %gather3A_618[%broadcast_in_dim3A_614, %min3A_550] : memref<32x512xf32, #tpu.memory_space<vmem>>[vector<16xi32>, vector<16xi32>], vector<16xf32>,
          %broadcast_in_dim3A_620 = arith.constant 7 : i32
          %broadcast_in_dim3A_621 = vector.broadcast %broadcast_in_dim3A_620 : i32 to vector<16xi32>
          tpu.vector_store_idx %arg12[%sub3A_543, %broadcast_in_dim3A_621], %gather3A_619 masked %and3A_521 : memref<128x128xf32, #tpu.memory_space<vmem>>[vector<16xi32>, vector<16xi32>], vector<16xf32>, vector<16xi1>
          %broadcast_in_dim3A_622 = arith.constant 8 : i32
          %broadcast_in_dim3A_623 = vector.broadcast %broadcast_in_dim3A_622 : i32 to vector<16xi32>
          %gather3A_624 = arith.constant 0 : i32
          %gather3A_625 = arith.constant 0 : i32
          %gather3A_626 = tpu.memref_slice %arg11[%rem3A_451, %gather3A_624, %gather3A_625] : memref<3x32x512xf32, #tpu.memory_space<vmem>> -> memref<1x32x512xf32, #tpu.memory_space<vmem>>
          %gather3A_627 = tpu.memref_squeeze %gather3A_626 : memref<1x32x512xf32, #tpu.memory_space<vmem>> -> memref<32x512xf32, #tpu.memory_space<vmem>>
          %gather3A_628 = tpu.vector_load_idx %gather3A_627[%broadcast_in_dim3A_623, %min3A_550] : memref<32x512xf32, #tpu.memory_space<vmem>>[vector<16xi32>, vector<16xi32>], vector<16xf32>,
          %broadcast_in_dim3A_629 = arith.constant 8 : i32
          %broadcast_in_dim3A_630 = vector.broadcast %broadcast_in_dim3A_629 : i32 to vector<16xi32>
          tpu.vector_store_idx %arg12[%sub3A_543, %broadcast_in_dim3A_630], %gather3A_628 masked %and3A_521 : memref<128x128xf32, #tpu.memory_space<vmem>>[vector<16xi32>, vector<16xi32>], vector<16xf32>, vector<16xi1>
          %broadcast_in_dim3A_631 = arith.constant 9 : i32
          %broadcast_in_dim3A_632 = vector.broadcast %broadcast_in_dim3A_631 : i32 to vector<16xi32>
          %gather3A_633 = arith.constant 0 : i32
          %gather3A_634 = arith.constant 0 : i32
          %gather3A_635 = tpu.memref_slice %arg11[%rem3A_451, %gather3A_633, %gather3A_634] : memref<3x32x512xf32, #tpu.memory_space<vmem>> -> memref<1x32x512xf32, #tpu.memory_space<vmem>>
          %gather3A_636 = tpu.memref_squeeze %gather3A_635 : memref<1x32x512xf32, #tpu.memory_space<vmem>> -> memref<32x512xf32, #tpu.memory_space<vmem>>
          %gather3A_637 = tpu.vector_load_idx %gather3A_636[%broadcast_in_dim3A_632, %min3A_550] : memref<32x512xf32, #tpu.memory_space<vmem>>[vector<16xi32>, vector<16xi32>], vector<16xf32>,
          %broadcast_in_dim3A_638 = arith.constant 9 : i32
          %broadcast_in_dim3A_639 = vector.broadcast %broadcast_in_dim3A_638 : i32 to vector<16xi32>
          tpu.vector_store_idx %arg12[%sub3A_543, %broadcast_in_dim3A_639], %gather3A_637 masked %and3A_521 : memref<128x128xf32, #tpu.memory_space<vmem>>[vector<16xi32>, vector<16xi32>], vector<16xf32>, vector<16xi1>
          %broadcast_in_dim3A_640 = arith.constant 10 : i32
          %broadcast_in_dim3A_641 = vector.broadcast %broadcast_in_dim3A_640 : i32 to vector<16xi32>
          %gather3A_642 = arith.constant 0 : i32
          %gather3A_643 = arith.constant 0 : i32
          %gather3A_644 = tpu.memref_slice %arg11[%rem3A_451, %gather3A_642, %gather3A_643] : memref<3x32x512xf32, #tpu.memory_space<vmem>> -> memref<1x32x512xf32, #tpu.memory_space<vmem>>
          %gather3A_645 = tpu.memref_squeeze %gather3A_644 : memref<1x32x512xf32, #tpu.memory_space<vmem>> -> memref<32x512xf32, #tpu.memory_space<vmem>>
          %gather3A_646 = tpu.vector_load_idx %gather3A_645[%broadcast_in_dim3A_641, %min3A_550] : memref<32x512xf32, #tpu.memory_space<vmem>>[vector<16xi32>, vector<16xi32>], vector<16xf32>,
          %broadcast_in_dim3A_647 = arith.constant 10 : i32
          %broadcast_in_dim3A_648 = vector.broadcast %broadcast_in_dim3A_647 : i32 to vector<16xi32>
          tpu.vector_store_idx %arg12[%sub3A_543, %broadcast_in_dim3A_648], %gather3A_646 masked %and3A_521 : memref<128x128xf32, #tpu.memory_space<vmem>>[vector<16xi32>, vector<16xi32>], vector<16xf32>, vector<16xi1>
          %broadcast_in_dim3A_649 = arith.constant 11 : i32
          %broadcast_in_dim3A_650 = vector.broadcast %broadcast_in_dim3A_649 : i32 to vector<16xi32>
          %gather3A_651 = arith.constant 0 : i32
          %gather3A_652 = arith.constant 0 : i32
          %gather3A_653 = tpu.memref_slice %arg11[%rem3A_451, %gather3A_651, %gather3A_652] : memref<3x32x512xf32, #tpu.memory_space<vmem>> -> memref<1x32x512xf32, #tpu.memory_space<vmem>>
          %gather3A_654 = tpu.memref_squeeze %gather3A_653 : memref<1x32x512xf32, #tpu.memory_space<vmem>> -> memref<32x512xf32, #tpu.memory_space<vmem>>
          %gather3A_655 = tpu.vector_load_idx %gather3A_654[%broadcast_in_dim3A_650, %min3A_550] : memref<32x512xf32, #tpu.memory_space<vmem>>[vector<16xi32>, vector<16xi32>], vector<16xf32>,
          %broadcast_in_dim3A_656 = arith.constant 11 : i32
          %broadcast_in_dim3A_657 = vector.broadcast %broadcast_in_dim3A_656 : i32 to vector<16xi32>
          tpu.vector_store_idx %arg12[%sub3A_543, %broadcast_in_dim3A_657], %gather3A_655 masked %and3A_521 : memref<128x128xf32, #tpu.memory_space<vmem>>[vector<16xi32>, vector<16xi32>], vector<16xf32>, vector<16xi1>
          %broadcast_in_dim3A_658 = arith.constant 12 : i32
          %broadcast_in_dim3A_659 = vector.broadcast %broadcast_in_dim3A_658 : i32 to vector<16xi32>
          %gather3A_660 = arith.constant 0 : i32
          %gather3A_661 = arith.constant 0 : i32
          %gather3A_662 = tpu.memref_slice %arg11[%rem3A_451, %gather3A_660, %gather3A_661] : memref<3x32x512xf32, #tpu.memory_space<vmem>> -> memref<1x32x512xf32, #tpu.memory_space<vmem>>
          %gather3A_663 = tpu.memref_squeeze %gather3A_662 : memref<1x32x512xf32, #tpu.memory_space<vmem>> -> memref<32x512xf32, #tpu.memory_space<vmem>>
          %gather3A_664 = tpu.vector_load_idx %gather3A_663[%broadcast_in_dim3A_659, %min3A_550] : memref<32x512xf32, #tpu.memory_space<vmem>>[vector<16xi32>, vector<16xi32>], vector<16xf32>,
          %broadcast_in_dim3A_665 = arith.constant 12 : i32
          %broadcast_in_dim3A_666 = vector.broadcast %broadcast_in_dim3A_665 : i32 to vector<16xi32>
          tpu.vector_store_idx %arg12[%sub3A_543, %broadcast_in_dim3A_666], %gather3A_664 masked %and3A_521 : memref<128x128xf32, #tpu.memory_space<vmem>>[vector<16xi32>, vector<16xi32>], vector<16xf32>, vector<16xi1>
          %broadcast_in_dim3A_667 = arith.constant 13 : i32
          %broadcast_in_dim3A_668 = vector.broadcast %broadcast_in_dim3A_667 : i32 to vector<16xi32>
          %gather3A_669 = arith.constant 0 : i32
          %gather3A_670 = arith.constant 0 : i32
          %gather3A_671 = tpu.memref_slice %arg11[%rem3A_451, %gather3A_669, %gather3A_670] : memref<3x32x512xf32, #tpu.memory_space<vmem>> -> memref<1x32x512xf32, #tpu.memory_space<vmem>>
          %gather3A_672 = tpu.memref_squeeze %gather3A_671 : memref<1x32x512xf32, #tpu.memory_space<vmem>> -> memref<32x512xf32, #tpu.memory_space<vmem>>
          %gather3A_673 = tpu.vector_load_idx %gather3A_672[%broadcast_in_dim3A_668, %min3A_550] : memref<32x512xf32, #tpu.memory_space<vmem>>[vector<16xi32>, vector<16xi32>], vector<16xf32>,
          %broadcast_in_dim3A_674 = arith.constant 13 : i32
          %broadcast_in_dim3A_675 = vector.broadcast %broadcast_in_dim3A_674 : i32 to vector<16xi32>
          tpu.vector_store_idx %arg12[%sub3A_543, %broadcast_in_dim3A_675], %gather3A_673 masked %and3A_521 : memref<128x128xf32, #tpu.memory_space<vmem>>[vector<16xi32>, vector<16xi32>], vector<16xf32>, vector<16xi1>
          %broadcast_in_dim3A_676 = arith.constant 14 : i32
          %broadcast_in_dim3A_677 = vector.broadcast %broadcast_in_dim3A_676 : i32 to vector<16xi32>
          %gather3A_678 = arith.constant 0 : i32
          %gather3A_679 = arith.constant 0 : i32
          %gather3A_680 = tpu.memref_slice %arg11[%rem3A_451, %gather3A_678, %gather3A_679] : memref<3x32x512xf32, #tpu.memory_space<vmem>> -> memref<1x32x512xf32, #tpu.memory_space<vmem>>
          %gather3A_681 = tpu.memref_squeeze %gather3A_680 : memref<1x32x512xf32, #tpu.memory_space<vmem>> -> memref<32x512xf32, #tpu.memory_space<vmem>>
          %gather3A_682 = tpu.vector_load_idx %gather3A_681[%broadcast_in_dim3A_677, %min3A_550] : memref<32x512xf32, #tpu.memory_space<vmem>>[vector<16xi32>, vector<16xi32>], vector<16xf32>,
          %broadcast_in_dim3A_683 = arith.constant 14 : i32
          %broadcast_in_dim3A_684 = vector.broadcast %broadcast_in_dim3A_683 : i32 to vector<16xi32>
          tpu.vector_store_idx %arg12[%sub3A_543, %broadcast_in_dim3A_684], %gather3A_682 masked %and3A_521 : memref<128x128xf32, #tpu.memory_space<vmem>>[vector<16xi32>, vector<16xi32>], vector<16xf32>, vector<16xi1>
          %broadcast_in_dim3A_685 = arith.constant 15 : i32
          %broadcast_in_dim3A_686 = vector.broadcast %broadcast_in_dim3A_685 : i32 to vector<16xi32>
          %gather3A_687 = arith.constant 0 : i32
          %gather3A_688 = arith.constant 0 : i32
          %gather3A_689 = tpu.memref_slice %arg11[%rem3A_451, %gather3A_687, %gather3A_688] : memref<3x32x512xf32, #tpu.memory_space<vmem>> -> memref<1x32x512xf32, #tpu.memory_space<vmem>>
          %gather3A_690 = tpu.memref_squeeze %gather3A_689 : memref<1x32x512xf32, #tpu.memory_space<vmem>> -> memref<32x512xf32, #tpu.memory_space<vmem>>
          %gather3A_691 = tpu.vector_load_idx %gather3A_690[%broadcast_in_dim3A_686, %min3A_550] : memref<32x512xf32, #tpu.memory_space<vmem>>[vector<16xi32>, vector<16xi32>], vector<16xf32>,
          %broadcast_in_dim3A_692 = arith.constant 15 : i32
          %broadcast_in_dim3A_693 = vector.broadcast %broadcast_in_dim3A_692 : i32 to vector<16xi32>
          tpu.vector_store_idx %arg12[%sub3A_543, %broadcast_in_dim3A_693], %gather3A_691 masked %and3A_521 : memref<128x128xf32, #tpu.memory_space<vmem>>[vector<16xi32>, vector<16xi32>], vector<16xf32>, vector<16xi1>
          %broadcast_in_dim3A_694 = arith.constant 16 : i32
          %broadcast_in_dim3A_695 = vector.broadcast %broadcast_in_dim3A_694 : i32 to vector<16xi32>
          %gather3A_696 = arith.constant 0 : i32
          %gather3A_697 = arith.constant 0 : i32
          %gather3A_698 = tpu.memref_slice %arg11[%rem3A_451, %gather3A_696, %gather3A_697] : memref<3x32x512xf32, #tpu.memory_space<vmem>> -> memref<1x32x512xf32, #tpu.memory_space<vmem>>
          %gather3A_699 = tpu.memref_squeeze %gather3A_698 : memref<1x32x512xf32, #tpu.memory_space<vmem>> -> memref<32x512xf32, #tpu.memory_space<vmem>>
          %gather3A_700 = tpu.vector_load_idx %gather3A_699[%broadcast_in_dim3A_695, %min3A_550] : memref<32x512xf32, #tpu.memory_space<vmem>>[vector<16xi32>, vector<16xi32>], vector<16xf32>,
          %broadcast_in_dim3A_701 = arith.constant 16 : i32
          %broadcast_in_dim3A_702 = vector.broadcast %broadcast_in_dim3A_701 : i32 to vector<16xi32>
          tpu.vector_store_idx %arg12[%sub3A_543, %broadcast_in_dim3A_702], %gather3A_700 masked %and3A_521 : memref<128x128xf32, #tpu.memory_space<vmem>>[vector<16xi32>, vector<16xi32>], vector<16xf32>, vector<16xi1>
          %broadcast_in_dim3A_703 = arith.constant 17 : i32
          %broadcast_in_dim3A_704 = vector.broadcast %broadcast_in_dim3A_703 : i32 to vector<16xi32>
          %gather3A_705 = arith.constant 0 : i32
          %gather3A_706 = arith.constant 0 : i32
          %gather3A_707 = tpu.memref_slice %arg11[%rem3A_451, %gather3A_705, %gather3A_706] : memref<3x32x512xf32, #tpu.memory_space<vmem>> -> memref<1x32x512xf32, #tpu.memory_space<vmem>>
          %gather3A_708 = tpu.memref_squeeze %gather3A_707 : memref<1x32x512xf32, #tpu.memory_space<vmem>> -> memref<32x512xf32, #tpu.memory_space<vmem>>
          %gather3A_709 = tpu.vector_load_idx %gather3A_708[%broadcast_in_dim3A_704, %min3A_550] : memref<32x512xf32, #tpu.memory_space<vmem>>[vector<16xi32>, vector<16xi32>], vector<16xf32>,
          %broadcast_in_dim3A_710 = arith.constant 17 : i32
          %broadcast_in_dim3A_711 = vector.broadcast %broadcast_in_dim3A_710 : i32 to vector<16xi32>
          tpu.vector_store_idx %arg12[%sub3A_543, %broadcast_in_dim3A_711], %gather3A_709 masked %and3A_521 : memref<128x128xf32, #tpu.memory_space<vmem>>[vector<16xi32>, vector<16xi32>], vector<16xf32>, vector<16xi1>
          %broadcast_in_dim3A_712 = arith.constant 18 : i32
          %broadcast_in_dim3A_713 = vector.broadcast %broadcast_in_dim3A_712 : i32 to vector<16xi32>
          %gather3A_714 = arith.constant 0 : i32
          %gather3A_715 = arith.constant 0 : i32
          %gather3A_716 = tpu.memref_slice %arg11[%rem3A_451, %gather3A_714, %gather3A_715] : memref<3x32x512xf32, #tpu.memory_space<vmem>> -> memref<1x32x512xf32, #tpu.memory_space<vmem>>
          %gather3A_717 = tpu.memref_squeeze %gather3A_716 : memref<1x32x512xf32, #tpu.memory_space<vmem>> -> memref<32x512xf32, #tpu.memory_space<vmem>>
          %gather3A_718 = tpu.vector_load_idx %gather3A_717[%broadcast_in_dim3A_713, %min3A_550] : memref<32x512xf32, #tpu.memory_space<vmem>>[vector<16xi32>, vector<16xi32>], vector<16xf32>,
          %broadcast_in_dim3A_719 = arith.constant 18 : i32
          %broadcast_in_dim3A_720 = vector.broadcast %broadcast_in_dim3A_719 : i32 to vector<16xi32>
          tpu.vector_store_idx %arg12[%sub3A_543, %broadcast_in_dim3A_720], %gather3A_718 masked %and3A_521 : memref<128x128xf32, #tpu.memory_space<vmem>>[vector<16xi32>, vector<16xi32>], vector<16xf32>, vector<16xi1>
          %broadcast_in_dim3A_721 = arith.constant 19 : i32
          %broadcast_in_dim3A_722 = vector.broadcast %broadcast_in_dim3A_721 : i32 to vector<16xi32>
          %gather3A_723 = arith.constant 0 : i32
          %gather3A_724 = arith.constant 0 : i32
          %gather3A_725 = tpu.memref_slice %arg11[%rem3A_451, %gather3A_723, %gather3A_724] : memref<3x32x512xf32, #tpu.memory_space<vmem>> -> memref<1x32x512xf32, #tpu.memory_space<vmem>>
          %gather3A_726 = tpu.memref_squeeze %gather3A_725 : memref<1x32x512xf32, #tpu.memory_space<vmem>> -> memref<32x512xf32, #tpu.memory_space<vmem>>
          %gather3A_727 = tpu.vector_load_idx %gather3A_726[%broadcast_in_dim3A_722, %min3A_550] : memref<32x512xf32, #tpu.memory_space<vmem>>[vector<16xi32>, vector<16xi32>], vector<16xf32>,
          %broadcast_in_dim3A_728 = arith.constant 19 : i32
          %broadcast_in_dim3A_729 = vector.broadcast %broadcast_in_dim3A_728 : i32 to vector<16xi32>
          tpu.vector_store_idx %arg12[%sub3A_543, %broadcast_in_dim3A_729], %gather3A_727 masked %and3A_521 : memref<128x128xf32, #tpu.memory_space<vmem>>[vector<16xi32>, vector<16xi32>], vector<16xf32>, vector<16xi1>
          %broadcast_in_dim3A_730 = arith.constant 20 : i32
          %broadcast_in_dim3A_731 = vector.broadcast %broadcast_in_dim3A_730 : i32 to vector<16xi32>
          %gather3A_732 = arith.constant 0 : i32
          %gather3A_733 = arith.constant 0 : i32
          %gather3A_734 = tpu.memref_slice %arg11[%rem3A_451, %gather3A_732, %gather3A_733] : memref<3x32x512xf32, #tpu.memory_space<vmem>> -> memref<1x32x512xf32, #tpu.memory_space<vmem>>
          %gather3A_735 = tpu.memref_squeeze %gather3A_734 : memref<1x32x512xf32, #tpu.memory_space<vmem>> -> memref<32x512xf32, #tpu.memory_space<vmem>>
          %gather3A_736 = tpu.vector_load_idx %gather3A_735[%broadcast_in_dim3A_731, %min3A_550] : memref<32x512xf32, #tpu.memory_space<vmem>>[vector<16xi32>, vector<16xi32>], vector<16xf32>,
          %broadcast_in_dim3A_737 = arith.constant 20 : i32
          %broadcast_in_dim3A_738 = vector.broadcast %broadcast_in_dim3A_737 : i32 to vector<16xi32>
          tpu.vector_store_idx %arg12[%sub3A_543, %broadcast_in_dim3A_738], %gather3A_736 masked %and3A_521 : memref<128x128xf32, #tpu.memory_space<vmem>>[vector<16xi32>, vector<16xi32>], vector<16xf32>, vector<16xi1>
          %broadcast_in_dim3A_739 = arith.constant 21 : i32
          %broadcast_in_dim3A_740 = vector.broadcast %broadcast_in_dim3A_739 : i32 to vector<16xi32>
          %gather3A_741 = arith.constant 0 : i32
          %gather3A_742 = arith.constant 0 : i32
          %gather3A_743 = tpu.memref_slice %arg11[%rem3A_451, %gather3A_741, %gather3A_742] : memref<3x32x512xf32, #tpu.memory_space<vmem>> -> memref<1x32x512xf32, #tpu.memory_space<vmem>>
          %gather3A_744 = tpu.memref_squeeze %gather3A_743 : memref<1x32x512xf32, #tpu.memory_space<vmem>> -> memref<32x512xf32, #tpu.memory_space<vmem>>
          %gather3A_745 = tpu.vector_load_idx %gather3A_744[%broadcast_in_dim3A_740, %min3A_550] : memref<32x512xf32, #tpu.memory_space<vmem>>[vector<16xi32>, vector<16xi32>], vector<16xf32>,
          %broadcast_in_dim3A_746 = arith.constant 21 : i32
          %broadcast_in_dim3A_747 = vector.broadcast %broadcast_in_dim3A_746 : i32 to vector<16xi32>
          tpu.vector_store_idx %arg12[%sub3A_543, %broadcast_in_dim3A_747], %gather3A_745 masked %and3A_521 : memref<128x128xf32, #tpu.memory_space<vmem>>[vector<16xi32>, vector<16xi32>], vector<16xf32>, vector<16xi1>
          %broadcast_in_dim3A_748 = arith.constant 22 : i32
          %broadcast_in_dim3A_749 = vector.broadcast %broadcast_in_dim3A_748 : i32 to vector<16xi32>
          %gather3A_750 = arith.constant 0 : i32
          %gather3A_751 = arith.constant 0 : i32
          %gather3A_752 = tpu.memref_slice %arg11[%rem3A_451, %gather3A_750, %gather3A_751] : memref<3x32x512xf32, #tpu.memory_space<vmem>> -> memref<1x32x512xf32, #tpu.memory_space<vmem>>
          %gather3A_753 = tpu.memref_squeeze %gather3A_752 : memref<1x32x512xf32, #tpu.memory_space<vmem>> -> memref<32x512xf32, #tpu.memory_space<vmem>>
          %gather3A_754 = tpu.vector_load_idx %gather3A_753[%broadcast_in_dim3A_749, %min3A_550] : memref<32x512xf32, #tpu.memory_space<vmem>>[vector<16xi32>, vector<16xi32>], vector<16xf32>,
          %broadcast_in_dim3A_755 = arith.constant 22 : i32
          %broadcast_in_dim3A_756 = vector.broadcast %broadcast_in_dim3A_755 : i32 to vector<16xi32>
          tpu.vector_store_idx %arg12[%sub3A_543, %broadcast_in_dim3A_756], %gather3A_754 masked %and3A_521 : memref<128x128xf32, #tpu.memory_space<vmem>>[vector<16xi32>, vector<16xi32>], vector<16xf32>, vector<16xi1>
          %broadcast_in_dim3A_757 = arith.constant 23 : i32
          %broadcast_in_dim3A_758 = vector.broadcast %broadcast_in_dim3A_757 : i32 to vector<16xi32>
          %gather3A_759 = arith.constant 0 : i32
          %gather3A_760 = arith.constant 0 : i32
          %gather3A_761 = tpu.memref_slice %arg11[%rem3A_451, %gather3A_759, %gather3A_760] : memref<3x32x512xf32, #tpu.memory_space<vmem>> -> memref<1x32x512xf32, #tpu.memory_space<vmem>>
          %gather3A_762 = tpu.memref_squeeze %gather3A_761 : memref<1x32x512xf32, #tpu.memory_space<vmem>> -> memref<32x512xf32, #tpu.memory_space<vmem>>
          %gather3A_763 = tpu.vector_load_idx %gather3A_762[%broadcast_in_dim3A_758, %min3A_550] : memref<32x512xf32, #tpu.memory_space<vmem>>[vector<16xi32>, vector<16xi32>], vector<16xf32>,
          %broadcast_in_dim3A_764 = arith.constant 23 : i32
          %broadcast_in_dim3A_765 = vector.broadcast %broadcast_in_dim3A_764 : i32 to vector<16xi32>
          tpu.vector_store_idx %arg12[%sub3A_543, %broadcast_in_dim3A_765], %gather3A_763 masked %and3A_521 : memref<128x128xf32, #tpu.memory_space<vmem>>[vector<16xi32>, vector<16xi32>], vector<16xf32>, vector<16xi1>
          %broadcast_in_dim3A_766 = arith.constant 24 : i32
          %broadcast_in_dim3A_767 = vector.broadcast %broadcast_in_dim3A_766 : i32 to vector<16xi32>
          %gather3A_768 = arith.constant 0 : i32
          %gather3A_769 = arith.constant 0 : i32
          %gather3A_770 = tpu.memref_slice %arg11[%rem3A_451, %gather3A_768, %gather3A_769] : memref<3x32x512xf32, #tpu.memory_space<vmem>> -> memref<1x32x512xf32, #tpu.memory_space<vmem>>
          %gather3A_771 = tpu.memref_squeeze %gather3A_770 : memref<1x32x512xf32, #tpu.memory_space<vmem>> -> memref<32x512xf32, #tpu.memory_space<vmem>>
          %gather3A_772 = tpu.vector_load_idx %gather3A_771[%broadcast_in_dim3A_767, %min3A_550] : memref<32x512xf32, #tpu.memory_space<vmem>>[vector<16xi32>, vector<16xi32>], vector<16xf32>,
          %broadcast_in_dim3A_773 = arith.constant 24 : i32
          %broadcast_in_dim3A_774 = vector.broadcast %broadcast_in_dim3A_773 : i32 to vector<16xi32>
          tpu.vector_store_idx %arg12[%sub3A_543, %broadcast_in_dim3A_774], %gather3A_772 masked %and3A_521 : memref<128x128xf32, #tpu.memory_space<vmem>>[vector<16xi32>, vector<16xi32>], vector<16xf32>, vector<16xi1>
          %broadcast_in_dim3A_775 = arith.constant 25 : i32
          %broadcast_in_dim3A_776 = vector.broadcast %broadcast_in_dim3A_775 : i32 to vector<16xi32>
          %gather3A_777 = arith.constant 0 : i32
          %gather3A_778 = arith.constant 0 : i32
          %gather3A_779 = tpu.memref_slice %arg11[%rem3A_451, %gather3A_777, %gather3A_778] : memref<3x32x512xf32, #tpu.memory_space<vmem>> -> memref<1x32x512xf32, #tpu.memory_space<vmem>>
          %gather3A_780 = tpu.memref_squeeze %gather3A_779 : memref<1x32x512xf32, #tpu.memory_space<vmem>> -> memref<32x512xf32, #tpu.memory_space<vmem>>
          %gather3A_781 = tpu.vector_load_idx %gather3A_780[%broadcast_in_dim3A_776, %min3A_550] : memref<32x512xf32, #tpu.memory_space<vmem>>[vector<16xi32>, vector<16xi32>], vector<16xf32>,
          %broadcast_in_dim3A_782 = arith.constant 25 : i32
          %broadcast_in_dim3A_783 = vector.broadcast %broadcast_in_dim3A_782 : i32 to vector<16xi32>
          tpu.vector_store_idx %arg12[%sub3A_543, %broadcast_in_dim3A_783], %gather3A_781 masked %and3A_521 : memref<128x128xf32, #tpu.memory_space<vmem>>[vector<16xi32>, vector<16xi32>], vector<16xf32>, vector<16xi1>
          %broadcast_in_dim3A_784 = arith.constant 26 : i32
          %broadcast_in_dim3A_785 = vector.broadcast %broadcast_in_dim3A_784 : i32 to vector<16xi32>
          %gather3A_786 = arith.constant 0 : i32
          %gather3A_787 = arith.constant 0 : i32
          %gather3A_788 = tpu.memref_slice %arg11[%rem3A_451, %gather3A_786, %gather3A_787] : memref<3x32x512xf32, #tpu.memory_space<vmem>> -> memref<1x32x512xf32, #tpu.memory_space<vmem>>
          %gather3A_789 = tpu.memref_squeeze %gather3A_788 : memref<1x32x512xf32, #tpu.memory_space<vmem>> -> memref<32x512xf32, #tpu.memory_space<vmem>>
          %gather3A_790 = tpu.vector_load_idx %gather3A_789[%broadcast_in_dim3A_785, %min3A_550] : memref<32x512xf32, #tpu.memory_space<vmem>>[vector<16xi32>, vector<16xi32>], vector<16xf32>,
          %broadcast_in_dim3A_791 = arith.constant 26 : i32
          %broadcast_in_dim3A_792 = vector.broadcast %broadcast_in_dim3A_791 : i32 to vector<16xi32>
          tpu.vector_store_idx %arg12[%sub3A_543, %broadcast_in_dim3A_792], %gather3A_790 masked %and3A_521 : memref<128x128xf32, #tpu.memory_space<vmem>>[vector<16xi32>, vector<16xi32>], vector<16xf32>, vector<16xi1>
          %broadcast_in_dim3A_793 = arith.constant 27 : i32
          %broadcast_in_dim3A_794 = vector.broadcast %broadcast_in_dim3A_793 : i32 to vector<16xi32>
          %gather3A_795 = arith.constant 0 : i32
          %gather3A_796 = arith.constant 0 : i32
          %gather3A_797 = tpu.memref_slice %arg11[%rem3A_451, %gather3A_795, %gather3A_796] : memref<3x32x512xf32, #tpu.memory_space<vmem>> -> memref<1x32x512xf32, #tpu.memory_space<vmem>>
          %gather3A_798 = tpu.memref_squeeze %gather3A_797 : memref<1x32x512xf32, #tpu.memory_space<vmem>> -> memref<32x512xf32, #tpu.memory_space<vmem>>
          %gather3A_799 = tpu.vector_load_idx %gather3A_798[%broadcast_in_dim3A_794, %min3A_550] : memref<32x512xf32, #tpu.memory_space<vmem>>[vector<16xi32>, vector<16xi32>], vector<16xf32>,
          %broadcast_in_dim3A_800 = arith.constant 27 : i32
          %broadcast_in_dim3A_801 = vector.broadcast %broadcast_in_dim3A_800 : i32 to vector<16xi32>
          tpu.vector_store_idx %arg12[%sub3A_543, %broadcast_in_dim3A_801], %gather3A_799 masked %and3A_521 : memref<128x128xf32, #tpu.memory_space<vmem>>[vector<16xi32>, vector<16xi32>], vector<16xf32>, vector<16xi1>
          %broadcast_in_dim3A_802 = arith.constant 28 : i32
          %broadcast_in_dim3A_803 = vector.broadcast %broadcast_in_dim3A_802 : i32 to vector<16xi32>
          %gather3A_804 = arith.constant 0 : i32
          %gather3A_805 = arith.constant 0 : i32
          %gather3A_806 = tpu.memref_slice %arg11[%rem3A_451, %gather3A_804, %gather3A_805] : memref<3x32x512xf32, #tpu.memory_space<vmem>> -> memref<1x32x512xf32, #tpu.memory_space<vmem>>
          %gather3A_807 = tpu.memref_squeeze %gather3A_806 : memref<1x32x512xf32, #tpu.memory_space<vmem>> -> memref<32x512xf32, #tpu.memory_space<vmem>>
          %gather3A_808 = tpu.vector_load_idx %gather3A_807[%broadcast_in_dim3A_803, %min3A_550] : memref<32x512xf32, #tpu.memory_space<vmem>>[vector<16xi32>, vector<16xi32>], vector<16xf32>,
          %broadcast_in_dim3A_809 = arith.constant 28 : i32
          %broadcast_in_dim3A_810 = vector.broadcast %broadcast_in_dim3A_809 : i32 to vector<16xi32>
          tpu.vector_store_idx %arg12[%sub3A_543, %broadcast_in_dim3A_810], %gather3A_808 masked %and3A_521 : memref<128x128xf32, #tpu.memory_space<vmem>>[vector<16xi32>, vector<16xi32>], vector<16xf32>, vector<16xi1>
          %broadcast_in_dim3A_811 = arith.constant 29 : i32
          %broadcast_in_dim3A_812 = vector.broadcast %broadcast_in_dim3A_811 : i32 to vector<16xi32>
          %gather3A_813 = arith.constant 0 : i32
          %gather3A_814 = arith.constant 0 : i32
          %gather3A_815 = tpu.memref_slice %arg11[%rem3A_451, %gather3A_813, %gather3A_814] : memref<3x32x512xf32, #tpu.memory_space<vmem>> -> memref<1x32x512xf32, #tpu.memory_space<vmem>>
          %gather3A_816 = tpu.memref_squeeze %gather3A_815 : memref<1x32x512xf32, #tpu.memory_space<vmem>> -> memref<32x512xf32, #tpu.memory_space<vmem>>
          %gather3A_817 = tpu.vector_load_idx %gather3A_816[%broadcast_in_dim3A_812, %min3A_550] : memref<32x512xf32, #tpu.memory_space<vmem>>[vector<16xi32>, vector<16xi32>], vector<16xf32>,
          %broadcast_in_dim3A_818 = arith.constant 29 : i32
          %broadcast_in_dim3A_819 = vector.broadcast %broadcast_in_dim3A_818 : i32 to vector<16xi32>
          tpu.vector_store_idx %arg12[%sub3A_543, %broadcast_in_dim3A_819], %gather3A_817 masked %and3A_521 : memref<128x128xf32, #tpu.memory_space<vmem>>[vector<16xi32>, vector<16xi32>], vector<16xf32>, vector<16xi1>
          %broadcast_in_dim3A_820 = arith.constant 30 : i32
          %broadcast_in_dim3A_821 = vector.broadcast %broadcast_in_dim3A_820 : i32 to vector<16xi32>
          %gather3A_822 = arith.constant 0 : i32
          %gather3A_823 = arith.constant 0 : i32
          %gather3A_824 = tpu.memref_slice %arg11[%rem3A_451, %gather3A_822, %gather3A_823] : memref<3x32x512xf32, #tpu.memory_space<vmem>> -> memref<1x32x512xf32, #tpu.memory_space<vmem>>
          %gather3A_825 = tpu.memref_squeeze %gather3A_824 : memref<1x32x512xf32, #tpu.memory_space<vmem>> -> memref<32x512xf32, #tpu.memory_space<vmem>>
          %gather3A_826 = tpu.vector_load_idx %gather3A_825[%broadcast_in_dim3A_821, %min3A_550] : memref<32x512xf32, #tpu.memory_space<vmem>>[vector<16xi32>, vector<16xi32>], vector<16xf32>,
          %broadcast_in_dim3A_827 = arith.constant 30 : i32
          %broadcast_in_dim3A_828 = vector.broadcast %broadcast_in_dim3A_827 : i32 to vector<16xi32>
          tpu.vector_store_idx %arg12[%sub3A_543, %broadcast_in_dim3A_828], %gather3A_826 masked %and3A_521 : memref<128x128xf32, #tpu.memory_space<vmem>>[vector<16xi32>, vector<16xi32>], vector<16xf32>, vector<16xi1>
          %broadcast_in_dim3A_829 = arith.constant 31 : i32
          %broadcast_in_dim3A_830 = vector.broadcast %broadcast_in_dim3A_829 : i32 to vector<16xi32>
          %gather3A_831 = arith.constant 0 : i32
          %gather3A_832 = arith.constant 0 : i32
          %gather3A_833 = tpu.memref_slice %arg11[%rem3A_451, %gather3A_831, %gather3A_832] : memref<3x32x512xf32, #tpu.memory_space<vmem>> -> memref<1x32x512xf32, #tpu.memory_space<vmem>>
          %gather3A_834 = tpu.memref_squeeze %gather3A_833 : memref<1x32x512xf32, #tpu.memory_space<vmem>> -> memref<32x512xf32, #tpu.memory_space<vmem>>
          %gather3A_835 = tpu.vector_load_idx %gather3A_834[%broadcast_in_dim3A_830, %min3A_550] : memref<32x512xf32, #tpu.memory_space<vmem>>[vector<16xi32>, vector<16xi32>], vector<16xf32>,
          %broadcast_in_dim3A_836 = arith.constant 31 : i32
          %broadcast_in_dim3A_837 = vector.broadcast %broadcast_in_dim3A_836 : i32 to vector<16xi32>
          tpu.vector_store_idx %arg12[%sub3A_543, %broadcast_in_dim3A_837], %gather3A_835 masked %and3A_521 : memref<128x128xf32, #tpu.memory_space<vmem>>[vector<16xi32>, vector<16xi32>], vector<16xf32>, vector<16xi1>
          tpu.vector_store_idx %arg13[%sub3A_543], %get3A_515 masked %and3A_521 : memref<128xi32, #tpu.memory_space<vmem>>[vector<16xi32>], vector<16xi32>, vector<16xi1>
          %add3A_838 = arith.addi %cond3A_535, %reduce_sum3A_524 : i32
          scf.yield %add3A_838 : i32
        } else {
          scf.yield %while3A_508 : i32
        }
        scf.yield %cond3A_528 : i32
      }
      %while3A_505 = arith.constant 1 : i32
      %while3A_506 = scf.for %while3A_507 = %while3A_502 to %while3A_498 step %while3A_505 iter_args(%while3A_508 = %while3A_504) -> (i32)  : i32 {
        %mul3A_509 = arith.constant 16 : i32
        %mul3A_510 = arith.muli %while3A_507, %mul3A_509 : i32
        %get3A = arith.index_cast %mul3A_510 : i32 to index
        %get3A_511 = tpu.vector_load %arg9[%get3A] {strides = array<i32>} : memref<16400xi32, #tpu.memory_space<vmem>>, vector<16xi32>,
        %mul3A_512 = arith.constant 16 : i32
        %mul3A_513 = arith.muli %while3A_507, %mul3A_512 : i32
        %get3A_514 = arith.index_cast %mul3A_513 : i32 to index
        %get3A_515 = tpu.vector_load %arg10[%get3A_514] {strides = array<i32>} : memref<16400xi32, #tpu.memory_space<vmem>>, vector<16xi32>,
        %ge3A = vector.broadcast %mul3A_495 : i32 to vector<16xi32>
        %ge3A_516 = arith.cmpi sge, %get3A_511, %ge3A : vector<16xi32>
        %add3A_517 = arith.constant 512 : i32
        %add3A_518 = arith.addi %mul3A_495, %add3A_517 : i32
        %lt3A_519 = vector.broadcast %add3A_518 : i32 to vector<16xi32>
        %lt3A_520 = arith.cmpi slt, %get3A_511, %lt3A_519 : vector<16xi32>
        %and3A_521 = arith.andi %ge3A_516, %lt3A_520 : vector<16xi1>
        %convert_element_type3A = arith.extui %and3A_521 : vector<16xi1> to vector<16xi32>
        %reduce_sum3A = arith.constant true
        %reduce_sum3A_522 = vector.broadcast %reduce_sum3A : i1 to vector<16xi1>
        %reduce_sum3A_523 = tpu.scan <sum>, %convert_element_type3A masked %reduce_sum3A_522 : vector<16xi32>, vector<16xi1> -> vector<16xi32>
        %reduce_sum3A_524 = vector.extract %reduce_sum3A_523[15] : i32 from vector<16xi32>
        %gt3A = arith.constant 0 : i32
        %gt3A_525 = arith.cmpi sgt, %reduce_sum3A_524, %gt3A : i32
        %convert_element_type3A_526 = arith.extui %gt3A_525 : i1 to i32
        %cond3A = arith.constant 0 : i32
        %cond3A_527 = arith.cmpi ne, %convert_element_type3A_526, %cond3A : i32
        %cond3A_528 = scf.if %cond3A_527 -> (i32) {
          %add3A_529 = arith.addi %while3A_508, %reduce_sum3A_524 : i32
          %gt3A_530 = arith.constant 128 : i32
          %gt3A_531 = arith.cmpi sgt, %add3A_529, %gt3A_530 : i32
          %convert_element_type3A_532 = arith.extui %gt3A_531 : i1 to i32
          %cond3A_533 = arith.constant 0 : i32
          %cond3A_534 = arith.cmpi ne, %convert_element_type3A_532, %cond3A_533 : i32
          %cond3A_535 = scf.if %cond3A_534 -> (i32) {
            %dma_start3A_839 = arith.constant 0 : i32
            %dma_start3A_840 = arith.constant 0 : i32
            %dma_start3A_841 = tpu.memref_slice %arg6[%dma_start3A_839, %dma_start3A_840] : memref<16512x128xf32, #tpu.memory_space<hbm>> -> memref<16512x128xf32, #tpu.memory_space<hbm>>
            tpu.enqueue_indirect_dma source(%arg12 : memref<128x128xf32, #tpu.memory_space<vmem>>) target(%dma_start3A_841 : memref<16512x128xf32, #tpu.memory_space<hbm>>) offsets(%arg13 : memref<128xi32, #tpu.memory_space<vmem>>) semaphore(%arg16 : memref<!tpu.dma_semaphore, #tpu.memory_space<semaphore_mem>>)
            %dma_wait3A_842 = arith.constant 0 : i32
            %dma_wait3A_843 = arith.constant 0 : i32
            %dma_wait3A_844 = tpu.memref_slice %arg6[%dma_wait3A_842, %dma_wait3A_843] : memref<16512x128xf32, #tpu.memory_space<hbm>> -> memref<16512x128xf32, #tpu.memory_space<hbm>>
            tpu.wait_indirect_dma semaphore(%arg16 : memref<!tpu.dma_semaphore, #tpu.memory_space<semaphore_mem>>) src(%arg12 : memref<128x128xf32, #tpu.memory_space<vmem>>) dst(%dma_wait3A_844 : memref<16512x128xf32, #tpu.memory_space<hbm>>)
            %add3A_845 = arith.constant 16384 : i32
            %add3A_846 = vector.broadcast %add3A_845 : i32 to vector<16xi32>
            %add3A_847 = arith.addi %add3A_846, %iota3A : vector<16xi32>
            %swap3A_848 = arith.constant 0 : index
            %swap3A_849 = tpu.vector_load %arg13[%swap3A_848] {strides = array<i32>} : memref<128xi32, #tpu.memory_space<vmem>>, vector<16xi32>,
            tpu.vector_store %arg13[%swap3A_848], %add3A_847 {strides = array<i32>} : memref<128xi32, #tpu.memory_space<vmem>>, vector<16xi32>,
            %add3A_850 = arith.constant 16400 : i32
            %add3A_851 = vector.broadcast %add3A_850 : i32 to vector<16xi32>
            %add3A_852 = arith.addi %add3A_851, %iota3A : vector<16xi32>
            %swap3A_853 = arith.constant 16 : index
            %swap3A_854 = tpu.vector_load %arg13[%swap3A_853] {strides = array<i32>} : memref<128xi32, #tpu.memory_space<vmem>>, vector<16xi32>,
            tpu.vector_store %arg13[%swap3A_853], %add3A_852 {strides = array<i32>} : memref<128xi32, #tpu.memory_space<vmem>>, vector<16xi32>,
            %add3A_855 = arith.constant 16416 : i32
            %add3A_856 = vector.broadcast %add3A_855 : i32 to vector<16xi32>
            %add3A_857 = arith.addi %add3A_856, %iota3A : vector<16xi32>
            %swap3A_858 = arith.constant 32 : index
            %swap3A_859 = tpu.vector_load %arg13[%swap3A_858] {strides = array<i32>} : memref<128xi32, #tpu.memory_space<vmem>>, vector<16xi32>,
            tpu.vector_store %arg13[%swap3A_858], %add3A_857 {strides = array<i32>} : memref<128xi32, #tpu.memory_space<vmem>>, vector<16xi32>,
            %add3A_860 = arith.constant 16432 : i32
            %add3A_861 = vector.broadcast %add3A_860 : i32 to vector<16xi32>
            %add3A_862 = arith.addi %add3A_861, %iota3A : vector<16xi32>
            %swap3A_863 = arith.constant 48 : index
            %swap3A_864 = tpu.vector_load %arg13[%swap3A_863] {strides = array<i32>} : memref<128xi32, #tpu.memory_space<vmem>>, vector<16xi32>,
            tpu.vector_store %arg13[%swap3A_863], %add3A_862 {strides = array<i32>} : memref<128xi32, #tpu.memory_space<vmem>>, vector<16xi32>,
            %add3A_865 = arith.constant 16448 : i32
            %add3A_866 = vector.broadcast %add3A_865 : i32 to vector<16xi32>
            %add3A_867 = arith.addi %add3A_866, %iota3A : vector<16xi32>
            %swap3A_868 = arith.constant 64 : index
            %swap3A_869 = tpu.vector_load %arg13[%swap3A_868] {strides = array<i32>} : memref<128xi32, #tpu.memory_space<vmem>>, vector<16xi32>,
            tpu.vector_store %arg13[%swap3A_868], %add3A_867 {strides = array<i32>} : memref<128xi32, #tpu.memory_space<vmem>>, vector<16xi32>,
            %add3A_870 = arith.constant 16464 : i32
            %add3A_871 = vector.broadcast %add3A_870 : i32 to vector<16xi32>
            %add3A_872 = arith.addi %add3A_871, %iota3A : vector<16xi32>
            %swap3A_873 = arith.constant 80 : index
            %swap3A_874 = tpu.vector_load %arg13[%swap3A_873] {strides = array<i32>} : memref<128xi32, #tpu.memory_space<vmem>>, vector<16xi32>,
            tpu.vector_store %arg13[%swap3A_873], %add3A_872 {strides = array<i32>} : memref<128xi32, #tpu.memory_space<vmem>>, vector<16xi32>,
            %add3A_875 = arith.constant 16480 : i32
            %add3A_876 = vector.broadcast %add3A_875 : i32 to vector<16xi32>
            %add3A_877 = arith.addi %add3A_876, %iota3A : vector<16xi32>
            %swap3A_878 = arith.constant 96 : index
            %swap3A_879 = tpu.vector_load %arg13[%swap3A_878] {strides = array<i32>} : memref<128xi32, #tpu.memory_space<vmem>>, vector<16xi32>,
            tpu.vector_store %arg13[%swap3A_878], %add3A_877 {strides = array<i32>} : memref<128xi32, #tpu.memory_space<vmem>>, vector<16xi32>,
            %add3A_880 = arith.constant 16496 : i32
            %add3A_881 = vector.broadcast %add3A_880 : i32 to vector<16xi32>
            %add3A_882 = arith.addi %add3A_881, %iota3A : vector<16xi32>
            %swap3A_883 = arith.constant 112 : index
            %swap3A_884 = tpu.vector_load %arg13[%swap3A_883] {strides = array<i32>} : memref<128xi32, #tpu.memory_space<vmem>>, vector<16xi32>,
            tpu.vector_store %arg13[%swap3A_883], %add3A_882 {strides = array<i32>} : memref<128xi32, #tpu.memory_space<vmem>>, vector<16xi32>,
            %cond3A_885 = arith.constant 0 : i32
            scf.yield %cond3A_885 : i32
          } else {
            scf.yield %while3A_508 : i32
          }
          %convert_element_type3A_536 = arith.extui %and3A_521 : vector<16xi1> to vector<16xi32>
          %broadcast_in_dim3A_537 = arith.constant true
          %broadcast_in_dim3A_538 = vector.broadcast %broadcast_in_dim3A_537 : i1 to vector<16xi1>
          %masked_cumsum3A = tpu.scan <sum>, %convert_element_type3A_536 masked %broadcast_in_dim3A_538 : vector<16xi32>, vector<16xi1> -> vector<16xi32>
          %add3A_539 = vector.broadcast %cond3A_535 : i32 to vector<16xi32>
          %add3A_540 = arith.addi %add3A_539, %masked_cumsum3A : vector<16xi32>
          %sub3A_541 = arith.constant 1 : i32
          %sub3A_542 = vector.broadcast %sub3A_541 : i32 to vector<16xi32>
          %sub3A_543 = arith.subi %add3A_540, %sub3A_542 : vector<16xi32>
          %sub3A_544 = vector.broadcast %mul3A_495 : i32 to vector<16xi32>
          %sub3A_545 = arith.subi %get3A_511, %sub3A_544 : vector<16xi32>
          %jit3A_546 = arith.constant 0 : i32
          %jit3A_547 = arith.constant 511 : i32
          %max3A = vector.broadcast %jit3A_546 : i32 to vector<16xi32>
          %max3A_548 = arith.maxsi %max3A, %sub3A_545 : vector<16xi32>
          %min3A_549 = vector.broadcast %jit3A_547 : i32 to vector<16xi32>
          %min3A_550 = arith.minsi %min3A_549, %max3A_548 : vector<16xi32>
          %broadcast_in_dim3A_551 = arith.constant 0 : i32
          %broadcast_in_dim3A_552 = vector.broadcast %broadcast_in_dim3A_551 : i32 to vector<16xi32>
          %gather3A = arith.constant 0 : i32
          %gather3A_553 = arith.constant 0 : i32
          %gather3A_554 = tpu.memref_slice %arg11[%rem3A_451, %gather3A, %gather3A_553] : memref<3x32x512xf32, #tpu.memory_space<vmem>> -> memref<1x32x512xf32, #tpu.memory_space<vmem>>
          %gather3A_555 = tpu.memref_squeeze %gather3A_554 : memref<1x32x512xf32, #tpu.memory_space<vmem>> -> memref<32x512xf32, #tpu.memory_space<vmem>>
          %gather3A_556 = tpu.vector_load_idx %gather3A_555[%broadcast_in_dim3A_552, %min3A_550] : memref<32x512xf32, #tpu.memory_space<vmem>>[vector<16xi32>, vector<16xi32>], vector<16xf32>,
          %broadcast_in_dim3A_557 = arith.constant 0 : i32
          %broadcast_in_dim3A_558 = vector.broadcast %broadcast_in_dim3A_557 : i32 to vector<16xi32>
          tpu.vector_store_idx %arg12[%sub3A_543, %broadcast_in_dim3A_558], %gather3A_556 masked %and3A_521 : memref<128x128xf32, #tpu.memory_space<vmem>>[vector<16xi32>, vector<16xi32>], vector<16xf32>, vector<16xi1>
          %broadcast_in_dim3A_559 = arith.constant 1 : i32
          %broadcast_in_dim3A_560 = vector.broadcast %broadcast_in_dim3A_559 : i32 to vector<16xi32>
          %gather3A_561 = arith.constant 0 : i32
          %gather3A_562 = arith.constant 0 : i32
          %gather3A_563 = tpu.memref_slice %arg11[%rem3A_451, %gather3A_561, %gather3A_562] : memref<3x32x512xf32, #tpu.memory_space<vmem>> -> memref<1x32x512xf32, #tpu.memory_space<vmem>>
          %gather3A_564 = tpu.memref_squeeze %gather3A_563 : memref<1x32x512xf32, #tpu.memory_space<vmem>> -> memref<32x512xf32, #tpu.memory_space<vmem>>
          %gather3A_565 = tpu.vector_load_idx %gather3A_564[%broadcast_in_dim3A_560, %min3A_550] : memref<32x512xf32, #tpu.memory_space<vmem>>[vector<16xi32>, vector<16xi32>], vector<16xf32>,
          %broadcast_in_dim3A_566 = arith.constant 1 : i32
          %broadcast_in_dim3A_567 = vector.broadcast %broadcast_in_dim3A_566 : i32 to vector<16xi32>
          tpu.vector_store_idx %arg12[%sub3A_543, %broadcast_in_dim3A_567], %gather3A_565 masked %and3A_521 : memref<128x128xf32, #tpu.memory_space<vmem>>[vector<16xi32>, vector<16xi32>], vector<16xf32>, vector<16xi1>
          %broadcast_in_dim3A_568 = arith.constant 2 : i32
          %broadcast_in_dim3A_569 = vector.broadcast %broadcast_in_dim3A_568 : i32 to vector<16xi32>
          %gather3A_570 = arith.constant 0 : i32
          %gather3A_571 = arith.constant 0 : i32
          %gather3A_572 = tpu.memref_slice %arg11[%rem3A_451, %gather3A_570, %gather3A_571] : memref<3x32x512xf32, #tpu.memory_space<vmem>> -> memref<1x32x512xf32, #tpu.memory_space<vmem>>
          %gather3A_573 = tpu.memref_squeeze %gather3A_572 : memref<1x32x512xf32, #tpu.memory_space<vmem>> -> memref<32x512xf32, #tpu.memory_space<vmem>>
          %gather3A_574 = tpu.vector_load_idx %gather3A_573[%broadcast_in_dim3A_569, %min3A_550] : memref<32x512xf32, #tpu.memory_space<vmem>>[vector<16xi32>, vector<16xi32>], vector<16xf32>,
          %broadcast_in_dim3A_575 = arith.constant 2 : i32
          %broadcast_in_dim3A_576 = vector.broadcast %broadcast_in_dim3A_575 : i32 to vector<16xi32>
          tpu.vector_store_idx %arg12[%sub3A_543, %broadcast_in_dim3A_576], %gather3A_574 masked %and3A_521 : memref<128x128xf32, #tpu.memory_space<vmem>>[vector<16xi32>, vector<16xi32>], vector<16xf32>, vector<16xi1>
          %broadcast_in_dim3A_577 = arith.constant 3 : i32
          %broadcast_in_dim3A_578 = vector.broadcast %broadcast_in_dim3A_577 : i32 to vector<16xi32>
          %gather3A_579 = arith.constant 0 : i32
          %gather3A_580 = arith.constant 0 : i32
          %gather3A_581 = tpu.memref_slice %arg11[%rem3A_451, %gather3A_579, %gather3A_580] : memref<3x32x512xf32, #tpu.memory_space<vmem>> -> memref<1x32x512xf32, #tpu.memory_space<vmem>>
          %gather3A_582 = tpu.memref_squeeze %gather3A_581 : memref<1x32x512xf32, #tpu.memory_space<vmem>> -> memref<32x512xf32, #tpu.memory_space<vmem>>
          %gather3A_583 = tpu.vector_load_idx %gather3A_582[%broadcast_in_dim3A_578, %min3A_550] : memref<32x512xf32, #tpu.memory_space<vmem>>[vector<16xi32>, vector<16xi32>], vector<16xf32>,
          %broadcast_in_dim3A_584 = arith.constant 3 : i32
          %broadcast_in_dim3A_585 = vector.broadcast %broadcast_in_dim3A_584 : i32 to vector<16xi32>
          tpu.vector_store_idx %arg12[%sub3A_543, %broadcast_in_dim3A_585], %gather3A_583 masked %and3A_521 : memref<128x128xf32, #tpu.memory_space<vmem>>[vector<16xi32>, vector<16xi32>], vector<16xf32>, vector<16xi1>
          %broadcast_in_dim3A_586 = arith.constant 4 : i32
          %broadcast_in_dim3A_587 = vector.broadcast %broadcast_in_dim3A_586 : i32 to vector<16xi32>
          %gather3A_588 = arith.constant 0 : i32
          %gather3A_589 = arith.constant 0 : i32
          %gather3A_590 = tpu.memref_slice %arg11[%rem3A_451, %gather3A_588, %gather3A_589] : memref<3x32x512xf32, #tpu.memory_space<vmem>> -> memref<1x32x512xf32, #tpu.memory_space<vmem>>
          %gather3A_591 = tpu.memref_squeeze %gather3A_590 : memref<1x32x512xf32, #tpu.memory_space<vmem>> -> memref<32x512xf32, #tpu.memory_space<vmem>>
          %gather3A_592 = tpu.vector_load_idx %gather3A_591[%broadcast_in_dim3A_587, %min3A_550] : memref<32x512xf32, #tpu.memory_space<vmem>>[vector<16xi32>, vector<16xi32>], vector<16xf32>,
          %broadcast_in_dim3A_593 = arith.constant 4 : i32
          %broadcast_in_dim3A_594 = vector.broadcast %broadcast_in_dim3A_593 : i32 to vector<16xi32>
          tpu.vector_store_idx %arg12[%sub3A_543, %broadcast_in_dim3A_594], %gather3A_592 masked %and3A_521 : memref<128x128xf32, #tpu.memory_space<vmem>>[vector<16xi32>, vector<16xi32>], vector<16xf32>, vector<16xi1>
          %broadcast_in_dim3A_595 = arith.constant 5 : i32
          %broadcast_in_dim3A_596 = vector.broadcast %broadcast_in_dim3A_595 : i32 to vector<16xi32>
          %gather3A_597 = arith.constant 0 : i32
          %gather3A_598 = arith.constant 0 : i32
          %gather3A_599 = tpu.memref_slice %arg11[%rem3A_451, %gather3A_597, %gather3A_598] : memref<3x32x512xf32, #tpu.memory_space<vmem>> -> memref<1x32x512xf32, #tpu.memory_space<vmem>>
          %gather3A_600 = tpu.memref_squeeze %gather3A_599 : memref<1x32x512xf32, #tpu.memory_space<vmem>> -> memref<32x512xf32, #tpu.memory_space<vmem>>
          %gather3A_601 = tpu.vector_load_idx %gather3A_600[%broadcast_in_dim3A_596, %min3A_550] : memref<32x512xf32, #tpu.memory_space<vmem>>[vector<16xi32>, vector<16xi32>], vector<16xf32>,
          %broadcast_in_dim3A_602 = arith.constant 5 : i32
          %broadcast_in_dim3A_603 = vector.broadcast %broadcast_in_dim3A_602 : i32 to vector<16xi32>
          tpu.vector_store_idx %arg12[%sub3A_543, %broadcast_in_dim3A_603], %gather3A_601 masked %and3A_521 : memref<128x128xf32, #tpu.memory_space<vmem>>[vector<16xi32>, vector<16xi32>], vector<16xf32>, vector<16xi1>
          %broadcast_in_dim3A_604 = arith.constant 6 : i32
          %broadcast_in_dim3A_605 = vector.broadcast %broadcast_in_dim3A_604 : i32 to vector<16xi32>
          %gather3A_606 = arith.constant 0 : i32
          %gather3A_607 = arith.constant 0 : i32
          %gather3A_608 = tpu.memref_slice %arg11[%rem3A_451, %gather3A_606, %gather3A_607] : memref<3x32x512xf32, #tpu.memory_space<vmem>> -> memref<1x32x512xf32, #tpu.memory_space<vmem>>
          %gather3A_609 = tpu.memref_squeeze %gather3A_608 : memref<1x32x512xf32, #tpu.memory_space<vmem>> -> memref<32x512xf32, #tpu.memory_space<vmem>>
          %gather3A_610 = tpu.vector_load_idx %gather3A_609[%broadcast_in_dim3A_605, %min3A_550] : memref<32x512xf32, #tpu.memory_space<vmem>>[vector<16xi32>, vector<16xi32>], vector<16xf32>,
          %broadcast_in_dim3A_611 = arith.constant 6 : i32
          %broadcast_in_dim3A_612 = vector.broadcast %broadcast_in_dim3A_611 : i32 to vector<16xi32>
          tpu.vector_store_idx %arg12[%sub3A_543, %broadcast_in_dim3A_612], %gather3A_610 masked %and3A_521 : memref<128x128xf32, #tpu.memory_space<vmem>>[vector<16xi32>, vector<16xi32>], vector<16xf32>, vector<16xi1>
          %broadcast_in_dim3A_613 = arith.constant 7 : i32
          %broadcast_in_dim3A_614 = vector.broadcast %broadcast_in_dim3A_613 : i32 to vector<16xi32>
          %gather3A_615 = arith.constant 0 : i32
          %gather3A_616 = arith.constant 0 : i32
          %gather3A_617 = tpu.memref_slice %arg11[%rem3A_451, %gather3A_615, %gather3A_616] : memref<3x32x512xf32, #tpu.memory_space<vmem>> -> memref<1x32x512xf32, #tpu.memory_space<vmem>>
          %gather3A_618 = tpu.memref_squeeze %gather3A_617 : memref<1x32x512xf32, #tpu.memory_space<vmem>> -> memref<32x512xf32, #tpu.memory_space<vmem>>
          %gather3A_619 = tpu.vector_load_idx %gather3A_618[%broadcast_in_dim3A_614, %min3A_550] : memref<32x512xf32, #tpu.memory_space<vmem>>[vector<16xi32>, vector<16xi32>], vector<16xf32>,
          %broadcast_in_dim3A_620 = arith.constant 7 : i32
          %broadcast_in_dim3A_621 = vector.broadcast %broadcast_in_dim3A_620 : i32 to vector<16xi32>
          tpu.vector_store_idx %arg12[%sub3A_543, %broadcast_in_dim3A_621], %gather3A_619 masked %and3A_521 : memref<128x128xf32, #tpu.memory_space<vmem>>[vector<16xi32>, vector<16xi32>], vector<16xf32>, vector<16xi1>
          %broadcast_in_dim3A_622 = arith.constant 8 : i32
          %broadcast_in_dim3A_623 = vector.broadcast %broadcast_in_dim3A_622 : i32 to vector<16xi32>
          %gather3A_624 = arith.constant 0 : i32
          %gather3A_625 = arith.constant 0 : i32
          %gather3A_626 = tpu.memref_slice %arg11[%rem3A_451, %gather3A_624, %gather3A_625] : memref<3x32x512xf32, #tpu.memory_space<vmem>> -> memref<1x32x512xf32, #tpu.memory_space<vmem>>
          %gather3A_627 = tpu.memref_squeeze %gather3A_626 : memref<1x32x512xf32, #tpu.memory_space<vmem>> -> memref<32x512xf32, #tpu.memory_space<vmem>>
          %gather3A_628 = tpu.vector_load_idx %gather3A_627[%broadcast_in_dim3A_623, %min3A_550] : memref<32x512xf32, #tpu.memory_space<vmem>>[vector<16xi32>, vector<16xi32>], vector<16xf32>,
          %broadcast_in_dim3A_629 = arith.constant 8 : i32
          %broadcast_in_dim3A_630 = vector.broadcast %broadcast_in_dim3A_629 : i32 to vector<16xi32>
          tpu.vector_store_idx %arg12[%sub3A_543, %broadcast_in_dim3A_630], %gather3A_628 masked %and3A_521 : memref<128x128xf32, #tpu.memory_space<vmem>>[vector<16xi32>, vector<16xi32>], vector<16xf32>, vector<16xi1>
          %broadcast_in_dim3A_631 = arith.constant 9 : i32
          %broadcast_in_dim3A_632 = vector.broadcast %broadcast_in_dim3A_631 : i32 to vector<16xi32>
          %gather3A_633 = arith.constant 0 : i32
          %gather3A_634 = arith.constant 0 : i32
          %gather3A_635 = tpu.memref_slice %arg11[%rem3A_451, %gather3A_633, %gather3A_634] : memref<3x32x512xf32, #tpu.memory_space<vmem>> -> memref<1x32x512xf32, #tpu.memory_space<vmem>>
          %gather3A_636 = tpu.memref_squeeze %gather3A_635 : memref<1x32x512xf32, #tpu.memory_space<vmem>> -> memref<32x512xf32, #tpu.memory_space<vmem>>
          %gather3A_637 = tpu.vector_load_idx %gather3A_636[%broadcast_in_dim3A_632, %min3A_550] : memref<32x512xf32, #tpu.memory_space<vmem>>[vector<16xi32>, vector<16xi32>], vector<16xf32>,
          %broadcast_in_dim3A_638 = arith.constant 9 : i32
          %broadcast_in_dim3A_639 = vector.broadcast %broadcast_in_dim3A_638 : i32 to vector<16xi32>
          tpu.vector_store_idx %arg12[%sub3A_543, %broadcast_in_dim3A_639], %gather3A_637 masked %and3A_521 : memref<128x128xf32, #tpu.memory_space<vmem>>[vector<16xi32>, vector<16xi32>], vector<16xf32>, vector<16xi1>
          %broadcast_in_dim3A_640 = arith.constant 10 : i32
          %broadcast_in_dim3A_641 = vector.broadcast %broadcast_in_dim3A_640 : i32 to vector<16xi32>
          %gather3A_642 = arith.constant 0 : i32
          %gather3A_643 = arith.constant 0 : i32
          %gather3A_644 = tpu.memref_slice %arg11[%rem3A_451, %gather3A_642, %gather3A_643] : memref<3x32x512xf32, #tpu.memory_space<vmem>> -> memref<1x32x512xf32, #tpu.memory_space<vmem>>
          %gather3A_645 = tpu.memref_squeeze %gather3A_644 : memref<1x32x512xf32, #tpu.memory_space<vmem>> -> memref<32x512xf32, #tpu.memory_space<vmem>>
          %gather3A_646 = tpu.vector_load_idx %gather3A_645[%broadcast_in_dim3A_641, %min3A_550] : memref<32x512xf32, #tpu.memory_space<vmem>>[vector<16xi32>, vector<16xi32>], vector<16xf32>,
          %broadcast_in_dim3A_647 = arith.constant 10 : i32
          %broadcast_in_dim3A_648 = vector.broadcast %broadcast_in_dim3A_647 : i32 to vector<16xi32>
          tpu.vector_store_idx %arg12[%sub3A_543, %broadcast_in_dim3A_648], %gather3A_646 masked %and3A_521 : memref<128x128xf32, #tpu.memory_space<vmem>>[vector<16xi32>, vector<16xi32>], vector<16xf32>, vector<16xi1>
          %broadcast_in_dim3A_649 = arith.constant 11 : i32
          %broadcast_in_dim3A_650 = vector.broadcast %broadcast_in_dim3A_649 : i32 to vector<16xi32>
          %gather3A_651 = arith.constant 0 : i32
          %gather3A_652 = arith.constant 0 : i32
          %gather3A_653 = tpu.memref_slice %arg11[%rem3A_451, %gather3A_651, %gather3A_652] : memref<3x32x512xf32, #tpu.memory_space<vmem>> -> memref<1x32x512xf32, #tpu.memory_space<vmem>>
          %gather3A_654 = tpu.memref_squeeze %gather3A_653 : memref<1x32x512xf32, #tpu.memory_space<vmem>> -> memref<32x512xf32, #tpu.memory_space<vmem>>
          %gather3A_655 = tpu.vector_load_idx %gather3A_654[%broadcast_in_dim3A_650, %min3A_550] : memref<32x512xf32, #tpu.memory_space<vmem>>[vector<16xi32>, vector<16xi32>], vector<16xf32>,
          %broadcast_in_dim3A_656 = arith.constant 11 : i32
          %broadcast_in_dim3A_657 = vector.broadcast %broadcast_in_dim3A_656 : i32 to vector<16xi32>
          tpu.vector_store_idx %arg12[%sub3A_543, %broadcast_in_dim3A_657], %gather3A_655 masked %and3A_521 : memref<128x128xf32, #tpu.memory_space<vmem>>[vector<16xi32>, vector<16xi32>], vector<16xf32>, vector<16xi1>
          %broadcast_in_dim3A_658 = arith.constant 12 : i32
          %broadcast_in_dim3A_659 = vector.broadcast %broadcast_in_dim3A_658 : i32 to vector<16xi32>
          %gather3A_660 = arith.constant 0 : i32
          %gather3A_661 = arith.constant 0 : i32
          %gather3A_662 = tpu.memref_slice %arg11[%rem3A_451, %gather3A_660, %gather3A_661] : memref<3x32x512xf32, #tpu.memory_space<vmem>> -> memref<1x32x512xf32, #tpu.memory_space<vmem>>
          %gather3A_663 = tpu.memref_squeeze %gather3A_662 : memref<1x32x512xf32, #tpu.memory_space<vmem>> -> memref<32x512xf32, #tpu.memory_space<vmem>>
          %gather3A_664 = tpu.vector_load_idx %gather3A_663[%broadcast_in_dim3A_659, %min3A_550] : memref<32x512xf32, #tpu.memory_space<vmem>>[vector<16xi32>, vector<16xi32>], vector<16xf32>,
          %broadcast_in_dim3A_665 = arith.constant 12 : i32
          %broadcast_in_dim3A_666 = vector.broadcast %broadcast_in_dim3A_665 : i32 to vector<16xi32>
          tpu.vector_store_idx %arg12[%sub3A_543, %broadcast_in_dim3A_666], %gather3A_664 masked %and3A_521 : memref<128x128xf32, #tpu.memory_space<vmem>>[vector<16xi32>, vector<16xi32>], vector<16xf32>, vector<16xi1>
          %broadcast_in_dim3A_667 = arith.constant 13 : i32
          %broadcast_in_dim3A_668 = vector.broadcast %broadcast_in_dim3A_667 : i32 to vector<16xi32>
          %gather3A_669 = arith.constant 0 : i32
          %gather3A_670 = arith.constant 0 : i32
          %gather3A_671 = tpu.memref_slice %arg11[%rem3A_451, %gather3A_669, %gather3A_670] : memref<3x32x512xf32, #tpu.memory_space<vmem>> -> memref<1x32x512xf32, #tpu.memory_space<vmem>>
          %gather3A_672 = tpu.memref_squeeze %gather3A_671 : memref<1x32x512xf32, #tpu.memory_space<vmem>> -> memref<32x512xf32, #tpu.memory_space<vmem>>
          %gather3A_673 = tpu.vector_load_idx %gather3A_672[%broadcast_in_dim3A_668, %min3A_550] : memref<32x512xf32, #tpu.memory_space<vmem>>[vector<16xi32>, vector<16xi32>], vector<16xf32>,
          %broadcast_in_dim3A_674 = arith.constant 13 : i32
          %broadcast_in_dim3A_675 = vector.broadcast %broadcast_in_dim3A_674 : i32 to vector<16xi32>
          tpu.vector_store_idx %arg12[%sub3A_543, %broadcast_in_dim3A_675], %gather3A_673 masked %and3A_521 : memref<128x128xf32, #tpu.memory_space<vmem>>[vector<16xi32>, vector<16xi32>], vector<16xf32>, vector<16xi1>
          %broadcast_in_dim3A_676 = arith.constant 14 : i32
          %broadcast_in_dim3A_677 = vector.broadcast %broadcast_in_dim3A_676 : i32 to vector<16xi32>
          %gather3A_678 = arith.constant 0 : i32
          %gather3A_679 = arith.constant 0 : i32
          %gather3A_680 = tpu.memref_slice %arg11[%rem3A_451, %gather3A_678, %gather3A_679] : memref<3x32x512xf32, #tpu.memory_space<vmem>> -> memref<1x32x512xf32, #tpu.memory_space<vmem>>
          %gather3A_681 = tpu.memref_squeeze %gather3A_680 : memref<1x32x512xf32, #tpu.memory_space<vmem>> -> memref<32x512xf32, #tpu.memory_space<vmem>>
          %gather3A_682 = tpu.vector_load_idx %gather3A_681[%broadcast_in_dim3A_677, %min3A_550] : memref<32x512xf32, #tpu.memory_space<vmem>>[vector<16xi32>, vector<16xi32>], vector<16xf32>,
          %broadcast_in_dim3A_683 = arith.constant 14 : i32
          %broadcast_in_dim3A_684 = vector.broadcast %broadcast_in_dim3A_683 : i32 to vector<16xi32>
          tpu.vector_store_idx %arg12[%sub3A_543, %broadcast_in_dim3A_684], %gather3A_682 masked %and3A_521 : memref<128x128xf32, #tpu.memory_space<vmem>>[vector<16xi32>, vector<16xi32>], vector<16xf32>, vector<16xi1>
          %broadcast_in_dim3A_685 = arith.constant 15 : i32
          %broadcast_in_dim3A_686 = vector.broadcast %broadcast_in_dim3A_685 : i32 to vector<16xi32>
          %gather3A_687 = arith.constant 0 : i32
          %gather3A_688 = arith.constant 0 : i32
          %gather3A_689 = tpu.memref_slice %arg11[%rem3A_451, %gather3A_687, %gather3A_688] : memref<3x32x512xf32, #tpu.memory_space<vmem>> -> memref<1x32x512xf32, #tpu.memory_space<vmem>>
          %gather3A_690 = tpu.memref_squeeze %gather3A_689 : memref<1x32x512xf32, #tpu.memory_space<vmem>> -> memref<32x512xf32, #tpu.memory_space<vmem>>
          %gather3A_691 = tpu.vector_load_idx %gather3A_690[%broadcast_in_dim3A_686, %min3A_550] : memref<32x512xf32, #tpu.memory_space<vmem>>[vector<16xi32>, vector<16xi32>], vector<16xf32>,
          %broadcast_in_dim3A_692 = arith.constant 15 : i32
          %broadcast_in_dim3A_693 = vector.broadcast %broadcast_in_dim3A_692 : i32 to vector<16xi32>
          tpu.vector_store_idx %arg12[%sub3A_543, %broadcast_in_dim3A_693], %gather3A_691 masked %and3A_521 : memref<128x128xf32, #tpu.memory_space<vmem>>[vector<16xi32>, vector<16xi32>], vector<16xf32>, vector<16xi1>
          %broadcast_in_dim3A_694 = arith.constant 16 : i32
          %broadcast_in_dim3A_695 = vector.broadcast %broadcast_in_dim3A_694 : i32 to vector<16xi32>
          %gather3A_696 = arith.constant 0 : i32
          %gather3A_697 = arith.constant 0 : i32
          %gather3A_698 = tpu.memref_slice %arg11[%rem3A_451, %gather3A_696, %gather3A_697] : memref<3x32x512xf32, #tpu.memory_space<vmem>> -> memref<1x32x512xf32, #tpu.memory_space<vmem>>
          %gather3A_699 = tpu.memref_squeeze %gather3A_698 : memref<1x32x512xf32, #tpu.memory_space<vmem>> -> memref<32x512xf32, #tpu.memory_space<vmem>>
          %gather3A_700 = tpu.vector_load_idx %gather3A_699[%broadcast_in_dim3A_695, %min3A_550] : memref<32x512xf32, #tpu.memory_space<vmem>>[vector<16xi32>, vector<16xi32>], vector<16xf32>,
          %broadcast_in_dim3A_701 = arith.constant 16 : i32
          %broadcast_in_dim3A_702 = vector.broadcast %broadcast_in_dim3A_701 : i32 to vector<16xi32>
          tpu.vector_store_idx %arg12[%sub3A_543, %broadcast_in_dim3A_702], %gather3A_700 masked %and3A_521 : memref<128x128xf32, #tpu.memory_space<vmem>>[vector<16xi32>, vector<16xi32>], vector<16xf32>, vector<16xi1>
          %broadcast_in_dim3A_703 = arith.constant 17 : i32
          %broadcast_in_dim3A_704 = vector.broadcast %broadcast_in_dim3A_703 : i32 to vector<16xi32>
          %gather3A_705 = arith.constant 0 : i32
          %gather3A_706 = arith.constant 0 : i32
          %gather3A_707 = tpu.memref_slice %arg11[%rem3A_451, %gather3A_705, %gather3A_706] : memref<3x32x512xf32, #tpu.memory_space<vmem>> -> memref<1x32x512xf32, #tpu.memory_space<vmem>>
          %gather3A_708 = tpu.memref_squeeze %gather3A_707 : memref<1x32x512xf32, #tpu.memory_space<vmem>> -> memref<32x512xf32, #tpu.memory_space<vmem>>
          %gather3A_709 = tpu.vector_load_idx %gather3A_708[%broadcast_in_dim3A_704, %min3A_550] : memref<32x512xf32, #tpu.memory_space<vmem>>[vector<16xi32>, vector<16xi32>], vector<16xf32>,
          %broadcast_in_dim3A_710 = arith.constant 17 : i32
          %broadcast_in_dim3A_711 = vector.broadcast %broadcast_in_dim3A_710 : i32 to vector<16xi32>
          tpu.vector_store_idx %arg12[%sub3A_543, %broadcast_in_dim3A_711], %gather3A_709 masked %and3A_521 : memref<128x128xf32, #tpu.memory_space<vmem>>[vector<16xi32>, vector<16xi32>], vector<16xf32>, vector<16xi1>
          %broadcast_in_dim3A_712 = arith.constant 18 : i32
          %broadcast_in_dim3A_713 = vector.broadcast %broadcast_in_dim3A_712 : i32 to vector<16xi32>
          %gather3A_714 = arith.constant 0 : i32
          %gather3A_715 = arith.constant 0 : i32
          %gather3A_716 = tpu.memref_slice %arg11[%rem3A_451, %gather3A_714, %gather3A_715] : memref<3x32x512xf32, #tpu.memory_space<vmem>> -> memref<1x32x512xf32, #tpu.memory_space<vmem>>
          %gather3A_717 = tpu.memref_squeeze %gather3A_716 : memref<1x32x512xf32, #tpu.memory_space<vmem>> -> memref<32x512xf32, #tpu.memory_space<vmem>>
          %gather3A_718 = tpu.vector_load_idx %gather3A_717[%broadcast_in_dim3A_713, %min3A_550] : memref<32x512xf32, #tpu.memory_space<vmem>>[vector<16xi32>, vector<16xi32>], vector<16xf32>,
          %broadcast_in_dim3A_719 = arith.constant 18 : i32
          %broadcast_in_dim3A_720 = vector.broadcast %broadcast_in_dim3A_719 : i32 to vector<16xi32>
          tpu.vector_store_idx %arg12[%sub3A_543, %broadcast_in_dim3A_720], %gather3A_718 masked %and3A_521 : memref<128x128xf32, #tpu.memory_space<vmem>>[vector<16xi32>, vector<16xi32>], vector<16xf32>, vector<16xi1>
          %broadcast_in_dim3A_721 = arith.constant 19 : i32
          %broadcast_in_dim3A_722 = vector.broadcast %broadcast_in_dim3A_721 : i32 to vector<16xi32>
          %gather3A_723 = arith.constant 0 : i32
          %gather3A_724 = arith.constant 0 : i32
          %gather3A_725 = tpu.memref_slice %arg11[%rem3A_451, %gather3A_723, %gather3A_724] : memref<3x32x512xf32, #tpu.memory_space<vmem>> -> memref<1x32x512xf32, #tpu.memory_space<vmem>>
          %gather3A_726 = tpu.memref_squeeze %gather3A_725 : memref<1x32x512xf32, #tpu.memory_space<vmem>> -> memref<32x512xf32, #tpu.memory_space<vmem>>
          %gather3A_727 = tpu.vector_load_idx %gather3A_726[%broadcast_in_dim3A_722, %min3A_550] : memref<32x512xf32, #tpu.memory_space<vmem>>[vector<16xi32>, vector<16xi32>], vector<16xf32>,
          %broadcast_in_dim3A_728 = arith.constant 19 : i32
          %broadcast_in_dim3A_729 = vector.broadcast %broadcast_in_dim3A_728 : i32 to vector<16xi32>
          tpu.vector_store_idx %arg12[%sub3A_543, %broadcast_in_dim3A_729], %gather3A_727 masked %and3A_521 : memref<128x128xf32, #tpu.memory_space<vmem>>[vector<16xi32>, vector<16xi32>], vector<16xf32>, vector<16xi1>
          %broadcast_in_dim3A_730 = arith.constant 20 : i32
          %broadcast_in_dim3A_731 = vector.broadcast %broadcast_in_dim3A_730 : i32 to vector<16xi32>
          %gather3A_732 = arith.constant 0 : i32
          %gather3A_733 = arith.constant 0 : i32
          %gather3A_734 = tpu.memref_slice %arg11[%rem3A_451, %gather3A_732, %gather3A_733] : memref<3x32x512xf32, #tpu.memory_space<vmem>> -> memref<1x32x512xf32, #tpu.memory_space<vmem>>
          %gather3A_735 = tpu.memref_squeeze %gather3A_734 : memref<1x32x512xf32, #tpu.memory_space<vmem>> -> memref<32x512xf32, #tpu.memory_space<vmem>>
          %gather3A_736 = tpu.vector_load_idx %gather3A_735[%broadcast_in_dim3A_731, %min3A_550] : memref<32x512xf32, #tpu.memory_space<vmem>>[vector<16xi32>, vector<16xi32>], vector<16xf32>,
          %broadcast_in_dim3A_737 = arith.constant 20 : i32
          %broadcast_in_dim3A_738 = vector.broadcast %broadcast_in_dim3A_737 : i32 to vector<16xi32>
          tpu.vector_store_idx %arg12[%sub3A_543, %broadcast_in_dim3A_738], %gather3A_736 masked %and3A_521 : memref<128x128xf32, #tpu.memory_space<vmem>>[vector<16xi32>, vector<16xi32>], vector<16xf32>, vector<16xi1>
          %broadcast_in_dim3A_739 = arith.constant 21 : i32
          %broadcast_in_dim3A_740 = vector.broadcast %broadcast_in_dim3A_739 : i32 to vector<16xi32>
          %gather3A_741 = arith.constant 0 : i32
          %gather3A_742 = arith.constant 0 : i32
          %gather3A_743 = tpu.memref_slice %arg11[%rem3A_451, %gather3A_741, %gather3A_742] : memref<3x32x512xf32, #tpu.memory_space<vmem>> -> memref<1x32x512xf32, #tpu.memory_space<vmem>>
          %gather3A_744 = tpu.memref_squeeze %gather3A_743 : memref<1x32x512xf32, #tpu.memory_space<vmem>> -> memref<32x512xf32, #tpu.memory_space<vmem>>
          %gather3A_745 = tpu.vector_load_idx %gather3A_744[%broadcast_in_dim3A_740, %min3A_550] : memref<32x512xf32, #tpu.memory_space<vmem>>[vector<16xi32>, vector<16xi32>], vector<16xf32>,
          %broadcast_in_dim3A_746 = arith.constant 21 : i32
          %broadcast_in_dim3A_747 = vector.broadcast %broadcast_in_dim3A_746 : i32 to vector<16xi32>
          tpu.vector_store_idx %arg12[%sub3A_543, %broadcast_in_dim3A_747], %gather3A_745 masked %and3A_521 : memref<128x128xf32, #tpu.memory_space<vmem>>[vector<16xi32>, vector<16xi32>], vector<16xf32>, vector<16xi1>
          %broadcast_in_dim3A_748 = arith.constant 22 : i32
          %broadcast_in_dim3A_749 = vector.broadcast %broadcast_in_dim3A_748 : i32 to vector<16xi32>
          %gather3A_750 = arith.constant 0 : i32
          %gather3A_751 = arith.constant 0 : i32
          %gather3A_752 = tpu.memref_slice %arg11[%rem3A_451, %gather3A_750, %gather3A_751] : memref<3x32x512xf32, #tpu.memory_space<vmem>> -> memref<1x32x512xf32, #tpu.memory_space<vmem>>
          %gather3A_753 = tpu.memref_squeeze %gather3A_752 : memref<1x32x512xf32, #tpu.memory_space<vmem>> -> memref<32x512xf32, #tpu.memory_space<vmem>>
          %gather3A_754 = tpu.vector_load_idx %gather3A_753[%broadcast_in_dim3A_749, %min3A_550] : memref<32x512xf32, #tpu.memory_space<vmem>>[vector<16xi32>, vector<16xi32>], vector<16xf32>,
          %broadcast_in_dim3A_755 = arith.constant 22 : i32
          %broadcast_in_dim3A_756 = vector.broadcast %broadcast_in_dim3A_755 : i32 to vector<16xi32>
          tpu.vector_store_idx %arg12[%sub3A_543, %broadcast_in_dim3A_756], %gather3A_754 masked %and3A_521 : memref<128x128xf32, #tpu.memory_space<vmem>>[vector<16xi32>, vector<16xi32>], vector<16xf32>, vector<16xi1>
          %broadcast_in_dim3A_757 = arith.constant 23 : i32
          %broadcast_in_dim3A_758 = vector.broadcast %broadcast_in_dim3A_757 : i32 to vector<16xi32>
          %gather3A_759 = arith.constant 0 : i32
          %gather3A_760 = arith.constant 0 : i32
          %gather3A_761 = tpu.memref_slice %arg11[%rem3A_451, %gather3A_759, %gather3A_760] : memref<3x32x512xf32, #tpu.memory_space<vmem>> -> memref<1x32x512xf32, #tpu.memory_space<vmem>>
          %gather3A_762 = tpu.memref_squeeze %gather3A_761 : memref<1x32x512xf32, #tpu.memory_space<vmem>> -> memref<32x512xf32, #tpu.memory_space<vmem>>
          %gather3A_763 = tpu.vector_load_idx %gather3A_762[%broadcast_in_dim3A_758, %min3A_550] : memref<32x512xf32, #tpu.memory_space<vmem>>[vector<16xi32>, vector<16xi32>], vector<16xf32>,
          %broadcast_in_dim3A_764 = arith.constant 23 : i32
          %broadcast_in_dim3A_765 = vector.broadcast %broadcast_in_dim3A_764 : i32 to vector<16xi32>
          tpu.vector_store_idx %arg12[%sub3A_543, %broadcast_in_dim3A_765], %gather3A_763 masked %and3A_521 : memref<128x128xf32, #tpu.memory_space<vmem>>[vector<16xi32>, vector<16xi32>], vector<16xf32>, vector<16xi1>
          %broadcast_in_dim3A_766 = arith.constant 24 : i32
          %broadcast_in_dim3A_767 = vector.broadcast %broadcast_in_dim3A_766 : i32 to vector<16xi32>
          %gather3A_768 = arith.constant 0 : i32
          %gather3A_769 = arith.constant 0 : i32
          %gather3A_770 = tpu.memref_slice %arg11[%rem3A_451, %gather3A_768, %gather3A_769] : memref<3x32x512xf32, #tpu.memory_space<vmem>> -> memref<1x32x512xf32, #tpu.memory_space<vmem>>
          %gather3A_771 = tpu.memref_squeeze %gather3A_770 : memref<1x32x512xf32, #tpu.memory_space<vmem>> -> memref<32x512xf32, #tpu.memory_space<vmem>>
          %gather3A_772 = tpu.vector_load_idx %gather3A_771[%broadcast_in_dim3A_767, %min3A_550] : memref<32x512xf32, #tpu.memory_space<vmem>>[vector<16xi32>, vector<16xi32>], vector<16xf32>,
          %broadcast_in_dim3A_773 = arith.constant 24 : i32
          %broadcast_in_dim3A_774 = vector.broadcast %broadcast_in_dim3A_773 : i32 to vector<16xi32>
          tpu.vector_store_idx %arg12[%sub3A_543, %broadcast_in_dim3A_774], %gather3A_772 masked %and3A_521 : memref<128x128xf32, #tpu.memory_space<vmem>>[vector<16xi32>, vector<16xi32>], vector<16xf32>, vector<16xi1>
          %broadcast_in_dim3A_775 = arith.constant 25 : i32
          %broadcast_in_dim3A_776 = vector.broadcast %broadcast_in_dim3A_775 : i32 to vector<16xi32>
          %gather3A_777 = arith.constant 0 : i32
          %gather3A_778 = arith.constant 0 : i32
          %gather3A_779 = tpu.memref_slice %arg11[%rem3A_451, %gather3A_777, %gather3A_778] : memref<3x32x512xf32, #tpu.memory_space<vmem>> -> memref<1x32x512xf32, #tpu.memory_space<vmem>>
          %gather3A_780 = tpu.memref_squeeze %gather3A_779 : memref<1x32x512xf32, #tpu.memory_space<vmem>> -> memref<32x512xf32, #tpu.memory_space<vmem>>
          %gather3A_781 = tpu.vector_load_idx %gather3A_780[%broadcast_in_dim3A_776, %min3A_550] : memref<32x512xf32, #tpu.memory_space<vmem>>[vector<16xi32>, vector<16xi32>], vector<16xf32>,
          %broadcast_in_dim3A_782 = arith.constant 25 : i32
          %broadcast_in_dim3A_783 = vector.broadcast %broadcast_in_dim3A_782 : i32 to vector<16xi32>
          tpu.vector_store_idx %arg12[%sub3A_543, %broadcast_in_dim3A_783], %gather3A_781 masked %and3A_521 : memref<128x128xf32, #tpu.memory_space<vmem>>[vector<16xi32>, vector<16xi32>], vector<16xf32>, vector<16xi1>
          %broadcast_in_dim3A_784 = arith.constant 26 : i32
          %broadcast_in_dim3A_785 = vector.broadcast %broadcast_in_dim3A_784 : i32 to vector<16xi32>
          %gather3A_786 = arith.constant 0 : i32
          %gather3A_787 = arith.constant 0 : i32
          %gather3A_788 = tpu.memref_slice %arg11[%rem3A_451, %gather3A_786, %gather3A_787] : memref<3x32x512xf32, #tpu.memory_space<vmem>> -> memref<1x32x512xf32, #tpu.memory_space<vmem>>
          %gather3A_789 = tpu.memref_squeeze %gather3A_788 : memref<1x32x512xf32, #tpu.memory_space<vmem>> -> memref<32x512xf32, #tpu.memory_space<vmem>>
          %gather3A_790 = tpu.vector_load_idx %gather3A_789[%broadcast_in_dim3A_785, %min3A_550] : memref<32x512xf32, #tpu.memory_space<vmem>>[vector<16xi32>, vector<16xi32>], vector<16xf32>,
          %broadcast_in_dim3A_791 = arith.constant 26 : i32
          %broadcast_in_dim3A_792 = vector.broadcast %broadcast_in_dim3A_791 : i32 to vector<16xi32>
          tpu.vector_store_idx %arg12[%sub3A_543, %broadcast_in_dim3A_792], %gather3A_790 masked %and3A_521 : memref<128x128xf32, #tpu.memory_space<vmem>>[vector<16xi32>, vector<16xi32>], vector<16xf32>, vector<16xi1>
          %broadcast_in_dim3A_793 = arith.constant 27 : i32
          %broadcast_in_dim3A_794 = vector.broadcast %broadcast_in_dim3A_793 : i32 to vector<16xi32>
          %gather3A_795 = arith.constant 0 : i32
          %gather3A_796 = arith.constant 0 : i32
          %gather3A_797 = tpu.memref_slice %arg11[%rem3A_451, %gather3A_795, %gather3A_796] : memref<3x32x512xf32, #tpu.memory_space<vmem>> -> memref<1x32x512xf32, #tpu.memory_space<vmem>>
          %gather3A_798 = tpu.memref_squeeze %gather3A_797 : memref<1x32x512xf32, #tpu.memory_space<vmem>> -> memref<32x512xf32, #tpu.memory_space<vmem>>
          %gather3A_799 = tpu.vector_load_idx %gather3A_798[%broadcast_in_dim3A_794, %min3A_550] : memref<32x512xf32, #tpu.memory_space<vmem>>[vector<16xi32>, vector<16xi32>], vector<16xf32>,
          %broadcast_in_dim3A_800 = arith.constant 27 : i32
          %broadcast_in_dim3A_801 = vector.broadcast %broadcast_in_dim3A_800 : i32 to vector<16xi32>
          tpu.vector_store_idx %arg12[%sub3A_543, %broadcast_in_dim3A_801], %gather3A_799 masked %and3A_521 : memref<128x128xf32, #tpu.memory_space<vmem>>[vector<16xi32>, vector<16xi32>], vector<16xf32>, vector<16xi1>
          %broadcast_in_dim3A_802 = arith.constant 28 : i32
          %broadcast_in_dim3A_803 = vector.broadcast %broadcast_in_dim3A_802 : i32 to vector<16xi32>
          %gather3A_804 = arith.constant 0 : i32
          %gather3A_805 = arith.constant 0 : i32
          %gather3A_806 = tpu.memref_slice %arg11[%rem3A_451, %gather3A_804, %gather3A_805] : memref<3x32x512xf32, #tpu.memory_space<vmem>> -> memref<1x32x512xf32, #tpu.memory_space<vmem>>
          %gather3A_807 = tpu.memref_squeeze %gather3A_806 : memref<1x32x512xf32, #tpu.memory_space<vmem>> -> memref<32x512xf32, #tpu.memory_space<vmem>>
          %gather3A_808 = tpu.vector_load_idx %gather3A_807[%broadcast_in_dim3A_803, %min3A_550] : memref<32x512xf32, #tpu.memory_space<vmem>>[vector<16xi32>, vector<16xi32>], vector<16xf32>,
          %broadcast_in_dim3A_809 = arith.constant 28 : i32
          %broadcast_in_dim3A_810 = vector.broadcast %broadcast_in_dim3A_809 : i32 to vector<16xi32>
          tpu.vector_store_idx %arg12[%sub3A_543, %broadcast_in_dim3A_810], %gather3A_808 masked %and3A_521 : memref<128x128xf32, #tpu.memory_space<vmem>>[vector<16xi32>, vector<16xi32>], vector<16xf32>, vector<16xi1>
          %broadcast_in_dim3A_811 = arith.constant 29 : i32
          %broadcast_in_dim3A_812 = vector.broadcast %broadcast_in_dim3A_811 : i32 to vector<16xi32>
          %gather3A_813 = arith.constant 0 : i32
          %gather3A_814 = arith.constant 0 : i32
          %gather3A_815 = tpu.memref_slice %arg11[%rem3A_451, %gather3A_813, %gather3A_814] : memref<3x32x512xf32, #tpu.memory_space<vmem>> -> memref<1x32x512xf32, #tpu.memory_space<vmem>>
          %gather3A_816 = tpu.memref_squeeze %gather3A_815 : memref<1x32x512xf32, #tpu.memory_space<vmem>> -> memref<32x512xf32, #tpu.memory_space<vmem>>
          %gather3A_817 = tpu.vector_load_idx %gather3A_816[%broadcast_in_dim3A_812, %min3A_550] : memref<32x512xf32, #tpu.memory_space<vmem>>[vector<16xi32>, vector<16xi32>], vector<16xf32>,
          %broadcast_in_dim3A_818 = arith.constant 29 : i32
          %broadcast_in_dim3A_819 = vector.broadcast %broadcast_in_dim3A_818 : i32 to vector<16xi32>
          tpu.vector_store_idx %arg12[%sub3A_543, %broadcast_in_dim3A_819], %gather3A_817 masked %and3A_521 : memref<128x128xf32, #tpu.memory_space<vmem>>[vector<16xi32>, vector<16xi32>], vector<16xf32>, vector<16xi1>
          %broadcast_in_dim3A_820 = arith.constant 30 : i32
          %broadcast_in_dim3A_821 = vector.broadcast %broadcast_in_dim3A_820 : i32 to vector<16xi32>
          %gather3A_822 = arith.constant 0 : i32
          %gather3A_823 = arith.constant 0 : i32
          %gather3A_824 = tpu.memref_slice %arg11[%rem3A_451, %gather3A_822, %gather3A_823] : memref<3x32x512xf32, #tpu.memory_space<vmem>> -> memref<1x32x512xf32, #tpu.memory_space<vmem>>
          %gather3A_825 = tpu.memref_squeeze %gather3A_824 : memref<1x32x512xf32, #tpu.memory_space<vmem>> -> memref<32x512xf32, #tpu.memory_space<vmem>>
          %gather3A_826 = tpu.vector_load_idx %gather3A_825[%broadcast_in_dim3A_821, %min3A_550] : memref<32x512xf32, #tpu.memory_space<vmem>>[vector<16xi32>, vector<16xi32>], vector<16xf32>,
          %broadcast_in_dim3A_827 = arith.constant 30 : i32
          %broadcast_in_dim3A_828 = vector.broadcast %broadcast_in_dim3A_827 : i32 to vector<16xi32>
          tpu.vector_store_idx %arg12[%sub3A_543, %broadcast_in_dim3A_828], %gather3A_826 masked %and3A_521 : memref<128x128xf32, #tpu.memory_space<vmem>>[vector<16xi32>, vector<16xi32>], vector<16xf32>, vector<16xi1>
          %broadcast_in_dim3A_829 = arith.constant 31 : i32
          %broadcast_in_dim3A_830 = vector.broadcast %broadcast_in_dim3A_829 : i32 to vector<16xi32>
          %gather3A_831 = arith.constant 0 : i32
          %gather3A_832 = arith.constant 0 : i32
          %gather3A_833 = tpu.memref_slice %arg11[%rem3A_451, %gather3A_831, %gather3A_832] : memref<3x32x512xf32, #tpu.memory_space<vmem>> -> memref<1x32x512xf32, #tpu.memory_space<vmem>>
          %gather3A_834 = tpu.memref_squeeze %gather3A_833 : memref<1x32x512xf32, #tpu.memory_space<vmem>> -> memref<32x512xf32, #tpu.memory_space<vmem>>
          %gather3A_835 = tpu.vector_load_idx %gather3A_834[%broadcast_in_dim3A_830, %min3A_550] : memref<32x512xf32, #tpu.memory_space<vmem>>[vector<16xi32>, vector<16xi32>], vector<16xf32>,
          %broadcast_in_dim3A_836 = arith.constant 31 : i32
          %broadcast_in_dim3A_837 = vector.broadcast %broadcast_in_dim3A_836 : i32 to vector<16xi32>
          tpu.vector_store_idx %arg12[%sub3A_543, %broadcast_in_dim3A_837], %gather3A_835 masked %and3A_521 : memref<128x128xf32, #tpu.memory_space<vmem>>[vector<16xi32>, vector<16xi32>], vector<16xf32>, vector<16xi1>
          tpu.vector_store_idx %arg13[%sub3A_543], %get3A_515 masked %and3A_521 : memref<128xi32, #tpu.memory_space<vmem>>[vector<16xi32>], vector<16xi32>, vector<16xi1>
          %add3A_838 = arith.addi %cond3A_535, %reduce_sum3A_524 : i32
          scf.yield %add3A_838 : i32
        } else {
          scf.yield %while3A_508 : i32
        }
        scf.yield %cond3A_528 : i32
      }
      scf.yield %while3A_506 : i32
    }
    %while3A_127 = arith.constant 1 : i32
    %while3A_128 = scf.for %while3A_448 = %while3A_124 to %while3A_120 step %while3A_127 iter_args(%while3A_449 = %while3A_126) -> (i32)  : i32 {
      %rem3A_450 = arith.constant 3 : i32
      %rem3A_451 = arith.remsi %while3A_448, %rem3A_450 : i32
      %add3A_452 = arith.addi %add3A_8, %while3A_448 : i32
      %mul3A_453 = arith.constant 512 : i32
      %mul3A_454 = arith.muli %add3A_452, %mul3A_453 : i32
      %multiple_of3A_455 = tpu.assume_multiple %mul3A_454, 512 : i32
      %dma_wait3A_456 = arith.constant 0 : i32
      %dma_wait3A_457 = arith.constant 0 : i32
      %dma_wait3A_458 = tpu.memref_slice %arg11[%rem3A_451, %dma_wait3A_456, %dma_wait3A_457] : memref<3x32x512xf32, #tpu.memory_space<vmem>> -> memref<1x32x512xf32, #tpu.memory_space<vmem>>
      %dma_wait3A_459 = tpu.memref_squeeze %dma_wait3A_458 : memref<1x32x512xf32, #tpu.memory_space<vmem>> -> memref<32x512xf32, #tpu.memory_space<vmem>>
      %dma_wait3A_460 = arith.constant 0 : i32
      %dma_wait3A_461 = tpu.memref_slice %arg4[%dma_wait3A_460, %multiple_of3A_455] : memref<32x1000000xf32, #tpu.memory_space<hbm>> -> memref<32x512xf32, #tpu.memory_space<hbm>>
      %dma_wait3A_462 = arith.constant 0 : i32
      %dma_wait3A_463 = arith.constant 0 : i32
      %dma_wait3A_464 = tpu.memref_slice %arg11[%rem3A_451, %dma_wait3A_462, %dma_wait3A_463] : memref<3x32x512xf32, #tpu.memory_space<vmem>> -> memref<1x32x512xf32, #tpu.memory_space<vmem>>
      %dma_wait3A_465 = tpu.memref_squeeze %dma_wait3A_464 : memref<1x32x512xf32, #tpu.memory_space<vmem>> -> memref<32x512xf32, #tpu.memory_space<vmem>>
      %dma_wait3A_466 = arith.constant 0 : i32
      %dma_wait3A_467 = tpu.memref_slice %arg4[%dma_wait3A_466, %multiple_of3A_455] : memref<32x1000000xf32, #tpu.memory_space<hbm>> -> memref<32x512xf32, #tpu.memory_space<hbm>>
      tpu.wait_dma2 semaphore(%arg14 : memref<!tpu.dma_semaphore, #tpu.memory_space<semaphore_mem>>) src(%dma_wait3A_467 : memref<32x512xf32, #tpu.memory_space<hbm>>) dst(%dma_wait3A_465 : memref<32x512xf32, #tpu.memory_space<vmem>>)
      %add3A_468 = arith.constant 2 : i32
      %add3A_469 = arith.addi %while3A_448, %add3A_468 : i32
      %sub3A_470 = arith.constant 1 : i32
      %sub3A_471 = arith.subi %add3A_4, %sub3A_470 : i32
      %min3A_472 = arith.minsi %add3A_469, %sub3A_471 : i32
      %add3A_473 = arith.constant 2 : i32
      %add3A_474 = arith.addi %while3A_448, %add3A_473 : i32
      %rem3A_475 = arith.constant 3 : i32
      %rem3A_476 = arith.remsi %add3A_474, %rem3A_475 : i32
      %add3A_477 = arith.addi %add3A_8, %min3A_472 : i32
      %mul3A_478 = arith.constant 512 : i32
      %mul3A_479 = arith.muli %add3A_477, %mul3A_478 : i32
      %multiple_of3A_480 = tpu.assume_multiple %mul3A_479, 512 : i32
      %dma_start3A_481 = arith.constant 0 : i32
      %dma_start3A_482 = arith.constant 0 : i32
      %dma_start3A_483 = tpu.memref_slice %arg11[%rem3A_476, %dma_start3A_481, %dma_start3A_482] : memref<3x32x512xf32, #tpu.memory_space<vmem>> -> memref<1x32x512xf32, #tpu.memory_space<vmem>>
      %dma_start3A_484 = tpu.memref_squeeze %dma_start3A_483 : memref<1x32x512xf32, #tpu.memory_space<vmem>> -> memref<32x512xf32, #tpu.memory_space<vmem>>
      %dma_start3A_485 = arith.constant 0 : i32
      %dma_start3A_486 = tpu.memref_slice %arg4[%dma_start3A_485, %multiple_of3A_480] : memref<32x1000000xf32, #tpu.memory_space<hbm>> -> memref<32x512xf32, #tpu.memory_space<hbm>>
      %dma_start3A_487 = arith.constant 0 : i32
      %dma_start3A_488 = arith.constant 0 : i32
      %dma_start3A_489 = tpu.memref_slice %arg11[%rem3A_476, %dma_start3A_487, %dma_start3A_488] : memref<3x32x512xf32, #tpu.memory_space<vmem>> -> memref<1x32x512xf32, #tpu.memory_space<vmem>>
      %dma_start3A_490 = tpu.memref_squeeze %dma_start3A_489 : memref<1x32x512xf32, #tpu.memory_space<vmem>> -> memref<32x512xf32, #tpu.memory_space<vmem>>
      %dma_start3A_491 = arith.constant 0 : i32
      %dma_start3A_492 = tpu.memref_slice %arg4[%dma_start3A_491, %multiple_of3A_480] : memref<32x1000000xf32, #tpu.memory_space<hbm>> -> memref<32x512xf32, #tpu.memory_space<hbm>>
      tpu.enqueue_dma source(%dma_start3A_492 : memref<32x512xf32, #tpu.memory_space<hbm>>) target(%dma_start3A_490 : memref<32x512xf32, #tpu.memory_space<vmem>>) target_semaphore(%arg14 : memref<!tpu.dma_semaphore, #tpu.memory_space<semaphore_mem>>)
      %add3A_493 = arith.addi %add3A_8, %while3A_448 : i32
      %mul3A_494 = arith.constant 512 : i32
      %mul3A_495 = arith.muli %add3A_493, %mul3A_494 : i32
      %while3A_496 = arith.constant 0 : i32
      %while3A_497 = arith.subi %select_n3A_83, %while3A_496 : i32
      %while3A_498 = arith.addi %while3A_496, %while3A_497 : i32
      %while3A_499 = arith.constant 1 : i32
      %while3A_500 = arith.divsi %while3A_497, %while3A_499 : i32
      %while3A_501 = arith.muli %while3A_500, %while3A_499 : i32
      %while3A_502 = arith.addi %while3A_496, %while3A_501 : i32
      %while3A_503 = arith.constant 1 : i32
      %while3A_504 = scf.for %while3A_507 = %while3A_496 to %while3A_502 step %while3A_503 iter_args(%while3A_508 = %while3A_449) -> (i32)  : i32 {
        %mul3A_509 = arith.constant 16 : i32
        %mul3A_510 = arith.muli %while3A_507, %mul3A_509 : i32
        %get3A = arith.index_cast %mul3A_510 : i32 to index
        %get3A_511 = tpu.vector_load %arg9[%get3A] {strides = array<i32>} : memref<16400xi32, #tpu.memory_space<vmem>>, vector<16xi32>,
        %mul3A_512 = arith.constant 16 : i32
        %mul3A_513 = arith.muli %while3A_507, %mul3A_512 : i32
        %get3A_514 = arith.index_cast %mul3A_513 : i32 to index
        %get3A_515 = tpu.vector_load %arg10[%get3A_514] {strides = array<i32>} : memref<16400xi32, #tpu.memory_space<vmem>>, vector<16xi32>,
        %ge3A = vector.broadcast %mul3A_495 : i32 to vector<16xi32>
        %ge3A_516 = arith.cmpi sge, %get3A_511, %ge3A : vector<16xi32>
        %add3A_517 = arith.constant 512 : i32
        %add3A_518 = arith.addi %mul3A_495, %add3A_517 : i32
        %lt3A_519 = vector.broadcast %add3A_518 : i32 to vector<16xi32>
        %lt3A_520 = arith.cmpi slt, %get3A_511, %lt3A_519 : vector<16xi32>
        %and3A_521 = arith.andi %ge3A_516, %lt3A_520 : vector<16xi1>
        %convert_element_type3A = arith.extui %and3A_521 : vector<16xi1> to vector<16xi32>
        %reduce_sum3A = arith.constant true
        %reduce_sum3A_522 = vector.broadcast %reduce_sum3A : i1 to vector<16xi1>
        %reduce_sum3A_523 = tpu.scan <sum>, %convert_element_type3A masked %reduce_sum3A_522 : vector<16xi32>, vector<16xi1> -> vector<16xi32>
        %reduce_sum3A_524 = vector.extract %reduce_sum3A_523[15] : i32 from vector<16xi32>
        %gt3A = arith.constant 0 : i32
        %gt3A_525 = arith.cmpi sgt, %reduce_sum3A_524, %gt3A : i32
        %convert_element_type3A_526 = arith.extui %gt3A_525 : i1 to i32
        %cond3A = arith.constant 0 : i32
        %cond3A_527 = arith.cmpi ne, %convert_element_type3A_526, %cond3A : i32
        %cond3A_528 = scf.if %cond3A_527 -> (i32) {
          %add3A_529 = arith.addi %while3A_508, %reduce_sum3A_524 : i32
          %gt3A_530 = arith.constant 128 : i32
          %gt3A_531 = arith.cmpi sgt, %add3A_529, %gt3A_530 : i32
          %convert_element_type3A_532 = arith.extui %gt3A_531 : i1 to i32
          %cond3A_533 = arith.constant 0 : i32
          %cond3A_534 = arith.cmpi ne, %convert_element_type3A_532, %cond3A_533 : i32
          %cond3A_535 = scf.if %cond3A_534 -> (i32) {
            %dma_start3A_839 = arith.constant 0 : i32
            %dma_start3A_840 = arith.constant 0 : i32
            %dma_start3A_841 = tpu.memref_slice %arg6[%dma_start3A_839, %dma_start3A_840] : memref<16512x128xf32, #tpu.memory_space<hbm>> -> memref<16512x128xf32, #tpu.memory_space<hbm>>
            tpu.enqueue_indirect_dma source(%arg12 : memref<128x128xf32, #tpu.memory_space<vmem>>) target(%dma_start3A_841 : memref<16512x128xf32, #tpu.memory_space<hbm>>) offsets(%arg13 : memref<128xi32, #tpu.memory_space<vmem>>) semaphore(%arg16 : memref<!tpu.dma_semaphore, #tpu.memory_space<semaphore_mem>>)
            %dma_wait3A_842 = arith.constant 0 : i32
            %dma_wait3A_843 = arith.constant 0 : i32
            %dma_wait3A_844 = tpu.memref_slice %arg6[%dma_wait3A_842, %dma_wait3A_843] : memref<16512x128xf32, #tpu.memory_space<hbm>> -> memref<16512x128xf32, #tpu.memory_space<hbm>>
            tpu.wait_indirect_dma semaphore(%arg16 : memref<!tpu.dma_semaphore, #tpu.memory_space<semaphore_mem>>) src(%arg12 : memref<128x128xf32, #tpu.memory_space<vmem>>) dst(%dma_wait3A_844 : memref<16512x128xf32, #tpu.memory_space<hbm>>)
            %add3A_845 = arith.constant 16384 : i32
            %add3A_846 = vector.broadcast %add3A_845 : i32 to vector<16xi32>
            %add3A_847 = arith.addi %add3A_846, %iota3A : vector<16xi32>
            %swap3A_848 = arith.constant 0 : index
            %swap3A_849 = tpu.vector_load %arg13[%swap3A_848] {strides = array<i32>} : memref<128xi32, #tpu.memory_space<vmem>>, vector<16xi32>,
            tpu.vector_store %arg13[%swap3A_848], %add3A_847 {strides = array<i32>} : memref<128xi32, #tpu.memory_space<vmem>>, vector<16xi32>,
            %add3A_850 = arith.constant 16400 : i32
            %add3A_851 = vector.broadcast %add3A_850 : i32 to vector<16xi32>
            %add3A_852 = arith.addi %add3A_851, %iota3A : vector<16xi32>
            %swap3A_853 = arith.constant 16 : index
            %swap3A_854 = tpu.vector_load %arg13[%swap3A_853] {strides = array<i32>} : memref<128xi32, #tpu.memory_space<vmem>>, vector<16xi32>,
            tpu.vector_store %arg13[%swap3A_853], %add3A_852 {strides = array<i32>} : memref<128xi32, #tpu.memory_space<vmem>>, vector<16xi32>,
            %add3A_855 = arith.constant 16416 : i32
            %add3A_856 = vector.broadcast %add3A_855 : i32 to vector<16xi32>
            %add3A_857 = arith.addi %add3A_856, %iota3A : vector<16xi32>
            %swap3A_858 = arith.constant 32 : index
            %swap3A_859 = tpu.vector_load %arg13[%swap3A_858] {strides = array<i32>} : memref<128xi32, #tpu.memory_space<vmem>>, vector<16xi32>,
            tpu.vector_store %arg13[%swap3A_858], %add3A_857 {strides = array<i32>} : memref<128xi32, #tpu.memory_space<vmem>>, vector<16xi32>,
            %add3A_860 = arith.constant 16432 : i32
            %add3A_861 = vector.broadcast %add3A_860 : i32 to vector<16xi32>
            %add3A_862 = arith.addi %add3A_861, %iota3A : vector<16xi32>
            %swap3A_863 = arith.constant 48 : index
            %swap3A_864 = tpu.vector_load %arg13[%swap3A_863] {strides = array<i32>} : memref<128xi32, #tpu.memory_space<vmem>>, vector<16xi32>,
            tpu.vector_store %arg13[%swap3A_863], %add3A_862 {strides = array<i32>} : memref<128xi32, #tpu.memory_space<vmem>>, vector<16xi32>,
            %add3A_865 = arith.constant 16448 : i32
            %add3A_866 = vector.broadcast %add3A_865 : i32 to vector<16xi32>
            %add3A_867 = arith.addi %add3A_866, %iota3A : vector<16xi32>
            %swap3A_868 = arith.constant 64 : index
            %swap3A_869 = tpu.vector_load %arg13[%swap3A_868] {strides = array<i32>} : memref<128xi32, #tpu.memory_space<vmem>>, vector<16xi32>,
            tpu.vector_store %arg13[%swap3A_868], %add3A_867 {strides = array<i32>} : memref<128xi32, #tpu.memory_space<vmem>>, vector<16xi32>,
            %add3A_870 = arith.constant 16464 : i32
            %add3A_871 = vector.broadcast %add3A_870 : i32 to vector<16xi32>
            %add3A_872 = arith.addi %add3A_871, %iota3A : vector<16xi32>
            %swap3A_873 = arith.constant 80 : index
            %swap3A_874 = tpu.vector_load %arg13[%swap3A_873] {strides = array<i32>} : memref<128xi32, #tpu.memory_space<vmem>>, vector<16xi32>,
            tpu.vector_store %arg13[%swap3A_873], %add3A_872 {strides = array<i32>} : memref<128xi32, #tpu.memory_space<vmem>>, vector<16xi32>,
            %add3A_875 = arith.constant 16480 : i32
            %add3A_876 = vector.broadcast %add3A_875 : i32 to vector<16xi32>
            %add3A_877 = arith.addi %add3A_876, %iota3A : vector<16xi32>
            %swap3A_878 = arith.constant 96 : index
            %swap3A_879 = tpu.vector_load %arg13[%swap3A_878] {strides = array<i32>} : memref<128xi32, #tpu.memory_space<vmem>>, vector<16xi32>,
            tpu.vector_store %arg13[%swap3A_878], %add3A_877 {strides = array<i32>} : memref<128xi32, #tpu.memory_space<vmem>>, vector<16xi32>,
            %add3A_880 = arith.constant 16496 : i32
            %add3A_881 = vector.broadcast %add3A_880 : i32 to vector<16xi32>
            %add3A_882 = arith.addi %add3A_881, %iota3A : vector<16xi32>
            %swap3A_883 = arith.constant 112 : index
            %swap3A_884 = tpu.vector_load %arg13[%swap3A_883] {strides = array<i32>} : memref<128xi32, #tpu.memory_space<vmem>>, vector<16xi32>,
            tpu.vector_store %arg13[%swap3A_883], %add3A_882 {strides = array<i32>} : memref<128xi32, #tpu.memory_space<vmem>>, vector<16xi32>,
            %cond3A_885 = arith.constant 0 : i32
            scf.yield %cond3A_885 : i32
          } else {
            scf.yield %while3A_508 : i32
          }
          %convert_element_type3A_536 = arith.extui %and3A_521 : vector<16xi1> to vector<16xi32>
          %broadcast_in_dim3A_537 = arith.constant true
          %broadcast_in_dim3A_538 = vector.broadcast %broadcast_in_dim3A_537 : i1 to vector<16xi1>
          %masked_cumsum3A = tpu.scan <sum>, %convert_element_type3A_536 masked %broadcast_in_dim3A_538 : vector<16xi32>, vector<16xi1> -> vector<16xi32>
          %add3A_539 = vector.broadcast %cond3A_535 : i32 to vector<16xi32>
          %add3A_540 = arith.addi %add3A_539, %masked_cumsum3A : vector<16xi32>
          %sub3A_541 = arith.constant 1 : i32
          %sub3A_542 = vector.broadcast %sub3A_541 : i32 to vector<16xi32>
          %sub3A_543 = arith.subi %add3A_540, %sub3A_542 : vector<16xi32>
          %sub3A_544 = vector.broadcast %mul3A_495 : i32 to vector<16xi32>
          %sub3A_545 = arith.subi %get3A_511, %sub3A_544 : vector<16xi32>
          %jit3A_546 = arith.constant 0 : i32
          %jit3A_547 = arith.constant 511 : i32
          %max3A = vector.broadcast %jit3A_546 : i32 to vector<16xi32>
          %max3A_548 = arith.maxsi %max3A, %sub3A_545 : vector<16xi32>
          %min3A_549 = vector.broadcast %jit3A_547 : i32 to vector<16xi32>
          %min3A_550 = arith.minsi %min3A_549, %max3A_548 : vector<16xi32>
          %broadcast_in_dim3A_551 = arith.constant 0 : i32
          %broadcast_in_dim3A_552 = vector.broadcast %broadcast_in_dim3A_551 : i32 to vector<16xi32>
          %gather3A = arith.constant 0 : i32
          %gather3A_553 = arith.constant 0 : i32
          %gather3A_554 = tpu.memref_slice %arg11[%rem3A_451, %gather3A, %gather3A_553] : memref<3x32x512xf32, #tpu.memory_space<vmem>> -> memref<1x32x512xf32, #tpu.memory_space<vmem>>
          %gather3A_555 = tpu.memref_squeeze %gather3A_554 : memref<1x32x512xf32, #tpu.memory_space<vmem>> -> memref<32x512xf32, #tpu.memory_space<vmem>>
          %gather3A_556 = tpu.vector_load_idx %gather3A_555[%broadcast_in_dim3A_552, %min3A_550] : memref<32x512xf32, #tpu.memory_space<vmem>>[vector<16xi32>, vector<16xi32>], vector<16xf32>,
          %broadcast_in_dim3A_557 = arith.constant 0 : i32
          %broadcast_in_dim3A_558 = vector.broadcast %broadcast_in_dim3A_557 : i32 to vector<16xi32>
          tpu.vector_store_idx %arg12[%sub3A_543, %broadcast_in_dim3A_558], %gather3A_556 masked %and3A_521 : memref<128x128xf32, #tpu.memory_space<vmem>>[vector<16xi32>, vector<16xi32>], vector<16xf32>, vector<16xi1>
          %broadcast_in_dim3A_559 = arith.constant 1 : i32
          %broadcast_in_dim3A_560 = vector.broadcast %broadcast_in_dim3A_559 : i32 to vector<16xi32>
          %gather3A_561 = arith.constant 0 : i32
          %gather3A_562 = arith.constant 0 : i32
          %gather3A_563 = tpu.memref_slice %arg11[%rem3A_451, %gather3A_561, %gather3A_562] : memref<3x32x512xf32, #tpu.memory_space<vmem>> -> memref<1x32x512xf32, #tpu.memory_space<vmem>>
          %gather3A_564 = tpu.memref_squeeze %gather3A_563 : memref<1x32x512xf32, #tpu.memory_space<vmem>> -> memref<32x512xf32, #tpu.memory_space<vmem>>
          %gather3A_565 = tpu.vector_load_idx %gather3A_564[%broadcast_in_dim3A_560, %min3A_550] : memref<32x512xf32, #tpu.memory_space<vmem>>[vector<16xi32>, vector<16xi32>], vector<16xf32>,
          %broadcast_in_dim3A_566 = arith.constant 1 : i32
          %broadcast_in_dim3A_567 = vector.broadcast %broadcast_in_dim3A_566 : i32 to vector<16xi32>
          tpu.vector_store_idx %arg12[%sub3A_543, %broadcast_in_dim3A_567], %gather3A_565 masked %and3A_521 : memref<128x128xf32, #tpu.memory_space<vmem>>[vector<16xi32>, vector<16xi32>], vector<16xf32>, vector<16xi1>
          %broadcast_in_dim3A_568 = arith.constant 2 : i32
          %broadcast_in_dim3A_569 = vector.broadcast %broadcast_in_dim3A_568 : i32 to vector<16xi32>
          %gather3A_570 = arith.constant 0 : i32
          %gather3A_571 = arith.constant 0 : i32
          %gather3A_572 = tpu.memref_slice %arg11[%rem3A_451, %gather3A_570, %gather3A_571] : memref<3x32x512xf32, #tpu.memory_space<vmem>> -> memref<1x32x512xf32, #tpu.memory_space<vmem>>
          %gather3A_573 = tpu.memref_squeeze %gather3A_572 : memref<1x32x512xf32, #tpu.memory_space<vmem>> -> memref<32x512xf32, #tpu.memory_space<vmem>>
          %gather3A_574 = tpu.vector_load_idx %gather3A_573[%broadcast_in_dim3A_569, %min3A_550] : memref<32x512xf32, #tpu.memory_space<vmem>>[vector<16xi32>, vector<16xi32>], vector<16xf32>,
          %broadcast_in_dim3A_575 = arith.constant 2 : i32
          %broadcast_in_dim3A_576 = vector.broadcast %broadcast_in_dim3A_575 : i32 to vector<16xi32>
          tpu.vector_store_idx %arg12[%sub3A_543, %broadcast_in_dim3A_576], %gather3A_574 masked %and3A_521 : memref<128x128xf32, #tpu.memory_space<vmem>>[vector<16xi32>, vector<16xi32>], vector<16xf32>, vector<16xi1>
          %broadcast_in_dim3A_577 = arith.constant 3 : i32
          %broadcast_in_dim3A_578 = vector.broadcast %broadcast_in_dim3A_577 : i32 to vector<16xi32>
          %gather3A_579 = arith.constant 0 : i32
          %gather3A_580 = arith.constant 0 : i32
          %gather3A_581 = tpu.memref_slice %arg11[%rem3A_451, %gather3A_579, %gather3A_580] : memref<3x32x512xf32, #tpu.memory_space<vmem>> -> memref<1x32x512xf32, #tpu.memory_space<vmem>>
          %gather3A_582 = tpu.memref_squeeze %gather3A_581 : memref<1x32x512xf32, #tpu.memory_space<vmem>> -> memref<32x512xf32, #tpu.memory_space<vmem>>
          %gather3A_583 = tpu.vector_load_idx %gather3A_582[%broadcast_in_dim3A_578, %min3A_550] : memref<32x512xf32, #tpu.memory_space<vmem>>[vector<16xi32>, vector<16xi32>], vector<16xf32>,
          %broadcast_in_dim3A_584 = arith.constant 3 : i32
          %broadcast_in_dim3A_585 = vector.broadcast %broadcast_in_dim3A_584 : i32 to vector<16xi32>
          tpu.vector_store_idx %arg12[%sub3A_543, %broadcast_in_dim3A_585], %gather3A_583 masked %and3A_521 : memref<128x128xf32, #tpu.memory_space<vmem>>[vector<16xi32>, vector<16xi32>], vector<16xf32>, vector<16xi1>
          %broadcast_in_dim3A_586 = arith.constant 4 : i32
          %broadcast_in_dim3A_587 = vector.broadcast %broadcast_in_dim3A_586 : i32 to vector<16xi32>
          %gather3A_588 = arith.constant 0 : i32
          %gather3A_589 = arith.constant 0 : i32
          %gather3A_590 = tpu.memref_slice %arg11[%rem3A_451, %gather3A_588, %gather3A_589] : memref<3x32x512xf32, #tpu.memory_space<vmem>> -> memref<1x32x512xf32, #tpu.memory_space<vmem>>
          %gather3A_591 = tpu.memref_squeeze %gather3A_590 : memref<1x32x512xf32, #tpu.memory_space<vmem>> -> memref<32x512xf32, #tpu.memory_space<vmem>>
          %gather3A_592 = tpu.vector_load_idx %gather3A_591[%broadcast_in_dim3A_587, %min3A_550] : memref<32x512xf32, #tpu.memory_space<vmem>>[vector<16xi32>, vector<16xi32>], vector<16xf32>,
          %broadcast_in_dim3A_593 = arith.constant 4 : i32
          %broadcast_in_dim3A_594 = vector.broadcast %broadcast_in_dim3A_593 : i32 to vector<16xi32>
          tpu.vector_store_idx %arg12[%sub3A_543, %broadcast_in_dim3A_594], %gather3A_592 masked %and3A_521 : memref<128x128xf32, #tpu.memory_space<vmem>>[vector<16xi32>, vector<16xi32>], vector<16xf32>, vector<16xi1>
          %broadcast_in_dim3A_595 = arith.constant 5 : i32
          %broadcast_in_dim3A_596 = vector.broadcast %broadcast_in_dim3A_595 : i32 to vector<16xi32>
          %gather3A_597 = arith.constant 0 : i32
          %gather3A_598 = arith.constant 0 : i32
          %gather3A_599 = tpu.memref_slice %arg11[%rem3A_451, %gather3A_597, %gather3A_598] : memref<3x32x512xf32, #tpu.memory_space<vmem>> -> memref<1x32x512xf32, #tpu.memory_space<vmem>>
          %gather3A_600 = tpu.memref_squeeze %gather3A_599 : memref<1x32x512xf32, #tpu.memory_space<vmem>> -> memref<32x512xf32, #tpu.memory_space<vmem>>
          %gather3A_601 = tpu.vector_load_idx %gather3A_600[%broadcast_in_dim3A_596, %min3A_550] : memref<32x512xf32, #tpu.memory_space<vmem>>[vector<16xi32>, vector<16xi32>], vector<16xf32>,
          %broadcast_in_dim3A_602 = arith.constant 5 : i32
          %broadcast_in_dim3A_603 = vector.broadcast %broadcast_in_dim3A_602 : i32 to vector<16xi32>
          tpu.vector_store_idx %arg12[%sub3A_543, %broadcast_in_dim3A_603], %gather3A_601 masked %and3A_521 : memref<128x128xf32, #tpu.memory_space<vmem>>[vector<16xi32>, vector<16xi32>], vector<16xf32>, vector<16xi1>
          %broadcast_in_dim3A_604 = arith.constant 6 : i32
          %broadcast_in_dim3A_605 = vector.broadcast %broadcast_in_dim3A_604 : i32 to vector<16xi32>
          %gather3A_606 = arith.constant 0 : i32
          %gather3A_607 = arith.constant 0 : i32
          %gather3A_608 = tpu.memref_slice %arg11[%rem3A_451, %gather3A_606, %gather3A_607] : memref<3x32x512xf32, #tpu.memory_space<vmem>> -> memref<1x32x512xf32, #tpu.memory_space<vmem>>
          %gather3A_609 = tpu.memref_squeeze %gather3A_608 : memref<1x32x512xf32, #tpu.memory_space<vmem>> -> memref<32x512xf32, #tpu.memory_space<vmem>>
          %gather3A_610 = tpu.vector_load_idx %gather3A_609[%broadcast_in_dim3A_605, %min3A_550] : memref<32x512xf32, #tpu.memory_space<vmem>>[vector<16xi32>, vector<16xi32>], vector<16xf32>,
          %broadcast_in_dim3A_611 = arith.constant 6 : i32
          %broadcast_in_dim3A_612 = vector.broadcast %broadcast_in_dim3A_611 : i32 to vector<16xi32>
          tpu.vector_store_idx %arg12[%sub3A_543, %broadcast_in_dim3A_612], %gather3A_610 masked %and3A_521 : memref<128x128xf32, #tpu.memory_space<vmem>>[vector<16xi32>, vector<16xi32>], vector<16xf32>, vector<16xi1>
          %broadcast_in_dim3A_613 = arith.constant 7 : i32
          %broadcast_in_dim3A_614 = vector.broadcast %broadcast_in_dim3A_613 : i32 to vector<16xi32>
          %gather3A_615 = arith.constant 0 : i32
          %gather3A_616 = arith.constant 0 : i32
          %gather3A_617 = tpu.memref_slice %arg11[%rem3A_451, %gather3A_615, %gather3A_616] : memref<3x32x512xf32, #tpu.memory_space<vmem>> -> memref<1x32x512xf32, #tpu.memory_space<vmem>>
          %gather3A_618 = tpu.memref_squeeze %gather3A_617 : memref<1x32x512xf32, #tpu.memory_space<vmem>> -> memref<32x512xf32, #tpu.memory_space<vmem>>
          %gather3A_619 = tpu.vector_load_idx %gather3A_618[%broadcast_in_dim3A_614, %min3A_550] : memref<32x512xf32, #tpu.memory_space<vmem>>[vector<16xi32>, vector<16xi32>], vector<16xf32>,
          %broadcast_in_dim3A_620 = arith.constant 7 : i32
          %broadcast_in_dim3A_621 = vector.broadcast %broadcast_in_dim3A_620 : i32 to vector<16xi32>
          tpu.vector_store_idx %arg12[%sub3A_543, %broadcast_in_dim3A_621], %gather3A_619 masked %and3A_521 : memref<128x128xf32, #tpu.memory_space<vmem>>[vector<16xi32>, vector<16xi32>], vector<16xf32>, vector<16xi1>
          %broadcast_in_dim3A_622 = arith.constant 8 : i32
          %broadcast_in_dim3A_623 = vector.broadcast %broadcast_in_dim3A_622 : i32 to vector<16xi32>
          %gather3A_624 = arith.constant 0 : i32
          %gather3A_625 = arith.constant 0 : i32
          %gather3A_626 = tpu.memref_slice %arg11[%rem3A_451, %gather3A_624, %gather3A_625] : memref<3x32x512xf32, #tpu.memory_space<vmem>> -> memref<1x32x512xf32, #tpu.memory_space<vmem>>
          %gather3A_627 = tpu.memref_squeeze %gather3A_626 : memref<1x32x512xf32, #tpu.memory_space<vmem>> -> memref<32x512xf32, #tpu.memory_space<vmem>>
          %gather3A_628 = tpu.vector_load_idx %gather3A_627[%broadcast_in_dim3A_623, %min3A_550] : memref<32x512xf32, #tpu.memory_space<vmem>>[vector<16xi32>, vector<16xi32>], vector<16xf32>,
          %broadcast_in_dim3A_629 = arith.constant 8 : i32
          %broadcast_in_dim3A_630 = vector.broadcast %broadcast_in_dim3A_629 : i32 to vector<16xi32>
          tpu.vector_store_idx %arg12[%sub3A_543, %broadcast_in_dim3A_630], %gather3A_628 masked %and3A_521 : memref<128x128xf32, #tpu.memory_space<vmem>>[vector<16xi32>, vector<16xi32>], vector<16xf32>, vector<16xi1>
          %broadcast_in_dim3A_631 = arith.constant 9 : i32
          %broadcast_in_dim3A_632 = vector.broadcast %broadcast_in_dim3A_631 : i32 to vector<16xi32>
          %gather3A_633 = arith.constant 0 : i32
          %gather3A_634 = arith.constant 0 : i32
          %gather3A_635 = tpu.memref_slice %arg11[%rem3A_451, %gather3A_633, %gather3A_634] : memref<3x32x512xf32, #tpu.memory_space<vmem>> -> memref<1x32x512xf32, #tpu.memory_space<vmem>>
          %gather3A_636 = tpu.memref_squeeze %gather3A_635 : memref<1x32x512xf32, #tpu.memory_space<vmem>> -> memref<32x512xf32, #tpu.memory_space<vmem>>
          %gather3A_637 = tpu.vector_load_idx %gather3A_636[%broadcast_in_dim3A_632, %min3A_550] : memref<32x512xf32, #tpu.memory_space<vmem>>[vector<16xi32>, vector<16xi32>], vector<16xf32>,
          %broadcast_in_dim3A_638 = arith.constant 9 : i32
          %broadcast_in_dim3A_639 = vector.broadcast %broadcast_in_dim3A_638 : i32 to vector<16xi32>
          tpu.vector_store_idx %arg12[%sub3A_543, %broadcast_in_dim3A_639], %gather3A_637 masked %and3A_521 : memref<128x128xf32, #tpu.memory_space<vmem>>[vector<16xi32>, vector<16xi32>], vector<16xf32>, vector<16xi1>
          %broadcast_in_dim3A_640 = arith.constant 10 : i32
          %broadcast_in_dim3A_641 = vector.broadcast %broadcast_in_dim3A_640 : i32 to vector<16xi32>
          %gather3A_642 = arith.constant 0 : i32
          %gather3A_643 = arith.constant 0 : i32
          %gather3A_644 = tpu.memref_slice %arg11[%rem3A_451, %gather3A_642, %gather3A_643] : memref<3x32x512xf32, #tpu.memory_space<vmem>> -> memref<1x32x512xf32, #tpu.memory_space<vmem>>
          %gather3A_645 = tpu.memref_squeeze %gather3A_644 : memref<1x32x512xf32, #tpu.memory_space<vmem>> -> memref<32x512xf32, #tpu.memory_space<vmem>>
          %gather3A_646 = tpu.vector_load_idx %gather3A_645[%broadcast_in_dim3A_641, %min3A_550] : memref<32x512xf32, #tpu.memory_space<vmem>>[vector<16xi32>, vector<16xi32>], vector<16xf32>,
          %broadcast_in_dim3A_647 = arith.constant 10 : i32
          %broadcast_in_dim3A_648 = vector.broadcast %broadcast_in_dim3A_647 : i32 to vector<16xi32>
          tpu.vector_store_idx %arg12[%sub3A_543, %broadcast_in_dim3A_648], %gather3A_646 masked %and3A_521 : memref<128x128xf32, #tpu.memory_space<vmem>>[vector<16xi32>, vector<16xi32>], vector<16xf32>, vector<16xi1>
          %broadcast_in_dim3A_649 = arith.constant 11 : i32
          %broadcast_in_dim3A_650 = vector.broadcast %broadcast_in_dim3A_649 : i32 to vector<16xi32>
          %gather3A_651 = arith.constant 0 : i32
          %gather3A_652 = arith.constant 0 : i32
          %gather3A_653 = tpu.memref_slice %arg11[%rem3A_451, %gather3A_651, %gather3A_652] : memref<3x32x512xf32, #tpu.memory_space<vmem>> -> memref<1x32x512xf32, #tpu.memory_space<vmem>>
          %gather3A_654 = tpu.memref_squeeze %gather3A_653 : memref<1x32x512xf32, #tpu.memory_space<vmem>> -> memref<32x512xf32, #tpu.memory_space<vmem>>
          %gather3A_655 = tpu.vector_load_idx %gather3A_654[%broadcast_in_dim3A_650, %min3A_550] : memref<32x512xf32, #tpu.memory_space<vmem>>[vector<16xi32>, vector<16xi32>], vector<16xf32>,
          %broadcast_in_dim3A_656 = arith.constant 11 : i32
          %broadcast_in_dim3A_657 = vector.broadcast %broadcast_in_dim3A_656 : i32 to vector<16xi32>
          tpu.vector_store_idx %arg12[%sub3A_543, %broadcast_in_dim3A_657], %gather3A_655 masked %and3A_521 : memref<128x128xf32, #tpu.memory_space<vmem>>[vector<16xi32>, vector<16xi32>], vector<16xf32>, vector<16xi1>
          %broadcast_in_dim3A_658 = arith.constant 12 : i32
          %broadcast_in_dim3A_659 = vector.broadcast %broadcast_in_dim3A_658 : i32 to vector<16xi32>
          %gather3A_660 = arith.constant 0 : i32
          %gather3A_661 = arith.constant 0 : i32
          %gather3A_662 = tpu.memref_slice %arg11[%rem3A_451, %gather3A_660, %gather3A_661] : memref<3x32x512xf32, #tpu.memory_space<vmem>> -> memref<1x32x512xf32, #tpu.memory_space<vmem>>
          %gather3A_663 = tpu.memref_squeeze %gather3A_662 : memref<1x32x512xf32, #tpu.memory_space<vmem>> -> memref<32x512xf32, #tpu.memory_space<vmem>>
          %gather3A_664 = tpu.vector_load_idx %gather3A_663[%broadcast_in_dim3A_659, %min3A_550] : memref<32x512xf32, #tpu.memory_space<vmem>>[vector<16xi32>, vector<16xi32>], vector<16xf32>,
          %broadcast_in_dim3A_665 = arith.constant 12 : i32
          %broadcast_in_dim3A_666 = vector.broadcast %broadcast_in_dim3A_665 : i32 to vector<16xi32>
          tpu.vector_store_idx %arg12[%sub3A_543, %broadcast_in_dim3A_666], %gather3A_664 masked %and3A_521 : memref<128x128xf32, #tpu.memory_space<vmem>>[vector<16xi32>, vector<16xi32>], vector<16xf32>, vector<16xi1>
          %broadcast_in_dim3A_667 = arith.constant 13 : i32
          %broadcast_in_dim3A_668 = vector.broadcast %broadcast_in_dim3A_667 : i32 to vector<16xi32>
          %gather3A_669 = arith.constant 0 : i32
          %gather3A_670 = arith.constant 0 : i32
          %gather3A_671 = tpu.memref_slice %arg11[%rem3A_451, %gather3A_669, %gather3A_670] : memref<3x32x512xf32, #tpu.memory_space<vmem>> -> memref<1x32x512xf32, #tpu.memory_space<vmem>>
          %gather3A_672 = tpu.memref_squeeze %gather3A_671 : memref<1x32x512xf32, #tpu.memory_space<vmem>> -> memref<32x512xf32, #tpu.memory_space<vmem>>
          %gather3A_673 = tpu.vector_load_idx %gather3A_672[%broadcast_in_dim3A_668, %min3A_550] : memref<32x512xf32, #tpu.memory_space<vmem>>[vector<16xi32>, vector<16xi32>], vector<16xf32>,
          %broadcast_in_dim3A_674 = arith.constant 13 : i32
          %broadcast_in_dim3A_675 = vector.broadcast %broadcast_in_dim3A_674 : i32 to vector<16xi32>
          tpu.vector_store_idx %arg12[%sub3A_543, %broadcast_in_dim3A_675], %gather3A_673 masked %and3A_521 : memref<128x128xf32, #tpu.memory_space<vmem>>[vector<16xi32>, vector<16xi32>], vector<16xf32>, vector<16xi1>
          %broadcast_in_dim3A_676 = arith.constant 14 : i32
          %broadcast_in_dim3A_677 = vector.broadcast %broadcast_in_dim3A_676 : i32 to vector<16xi32>
          %gather3A_678 = arith.constant 0 : i32
          %gather3A_679 = arith.constant 0 : i32
          %gather3A_680 = tpu.memref_slice %arg11[%rem3A_451, %gather3A_678, %gather3A_679] : memref<3x32x512xf32, #tpu.memory_space<vmem>> -> memref<1x32x512xf32, #tpu.memory_space<vmem>>
          %gather3A_681 = tpu.memref_squeeze %gather3A_680 : memref<1x32x512xf32, #tpu.memory_space<vmem>> -> memref<32x512xf32, #tpu.memory_space<vmem>>
          %gather3A_682 = tpu.vector_load_idx %gather3A_681[%broadcast_in_dim3A_677, %min3A_550] : memref<32x512xf32, #tpu.memory_space<vmem>>[vector<16xi32>, vector<16xi32>], vector<16xf32>,
          %broadcast_in_dim3A_683 = arith.constant 14 : i32
          %broadcast_in_dim3A_684 = vector.broadcast %broadcast_in_dim3A_683 : i32 to vector<16xi32>
          tpu.vector_store_idx %arg12[%sub3A_543, %broadcast_in_dim3A_684], %gather3A_682 masked %and3A_521 : memref<128x128xf32, #tpu.memory_space<vmem>>[vector<16xi32>, vector<16xi32>], vector<16xf32>, vector<16xi1>
          %broadcast_in_dim3A_685 = arith.constant 15 : i32
          %broadcast_in_dim3A_686 = vector.broadcast %broadcast_in_dim3A_685 : i32 to vector<16xi32>
          %gather3A_687 = arith.constant 0 : i32
          %gather3A_688 = arith.constant 0 : i32
          %gather3A_689 = tpu.memref_slice %arg11[%rem3A_451, %gather3A_687, %gather3A_688] : memref<3x32x512xf32, #tpu.memory_space<vmem>> -> memref<1x32x512xf32, #tpu.memory_space<vmem>>
          %gather3A_690 = tpu.memref_squeeze %gather3A_689 : memref<1x32x512xf32, #tpu.memory_space<vmem>> -> memref<32x512xf32, #tpu.memory_space<vmem>>
          %gather3A_691 = tpu.vector_load_idx %gather3A_690[%broadcast_in_dim3A_686, %min3A_550] : memref<32x512xf32, #tpu.memory_space<vmem>>[vector<16xi32>, vector<16xi32>], vector<16xf32>,
          %broadcast_in_dim3A_692 = arith.constant 15 : i32
          %broadcast_in_dim3A_693 = vector.broadcast %broadcast_in_dim3A_692 : i32 to vector<16xi32>
          tpu.vector_store_idx %arg12[%sub3A_543, %broadcast_in_dim3A_693], %gather3A_691 masked %and3A_521 : memref<128x128xf32, #tpu.memory_space<vmem>>[vector<16xi32>, vector<16xi32>], vector<16xf32>, vector<16xi1>
          %broadcast_in_dim3A_694 = arith.constant 16 : i32
          %broadcast_in_dim3A_695 = vector.broadcast %broadcast_in_dim3A_694 : i32 to vector<16xi32>
          %gather3A_696 = arith.constant 0 : i32
          %gather3A_697 = arith.constant 0 : i32
          %gather3A_698 = tpu.memref_slice %arg11[%rem3A_451, %gather3A_696, %gather3A_697] : memref<3x32x512xf32, #tpu.memory_space<vmem>> -> memref<1x32x512xf32, #tpu.memory_space<vmem>>
          %gather3A_699 = tpu.memref_squeeze %gather3A_698 : memref<1x32x512xf32, #tpu.memory_space<vmem>> -> memref<32x512xf32, #tpu.memory_space<vmem>>
          %gather3A_700 = tpu.vector_load_idx %gather3A_699[%broadcast_in_dim3A_695, %min3A_550] : memref<32x512xf32, #tpu.memory_space<vmem>>[vector<16xi32>, vector<16xi32>], vector<16xf32>,
          %broadcast_in_dim3A_701 = arith.constant 16 : i32
          %broadcast_in_dim3A_702 = vector.broadcast %broadcast_in_dim3A_701 : i32 to vector<16xi32>
          tpu.vector_store_idx %arg12[%sub3A_543, %broadcast_in_dim3A_702], %gather3A_700 masked %and3A_521 : memref<128x128xf32, #tpu.memory_space<vmem>>[vector<16xi32>, vector<16xi32>], vector<16xf32>, vector<16xi1>
          %broadcast_in_dim3A_703 = arith.constant 17 : i32
          %broadcast_in_dim3A_704 = vector.broadcast %broadcast_in_dim3A_703 : i32 to vector<16xi32>
          %gather3A_705 = arith.constant 0 : i32
          %gather3A_706 = arith.constant 0 : i32
          %gather3A_707 = tpu.memref_slice %arg11[%rem3A_451, %gather3A_705, %gather3A_706] : memref<3x32x512xf32, #tpu.memory_space<vmem>> -> memref<1x32x512xf32, #tpu.memory_space<vmem>>
          %gather3A_708 = tpu.memref_squeeze %gather3A_707 : memref<1x32x512xf32, #tpu.memory_space<vmem>> -> memref<32x512xf32, #tpu.memory_space<vmem>>
          %gather3A_709 = tpu.vector_load_idx %gather3A_708[%broadcast_in_dim3A_704, %min3A_550] : memref<32x512xf32, #tpu.memory_space<vmem>>[vector<16xi32>, vector<16xi32>], vector<16xf32>,
          %broadcast_in_dim3A_710 = arith.constant 17 : i32
          %broadcast_in_dim3A_711 = vector.broadcast %broadcast_in_dim3A_710 : i32 to vector<16xi32>
          tpu.vector_store_idx %arg12[%sub3A_543, %broadcast_in_dim3A_711], %gather3A_709 masked %and3A_521 : memref<128x128xf32, #tpu.memory_space<vmem>>[vector<16xi32>, vector<16xi32>], vector<16xf32>, vector<16xi1>
          %broadcast_in_dim3A_712 = arith.constant 18 : i32
          %broadcast_in_dim3A_713 = vector.broadcast %broadcast_in_dim3A_712 : i32 to vector<16xi32>
          %gather3A_714 = arith.constant 0 : i32
          %gather3A_715 = arith.constant 0 : i32
          %gather3A_716 = tpu.memref_slice %arg11[%rem3A_451, %gather3A_714, %gather3A_715] : memref<3x32x512xf32, #tpu.memory_space<vmem>> -> memref<1x32x512xf32, #tpu.memory_space<vmem>>
          %gather3A_717 = tpu.memref_squeeze %gather3A_716 : memref<1x32x512xf32, #tpu.memory_space<vmem>> -> memref<32x512xf32, #tpu.memory_space<vmem>>
          %gather3A_718 = tpu.vector_load_idx %gather3A_717[%broadcast_in_dim3A_713, %min3A_550] : memref<32x512xf32, #tpu.memory_space<vmem>>[vector<16xi32>, vector<16xi32>], vector<16xf32>,
          %broadcast_in_dim3A_719 = arith.constant 18 : i32
          %broadcast_in_dim3A_720 = vector.broadcast %broadcast_in_dim3A_719 : i32 to vector<16xi32>
          tpu.vector_store_idx %arg12[%sub3A_543, %broadcast_in_dim3A_720], %gather3A_718 masked %and3A_521 : memref<128x128xf32, #tpu.memory_space<vmem>>[vector<16xi32>, vector<16xi32>], vector<16xf32>, vector<16xi1>
          %broadcast_in_dim3A_721 = arith.constant 19 : i32
          %broadcast_in_dim3A_722 = vector.broadcast %broadcast_in_dim3A_721 : i32 to vector<16xi32>
          %gather3A_723 = arith.constant 0 : i32
          %gather3A_724 = arith.constant 0 : i32
          %gather3A_725 = tpu.memref_slice %arg11[%rem3A_451, %gather3A_723, %gather3A_724] : memref<3x32x512xf32, #tpu.memory_space<vmem>> -> memref<1x32x512xf32, #tpu.memory_space<vmem>>
          %gather3A_726 = tpu.memref_squeeze %gather3A_725 : memref<1x32x512xf32, #tpu.memory_space<vmem>> -> memref<32x512xf32, #tpu.memory_space<vmem>>
          %gather3A_727 = tpu.vector_load_idx %gather3A_726[%broadcast_in_dim3A_722, %min3A_550] : memref<32x512xf32, #tpu.memory_space<vmem>>[vector<16xi32>, vector<16xi32>], vector<16xf32>,
          %broadcast_in_dim3A_728 = arith.constant 19 : i32
          %broadcast_in_dim3A_729 = vector.broadcast %broadcast_in_dim3A_728 : i32 to vector<16xi32>
          tpu.vector_store_idx %arg12[%sub3A_543, %broadcast_in_dim3A_729], %gather3A_727 masked %and3A_521 : memref<128x128xf32, #tpu.memory_space<vmem>>[vector<16xi32>, vector<16xi32>], vector<16xf32>, vector<16xi1>
          %broadcast_in_dim3A_730 = arith.constant 20 : i32
          %broadcast_in_dim3A_731 = vector.broadcast %broadcast_in_dim3A_730 : i32 to vector<16xi32>
          %gather3A_732 = arith.constant 0 : i32
          %gather3A_733 = arith.constant 0 : i32
          %gather3A_734 = tpu.memref_slice %arg11[%rem3A_451, %gather3A_732, %gather3A_733] : memref<3x32x512xf32, #tpu.memory_space<vmem>> -> memref<1x32x512xf32, #tpu.memory_space<vmem>>
          %gather3A_735 = tpu.memref_squeeze %gather3A_734 : memref<1x32x512xf32, #tpu.memory_space<vmem>> -> memref<32x512xf32, #tpu.memory_space<vmem>>
          %gather3A_736 = tpu.vector_load_idx %gather3A_735[%broadcast_in_dim3A_731, %min3A_550] : memref<32x512xf32, #tpu.memory_space<vmem>>[vector<16xi32>, vector<16xi32>], vector<16xf32>,
          %broadcast_in_dim3A_737 = arith.constant 20 : i32
          %broadcast_in_dim3A_738 = vector.broadcast %broadcast_in_dim3A_737 : i32 to vector<16xi32>
          tpu.vector_store_idx %arg12[%sub3A_543, %broadcast_in_dim3A_738], %gather3A_736 masked %and3A_521 : memref<128x128xf32, #tpu.memory_space<vmem>>[vector<16xi32>, vector<16xi32>], vector<16xf32>, vector<16xi1>
          %broadcast_in_dim3A_739 = arith.constant 21 : i32
          %broadcast_in_dim3A_740 = vector.broadcast %broadcast_in_dim3A_739 : i32 to vector<16xi32>
          %gather3A_741 = arith.constant 0 : i32
          %gather3A_742 = arith.constant 0 : i32
          %gather3A_743 = tpu.memref_slice %arg11[%rem3A_451, %gather3A_741, %gather3A_742] : memref<3x32x512xf32, #tpu.memory_space<vmem>> -> memref<1x32x512xf32, #tpu.memory_space<vmem>>
          %gather3A_744 = tpu.memref_squeeze %gather3A_743 : memref<1x32x512xf32, #tpu.memory_space<vmem>> -> memref<32x512xf32, #tpu.memory_space<vmem>>
          %gather3A_745 = tpu.vector_load_idx %gather3A_744[%broadcast_in_dim3A_740, %min3A_550] : memref<32x512xf32, #tpu.memory_space<vmem>>[vector<16xi32>, vector<16xi32>], vector<16xf32>,
          %broadcast_in_dim3A_746 = arith.constant 21 : i32
          %broadcast_in_dim3A_747 = vector.broadcast %broadcast_in_dim3A_746 : i32 to vector<16xi32>
          tpu.vector_store_idx %arg12[%sub3A_543, %broadcast_in_dim3A_747], %gather3A_745 masked %and3A_521 : memref<128x128xf32, #tpu.memory_space<vmem>>[vector<16xi32>, vector<16xi32>], vector<16xf32>, vector<16xi1>
          %broadcast_in_dim3A_748 = arith.constant 22 : i32
          %broadcast_in_dim3A_749 = vector.broadcast %broadcast_in_dim3A_748 : i32 to vector<16xi32>
          %gather3A_750 = arith.constant 0 : i32
          %gather3A_751 = arith.constant 0 : i32
          %gather3A_752 = tpu.memref_slice %arg11[%rem3A_451, %gather3A_750, %gather3A_751] : memref<3x32x512xf32, #tpu.memory_space<vmem>> -> memref<1x32x512xf32, #tpu.memory_space<vmem>>
          %gather3A_753 = tpu.memref_squeeze %gather3A_752 : memref<1x32x512xf32, #tpu.memory_space<vmem>> -> memref<32x512xf32, #tpu.memory_space<vmem>>
          %gather3A_754 = tpu.vector_load_idx %gather3A_753[%broadcast_in_dim3A_749, %min3A_550] : memref<32x512xf32, #tpu.memory_space<vmem>>[vector<16xi32>, vector<16xi32>], vector<16xf32>,
          %broadcast_in_dim3A_755 = arith.constant 22 : i32
          %broadcast_in_dim3A_756 = vector.broadcast %broadcast_in_dim3A_755 : i32 to vector<16xi32>
          tpu.vector_store_idx %arg12[%sub3A_543, %broadcast_in_dim3A_756], %gather3A_754 masked %and3A_521 : memref<128x128xf32, #tpu.memory_space<vmem>>[vector<16xi32>, vector<16xi32>], vector<16xf32>, vector<16xi1>
          %broadcast_in_dim3A_757 = arith.constant 23 : i32
          %broadcast_in_dim3A_758 = vector.broadcast %broadcast_in_dim3A_757 : i32 to vector<16xi32>
          %gather3A_759 = arith.constant 0 : i32
          %gather3A_760 = arith.constant 0 : i32
          %gather3A_761 = tpu.memref_slice %arg11[%rem3A_451, %gather3A_759, %gather3A_760] : memref<3x32x512xf32, #tpu.memory_space<vmem>> -> memref<1x32x512xf32, #tpu.memory_space<vmem>>
          %gather3A_762 = tpu.memref_squeeze %gather3A_761 : memref<1x32x512xf32, #tpu.memory_space<vmem>> -> memref<32x512xf32, #tpu.memory_space<vmem>>
          %gather3A_763 = tpu.vector_load_idx %gather3A_762[%broadcast_in_dim3A_758, %min3A_550] : memref<32x512xf32, #tpu.memory_space<vmem>>[vector<16xi32>, vector<16xi32>], vector<16xf32>,
          %broadcast_in_dim3A_764 = arith.constant 23 : i32
          %broadcast_in_dim3A_765 = vector.broadcast %broadcast_in_dim3A_764 : i32 to vector<16xi32>
          tpu.vector_store_idx %arg12[%sub3A_543, %broadcast_in_dim3A_765], %gather3A_763 masked %and3A_521 : memref<128x128xf32, #tpu.memory_space<vmem>>[vector<16xi32>, vector<16xi32>], vector<16xf32>, vector<16xi1>
          %broadcast_in_dim3A_766 = arith.constant 24 : i32
          %broadcast_in_dim3A_767 = vector.broadcast %broadcast_in_dim3A_766 : i32 to vector<16xi32>
          %gather3A_768 = arith.constant 0 : i32
          %gather3A_769 = arith.constant 0 : i32
          %gather3A_770 = tpu.memref_slice %arg11[%rem3A_451, %gather3A_768, %gather3A_769] : memref<3x32x512xf32, #tpu.memory_space<vmem>> -> memref<1x32x512xf32, #tpu.memory_space<vmem>>
          %gather3A_771 = tpu.memref_squeeze %gather3A_770 : memref<1x32x512xf32, #tpu.memory_space<vmem>> -> memref<32x512xf32, #tpu.memory_space<vmem>>
          %gather3A_772 = tpu.vector_load_idx %gather3A_771[%broadcast_in_dim3A_767, %min3A_550] : memref<32x512xf32, #tpu.memory_space<vmem>>[vector<16xi32>, vector<16xi32>], vector<16xf32>,
          %broadcast_in_dim3A_773 = arith.constant 24 : i32
          %broadcast_in_dim3A_774 = vector.broadcast %broadcast_in_dim3A_773 : i32 to vector<16xi32>
          tpu.vector_store_idx %arg12[%sub3A_543, %broadcast_in_dim3A_774], %gather3A_772 masked %and3A_521 : memref<128x128xf32, #tpu.memory_space<vmem>>[vector<16xi32>, vector<16xi32>], vector<16xf32>, vector<16xi1>
          %broadcast_in_dim3A_775 = arith.constant 25 : i32
          %broadcast_in_dim3A_776 = vector.broadcast %broadcast_in_dim3A_775 : i32 to vector<16xi32>
          %gather3A_777 = arith.constant 0 : i32
          %gather3A_778 = arith.constant 0 : i32
          %gather3A_779 = tpu.memref_slice %arg11[%rem3A_451, %gather3A_777, %gather3A_778] : memref<3x32x512xf32, #tpu.memory_space<vmem>> -> memref<1x32x512xf32, #tpu.memory_space<vmem>>
          %gather3A_780 = tpu.memref_squeeze %gather3A_779 : memref<1x32x512xf32, #tpu.memory_space<vmem>> -> memref<32x512xf32, #tpu.memory_space<vmem>>
          %gather3A_781 = tpu.vector_load_idx %gather3A_780[%broadcast_in_dim3A_776, %min3A_550] : memref<32x512xf32, #tpu.memory_space<vmem>>[vector<16xi32>, vector<16xi32>], vector<16xf32>,
          %broadcast_in_dim3A_782 = arith.constant 25 : i32
          %broadcast_in_dim3A_783 = vector.broadcast %broadcast_in_dim3A_782 : i32 to vector<16xi32>
          tpu.vector_store_idx %arg12[%sub3A_543, %broadcast_in_dim3A_783], %gather3A_781 masked %and3A_521 : memref<128x128xf32, #tpu.memory_space<vmem>>[vector<16xi32>, vector<16xi32>], vector<16xf32>, vector<16xi1>
          %broadcast_in_dim3A_784 = arith.constant 26 : i32
          %broadcast_in_dim3A_785 = vector.broadcast %broadcast_in_dim3A_784 : i32 to vector<16xi32>
          %gather3A_786 = arith.constant 0 : i32
          %gather3A_787 = arith.constant 0 : i32
          %gather3A_788 = tpu.memref_slice %arg11[%rem3A_451, %gather3A_786, %gather3A_787] : memref<3x32x512xf32, #tpu.memory_space<vmem>> -> memref<1x32x512xf32, #tpu.memory_space<vmem>>
          %gather3A_789 = tpu.memref_squeeze %gather3A_788 : memref<1x32x512xf32, #tpu.memory_space<vmem>> -> memref<32x512xf32, #tpu.memory_space<vmem>>
          %gather3A_790 = tpu.vector_load_idx %gather3A_789[%broadcast_in_dim3A_785, %min3A_550] : memref<32x512xf32, #tpu.memory_space<vmem>>[vector<16xi32>, vector<16xi32>], vector<16xf32>,
          %broadcast_in_dim3A_791 = arith.constant 26 : i32
          %broadcast_in_dim3A_792 = vector.broadcast %broadcast_in_dim3A_791 : i32 to vector<16xi32>
          tpu.vector_store_idx %arg12[%sub3A_543, %broadcast_in_dim3A_792], %gather3A_790 masked %and3A_521 : memref<128x128xf32, #tpu.memory_space<vmem>>[vector<16xi32>, vector<16xi32>], vector<16xf32>, vector<16xi1>
          %broadcast_in_dim3A_793 = arith.constant 27 : i32
          %broadcast_in_dim3A_794 = vector.broadcast %broadcast_in_dim3A_793 : i32 to vector<16xi32>
          %gather3A_795 = arith.constant 0 : i32
          %gather3A_796 = arith.constant 0 : i32
          %gather3A_797 = tpu.memref_slice %arg11[%rem3A_451, %gather3A_795, %gather3A_796] : memref<3x32x512xf32, #tpu.memory_space<vmem>> -> memref<1x32x512xf32, #tpu.memory_space<vmem>>
          %gather3A_798 = tpu.memref_squeeze %gather3A_797 : memref<1x32x512xf32, #tpu.memory_space<vmem>> -> memref<32x512xf32, #tpu.memory_space<vmem>>
          %gather3A_799 = tpu.vector_load_idx %gather3A_798[%broadcast_in_dim3A_794, %min3A_550] : memref<32x512xf32, #tpu.memory_space<vmem>>[vector<16xi32>, vector<16xi32>], vector<16xf32>,
          %broadcast_in_dim3A_800 = arith.constant 27 : i32
          %broadcast_in_dim3A_801 = vector.broadcast %broadcast_in_dim3A_800 : i32 to vector<16xi32>
          tpu.vector_store_idx %arg12[%sub3A_543, %broadcast_in_dim3A_801], %gather3A_799 masked %and3A_521 : memref<128x128xf32, #tpu.memory_space<vmem>>[vector<16xi32>, vector<16xi32>], vector<16xf32>, vector<16xi1>
          %broadcast_in_dim3A_802 = arith.constant 28 : i32
          %broadcast_in_dim3A_803 = vector.broadcast %broadcast_in_dim3A_802 : i32 to vector<16xi32>
          %gather3A_804 = arith.constant 0 : i32
          %gather3A_805 = arith.constant 0 : i32
          %gather3A_806 = tpu.memref_slice %arg11[%rem3A_451, %gather3A_804, %gather3A_805] : memref<3x32x512xf32, #tpu.memory_space<vmem>> -> memref<1x32x512xf32, #tpu.memory_space<vmem>>
          %gather3A_807 = tpu.memref_squeeze %gather3A_806 : memref<1x32x512xf32, #tpu.memory_space<vmem>> -> memref<32x512xf32, #tpu.memory_space<vmem>>
          %gather3A_808 = tpu.vector_load_idx %gather3A_807[%broadcast_in_dim3A_803, %min3A_550] : memref<32x512xf32, #tpu.memory_space<vmem>>[vector<16xi32>, vector<16xi32>], vector<16xf32>,
          %broadcast_in_dim3A_809 = arith.constant 28 : i32
          %broadcast_in_dim3A_810 = vector.broadcast %broadcast_in_dim3A_809 : i32 to vector<16xi32>
          tpu.vector_store_idx %arg12[%sub3A_543, %broadcast_in_dim3A_810], %gather3A_808 masked %and3A_521 : memref<128x128xf32, #tpu.memory_space<vmem>>[vector<16xi32>, vector<16xi32>], vector<16xf32>, vector<16xi1>
          %broadcast_in_dim3A_811 = arith.constant 29 : i32
          %broadcast_in_dim3A_812 = vector.broadcast %broadcast_in_dim3A_811 : i32 to vector<16xi32>
          %gather3A_813 = arith.constant 0 : i32
          %gather3A_814 = arith.constant 0 : i32
          %gather3A_815 = tpu.memref_slice %arg11[%rem3A_451, %gather3A_813, %gather3A_814] : memref<3x32x512xf32, #tpu.memory_space<vmem>> -> memref<1x32x512xf32, #tpu.memory_space<vmem>>
          %gather3A_816 = tpu.memref_squeeze %gather3A_815 : memref<1x32x512xf32, #tpu.memory_space<vmem>> -> memref<32x512xf32, #tpu.memory_space<vmem>>
          %gather3A_817 = tpu.vector_load_idx %gather3A_816[%broadcast_in_dim3A_812, %min3A_550] : memref<32x512xf32, #tpu.memory_space<vmem>>[vector<16xi32>, vector<16xi32>], vector<16xf32>,
          %broadcast_in_dim3A_818 = arith.constant 29 : i32
          %broadcast_in_dim3A_819 = vector.broadcast %broadcast_in_dim3A_818 : i32 to vector<16xi32>
          tpu.vector_store_idx %arg12[%sub3A_543, %broadcast_in_dim3A_819], %gather3A_817 masked %and3A_521 : memref<128x128xf32, #tpu.memory_space<vmem>>[vector<16xi32>, vector<16xi32>], vector<16xf32>, vector<16xi1>
          %broadcast_in_dim3A_820 = arith.constant 30 : i32
          %broadcast_in_dim3A_821 = vector.broadcast %broadcast_in_dim3A_820 : i32 to vector<16xi32>
          %gather3A_822 = arith.constant 0 : i32
          %gather3A_823 = arith.constant 0 : i32
          %gather3A_824 = tpu.memref_slice %arg11[%rem3A_451, %gather3A_822, %gather3A_823] : memref<3x32x512xf32, #tpu.memory_space<vmem>> -> memref<1x32x512xf32, #tpu.memory_space<vmem>>
          %gather3A_825 = tpu.memref_squeeze %gather3A_824 : memref<1x32x512xf32, #tpu.memory_space<vmem>> -> memref<32x512xf32, #tpu.memory_space<vmem>>
          %gather3A_826 = tpu.vector_load_idx %gather3A_825[%broadcast_in_dim3A_821, %min3A_550] : memref<32x512xf32, #tpu.memory_space<vmem>>[vector<16xi32>, vector<16xi32>], vector<16xf32>,
          %broadcast_in_dim3A_827 = arith.constant 30 : i32
          %broadcast_in_dim3A_828 = vector.broadcast %broadcast_in_dim3A_827 : i32 to vector<16xi32>
          tpu.vector_store_idx %arg12[%sub3A_543, %broadcast_in_dim3A_828], %gather3A_826 masked %and3A_521 : memref<128x128xf32, #tpu.memory_space<vmem>>[vector<16xi32>, vector<16xi32>], vector<16xf32>, vector<16xi1>
          %broadcast_in_dim3A_829 = arith.constant 31 : i32
          %broadcast_in_dim3A_830 = vector.broadcast %broadcast_in_dim3A_829 : i32 to vector<16xi32>
          %gather3A_831 = arith.constant 0 : i32
          %gather3A_832 = arith.constant 0 : i32
          %gather3A_833 = tpu.memref_slice %arg11[%rem3A_451, %gather3A_831, %gather3A_832] : memref<3x32x512xf32, #tpu.memory_space<vmem>> -> memref<1x32x512xf32, #tpu.memory_space<vmem>>
          %gather3A_834 = tpu.memref_squeeze %gather3A_833 : memref<1x32x512xf32, #tpu.memory_space<vmem>> -> memref<32x512xf32, #tpu.memory_space<vmem>>
          %gather3A_835 = tpu.vector_load_idx %gather3A_834[%broadcast_in_dim3A_830, %min3A_550] : memref<32x512xf32, #tpu.memory_space<vmem>>[vector<16xi32>, vector<16xi32>], vector<16xf32>,
          %broadcast_in_dim3A_836 = arith.constant 31 : i32
          %broadcast_in_dim3A_837 = vector.broadcast %broadcast_in_dim3A_836 : i32 to vector<16xi32>
          tpu.vector_store_idx %arg12[%sub3A_543, %broadcast_in_dim3A_837], %gather3A_835 masked %and3A_521 : memref<128x128xf32, #tpu.memory_space<vmem>>[vector<16xi32>, vector<16xi32>], vector<16xf32>, vector<16xi1>
          tpu.vector_store_idx %arg13[%sub3A_543], %get3A_515 masked %and3A_521 : memref<128xi32, #tpu.memory_space<vmem>>[vector<16xi32>], vector<16xi32>, vector<16xi1>
          %add3A_838 = arith.addi %cond3A_535, %reduce_sum3A_524 : i32
          scf.yield %add3A_838 : i32
        } else {
          scf.yield %while3A_508 : i32
        }
        scf.yield %cond3A_528 : i32
      }
      %while3A_505 = arith.constant 1 : i32
      %while3A_506 = scf.for %while3A_507 = %while3A_502 to %while3A_498 step %while3A_505 iter_args(%while3A_508 = %while3A_504) -> (i32)  : i32 {
        %mul3A_509 = arith.constant 16 : i32
        %mul3A_510 = arith.muli %while3A_507, %mul3A_509 : i32
        %get3A = arith.index_cast %mul3A_510 : i32 to index
        %get3A_511 = tpu.vector_load %arg9[%get3A] {strides = array<i32>} : memref<16400xi32, #tpu.memory_space<vmem>>, vector<16xi32>,
        %mul3A_512 = arith.constant 16 : i32
        %mul3A_513 = arith.muli %while3A_507, %mul3A_512 : i32
        %get3A_514 = arith.index_cast %mul3A_513 : i32 to index
        %get3A_515 = tpu.vector_load %arg10[%get3A_514] {strides = array<i32>} : memref<16400xi32, #tpu.memory_space<vmem>>, vector<16xi32>,
        %ge3A = vector.broadcast %mul3A_495 : i32 to vector<16xi32>
        %ge3A_516 = arith.cmpi sge, %get3A_511, %ge3A : vector<16xi32>
        %add3A_517 = arith.constant 512 : i32
        %add3A_518 = arith.addi %mul3A_495, %add3A_517 : i32
        %lt3A_519 = vector.broadcast %add3A_518 : i32 to vector<16xi32>
        %lt3A_520 = arith.cmpi slt, %get3A_511, %lt3A_519 : vector<16xi32>
        %and3A_521 = arith.andi %ge3A_516, %lt3A_520 : vector<16xi1>
        %convert_element_type3A = arith.extui %and3A_521 : vector<16xi1> to vector<16xi32>
        %reduce_sum3A = arith.constant true
        %reduce_sum3A_522 = vector.broadcast %reduce_sum3A : i1 to vector<16xi1>
        %reduce_sum3A_523 = tpu.scan <sum>, %convert_element_type3A masked %reduce_sum3A_522 : vector<16xi32>, vector<16xi1> -> vector<16xi32>
        %reduce_sum3A_524 = vector.extract %reduce_sum3A_523[15] : i32 from vector<16xi32>
        %gt3A = arith.constant 0 : i32
        %gt3A_525 = arith.cmpi sgt, %reduce_sum3A_524, %gt3A : i32
        %convert_element_type3A_526 = arith.extui %gt3A_525 : i1 to i32
        %cond3A = arith.constant 0 : i32
        %cond3A_527 = arith.cmpi ne, %convert_element_type3A_526, %cond3A : i32
        %cond3A_528 = scf.if %cond3A_527 -> (i32) {
          %add3A_529 = arith.addi %while3A_508, %reduce_sum3A_524 : i32
          %gt3A_530 = arith.constant 128 : i32
          %gt3A_531 = arith.cmpi sgt, %add3A_529, %gt3A_530 : i32
          %convert_element_type3A_532 = arith.extui %gt3A_531 : i1 to i32
          %cond3A_533 = arith.constant 0 : i32
          %cond3A_534 = arith.cmpi ne, %convert_element_type3A_532, %cond3A_533 : i32
          %cond3A_535 = scf.if %cond3A_534 -> (i32) {
            %dma_start3A_839 = arith.constant 0 : i32
            %dma_start3A_840 = arith.constant 0 : i32
            %dma_start3A_841 = tpu.memref_slice %arg6[%dma_start3A_839, %dma_start3A_840] : memref<16512x128xf32, #tpu.memory_space<hbm>> -> memref<16512x128xf32, #tpu.memory_space<hbm>>
            tpu.enqueue_indirect_dma source(%arg12 : memref<128x128xf32, #tpu.memory_space<vmem>>) target(%dma_start3A_841 : memref<16512x128xf32, #tpu.memory_space<hbm>>) offsets(%arg13 : memref<128xi32, #tpu.memory_space<vmem>>) semaphore(%arg16 : memref<!tpu.dma_semaphore, #tpu.memory_space<semaphore_mem>>)
            %dma_wait3A_842 = arith.constant 0 : i32
            %dma_wait3A_843 = arith.constant 0 : i32
            %dma_wait3A_844 = tpu.memref_slice %arg6[%dma_wait3A_842, %dma_wait3A_843] : memref<16512x128xf32, #tpu.memory_space<hbm>> -> memref<16512x128xf32, #tpu.memory_space<hbm>>
            tpu.wait_indirect_dma semaphore(%arg16 : memref<!tpu.dma_semaphore, #tpu.memory_space<semaphore_mem>>) src(%arg12 : memref<128x128xf32, #tpu.memory_space<vmem>>) dst(%dma_wait3A_844 : memref<16512x128xf32, #tpu.memory_space<hbm>>)
            %add3A_845 = arith.constant 16384 : i32
            %add3A_846 = vector.broadcast %add3A_845 : i32 to vector<16xi32>
            %add3A_847 = arith.addi %add3A_846, %iota3A : vector<16xi32>
            %swap3A_848 = arith.constant 0 : index
            %swap3A_849 = tpu.vector_load %arg13[%swap3A_848] {strides = array<i32>} : memref<128xi32, #tpu.memory_space<vmem>>, vector<16xi32>,
            tpu.vector_store %arg13[%swap3A_848], %add3A_847 {strides = array<i32>} : memref<128xi32, #tpu.memory_space<vmem>>, vector<16xi32>,
            %add3A_850 = arith.constant 16400 : i32
            %add3A_851 = vector.broadcast %add3A_850 : i32 to vector<16xi32>
            %add3A_852 = arith.addi %add3A_851, %iota3A : vector<16xi32>
            %swap3A_853 = arith.constant 16 : index
            %swap3A_854 = tpu.vector_load %arg13[%swap3A_853] {strides = array<i32>} : memref<128xi32, #tpu.memory_space<vmem>>, vector<16xi32>,
            tpu.vector_store %arg13[%swap3A_853], %add3A_852 {strides = array<i32>} : memref<128xi32, #tpu.memory_space<vmem>>, vector<16xi32>,
            %add3A_855 = arith.constant 16416 : i32
            %add3A_856 = vector.broadcast %add3A_855 : i32 to vector<16xi32>
            %add3A_857 = arith.addi %add3A_856, %iota3A : vector<16xi32>
            %swap3A_858 = arith.constant 32 : index
            %swap3A_859 = tpu.vector_load %arg13[%swap3A_858] {strides = array<i32>} : memref<128xi32, #tpu.memory_space<vmem>>, vector<16xi32>,
            tpu.vector_store %arg13[%swap3A_858], %add3A_857 {strides = array<i32>} : memref<128xi32, #tpu.memory_space<vmem>>, vector<16xi32>,
            %add3A_860 = arith.constant 16432 : i32
            %add3A_861 = vector.broadcast %add3A_860 : i32 to vector<16xi32>
            %add3A_862 = arith.addi %add3A_861, %iota3A : vector<16xi32>
            %swap3A_863 = arith.constant 48 : index
            %swap3A_864 = tpu.vector_load %arg13[%swap3A_863] {strides = array<i32>} : memref<128xi32, #tpu.memory_space<vmem>>, vector<16xi32>,
            tpu.vector_store %arg13[%swap3A_863], %add3A_862 {strides = array<i32>} : memref<128xi32, #tpu.memory_space<vmem>>, vector<16xi32>,
            %add3A_865 = arith.constant 16448 : i32
            %add3A_866 = vector.broadcast %add3A_865 : i32 to vector<16xi32>
            %add3A_867 = arith.addi %add3A_866, %iota3A : vector<16xi32>
            %swap3A_868 = arith.constant 64 : index
            %swap3A_869 = tpu.vector_load %arg13[%swap3A_868] {strides = array<i32>} : memref<128xi32, #tpu.memory_space<vmem>>, vector<16xi32>,
            tpu.vector_store %arg13[%swap3A_868], %add3A_867 {strides = array<i32>} : memref<128xi32, #tpu.memory_space<vmem>>, vector<16xi32>,
            %add3A_870 = arith.constant 16464 : i32
            %add3A_871 = vector.broadcast %add3A_870 : i32 to vector<16xi32>
            %add3A_872 = arith.addi %add3A_871, %iota3A : vector<16xi32>
            %swap3A_873 = arith.constant 80 : index
            %swap3A_874 = tpu.vector_load %arg13[%swap3A_873] {strides = array<i32>} : memref<128xi32, #tpu.memory_space<vmem>>, vector<16xi32>,
            tpu.vector_store %arg13[%swap3A_873], %add3A_872 {strides = array<i32>} : memref<128xi32, #tpu.memory_space<vmem>>, vector<16xi32>,
            %add3A_875 = arith.constant 16480 : i32
            %add3A_876 = vector.broadcast %add3A_875 : i32 to vector<16xi32>
            %add3A_877 = arith.addi %add3A_876, %iota3A : vector<16xi32>
            %swap3A_878 = arith.constant 96 : index
            %swap3A_879 = tpu.vector_load %arg13[%swap3A_878] {strides = array<i32>} : memref<128xi32, #tpu.memory_space<vmem>>, vector<16xi32>,
            tpu.vector_store %arg13[%swap3A_878], %add3A_877 {strides = array<i32>} : memref<128xi32, #tpu.memory_space<vmem>>, vector<16xi32>,
            %add3A_880 = arith.constant 16496 : i32
            %add3A_881 = vector.broadcast %add3A_880 : i32 to vector<16xi32>
            %add3A_882 = arith.addi %add3A_881, %iota3A : vector<16xi32>
            %swap3A_883 = arith.constant 112 : index
            %swap3A_884 = tpu.vector_load %arg13[%swap3A_883] {strides = array<i32>} : memref<128xi32, #tpu.memory_space<vmem>>, vector<16xi32>,
            tpu.vector_store %arg13[%swap3A_883], %add3A_882 {strides = array<i32>} : memref<128xi32, #tpu.memory_space<vmem>>, vector<16xi32>,
            %cond3A_885 = arith.constant 0 : i32
            scf.yield %cond3A_885 : i32
          } else {
            scf.yield %while3A_508 : i32
          }
          %convert_element_type3A_536 = arith.extui %and3A_521 : vector<16xi1> to vector<16xi32>
          %broadcast_in_dim3A_537 = arith.constant true
          %broadcast_in_dim3A_538 = vector.broadcast %broadcast_in_dim3A_537 : i1 to vector<16xi1>
          %masked_cumsum3A = tpu.scan <sum>, %convert_element_type3A_536 masked %broadcast_in_dim3A_538 : vector<16xi32>, vector<16xi1> -> vector<16xi32>
          %add3A_539 = vector.broadcast %cond3A_535 : i32 to vector<16xi32>
          %add3A_540 = arith.addi %add3A_539, %masked_cumsum3A : vector<16xi32>
          %sub3A_541 = arith.constant 1 : i32
          %sub3A_542 = vector.broadcast %sub3A_541 : i32 to vector<16xi32>
          %sub3A_543 = arith.subi %add3A_540, %sub3A_542 : vector<16xi32>
          %sub3A_544 = vector.broadcast %mul3A_495 : i32 to vector<16xi32>
          %sub3A_545 = arith.subi %get3A_511, %sub3A_544 : vector<16xi32>
          %jit3A_546 = arith.constant 0 : i32
          %jit3A_547 = arith.constant 511 : i32
          %max3A = vector.broadcast %jit3A_546 : i32 to vector<16xi32>
          %max3A_548 = arith.maxsi %max3A, %sub3A_545 : vector<16xi32>
          %min3A_549 = vector.broadcast %jit3A_547 : i32 to vector<16xi32>
          %min3A_550 = arith.minsi %min3A_549, %max3A_548 : vector<16xi32>
          %broadcast_in_dim3A_551 = arith.constant 0 : i32
          %broadcast_in_dim3A_552 = vector.broadcast %broadcast_in_dim3A_551 : i32 to vector<16xi32>
          %gather3A = arith.constant 0 : i32
          %gather3A_553 = arith.constant 0 : i32
          %gather3A_554 = tpu.memref_slice %arg11[%rem3A_451, %gather3A, %gather3A_553] : memref<3x32x512xf32, #tpu.memory_space<vmem>> -> memref<1x32x512xf32, #tpu.memory_space<vmem>>
          %gather3A_555 = tpu.memref_squeeze %gather3A_554 : memref<1x32x512xf32, #tpu.memory_space<vmem>> -> memref<32x512xf32, #tpu.memory_space<vmem>>
          %gather3A_556 = tpu.vector_load_idx %gather3A_555[%broadcast_in_dim3A_552, %min3A_550] : memref<32x512xf32, #tpu.memory_space<vmem>>[vector<16xi32>, vector<16xi32>], vector<16xf32>,
          %broadcast_in_dim3A_557 = arith.constant 0 : i32
          %broadcast_in_dim3A_558 = vector.broadcast %broadcast_in_dim3A_557 : i32 to vector<16xi32>
          tpu.vector_store_idx %arg12[%sub3A_543, %broadcast_in_dim3A_558], %gather3A_556 masked %and3A_521 : memref<128x128xf32, #tpu.memory_space<vmem>>[vector<16xi32>, vector<16xi32>], vector<16xf32>, vector<16xi1>
          %broadcast_in_dim3A_559 = arith.constant 1 : i32
          %broadcast_in_dim3A_560 = vector.broadcast %broadcast_in_dim3A_559 : i32 to vector<16xi32>
          %gather3A_561 = arith.constant 0 : i32
          %gather3A_562 = arith.constant 0 : i32
          %gather3A_563 = tpu.memref_slice %arg11[%rem3A_451, %gather3A_561, %gather3A_562] : memref<3x32x512xf32, #tpu.memory_space<vmem>> -> memref<1x32x512xf32, #tpu.memory_space<vmem>>
          %gather3A_564 = tpu.memref_squeeze %gather3A_563 : memref<1x32x512xf32, #tpu.memory_space<vmem>> -> memref<32x512xf32, #tpu.memory_space<vmem>>
          %gather3A_565 = tpu.vector_load_idx %gather3A_564[%broadcast_in_dim3A_560, %min3A_550] : memref<32x512xf32, #tpu.memory_space<vmem>>[vector<16xi32>, vector<16xi32>], vector<16xf32>,
          %broadcast_in_dim3A_566 = arith.constant 1 : i32
          %broadcast_in_dim3A_567 = vector.broadcast %broadcast_in_dim3A_566 : i32 to vector<16xi32>
          tpu.vector_store_idx %arg12[%sub3A_543, %broadcast_in_dim3A_567], %gather3A_565 masked %and3A_521 : memref<128x128xf32, #tpu.memory_space<vmem>>[vector<16xi32>, vector<16xi32>], vector<16xf32>, vector<16xi1>
          %broadcast_in_dim3A_568 = arith.constant 2 : i32
          %broadcast_in_dim3A_569 = vector.broadcast %broadcast_in_dim3A_568 : i32 to vector<16xi32>
          %gather3A_570 = arith.constant 0 : i32
          %gather3A_571 = arith.constant 0 : i32
          %gather3A_572 = tpu.memref_slice %arg11[%rem3A_451, %gather3A_570, %gather3A_571] : memref<3x32x512xf32, #tpu.memory_space<vmem>> -> memref<1x32x512xf32, #tpu.memory_space<vmem>>
          %gather3A_573 = tpu.memref_squeeze %gather3A_572 : memref<1x32x512xf32, #tpu.memory_space<vmem>> -> memref<32x512xf32, #tpu.memory_space<vmem>>
          %gather3A_574 = tpu.vector_load_idx %gather3A_573[%broadcast_in_dim3A_569, %min3A_550] : memref<32x512xf32, #tpu.memory_space<vmem>>[vector<16xi32>, vector<16xi32>], vector<16xf32>,
          %broadcast_in_dim3A_575 = arith.constant 2 : i32
          %broadcast_in_dim3A_576 = vector.broadcast %broadcast_in_dim3A_575 : i32 to vector<16xi32>
          tpu.vector_store_idx %arg12[%sub3A_543, %broadcast_in_dim3A_576], %gather3A_574 masked %and3A_521 : memref<128x128xf32, #tpu.memory_space<vmem>>[vector<16xi32>, vector<16xi32>], vector<16xf32>, vector<16xi1>
          %broadcast_in_dim3A_577 = arith.constant 3 : i32
          %broadcast_in_dim3A_578 = vector.broadcast %broadcast_in_dim3A_577 : i32 to vector<16xi32>
          %gather3A_579 = arith.constant 0 : i32
          %gather3A_580 = arith.constant 0 : i32
          %gather3A_581 = tpu.memref_slice %arg11[%rem3A_451, %gather3A_579, %gather3A_580] : memref<3x32x512xf32, #tpu.memory_space<vmem>> -> memref<1x32x512xf32, #tpu.memory_space<vmem>>
          %gather3A_582 = tpu.memref_squeeze %gather3A_581 : memref<1x32x512xf32, #tpu.memory_space<vmem>> -> memref<32x512xf32, #tpu.memory_space<vmem>>
          %gather3A_583 = tpu.vector_load_idx %gather3A_582[%broadcast_in_dim3A_578, %min3A_550] : memref<32x512xf32, #tpu.memory_space<vmem>>[vector<16xi32>, vector<16xi32>], vector<16xf32>,
          %broadcast_in_dim3A_584 = arith.constant 3 : i32
          %broadcast_in_dim3A_585 = vector.broadcast %broadcast_in_dim3A_584 : i32 to vector<16xi32>
          tpu.vector_store_idx %arg12[%sub3A_543, %broadcast_in_dim3A_585], %gather3A_583 masked %and3A_521 : memref<128x128xf32, #tpu.memory_space<vmem>>[vector<16xi32>, vector<16xi32>], vector<16xf32>, vector<16xi1>
          %broadcast_in_dim3A_586 = arith.constant 4 : i32
          %broadcast_in_dim3A_587 = vector.broadcast %broadcast_in_dim3A_586 : i32 to vector<16xi32>
          %gather3A_588 = arith.constant 0 : i32
          %gather3A_589 = arith.constant 0 : i32
          %gather3A_590 = tpu.memref_slice %arg11[%rem3A_451, %gather3A_588, %gather3A_589] : memref<3x32x512xf32, #tpu.memory_space<vmem>> -> memref<1x32x512xf32, #tpu.memory_space<vmem>>
          %gather3A_591 = tpu.memref_squeeze %gather3A_590 : memref<1x32x512xf32, #tpu.memory_space<vmem>> -> memref<32x512xf32, #tpu.memory_space<vmem>>
          %gather3A_592 = tpu.vector_load_idx %gather3A_591[%broadcast_in_dim3A_587, %min3A_550] : memref<32x512xf32, #tpu.memory_space<vmem>>[vector<16xi32>, vector<16xi32>], vector<16xf32>,
          %broadcast_in_dim3A_593 = arith.constant 4 : i32
          %broadcast_in_dim3A_594 = vector.broadcast %broadcast_in_dim3A_593 : i32 to vector<16xi32>
          tpu.vector_store_idx %arg12[%sub3A_543, %broadcast_in_dim3A_594], %gather3A_592 masked %and3A_521 : memref<128x128xf32, #tpu.memory_space<vmem>>[vector<16xi32>, vector<16xi32>], vector<16xf32>, vector<16xi1>
          %broadcast_in_dim3A_595 = arith.constant 5 : i32
          %broadcast_in_dim3A_596 = vector.broadcast %broadcast_in_dim3A_595 : i32 to vector<16xi32>
          %gather3A_597 = arith.constant 0 : i32
          %gather3A_598 = arith.constant 0 : i32
          %gather3A_599 = tpu.memref_slice %arg11[%rem3A_451, %gather3A_597, %gather3A_598] : memref<3x32x512xf32, #tpu.memory_space<vmem>> -> memref<1x32x512xf32, #tpu.memory_space<vmem>>
          %gather3A_600 = tpu.memref_squeeze %gather3A_599 : memref<1x32x512xf32, #tpu.memory_space<vmem>> -> memref<32x512xf32, #tpu.memory_space<vmem>>
          %gather3A_601 = tpu.vector_load_idx %gather3A_600[%broadcast_in_dim3A_596, %min3A_550] : memref<32x512xf32, #tpu.memory_space<vmem>>[vector<16xi32>, vector<16xi32>], vector<16xf32>,
          %broadcast_in_dim3A_602 = arith.constant 5 : i32
          %broadcast_in_dim3A_603 = vector.broadcast %broadcast_in_dim3A_602 : i32 to vector<16xi32>
          tpu.vector_store_idx %arg12[%sub3A_543, %broadcast_in_dim3A_603], %gather3A_601 masked %and3A_521 : memref<128x128xf32, #tpu.memory_space<vmem>>[vector<16xi32>, vector<16xi32>], vector<16xf32>, vector<16xi1>
          %broadcast_in_dim3A_604 = arith.constant 6 : i32
          %broadcast_in_dim3A_605 = vector.broadcast %broadcast_in_dim3A_604 : i32 to vector<16xi32>
          %gather3A_606 = arith.constant 0 : i32
          %gather3A_607 = arith.constant 0 : i32
          %gather3A_608 = tpu.memref_slice %arg11[%rem3A_451, %gather3A_606, %gather3A_607] : memref<3x32x512xf32, #tpu.memory_space<vmem>> -> memref<1x32x512xf32, #tpu.memory_space<vmem>>
          %gather3A_609 = tpu.memref_squeeze %gather3A_608 : memref<1x32x512xf32, #tpu.memory_space<vmem>> -> memref<32x512xf32, #tpu.memory_space<vmem>>
          %gather3A_610 = tpu.vector_load_idx %gather3A_609[%broadcast_in_dim3A_605, %min3A_550] : memref<32x512xf32, #tpu.memory_space<vmem>>[vector<16xi32>, vector<16xi32>], vector<16xf32>,
          %broadcast_in_dim3A_611 = arith.constant 6 : i32
          %broadcast_in_dim3A_612 = vector.broadcast %broadcast_in_dim3A_611 : i32 to vector<16xi32>
          tpu.vector_store_idx %arg12[%sub3A_543, %broadcast_in_dim3A_612], %gather3A_610 masked %and3A_521 : memref<128x128xf32, #tpu.memory_space<vmem>>[vector<16xi32>, vector<16xi32>], vector<16xf32>, vector<16xi1>
          %broadcast_in_dim3A_613 = arith.constant 7 : i32
          %broadcast_in_dim3A_614 = vector.broadcast %broadcast_in_dim3A_613 : i32 to vector<16xi32>
          %gather3A_615 = arith.constant 0 : i32
          %gather3A_616 = arith.constant 0 : i32
          %gather3A_617 = tpu.memref_slice %arg11[%rem3A_451, %gather3A_615, %gather3A_616] : memref<3x32x512xf32, #tpu.memory_space<vmem>> -> memref<1x32x512xf32, #tpu.memory_space<vmem>>
          %gather3A_618 = tpu.memref_squeeze %gather3A_617 : memref<1x32x512xf32, #tpu.memory_space<vmem>> -> memref<32x512xf32, #tpu.memory_space<vmem>>
          %gather3A_619 = tpu.vector_load_idx %gather3A_618[%broadcast_in_dim3A_614, %min3A_550] : memref<32x512xf32, #tpu.memory_space<vmem>>[vector<16xi32>, vector<16xi32>], vector<16xf32>,
          %broadcast_in_dim3A_620 = arith.constant 7 : i32
          %broadcast_in_dim3A_621 = vector.broadcast %broadcast_in_dim3A_620 : i32 to vector<16xi32>
          tpu.vector_store_idx %arg12[%sub3A_543, %broadcast_in_dim3A_621], %gather3A_619 masked %and3A_521 : memref<128x128xf32, #tpu.memory_space<vmem>>[vector<16xi32>, vector<16xi32>], vector<16xf32>, vector<16xi1>
          %broadcast_in_dim3A_622 = arith.constant 8 : i32
          %broadcast_in_dim3A_623 = vector.broadcast %broadcast_in_dim3A_622 : i32 to vector<16xi32>
          %gather3A_624 = arith.constant 0 : i32
          %gather3A_625 = arith.constant 0 : i32
          %gather3A_626 = tpu.memref_slice %arg11[%rem3A_451, %gather3A_624, %gather3A_625] : memref<3x32x512xf32, #tpu.memory_space<vmem>> -> memref<1x32x512xf32, #tpu.memory_space<vmem>>
          %gather3A_627 = tpu.memref_squeeze %gather3A_626 : memref<1x32x512xf32, #tpu.memory_space<vmem>> -> memref<32x512xf32, #tpu.memory_space<vmem>>
          %gather3A_628 = tpu.vector_load_idx %gather3A_627[%broadcast_in_dim3A_623, %min3A_550] : memref<32x512xf32, #tpu.memory_space<vmem>>[vector<16xi32>, vector<16xi32>], vector<16xf32>,
          %broadcast_in_dim3A_629 = arith.constant 8 : i32
          %broadcast_in_dim3A_630 = vector.broadcast %broadcast_in_dim3A_629 : i32 to vector<16xi32>
          tpu.vector_store_idx %arg12[%sub3A_543, %broadcast_in_dim3A_630], %gather3A_628 masked %and3A_521 : memref<128x128xf32, #tpu.memory_space<vmem>>[vector<16xi32>, vector<16xi32>], vector<16xf32>, vector<16xi1>
          %broadcast_in_dim3A_631 = arith.constant 9 : i32
          %broadcast_in_dim3A_632 = vector.broadcast %broadcast_in_dim3A_631 : i32 to vector<16xi32>
          %gather3A_633 = arith.constant 0 : i32
          %gather3A_634 = arith.constant 0 : i32
          %gather3A_635 = tpu.memref_slice %arg11[%rem3A_451, %gather3A_633, %gather3A_634] : memref<3x32x512xf32, #tpu.memory_space<vmem>> -> memref<1x32x512xf32, #tpu.memory_space<vmem>>
          %gather3A_636 = tpu.memref_squeeze %gather3A_635 : memref<1x32x512xf32, #tpu.memory_space<vmem>> -> memref<32x512xf32, #tpu.memory_space<vmem>>
          %gather3A_637 = tpu.vector_load_idx %gather3A_636[%broadcast_in_dim3A_632, %min3A_550] : memref<32x512xf32, #tpu.memory_space<vmem>>[vector<16xi32>, vector<16xi32>], vector<16xf32>,
          %broadcast_in_dim3A_638 = arith.constant 9 : i32
          %broadcast_in_dim3A_639 = vector.broadcast %broadcast_in_dim3A_638 : i32 to vector<16xi32>
          tpu.vector_store_idx %arg12[%sub3A_543, %broadcast_in_dim3A_639], %gather3A_637 masked %and3A_521 : memref<128x128xf32, #tpu.memory_space<vmem>>[vector<16xi32>, vector<16xi32>], vector<16xf32>, vector<16xi1>
          %broadcast_in_dim3A_640 = arith.constant 10 : i32
          %broadcast_in_dim3A_641 = vector.broadcast %broadcast_in_dim3A_640 : i32 to vector<16xi32>
          %gather3A_642 = arith.constant 0 : i32
          %gather3A_643 = arith.constant 0 : i32
          %gather3A_644 = tpu.memref_slice %arg11[%rem3A_451, %gather3A_642, %gather3A_643] : memref<3x32x512xf32, #tpu.memory_space<vmem>> -> memref<1x32x512xf32, #tpu.memory_space<vmem>>
          %gather3A_645 = tpu.memref_squeeze %gather3A_644 : memref<1x32x512xf32, #tpu.memory_space<vmem>> -> memref<32x512xf32, #tpu.memory_space<vmem>>
          %gather3A_646 = tpu.vector_load_idx %gather3A_645[%broadcast_in_dim3A_641, %min3A_550] : memref<32x512xf32, #tpu.memory_space<vmem>>[vector<16xi32>, vector<16xi32>], vector<16xf32>,
          %broadcast_in_dim3A_647 = arith.constant 10 : i32
          %broadcast_in_dim3A_648 = vector.broadcast %broadcast_in_dim3A_647 : i32 to vector<16xi32>
          tpu.vector_store_idx %arg12[%sub3A_543, %broadcast_in_dim3A_648], %gather3A_646 masked %and3A_521 : memref<128x128xf32, #tpu.memory_space<vmem>>[vector<16xi32>, vector<16xi32>], vector<16xf32>, vector<16xi1>
          %broadcast_in_dim3A_649 = arith.constant 11 : i32
          %broadcast_in_dim3A_650 = vector.broadcast %broadcast_in_dim3A_649 : i32 to vector<16xi32>
          %gather3A_651 = arith.constant 0 : i32
          %gather3A_652 = arith.constant 0 : i32
          %gather3A_653 = tpu.memref_slice %arg11[%rem3A_451, %gather3A_651, %gather3A_652] : memref<3x32x512xf32, #tpu.memory_space<vmem>> -> memref<1x32x512xf32, #tpu.memory_space<vmem>>
          %gather3A_654 = tpu.memref_squeeze %gather3A_653 : memref<1x32x512xf32, #tpu.memory_space<vmem>> -> memref<32x512xf32, #tpu.memory_space<vmem>>
          %gather3A_655 = tpu.vector_load_idx %gather3A_654[%broadcast_in_dim3A_650, %min3A_550] : memref<32x512xf32, #tpu.memory_space<vmem>>[vector<16xi32>, vector<16xi32>], vector<16xf32>,
          %broadcast_in_dim3A_656 = arith.constant 11 : i32
          %broadcast_in_dim3A_657 = vector.broadcast %broadcast_in_dim3A_656 : i32 to vector<16xi32>
          tpu.vector_store_idx %arg12[%sub3A_543, %broadcast_in_dim3A_657], %gather3A_655 masked %and3A_521 : memref<128x128xf32, #tpu.memory_space<vmem>>[vector<16xi32>, vector<16xi32>], vector<16xf32>, vector<16xi1>
          %broadcast_in_dim3A_658 = arith.constant 12 : i32
          %broadcast_in_dim3A_659 = vector.broadcast %broadcast_in_dim3A_658 : i32 to vector<16xi32>
          %gather3A_660 = arith.constant 0 : i32
          %gather3A_661 = arith.constant 0 : i32
          %gather3A_662 = tpu.memref_slice %arg11[%rem3A_451, %gather3A_660, %gather3A_661] : memref<3x32x512xf32, #tpu.memory_space<vmem>> -> memref<1x32x512xf32, #tpu.memory_space<vmem>>
          %gather3A_663 = tpu.memref_squeeze %gather3A_662 : memref<1x32x512xf32, #tpu.memory_space<vmem>> -> memref<32x512xf32, #tpu.memory_space<vmem>>
          %gather3A_664 = tpu.vector_load_idx %gather3A_663[%broadcast_in_dim3A_659, %min3A_550] : memref<32x512xf32, #tpu.memory_space<vmem>>[vector<16xi32>, vector<16xi32>], vector<16xf32>,
          %broadcast_in_dim3A_665 = arith.constant 12 : i32
          %broadcast_in_dim3A_666 = vector.broadcast %broadcast_in_dim3A_665 : i32 to vector<16xi32>
          tpu.vector_store_idx %arg12[%sub3A_543, %broadcast_in_dim3A_666], %gather3A_664 masked %and3A_521 : memref<128x128xf32, #tpu.memory_space<vmem>>[vector<16xi32>, vector<16xi32>], vector<16xf32>, vector<16xi1>
          %broadcast_in_dim3A_667 = arith.constant 13 : i32
          %broadcast_in_dim3A_668 = vector.broadcast %broadcast_in_dim3A_667 : i32 to vector<16xi32>
          %gather3A_669 = arith.constant 0 : i32
          %gather3A_670 = arith.constant 0 : i32
          %gather3A_671 = tpu.memref_slice %arg11[%rem3A_451, %gather3A_669, %gather3A_670] : memref<3x32x512xf32, #tpu.memory_space<vmem>> -> memref<1x32x512xf32, #tpu.memory_space<vmem>>
          %gather3A_672 = tpu.memref_squeeze %gather3A_671 : memref<1x32x512xf32, #tpu.memory_space<vmem>> -> memref<32x512xf32, #tpu.memory_space<vmem>>
          %gather3A_673 = tpu.vector_load_idx %gather3A_672[%broadcast_in_dim3A_668, %min3A_550] : memref<32x512xf32, #tpu.memory_space<vmem>>[vector<16xi32>, vector<16xi32>], vector<16xf32>,
          %broadcast_in_dim3A_674 = arith.constant 13 : i32
          %broadcast_in_dim3A_675 = vector.broadcast %broadcast_in_dim3A_674 : i32 to vector<16xi32>
          tpu.vector_store_idx %arg12[%sub3A_543, %broadcast_in_dim3A_675], %gather3A_673 masked %and3A_521 : memref<128x128xf32, #tpu.memory_space<vmem>>[vector<16xi32>, vector<16xi32>], vector<16xf32>, vector<16xi1>
          %broadcast_in_dim3A_676 = arith.constant 14 : i32
          %broadcast_in_dim3A_677 = vector.broadcast %broadcast_in_dim3A_676 : i32 to vector<16xi32>
          %gather3A_678 = arith.constant 0 : i32
          %gather3A_679 = arith.constant 0 : i32
          %gather3A_680 = tpu.memref_slice %arg11[%rem3A_451, %gather3A_678, %gather3A_679] : memref<3x32x512xf32, #tpu.memory_space<vmem>> -> memref<1x32x512xf32, #tpu.memory_space<vmem>>
          %gather3A_681 = tpu.memref_squeeze %gather3A_680 : memref<1x32x512xf32, #tpu.memory_space<vmem>> -> memref<32x512xf32, #tpu.memory_space<vmem>>
          %gather3A_682 = tpu.vector_load_idx %gather3A_681[%broadcast_in_dim3A_677, %min3A_550] : memref<32x512xf32, #tpu.memory_space<vmem>>[vector<16xi32>, vector<16xi32>], vector<16xf32>,
          %broadcast_in_dim3A_683 = arith.constant 14 : i32
          %broadcast_in_dim3A_684 = vector.broadcast %broadcast_in_dim3A_683 : i32 to vector<16xi32>
          tpu.vector_store_idx %arg12[%sub3A_543, %broadcast_in_dim3A_684], %gather3A_682 masked %and3A_521 : memref<128x128xf32, #tpu.memory_space<vmem>>[vector<16xi32>, vector<16xi32>], vector<16xf32>, vector<16xi1>
          %broadcast_in_dim3A_685 = arith.constant 15 : i32
          %broadcast_in_dim3A_686 = vector.broadcast %broadcast_in_dim3A_685 : i32 to vector<16xi32>
          %gather3A_687 = arith.constant 0 : i32
          %gather3A_688 = arith.constant 0 : i32
          %gather3A_689 = tpu.memref_slice %arg11[%rem3A_451, %gather3A_687, %gather3A_688] : memref<3x32x512xf32, #tpu.memory_space<vmem>> -> memref<1x32x512xf32, #tpu.memory_space<vmem>>
          %gather3A_690 = tpu.memref_squeeze %gather3A_689 : memref<1x32x512xf32, #tpu.memory_space<vmem>> -> memref<32x512xf32, #tpu.memory_space<vmem>>
          %gather3A_691 = tpu.vector_load_idx %gather3A_690[%broadcast_in_dim3A_686, %min3A_550] : memref<32x512xf32, #tpu.memory_space<vmem>>[vector<16xi32>, vector<16xi32>], vector<16xf32>,
          %broadcast_in_dim3A_692 = arith.constant 15 : i32
          %broadcast_in_dim3A_693 = vector.broadcast %broadcast_in_dim3A_692 : i32 to vector<16xi32>
          tpu.vector_store_idx %arg12[%sub3A_543, %broadcast_in_dim3A_693], %gather3A_691 masked %and3A_521 : memref<128x128xf32, #tpu.memory_space<vmem>>[vector<16xi32>, vector<16xi32>], vector<16xf32>, vector<16xi1>
          %broadcast_in_dim3A_694 = arith.constant 16 : i32
          %broadcast_in_dim3A_695 = vector.broadcast %broadcast_in_dim3A_694 : i32 to vector<16xi32>
          %gather3A_696 = arith.constant 0 : i32
          %gather3A_697 = arith.constant 0 : i32
          %gather3A_698 = tpu.memref_slice %arg11[%rem3A_451, %gather3A_696, %gather3A_697] : memref<3x32x512xf32, #tpu.memory_space<vmem>> -> memref<1x32x512xf32, #tpu.memory_space<vmem>>
          %gather3A_699 = tpu.memref_squeeze %gather3A_698 : memref<1x32x512xf32, #tpu.memory_space<vmem>> -> memref<32x512xf32, #tpu.memory_space<vmem>>
          %gather3A_700 = tpu.vector_load_idx %gather3A_699[%broadcast_in_dim3A_695, %min3A_550] : memref<32x512xf32, #tpu.memory_space<vmem>>[vector<16xi32>, vector<16xi32>], vector<16xf32>,
          %broadcast_in_dim3A_701 = arith.constant 16 : i32
          %broadcast_in_dim3A_702 = vector.broadcast %broadcast_in_dim3A_701 : i32 to vector<16xi32>
          tpu.vector_store_idx %arg12[%sub3A_543, %broadcast_in_dim3A_702], %gather3A_700 masked %and3A_521 : memref<128x128xf32, #tpu.memory_space<vmem>>[vector<16xi32>, vector<16xi32>], vector<16xf32>, vector<16xi1>
          %broadcast_in_dim3A_703 = arith.constant 17 : i32
          %broadcast_in_dim3A_704 = vector.broadcast %broadcast_in_dim3A_703 : i32 to vector<16xi32>
          %gather3A_705 = arith.constant 0 : i32
          %gather3A_706 = arith.constant 0 : i32
          %gather3A_707 = tpu.memref_slice %arg11[%rem3A_451, %gather3A_705, %gather3A_706] : memref<3x32x512xf32, #tpu.memory_space<vmem>> -> memref<1x32x512xf32, #tpu.memory_space<vmem>>
          %gather3A_708 = tpu.memref_squeeze %gather3A_707 : memref<1x32x512xf32, #tpu.memory_space<vmem>> -> memref<32x512xf32, #tpu.memory_space<vmem>>
          %gather3A_709 = tpu.vector_load_idx %gather3A_708[%broadcast_in_dim3A_704, %min3A_550] : memref<32x512xf32, #tpu.memory_space<vmem>>[vector<16xi32>, vector<16xi32>], vector<16xf32>,
          %broadcast_in_dim3A_710 = arith.constant 17 : i32
          %broadcast_in_dim3A_711 = vector.broadcast %broadcast_in_dim3A_710 : i32 to vector<16xi32>
          tpu.vector_store_idx %arg12[%sub3A_543, %broadcast_in_dim3A_711], %gather3A_709 masked %and3A_521 : memref<128x128xf32, #tpu.memory_space<vmem>>[vector<16xi32>, vector<16xi32>], vector<16xf32>, vector<16xi1>
          %broadcast_in_dim3A_712 = arith.constant 18 : i32
          %broadcast_in_dim3A_713 = vector.broadcast %broadcast_in_dim3A_712 : i32 to vector<16xi32>
          %gather3A_714 = arith.constant 0 : i32
          %gather3A_715 = arith.constant 0 : i32
          %gather3A_716 = tpu.memref_slice %arg11[%rem3A_451, %gather3A_714, %gather3A_715] : memref<3x32x512xf32, #tpu.memory_space<vmem>> -> memref<1x32x512xf32, #tpu.memory_space<vmem>>
          %gather3A_717 = tpu.memref_squeeze %gather3A_716 : memref<1x32x512xf32, #tpu.memory_space<vmem>> -> memref<32x512xf32, #tpu.memory_space<vmem>>
          %gather3A_718 = tpu.vector_load_idx %gather3A_717[%broadcast_in_dim3A_713, %min3A_550] : memref<32x512xf32, #tpu.memory_space<vmem>>[vector<16xi32>, vector<16xi32>], vector<16xf32>,
          %broadcast_in_dim3A_719 = arith.constant 18 : i32
          %broadcast_in_dim3A_720 = vector.broadcast %broadcast_in_dim3A_719 : i32 to vector<16xi32>
          tpu.vector_store_idx %arg12[%sub3A_543, %broadcast_in_dim3A_720], %gather3A_718 masked %and3A_521 : memref<128x128xf32, #tpu.memory_space<vmem>>[vector<16xi32>, vector<16xi32>], vector<16xf32>, vector<16xi1>
          %broadcast_in_dim3A_721 = arith.constant 19 : i32
          %broadcast_in_dim3A_722 = vector.broadcast %broadcast_in_dim3A_721 : i32 to vector<16xi32>
          %gather3A_723 = arith.constant 0 : i32
          %gather3A_724 = arith.constant 0 : i32
          %gather3A_725 = tpu.memref_slice %arg11[%rem3A_451, %gather3A_723, %gather3A_724] : memref<3x32x512xf32, #tpu.memory_space<vmem>> -> memref<1x32x512xf32, #tpu.memory_space<vmem>>
          %gather3A_726 = tpu.memref_squeeze %gather3A_725 : memref<1x32x512xf32, #tpu.memory_space<vmem>> -> memref<32x512xf32, #tpu.memory_space<vmem>>
          %gather3A_727 = tpu.vector_load_idx %gather3A_726[%broadcast_in_dim3A_722, %min3A_550] : memref<32x512xf32, #tpu.memory_space<vmem>>[vector<16xi32>, vector<16xi32>], vector<16xf32>,
          %broadcast_in_dim3A_728 = arith.constant 19 : i32
          %broadcast_in_dim3A_729 = vector.broadcast %broadcast_in_dim3A_728 : i32 to vector<16xi32>
          tpu.vector_store_idx %arg12[%sub3A_543, %broadcast_in_dim3A_729], %gather3A_727 masked %and3A_521 : memref<128x128xf32, #tpu.memory_space<vmem>>[vector<16xi32>, vector<16xi32>], vector<16xf32>, vector<16xi1>
          %broadcast_in_dim3A_730 = arith.constant 20 : i32
          %broadcast_in_dim3A_731 = vector.broadcast %broadcast_in_dim3A_730 : i32 to vector<16xi32>
          %gather3A_732 = arith.constant 0 : i32
          %gather3A_733 = arith.constant 0 : i32
          %gather3A_734 = tpu.memref_slice %arg11[%rem3A_451, %gather3A_732, %gather3A_733] : memref<3x32x512xf32, #tpu.memory_space<vmem>> -> memref<1x32x512xf32, #tpu.memory_space<vmem>>
          %gather3A_735 = tpu.memref_squeeze %gather3A_734 : memref<1x32x512xf32, #tpu.memory_space<vmem>> -> memref<32x512xf32, #tpu.memory_space<vmem>>
          %gather3A_736 = tpu.vector_load_idx %gather3A_735[%broadcast_in_dim3A_731, %min3A_550] : memref<32x512xf32, #tpu.memory_space<vmem>>[vector<16xi32>, vector<16xi32>], vector<16xf32>,
          %broadcast_in_dim3A_737 = arith.constant 20 : i32
          %broadcast_in_dim3A_738 = vector.broadcast %broadcast_in_dim3A_737 : i32 to vector<16xi32>
          tpu.vector_store_idx %arg12[%sub3A_543, %broadcast_in_dim3A_738], %gather3A_736 masked %and3A_521 : memref<128x128xf32, #tpu.memory_space<vmem>>[vector<16xi32>, vector<16xi32>], vector<16xf32>, vector<16xi1>
          %broadcast_in_dim3A_739 = arith.constant 21 : i32
          %broadcast_in_dim3A_740 = vector.broadcast %broadcast_in_dim3A_739 : i32 to vector<16xi32>
          %gather3A_741 = arith.constant 0 : i32
          %gather3A_742 = arith.constant 0 : i32
          %gather3A_743 = tpu.memref_slice %arg11[%rem3A_451, %gather3A_741, %gather3A_742] : memref<3x32x512xf32, #tpu.memory_space<vmem>> -> memref<1x32x512xf32, #tpu.memory_space<vmem>>
          %gather3A_744 = tpu.memref_squeeze %gather3A_743 : memref<1x32x512xf32, #tpu.memory_space<vmem>> -> memref<32x512xf32, #tpu.memory_space<vmem>>
          %gather3A_745 = tpu.vector_load_idx %gather3A_744[%broadcast_in_dim3A_740, %min3A_550] : memref<32x512xf32, #tpu.memory_space<vmem>>[vector<16xi32>, vector<16xi32>], vector<16xf32>,
          %broadcast_in_dim3A_746 = arith.constant 21 : i32
          %broadcast_in_dim3A_747 = vector.broadcast %broadcast_in_dim3A_746 : i32 to vector<16xi32>
          tpu.vector_store_idx %arg12[%sub3A_543, %broadcast_in_dim3A_747], %gather3A_745 masked %and3A_521 : memref<128x128xf32, #tpu.memory_space<vmem>>[vector<16xi32>, vector<16xi32>], vector<16xf32>, vector<16xi1>
          %broadcast_in_dim3A_748 = arith.constant 22 : i32
          %broadcast_in_dim3A_749 = vector.broadcast %broadcast_in_dim3A_748 : i32 to vector<16xi32>
          %gather3A_750 = arith.constant 0 : i32
          %gather3A_751 = arith.constant 0 : i32
          %gather3A_752 = tpu.memref_slice %arg11[%rem3A_451, %gather3A_750, %gather3A_751] : memref<3x32x512xf32, #tpu.memory_space<vmem>> -> memref<1x32x512xf32, #tpu.memory_space<vmem>>
          %gather3A_753 = tpu.memref_squeeze %gather3A_752 : memref<1x32x512xf32, #tpu.memory_space<vmem>> -> memref<32x512xf32, #tpu.memory_space<vmem>>
          %gather3A_754 = tpu.vector_load_idx %gather3A_753[%broadcast_in_dim3A_749, %min3A_550] : memref<32x512xf32, #tpu.memory_space<vmem>>[vector<16xi32>, vector<16xi32>], vector<16xf32>,
          %broadcast_in_dim3A_755 = arith.constant 22 : i32
          %broadcast_in_dim3A_756 = vector.broadcast %broadcast_in_dim3A_755 : i32 to vector<16xi32>
          tpu.vector_store_idx %arg12[%sub3A_543, %broadcast_in_dim3A_756], %gather3A_754 masked %and3A_521 : memref<128x128xf32, #tpu.memory_space<vmem>>[vector<16xi32>, vector<16xi32>], vector<16xf32>, vector<16xi1>
          %broadcast_in_dim3A_757 = arith.constant 23 : i32
          %broadcast_in_dim3A_758 = vector.broadcast %broadcast_in_dim3A_757 : i32 to vector<16xi32>
          %gather3A_759 = arith.constant 0 : i32
          %gather3A_760 = arith.constant 0 : i32
          %gather3A_761 = tpu.memref_slice %arg11[%rem3A_451, %gather3A_759, %gather3A_760] : memref<3x32x512xf32, #tpu.memory_space<vmem>> -> memref<1x32x512xf32, #tpu.memory_space<vmem>>
          %gather3A_762 = tpu.memref_squeeze %gather3A_761 : memref<1x32x512xf32, #tpu.memory_space<vmem>> -> memref<32x512xf32, #tpu.memory_space<vmem>>
          %gather3A_763 = tpu.vector_load_idx %gather3A_762[%broadcast_in_dim3A_758, %min3A_550] : memref<32x512xf32, #tpu.memory_space<vmem>>[vector<16xi32>, vector<16xi32>], vector<16xf32>,
          %broadcast_in_dim3A_764 = arith.constant 23 : i32
          %broadcast_in_dim3A_765 = vector.broadcast %broadcast_in_dim3A_764 : i32 to vector<16xi32>
          tpu.vector_store_idx %arg12[%sub3A_543, %broadcast_in_dim3A_765], %gather3A_763 masked %and3A_521 : memref<128x128xf32, #tpu.memory_space<vmem>>[vector<16xi32>, vector<16xi32>], vector<16xf32>, vector<16xi1>
          %broadcast_in_dim3A_766 = arith.constant 24 : i32
          %broadcast_in_dim3A_767 = vector.broadcast %broadcast_in_dim3A_766 : i32 to vector<16xi32>
          %gather3A_768 = arith.constant 0 : i32
          %gather3A_769 = arith.constant 0 : i32
          %gather3A_770 = tpu.memref_slice %arg11[%rem3A_451, %gather3A_768, %gather3A_769] : memref<3x32x512xf32, #tpu.memory_space<vmem>> -> memref<1x32x512xf32, #tpu.memory_space<vmem>>
          %gather3A_771 = tpu.memref_squeeze %gather3A_770 : memref<1x32x512xf32, #tpu.memory_space<vmem>> -> memref<32x512xf32, #tpu.memory_space<vmem>>
          %gather3A_772 = tpu.vector_load_idx %gather3A_771[%broadcast_in_dim3A_767, %min3A_550] : memref<32x512xf32, #tpu.memory_space<vmem>>[vector<16xi32>, vector<16xi32>], vector<16xf32>,
          %broadcast_in_dim3A_773 = arith.constant 24 : i32
          %broadcast_in_dim3A_774 = vector.broadcast %broadcast_in_dim3A_773 : i32 to vector<16xi32>
          tpu.vector_store_idx %arg12[%sub3A_543, %broadcast_in_dim3A_774], %gather3A_772 masked %and3A_521 : memref<128x128xf32, #tpu.memory_space<vmem>>[vector<16xi32>, vector<16xi32>], vector<16xf32>, vector<16xi1>
          %broadcast_in_dim3A_775 = arith.constant 25 : i32
          %broadcast_in_dim3A_776 = vector.broadcast %broadcast_in_dim3A_775 : i32 to vector<16xi32>
          %gather3A_777 = arith.constant 0 : i32
          %gather3A_778 = arith.constant 0 : i32
          %gather3A_779 = tpu.memref_slice %arg11[%rem3A_451, %gather3A_777, %gather3A_778] : memref<3x32x512xf32, #tpu.memory_space<vmem>> -> memref<1x32x512xf32, #tpu.memory_space<vmem>>
          %gather3A_780 = tpu.memref_squeeze %gather3A_779 : memref<1x32x512xf32, #tpu.memory_space<vmem>> -> memref<32x512xf32, #tpu.memory_space<vmem>>
          %gather3A_781 = tpu.vector_load_idx %gather3A_780[%broadcast_in_dim3A_776, %min3A_550] : memref<32x512xf32, #tpu.memory_space<vmem>>[vector<16xi32>, vector<16xi32>], vector<16xf32>,
          %broadcast_in_dim3A_782 = arith.constant 25 : i32
          %broadcast_in_dim3A_783 = vector.broadcast %broadcast_in_dim3A_782 : i32 to vector<16xi32>
          tpu.vector_store_idx %arg12[%sub3A_543, %broadcast_in_dim3A_783], %gather3A_781 masked %and3A_521 : memref<128x128xf32, #tpu.memory_space<vmem>>[vector<16xi32>, vector<16xi32>], vector<16xf32>, vector<16xi1>
          %broadcast_in_dim3A_784 = arith.constant 26 : i32
          %broadcast_in_dim3A_785 = vector.broadcast %broadcast_in_dim3A_784 : i32 to vector<16xi32>
          %gather3A_786 = arith.constant 0 : i32
          %gather3A_787 = arith.constant 0 : i32
          %gather3A_788 = tpu.memref_slice %arg11[%rem3A_451, %gather3A_786, %gather3A_787] : memref<3x32x512xf32, #tpu.memory_space<vmem>> -> memref<1x32x512xf32, #tpu.memory_space<vmem>>
          %gather3A_789 = tpu.memref_squeeze %gather3A_788 : memref<1x32x512xf32, #tpu.memory_space<vmem>> -> memref<32x512xf32, #tpu.memory_space<vmem>>
          %gather3A_790 = tpu.vector_load_idx %gather3A_789[%broadcast_in_dim3A_785, %min3A_550] : memref<32x512xf32, #tpu.memory_space<vmem>>[vector<16xi32>, vector<16xi32>], vector<16xf32>,
          %broadcast_in_dim3A_791 = arith.constant 26 : i32
          %broadcast_in_dim3A_792 = vector.broadcast %broadcast_in_dim3A_791 : i32 to vector<16xi32>
          tpu.vector_store_idx %arg12[%sub3A_543, %broadcast_in_dim3A_792], %gather3A_790 masked %and3A_521 : memref<128x128xf32, #tpu.memory_space<vmem>>[vector<16xi32>, vector<16xi32>], vector<16xf32>, vector<16xi1>
          %broadcast_in_dim3A_793 = arith.constant 27 : i32
          %broadcast_in_dim3A_794 = vector.broadcast %broadcast_in_dim3A_793 : i32 to vector<16xi32>
          %gather3A_795 = arith.constant 0 : i32
          %gather3A_796 = arith.constant 0 : i32
          %gather3A_797 = tpu.memref_slice %arg11[%rem3A_451, %gather3A_795, %gather3A_796] : memref<3x32x512xf32, #tpu.memory_space<vmem>> -> memref<1x32x512xf32, #tpu.memory_space<vmem>>
          %gather3A_798 = tpu.memref_squeeze %gather3A_797 : memref<1x32x512xf32, #tpu.memory_space<vmem>> -> memref<32x512xf32, #tpu.memory_space<vmem>>
          %gather3A_799 = tpu.vector_load_idx %gather3A_798[%broadcast_in_dim3A_794, %min3A_550] : memref<32x512xf32, #tpu.memory_space<vmem>>[vector<16xi32>, vector<16xi32>], vector<16xf32>,
          %broadcast_in_dim3A_800 = arith.constant 27 : i32
          %broadcast_in_dim3A_801 = vector.broadcast %broadcast_in_dim3A_800 : i32 to vector<16xi32>
          tpu.vector_store_idx %arg12[%sub3A_543, %broadcast_in_dim3A_801], %gather3A_799 masked %and3A_521 : memref<128x128xf32, #tpu.memory_space<vmem>>[vector<16xi32>, vector<16xi32>], vector<16xf32>, vector<16xi1>
          %broadcast_in_dim3A_802 = arith.constant 28 : i32
          %broadcast_in_dim3A_803 = vector.broadcast %broadcast_in_dim3A_802 : i32 to vector<16xi32>
          %gather3A_804 = arith.constant 0 : i32
          %gather3A_805 = arith.constant 0 : i32
          %gather3A_806 = tpu.memref_slice %arg11[%rem3A_451, %gather3A_804, %gather3A_805] : memref<3x32x512xf32, #tpu.memory_space<vmem>> -> memref<1x32x512xf32, #tpu.memory_space<vmem>>
          %gather3A_807 = tpu.memref_squeeze %gather3A_806 : memref<1x32x512xf32, #tpu.memory_space<vmem>> -> memref<32x512xf32, #tpu.memory_space<vmem>>
          %gather3A_808 = tpu.vector_load_idx %gather3A_807[%broadcast_in_dim3A_803, %min3A_550] : memref<32x512xf32, #tpu.memory_space<vmem>>[vector<16xi32>, vector<16xi32>], vector<16xf32>,
          %broadcast_in_dim3A_809 = arith.constant 28 : i32
          %broadcast_in_dim3A_810 = vector.broadcast %broadcast_in_dim3A_809 : i32 to vector<16xi32>
          tpu.vector_store_idx %arg12[%sub3A_543, %broadcast_in_dim3A_810], %gather3A_808 masked %and3A_521 : memref<128x128xf32, #tpu.memory_space<vmem>>[vector<16xi32>, vector<16xi32>], vector<16xf32>, vector<16xi1>
          %broadcast_in_dim3A_811 = arith.constant 29 : i32
          %broadcast_in_dim3A_812 = vector.broadcast %broadcast_in_dim3A_811 : i32 to vector<16xi32>
          %gather3A_813 = arith.constant 0 : i32
          %gather3A_814 = arith.constant 0 : i32
          %gather3A_815 = tpu.memref_slice %arg11[%rem3A_451, %gather3A_813, %gather3A_814] : memref<3x32x512xf32, #tpu.memory_space<vmem>> -> memref<1x32x512xf32, #tpu.memory_space<vmem>>
          %gather3A_816 = tpu.memref_squeeze %gather3A_815 : memref<1x32x512xf32, #tpu.memory_space<vmem>> -> memref<32x512xf32, #tpu.memory_space<vmem>>
          %gather3A_817 = tpu.vector_load_idx %gather3A_816[%broadcast_in_dim3A_812, %min3A_550] : memref<32x512xf32, #tpu.memory_space<vmem>>[vector<16xi32>, vector<16xi32>], vector<16xf32>,
          %broadcast_in_dim3A_818 = arith.constant 29 : i32
          %broadcast_in_dim3A_819 = vector.broadcast %broadcast_in_dim3A_818 : i32 to vector<16xi32>
          tpu.vector_store_idx %arg12[%sub3A_543, %broadcast_in_dim3A_819], %gather3A_817 masked %and3A_521 : memref<128x128xf32, #tpu.memory_space<vmem>>[vector<16xi32>, vector<16xi32>], vector<16xf32>, vector<16xi1>
          %broadcast_in_dim3A_820 = arith.constant 30 : i32
          %broadcast_in_dim3A_821 = vector.broadcast %broadcast_in_dim3A_820 : i32 to vector<16xi32>
          %gather3A_822 = arith.constant 0 : i32
          %gather3A_823 = arith.constant 0 : i32
          %gather3A_824 = tpu.memref_slice %arg11[%rem3A_451, %gather3A_822, %gather3A_823] : memref<3x32x512xf32, #tpu.memory_space<vmem>> -> memref<1x32x512xf32, #tpu.memory_space<vmem>>
          %gather3A_825 = tpu.memref_squeeze %gather3A_824 : memref<1x32x512xf32, #tpu.memory_space<vmem>> -> memref<32x512xf32, #tpu.memory_space<vmem>>
          %gather3A_826 = tpu.vector_load_idx %gather3A_825[%broadcast_in_dim3A_821, %min3A_550] : memref<32x512xf32, #tpu.memory_space<vmem>>[vector<16xi32>, vector<16xi32>], vector<16xf32>,
          %broadcast_in_dim3A_827 = arith.constant 30 : i32
          %broadcast_in_dim3A_828 = vector.broadcast %broadcast_in_dim3A_827 : i32 to vector<16xi32>
          tpu.vector_store_idx %arg12[%sub3A_543, %broadcast_in_dim3A_828], %gather3A_826 masked %and3A_521 : memref<128x128xf32, #tpu.memory_space<vmem>>[vector<16xi32>, vector<16xi32>], vector<16xf32>, vector<16xi1>
          %broadcast_in_dim3A_829 = arith.constant 31 : i32
          %broadcast_in_dim3A_830 = vector.broadcast %broadcast_in_dim3A_829 : i32 to vector<16xi32>
          %gather3A_831 = arith.constant 0 : i32
          %gather3A_832 = arith.constant 0 : i32
          %gather3A_833 = tpu.memref_slice %arg11[%rem3A_451, %gather3A_831, %gather3A_832] : memref<3x32x512xf32, #tpu.memory_space<vmem>> -> memref<1x32x512xf32, #tpu.memory_space<vmem>>
          %gather3A_834 = tpu.memref_squeeze %gather3A_833 : memref<1x32x512xf32, #tpu.memory_space<vmem>> -> memref<32x512xf32, #tpu.memory_space<vmem>>
          %gather3A_835 = tpu.vector_load_idx %gather3A_834[%broadcast_in_dim3A_830, %min3A_550] : memref<32x512xf32, #tpu.memory_space<vmem>>[vector<16xi32>, vector<16xi32>], vector<16xf32>,
          %broadcast_in_dim3A_836 = arith.constant 31 : i32
          %broadcast_in_dim3A_837 = vector.broadcast %broadcast_in_dim3A_836 : i32 to vector<16xi32>
          tpu.vector_store_idx %arg12[%sub3A_543, %broadcast_in_dim3A_837], %gather3A_835 masked %and3A_521 : memref<128x128xf32, #tpu.memory_space<vmem>>[vector<16xi32>, vector<16xi32>], vector<16xf32>, vector<16xi1>
          tpu.vector_store_idx %arg13[%sub3A_543], %get3A_515 masked %and3A_521 : memref<128xi32, #tpu.memory_space<vmem>>[vector<16xi32>], vector<16xi32>, vector<16xi1>
          %add3A_838 = arith.addi %cond3A_535, %reduce_sum3A_524 : i32
          scf.yield %add3A_838 : i32
        } else {
          scf.yield %while3A_508 : i32
        }
        scf.yield %cond3A_528 : i32
      }
      scf.yield %while3A_506 : i32
    }
    %sub3A_129 = arith.constant 1 : i32
    %sub3A_130 = arith.subi %add3A_4, %sub3A_129 : i32
    %rem3A_131 = arith.constant 3 : i32
    %rem3A_132 = arith.remsi %add3A_4, %rem3A_131 : i32
    %add3A_133 = arith.addi %add3A_8, %sub3A_130 : i32
    %mul3A_134 = arith.constant 512 : i32
    %mul3A_135 = arith.muli %add3A_133, %mul3A_134 : i32
    %multiple_of3A_136 = tpu.assume_multiple %mul3A_135, 512 : i32
    %dma_wait3A = arith.constant 0 : i32
    %dma_wait3A_137 = arith.constant 0 : i32
    %dma_wait3A_138 = tpu.memref_slice %arg11[%rem3A_132, %dma_wait3A, %dma_wait3A_137] : memref<3x32x512xf32, #tpu.memory_space<vmem>> -> memref<1x32x512xf32, #tpu.memory_space<vmem>>
    %dma_wait3A_139 = tpu.memref_squeeze %dma_wait3A_138 : memref<1x32x512xf32, #tpu.memory_space<vmem>> -> memref<32x512xf32, #tpu.memory_space<vmem>>
    %dma_wait3A_140 = arith.constant 0 : i32
    %dma_wait3A_141 = tpu.memref_slice %arg4[%dma_wait3A_140, %multiple_of3A_136] : memref<32x1000000xf32, #tpu.memory_space<hbm>> -> memref<32x512xf32, #tpu.memory_space<hbm>>
    %dma_wait3A_142 = arith.constant 0 : i32
    %dma_wait3A_143 = arith.constant 0 : i32
    %dma_wait3A_144 = tpu.memref_slice %arg11[%rem3A_132, %dma_wait3A_142, %dma_wait3A_143] : memref<3x32x512xf32, #tpu.memory_space<vmem>> -> memref<1x32x512xf32, #tpu.memory_space<vmem>>
    %dma_wait3A_145 = tpu.memref_squeeze %dma_wait3A_144 : memref<1x32x512xf32, #tpu.memory_space<vmem>> -> memref<32x512xf32, #tpu.memory_space<vmem>>
    %dma_wait3A_146 = arith.constant 0 : i32
    %dma_wait3A_147 = tpu.memref_slice %arg4[%dma_wait3A_146, %multiple_of3A_136] : memref<32x1000000xf32, #tpu.memory_space<hbm>> -> memref<32x512xf32, #tpu.memory_space<hbm>>
    tpu.wait_dma2 semaphore(%arg14 : memref<!tpu.dma_semaphore, #tpu.memory_space<semaphore_mem>>) src(%dma_wait3A_147 : memref<32x512xf32, #tpu.memory_space<hbm>>) dst(%dma_wait3A_145 : memref<32x512xf32, #tpu.memory_space<vmem>>)
    %sub3A_148 = arith.constant 1 : i32
    %sub3A_149 = arith.subi %add3A_4, %sub3A_148 : i32
    %add3A_150 = arith.constant 1 : i32
    %add3A_151 = arith.addi %add3A_4, %add3A_150 : i32
    %rem3A_152 = arith.constant 3 : i32
    %rem3A_153 = arith.remsi %add3A_151, %rem3A_152 : i32
    %add3A_154 = arith.addi %add3A_8, %sub3A_149 : i32
    %mul3A_155 = arith.constant 512 : i32
    %mul3A_156 = arith.muli %add3A_154, %mul3A_155 : i32
    %multiple_of3A_157 = tpu.assume_multiple %mul3A_156, 512 : i32
    %dma_wait3A_158 = arith.constant 0 : i32
    %dma_wait3A_159 = arith.constant 0 : i32
    %dma_wait3A_160 = tpu.memref_slice %arg11[%rem3A_153, %dma_wait3A_158, %dma_wait3A_159] : memref<3x32x512xf32, #tpu.memory_space<vmem>> -> memref<1x32x512xf32, #tpu.memory_space<vmem>>
    %dma_wait3A_161 = tpu.memref_squeeze %dma_wait3A_160 : memref<1x32x512xf32, #tpu.memory_space<vmem>> -> memref<32x512xf32, #tpu.memory_space<vmem>>
    %dma_wait3A_162 = arith.constant 0 : i32
    %dma_wait3A_163 = tpu.memref_slice %arg4[%dma_wait3A_162, %multiple_of3A_157] : memref<32x1000000xf32, #tpu.memory_space<hbm>> -> memref<32x512xf32, #tpu.memory_space<hbm>>
    %dma_wait3A_164 = arith.constant 0 : i32
    %dma_wait3A_165 = arith.constant 0 : i32
    %dma_wait3A_166 = tpu.memref_slice %arg11[%rem3A_153, %dma_wait3A_164, %dma_wait3A_165] : memref<3x32x512xf32, #tpu.memory_space<vmem>> -> memref<1x32x512xf32, #tpu.memory_space<vmem>>
    %dma_wait3A_167 = tpu.memref_squeeze %dma_wait3A_166 : memref<1x32x512xf32, #tpu.memory_space<vmem>> -> memref<32x512xf32, #tpu.memory_space<vmem>>
    %dma_wait3A_168 = arith.constant 0 : i32
    %dma_wait3A_169 = tpu.memref_slice %arg4[%dma_wait3A_168, %multiple_of3A_157] : memref<32x1000000xf32, #tpu.memory_space<hbm>> -> memref<32x512xf32, #tpu.memory_space<hbm>>
    tpu.wait_dma2 semaphore(%arg14 : memref<!tpu.dma_semaphore, #tpu.memory_space<semaphore_mem>>) src(%dma_wait3A_169 : memref<32x512xf32, #tpu.memory_space<hbm>>) dst(%dma_wait3A_167 : memref<32x512xf32, #tpu.memory_space<vmem>>)
    %dma_start3A_170 = arith.constant 0 : i32
    %dma_start3A_171 = arith.constant 0 : i32
    %dma_start3A_172 = tpu.memref_slice %arg6[%dma_start3A_170, %dma_start3A_171] : memref<16512x128xf32, #tpu.memory_space<hbm>> -> memref<16512x128xf32, #tpu.memory_space<hbm>>
    tpu.enqueue_indirect_dma source(%arg12 : memref<128x128xf32, #tpu.memory_space<vmem>>) target(%dma_start3A_172 : memref<16512x128xf32, #tpu.memory_space<hbm>>) offsets(%arg13 : memref<128xi32, #tpu.memory_space<vmem>>) semaphore(%arg16 : memref<!tpu.dma_semaphore, #tpu.memory_space<semaphore_mem>>)
    %dma_wait3A_173 = arith.constant 0 : i32
    %dma_wait3A_174 = arith.constant 0 : i32
    %dma_wait3A_175 = tpu.memref_slice %arg6[%dma_wait3A_173, %dma_wait3A_174] : memref<16512x128xf32, #tpu.memory_space<hbm>> -> memref<16512x128xf32, #tpu.memory_space<hbm>>
    tpu.wait_indirect_dma semaphore(%arg16 : memref<!tpu.dma_semaphore, #tpu.memory_space<semaphore_mem>>) src(%arg12 : memref<128x128xf32, #tpu.memory_space<vmem>>) dst(%dma_wait3A_175 : memref<16512x128xf32, #tpu.memory_space<hbm>>)
    %add3A_176 = arith.constant 16384 : i32
    %add3A_177 = vector.broadcast %add3A_176 : i32 to vector<16xi32>
    %add3A_178 = arith.addi %add3A_177, %iota3A : vector<16xi32>
    %swap3A_179 = arith.constant 0 : index
    %swap3A_180 = tpu.vector_load %arg13[%swap3A_179] {strides = array<i32>} : memref<128xi32, #tpu.memory_space<vmem>>, vector<16xi32>,
    tpu.vector_store %arg13[%swap3A_179], %add3A_178 {strides = array<i32>} : memref<128xi32, #tpu.memory_space<vmem>>, vector<16xi32>,
    %add3A_181 = arith.constant 16400 : i32
    %add3A_182 = vector.broadcast %add3A_181 : i32 to vector<16xi32>
    %add3A_183 = arith.addi %add3A_182, %iota3A : vector<16xi32>
    %swap3A_184 = arith.constant 16 : index
    %swap3A_185 = tpu.vector_load %arg13[%swap3A_184] {strides = array<i32>} : memref<128xi32, #tpu.memory_space<vmem>>, vector<16xi32>,
    tpu.vector_store %arg13[%swap3A_184], %add3A_183 {strides = array<i32>} : memref<128xi32, #tpu.memory_space<vmem>>, vector<16xi32>,
    %add3A_186 = arith.constant 16416 : i32
    %add3A_187 = vector.broadcast %add3A_186 : i32 to vector<16xi32>
    %add3A_188 = arith.addi %add3A_187, %iota3A : vector<16xi32>
    %swap3A_189 = arith.constant 32 : index
    %swap3A_190 = tpu.vector_load %arg13[%swap3A_189] {strides = array<i32>} : memref<128xi32, #tpu.memory_space<vmem>>, vector<16xi32>,
    tpu.vector_store %arg13[%swap3A_189], %add3A_188 {strides = array<i32>} : memref<128xi32, #tpu.memory_space<vmem>>, vector<16xi32>,
    %add3A_191 = arith.constant 16432 : i32
    %add3A_192 = vector.broadcast %add3A_191 : i32 to vector<16xi32>
    %add3A_193 = arith.addi %add3A_192, %iota3A : vector<16xi32>
    %swap3A_194 = arith.constant 48 : index
    %swap3A_195 = tpu.vector_load %arg13[%swap3A_194] {strides = array<i32>} : memref<128xi32, #tpu.memory_space<vmem>>, vector<16xi32>,
    tpu.vector_store %arg13[%swap3A_194], %add3A_193 {strides = array<i32>} : memref<128xi32, #tpu.memory_space<vmem>>, vector<16xi32>,
    %add3A_196 = arith.constant 16448 : i32
    %add3A_197 = vector.broadcast %add3A_196 : i32 to vector<16xi32>
    %add3A_198 = arith.addi %add3A_197, %iota3A : vector<16xi32>
    %swap3A_199 = arith.constant 64 : index
    %swap3A_200 = tpu.vector_load %arg13[%swap3A_199] {strides = array<i32>} : memref<128xi32, #tpu.memory_space<vmem>>, vector<16xi32>,
    tpu.vector_store %arg13[%swap3A_199], %add3A_198 {strides = array<i32>} : memref<128xi32, #tpu.memory_space<vmem>>, vector<16xi32>,
    %add3A_201 = arith.constant 16464 : i32
    %add3A_202 = vector.broadcast %add3A_201 : i32 to vector<16xi32>
    %add3A_203 = arith.addi %add3A_202, %iota3A : vector<16xi32>
    %swap3A_204 = arith.constant 80 : index
    %swap3A_205 = tpu.vector_load %arg13[%swap3A_204] {strides = array<i32>} : memref<128xi32, #tpu.memory_space<vmem>>, vector<16xi32>,
    tpu.vector_store %arg13[%swap3A_204], %add3A_203 {strides = array<i32>} : memref<128xi32, #tpu.memory_space<vmem>>, vector<16xi32>,
    %add3A_206 = arith.constant 16480 : i32
    %add3A_207 = vector.broadcast %add3A_206 : i32 to vector<16xi32>
    %add3A_208 = arith.addi %add3A_207, %iota3A : vector<16xi32>
    %swap3A_209 = arith.constant 96 : index
    %swap3A_210 = tpu.vector_load %arg13[%swap3A_209] {strides = array<i32>} : memref<128xi32, #tpu.memory_space<vmem>>, vector<16xi32>,
    tpu.vector_store %arg13[%swap3A_209], %add3A_208 {strides = array<i32>} : memref<128xi32, #tpu.memory_space<vmem>>, vector<16xi32>,
    %add3A_211 = arith.constant 16496 : i32
    %add3A_212 = vector.broadcast %add3A_211 : i32 to vector<16xi32>
    %add3A_213 = arith.addi %add3A_212, %iota3A : vector<16xi32>
    %swap3A_214 = arith.constant 112 : index
    %swap3A_215 = tpu.vector_load %arg13[%swap3A_214] {strides = array<i32>} : memref<128xi32, #tpu.memory_space<vmem>>, vector<16xi32>,
    tpu.vector_store %arg13[%swap3A_214], %add3A_213 {strides = array<i32>} : memref<128xi32, #tpu.memory_space<vmem>>, vector<16xi32>,
    %lt3A_216 = arith.constant 3 : i32
    %lt3A_217 = arith.cmpi slt, %add3A, %lt3A_216 : i32
    %jit3A_218 = arith.constant 1 : i32
    %jit3A_219 = arith.constant 0 : i32
    %select_n3A_220 = arith.select %lt3A_217, %jit3A_218, %jit3A_219 : i32
    %add3A_221 = arith.constant 6 : i32
    %add3A_222 = arith.addi %add3A_221, %select_n3A_220 : i32
    %mul3A_223 = arith.constant 6 : i32
    %mul3A_224 = arith.muli %add3A, %mul3A_223 : i32
    %min3A_225 = arith.constant 3 : i32
    %min3A_226 = arith.minsi %add3A, %min3A_225 : i32
    %add3A_227 = arith.addi %mul3A_224, %min3A_226 : i32
    %mul3A_228 = arith.constant 512 : i32
    %mul3A_229 = arith.muli %add3A_227, %mul3A_228 : i32
    %mul3A_230 = arith.constant 512 : i32
    %mul3A_231 = arith.muli %add3A_222, %mul3A_230 : i32
    %add3A_232 = arith.addi %mul3A_229, %mul3A_231 : i32
    "tpu.region"() ({
      %run_scoped3A = tpu.sem_alloc : memref<!tpu.dma_semaphore, #tpu.memory_space<semaphore_mem>>
      tpu.enqueue_dma source(%arg3 : memref<128x128xi32, #tpu.memory_space<hbm>>) target(%arg8 : memref<128x128xi32, #tpu.memory_space<vmem>>) target_semaphore(%run_scoped3A : memref<!tpu.dma_semaphore, #tpu.memory_space<semaphore_mem>>)
      tpu.wait_dma2 semaphore(%run_scoped3A : memref<!tpu.dma_semaphore, #tpu.memory_space<semaphore_mem>>) src(%arg3 : memref<128x128xi32, #tpu.memory_space<hbm>>) dst(%arg8 : memref<128x128xi32, #tpu.memory_space<vmem>>)
      tpu.yield
    }) : () -> ()
    %add3A_233 = arith.constant 16384 : i32
    %add3A_234 = vector.broadcast %add3A_233 : i32 to vector<16xi32>
    %add3A_235 = arith.addi %add3A_234, %iota3A : vector<16xi32>
    %swap3A_236 = arith.constant 0 : index
    %swap3A_237 = tpu.vector_load %arg13[%swap3A_236] {strides = array<i32>} : memref<128xi32, #tpu.memory_space<vmem>>, vector<16xi32>,
    tpu.vector_store %arg13[%swap3A_236], %add3A_235 {strides = array<i32>} : memref<128xi32, #tpu.memory_space<vmem>>, vector<16xi32>,
    %add3A_238 = arith.constant 16400 : i32
    %add3A_239 = vector.broadcast %add3A_238 : i32 to vector<16xi32>
    %add3A_240 = arith.addi %add3A_239, %iota3A : vector<16xi32>
    %swap3A_241 = arith.constant 16 : index
    %swap3A_242 = tpu.vector_load %arg13[%swap3A_241] {strides = array<i32>} : memref<128xi32, #tpu.memory_space<vmem>>, vector<16xi32>,
    tpu.vector_store %arg13[%swap3A_241], %add3A_240 {strides = array<i32>} : memref<128xi32, #tpu.memory_space<vmem>>, vector<16xi32>,
    %add3A_243 = arith.constant 16416 : i32
    %add3A_244 = vector.broadcast %add3A_243 : i32 to vector<16xi32>
    %add3A_245 = arith.addi %add3A_244, %iota3A : vector<16xi32>
    %swap3A_246 = arith.constant 32 : index
    %swap3A_247 = tpu.vector_load %arg13[%swap3A_246] {strides = array<i32>} : memref<128xi32, #tpu.memory_space<vmem>>, vector<16xi32>,
    tpu.vector_store %arg13[%swap3A_246], %add3A_245 {strides = array<i32>} : memref<128xi32, #tpu.memory_space<vmem>>, vector<16xi32>,
    %add3A_248 = arith.constant 16432 : i32
    %add3A_249 = vector.broadcast %add3A_248 : i32 to vector<16xi32>
    %add3A_250 = arith.addi %add3A_249, %iota3A : vector<16xi32>
    %swap3A_251 = arith.constant 48 : index
    %swap3A_252 = tpu.vector_load %arg13[%swap3A_251] {strides = array<i32>} : memref<128xi32, #tpu.memory_space<vmem>>, vector<16xi32>,
    tpu.vector_store %arg13[%swap3A_251], %add3A_250 {strides = array<i32>} : memref<128xi32, #tpu.memory_space<vmem>>, vector<16xi32>,
    %add3A_253 = arith.constant 16448 : i32
    %add3A_254 = vector.broadcast %add3A_253 : i32 to vector<16xi32>
    %add3A_255 = arith.addi %add3A_254, %iota3A : vector<16xi32>
    %swap3A_256 = arith.constant 64 : index
    %swap3A_257 = tpu.vector_load %arg13[%swap3A_256] {strides = array<i32>} : memref<128xi32, #tpu.memory_space<vmem>>, vector<16xi32>,
    tpu.vector_store %arg13[%swap3A_256], %add3A_255 {strides = array<i32>} : memref<128xi32, #tpu.memory_space<vmem>>, vector<16xi32>,
    %add3A_258 = arith.constant 16464 : i32
    %add3A_259 = vector.broadcast %add3A_258 : i32 to vector<16xi32>
    %add3A_260 = arith.addi %add3A_259, %iota3A : vector<16xi32>
    %swap3A_261 = arith.constant 80 : index
    %swap3A_262 = tpu.vector_load %arg13[%swap3A_261] {strides = array<i32>} : memref<128xi32, #tpu.memory_space<vmem>>, vector<16xi32>,
    tpu.vector_store %arg13[%swap3A_261], %add3A_260 {strides = array<i32>} : memref<128xi32, #tpu.memory_space<vmem>>, vector<16xi32>,
    %add3A_263 = arith.constant 16480 : i32
    %add3A_264 = vector.broadcast %add3A_263 : i32 to vector<16xi32>
    %add3A_265 = arith.addi %add3A_264, %iota3A : vector<16xi32>
    %swap3A_266 = arith.constant 96 : index
    %swap3A_267 = tpu.vector_load %arg13[%swap3A_266] {strides = array<i32>} : memref<128xi32, #tpu.memory_space<vmem>>, vector<16xi32>,
    tpu.vector_store %arg13[%swap3A_266], %add3A_265 {strides = array<i32>} : memref<128xi32, #tpu.memory_space<vmem>>, vector<16xi32>,
    %add3A_268 = arith.constant 16496 : i32
    %add3A_269 = vector.broadcast %add3A_268 : i32 to vector<16xi32>
    %add3A_270 = arith.addi %add3A_269, %iota3A : vector<16xi32>
    %swap3A_271 = arith.constant 112 : index
    %swap3A_272 = tpu.vector_load %arg13[%swap3A_271] {strides = array<i32>} : memref<128xi32, #tpu.memory_space<vmem>>, vector<16xi32>,
    tpu.vector_store %arg13[%swap3A_271], %add3A_270 {strides = array<i32>} : memref<128xi32, #tpu.memory_space<vmem>>, vector<16xi32>,
    %scan3A_273 = arith.constant 0 : i32
    %scan3A_274 = arith.constant 0 : i32
    %scan3A_275 = arith.constant 128 : i32
    %scan3A_276 = arith.addi %scan3A_274, %scan3A_275 : i32
    %scan3A_277 = arith.constant 1 : i32
    %scan3A_278 = scf.for %scan3A_448 = %scan3A_274 to %scan3A_276 step %scan3A_277 iter_args(%scan3A_449 = %scan3A_273) -> (i32)  : i32 {
      %get3A = arith.index_cast %scan3A_448 : i32 to index
      %get3A_450 = arith.constant 0 : index
      %get3A_451 = tpu.vector_load %arg8[%get3A, %get3A_450] {strides = array<i32>} : memref<128x128xi32, #tpu.memory_space<vmem>>, vector<16xi32>,
      %mul3A_452 = arith.constant 128 : i32
      %mul3A_453 = arith.muli %scan3A_448, %mul3A_452 : i32
      %add3A_454 = arith.constant 0 : i32
      %add3A_455 = arith.addi %mul3A_453, %add3A_454 : i32
      %add3A_456 = vector.broadcast %add3A_455 : i32 to vector<16xi32>
      %add3A_457 = arith.addi %add3A_456, %iota3A : vector<16xi32>
      %ge3A = vector.broadcast %mul3A_229 : i32 to vector<16xi32>
      %ge3A_458 = arith.cmpi sge, %get3A_451, %ge3A : vector<16xi32>
      %lt3A_459 = vector.broadcast %add3A_232 : i32 to vector<16xi32>
      %lt3A_460 = arith.cmpi slt, %get3A_451, %lt3A_459 : vector<16xi32>
      %and3A_461 = arith.andi %ge3A_458, %lt3A_460 : vector<16xi1>
      %swap3A_462 = arith.index_cast %scan3A_449 : i32 to index
      %swap3A_463 = tpu.vector_load %arg9[%swap3A_462] masked %and3A_461 {strides = array<i32>} : memref<16400xi32, #tpu.memory_space<vmem>>, vector<16xi32>, vector<16xi1>
      tpu.vector_store %arg9[%swap3A_462], %get3A_451 masked %and3A_461 {strides = array<i32>} : memref<16400xi32, #tpu.memory_space<vmem>>, vector<16xi32>, vector<16xi1>
      %swap3A_464 = arith.index_cast %scan3A_449 : i32 to index
      %swap3A_465 = tpu.vector_load %arg10[%swap3A_464] masked %and3A_461 {strides = array<i32>} : memref<16400xi32, #tpu.memory_space<vmem>>, vector<16xi32>, vector<16xi1>
      tpu.vector_store %arg10[%swap3A_464], %add3A_457 masked %and3A_461 {strides = array<i32>} : memref<16400xi32, #tpu.memory_space<vmem>>, vector<16xi32>, vector<16xi1>
      %convert_element_type3A = arith.extui %and3A_461 : vector<16xi1> to vector<16xi32>
      %reduce_sum3A = arith.constant true
      %reduce_sum3A_466 = vector.broadcast %reduce_sum3A : i1 to vector<16xi1>
      %reduce_sum3A_467 = tpu.scan <sum>, %convert_element_type3A masked %reduce_sum3A_466 : vector<16xi32>, vector<16xi1> -> vector<16xi32>
      %reduce_sum3A_468 = vector.extract %reduce_sum3A_467[15] : i32 from vector<16xi32>
      %add3A_469 = arith.addi %scan3A_449, %reduce_sum3A_468 : i32
      %get3A_470 = arith.index_cast %scan3A_448 : i32 to index
      %get3A_471 = arith.constant 16 : index
      %get3A_472 = tpu.vector_load %arg8[%get3A_470, %get3A_471] {strides = array<i32>} : memref<128x128xi32, #tpu.memory_space<vmem>>, vector<16xi32>,
      %mul3A_473 = arith.constant 128 : i32
      %mul3A_474 = arith.muli %scan3A_448, %mul3A_473 : i32
      %add3A_475 = arith.constant 16 : i32
      %add3A_476 = arith.addi %mul3A_474, %add3A_475 : i32
      %add3A_477 = vector.broadcast %add3A_476 : i32 to vector<16xi32>
      %add3A_478 = arith.addi %add3A_477, %iota3A : vector<16xi32>
      %ge3A_479 = vector.broadcast %mul3A_229 : i32 to vector<16xi32>
      %ge3A_480 = arith.cmpi sge, %get3A_472, %ge3A_479 : vector<16xi32>
      %lt3A_481 = vector.broadcast %add3A_232 : i32 to vector<16xi32>
      %lt3A_482 = arith.cmpi slt, %get3A_472, %lt3A_481 : vector<16xi32>
      %and3A_483 = arith.andi %ge3A_480, %lt3A_482 : vector<16xi1>
      %swap3A_484 = arith.index_cast %add3A_469 : i32 to index
      %swap3A_485 = tpu.vector_load %arg9[%swap3A_484] masked %and3A_483 {strides = array<i32>} : memref<16400xi32, #tpu.memory_space<vmem>>, vector<16xi32>, vector<16xi1>
      tpu.vector_store %arg9[%swap3A_484], %get3A_472 masked %and3A_483 {strides = array<i32>} : memref<16400xi32, #tpu.memory_space<vmem>>, vector<16xi32>, vector<16xi1>
      %swap3A_486 = arith.index_cast %add3A_469 : i32 to index
      %swap3A_487 = tpu.vector_load %arg10[%swap3A_486] masked %and3A_483 {strides = array<i32>} : memref<16400xi32, #tpu.memory_space<vmem>>, vector<16xi32>, vector<16xi1>
      tpu.vector_store %arg10[%swap3A_486], %add3A_478 masked %and3A_483 {strides = array<i32>} : memref<16400xi32, #tpu.memory_space<vmem>>, vector<16xi32>, vector<16xi1>
      %convert_element_type3A_488 = arith.extui %and3A_483 : vector<16xi1> to vector<16xi32>
      %reduce_sum3A_489 = arith.constant true
      %reduce_sum3A_490 = vector.broadcast %reduce_sum3A_489 : i1 to vector<16xi1>
      %reduce_sum3A_491 = tpu.scan <sum>, %convert_element_type3A_488 masked %reduce_sum3A_490 : vector<16xi32>, vector<16xi1> -> vector<16xi32>
      %reduce_sum3A_492 = vector.extract %reduce_sum3A_491[15] : i32 from vector<16xi32>
      %add3A_493 = arith.addi %add3A_469, %reduce_sum3A_492 : i32
      %get3A_494 = arith.index_cast %scan3A_448 : i32 to index
      %get3A_495 = arith.constant 32 : index
      %get3A_496 = tpu.vector_load %arg8[%get3A_494, %get3A_495] {strides = array<i32>} : memref<128x128xi32, #tpu.memory_space<vmem>>, vector<16xi32>,
      %mul3A_497 = arith.constant 128 : i32
      %mul3A_498 = arith.muli %scan3A_448, %mul3A_497 : i32
      %add3A_499 = arith.constant 32 : i32
      %add3A_500 = arith.addi %mul3A_498, %add3A_499 : i32
      %add3A_501 = vector.broadcast %add3A_500 : i32 to vector<16xi32>
      %add3A_502 = arith.addi %add3A_501, %iota3A : vector<16xi32>
      %ge3A_503 = vector.broadcast %mul3A_229 : i32 to vector<16xi32>
      %ge3A_504 = arith.cmpi sge, %get3A_496, %ge3A_503 : vector<16xi32>
      %lt3A_505 = vector.broadcast %add3A_232 : i32 to vector<16xi32>
      %lt3A_506 = arith.cmpi slt, %get3A_496, %lt3A_505 : vector<16xi32>
      %and3A_507 = arith.andi %ge3A_504, %lt3A_506 : vector<16xi1>
      %swap3A_508 = arith.index_cast %add3A_493 : i32 to index
      %swap3A_509 = tpu.vector_load %arg9[%swap3A_508] masked %and3A_507 {strides = array<i32>} : memref<16400xi32, #tpu.memory_space<vmem>>, vector<16xi32>, vector<16xi1>
      tpu.vector_store %arg9[%swap3A_508], %get3A_496 masked %and3A_507 {strides = array<i32>} : memref<16400xi32, #tpu.memory_space<vmem>>, vector<16xi32>, vector<16xi1>
      %swap3A_510 = arith.index_cast %add3A_493 : i32 to index
      %swap3A_511 = tpu.vector_load %arg10[%swap3A_510] masked %and3A_507 {strides = array<i32>} : memref<16400xi32, #tpu.memory_space<vmem>>, vector<16xi32>, vector<16xi1>
      tpu.vector_store %arg10[%swap3A_510], %add3A_502 masked %and3A_507 {strides = array<i32>} : memref<16400xi32, #tpu.memory_space<vmem>>, vector<16xi32>, vector<16xi1>
      %convert_element_type3A_512 = arith.extui %and3A_507 : vector<16xi1> to vector<16xi32>
      %reduce_sum3A_513 = arith.constant true
      %reduce_sum3A_514 = vector.broadcast %reduce_sum3A_513 : i1 to vector<16xi1>
      %reduce_sum3A_515 = tpu.scan <sum>, %convert_element_type3A_512 masked %reduce_sum3A_514 : vector<16xi32>, vector<16xi1> -> vector<16xi32>
      %reduce_sum3A_516 = vector.extract %reduce_sum3A_515[15] : i32 from vector<16xi32>
      %add3A_517 = arith.addi %add3A_493, %reduce_sum3A_516 : i32
      %get3A_518 = arith.index_cast %scan3A_448 : i32 to index
      %get3A_519 = arith.constant 48 : index
      %get3A_520 = tpu.vector_load %arg8[%get3A_518, %get3A_519] {strides = array<i32>} : memref<128x128xi32, #tpu.memory_space<vmem>>, vector<16xi32>,
      %mul3A_521 = arith.constant 128 : i32
      %mul3A_522 = arith.muli %scan3A_448, %mul3A_521 : i32
      %add3A_523 = arith.constant 48 : i32
      %add3A_524 = arith.addi %mul3A_522, %add3A_523 : i32
      %add3A_525 = vector.broadcast %add3A_524 : i32 to vector<16xi32>
      %add3A_526 = arith.addi %add3A_525, %iota3A : vector<16xi32>
      %ge3A_527 = vector.broadcast %mul3A_229 : i32 to vector<16xi32>
      %ge3A_528 = arith.cmpi sge, %get3A_520, %ge3A_527 : vector<16xi32>
      %lt3A_529 = vector.broadcast %add3A_232 : i32 to vector<16xi32>
      %lt3A_530 = arith.cmpi slt, %get3A_520, %lt3A_529 : vector<16xi32>
      %and3A_531 = arith.andi %ge3A_528, %lt3A_530 : vector<16xi1>
      %swap3A_532 = arith.index_cast %add3A_517 : i32 to index
      %swap3A_533 = tpu.vector_load %arg9[%swap3A_532] masked %and3A_531 {strides = array<i32>} : memref<16400xi32, #tpu.memory_space<vmem>>, vector<16xi32>, vector<16xi1>
      tpu.vector_store %arg9[%swap3A_532], %get3A_520 masked %and3A_531 {strides = array<i32>} : memref<16400xi32, #tpu.memory_space<vmem>>, vector<16xi32>, vector<16xi1>
      %swap3A_534 = arith.index_cast %add3A_517 : i32 to index
      %swap3A_535 = tpu.vector_load %arg10[%swap3A_534] masked %and3A_531 {strides = array<i32>} : memref<16400xi32, #tpu.memory_space<vmem>>, vector<16xi32>, vector<16xi1>
      tpu.vector_store %arg10[%swap3A_534], %add3A_526 masked %and3A_531 {strides = array<i32>} : memref<16400xi32, #tpu.memory_space<vmem>>, vector<16xi32>, vector<16xi1>
      %convert_element_type3A_536 = arith.extui %and3A_531 : vector<16xi1> to vector<16xi32>
      %reduce_sum3A_537 = arith.constant true
      %reduce_sum3A_538 = vector.broadcast %reduce_sum3A_537 : i1 to vector<16xi1>
      %reduce_sum3A_539 = tpu.scan <sum>, %convert_element_type3A_536 masked %reduce_sum3A_538 : vector<16xi32>, vector<16xi1> -> vector<16xi32>
      %reduce_sum3A_540 = vector.extract %reduce_sum3A_539[15] : i32 from vector<16xi32>
      %add3A_541 = arith.addi %add3A_517, %reduce_sum3A_540 : i32
      %get3A_542 = arith.index_cast %scan3A_448 : i32 to index
      %get3A_543 = arith.constant 64 : index
      %get3A_544 = tpu.vector_load %arg8[%get3A_542, %get3A_543] {strides = array<i32>} : memref<128x128xi32, #tpu.memory_space<vmem>>, vector<16xi32>,
      %mul3A_545 = arith.constant 128 : i32
      %mul3A_546 = arith.muli %scan3A_448, %mul3A_545 : i32
      %add3A_547 = arith.constant 64 : i32
      %add3A_548 = arith.addi %mul3A_546, %add3A_547 : i32
      %add3A_549 = vector.broadcast %add3A_548 : i32 to vector<16xi32>
      %add3A_550 = arith.addi %add3A_549, %iota3A : vector<16xi32>
      %ge3A_551 = vector.broadcast %mul3A_229 : i32 to vector<16xi32>
      %ge3A_552 = arith.cmpi sge, %get3A_544, %ge3A_551 : vector<16xi32>
      %lt3A_553 = vector.broadcast %add3A_232 : i32 to vector<16xi32>
      %lt3A_554 = arith.cmpi slt, %get3A_544, %lt3A_553 : vector<16xi32>
      %and3A_555 = arith.andi %ge3A_552, %lt3A_554 : vector<16xi1>
      %swap3A_556 = arith.index_cast %add3A_541 : i32 to index
      %swap3A_557 = tpu.vector_load %arg9[%swap3A_556] masked %and3A_555 {strides = array<i32>} : memref<16400xi32, #tpu.memory_space<vmem>>, vector<16xi32>, vector<16xi1>
      tpu.vector_store %arg9[%swap3A_556], %get3A_544 masked %and3A_555 {strides = array<i32>} : memref<16400xi32, #tpu.memory_space<vmem>>, vector<16xi32>, vector<16xi1>
      %swap3A_558 = arith.index_cast %add3A_541 : i32 to index
      %swap3A_559 = tpu.vector_load %arg10[%swap3A_558] masked %and3A_555 {strides = array<i32>} : memref<16400xi32, #tpu.memory_space<vmem>>, vector<16xi32>, vector<16xi1>
      tpu.vector_store %arg10[%swap3A_558], %add3A_550 masked %and3A_555 {strides = array<i32>} : memref<16400xi32, #tpu.memory_space<vmem>>, vector<16xi32>, vector<16xi1>
      %convert_element_type3A_560 = arith.extui %and3A_555 : vector<16xi1> to vector<16xi32>
      %reduce_sum3A_561 = arith.constant true
      %reduce_sum3A_562 = vector.broadcast %reduce_sum3A_561 : i1 to vector<16xi1>
      %reduce_sum3A_563 = tpu.scan <sum>, %convert_element_type3A_560 masked %reduce_sum3A_562 : vector<16xi32>, vector<16xi1> -> vector<16xi32>
      %reduce_sum3A_564 = vector.extract %reduce_sum3A_563[15] : i32 from vector<16xi32>
      %add3A_565 = arith.addi %add3A_541, %reduce_sum3A_564 : i32
      %get3A_566 = arith.index_cast %scan3A_448 : i32 to index
      %get3A_567 = arith.constant 80 : index
      %get3A_568 = tpu.vector_load %arg8[%get3A_566, %get3A_567] {strides = array<i32>} : memref<128x128xi32, #tpu.memory_space<vmem>>, vector<16xi32>,
      %mul3A_569 = arith.constant 128 : i32
      %mul3A_570 = arith.muli %scan3A_448, %mul3A_569 : i32
      %add3A_571 = arith.constant 80 : i32
      %add3A_572 = arith.addi %mul3A_570, %add3A_571 : i32
      %add3A_573 = vector.broadcast %add3A_572 : i32 to vector<16xi32>
      %add3A_574 = arith.addi %add3A_573, %iota3A : vector<16xi32>
      %ge3A_575 = vector.broadcast %mul3A_229 : i32 to vector<16xi32>
      %ge3A_576 = arith.cmpi sge, %get3A_568, %ge3A_575 : vector<16xi32>
      %lt3A_577 = vector.broadcast %add3A_232 : i32 to vector<16xi32>
      %lt3A_578 = arith.cmpi slt, %get3A_568, %lt3A_577 : vector<16xi32>
      %and3A_579 = arith.andi %ge3A_576, %lt3A_578 : vector<16xi1>
      %swap3A_580 = arith.index_cast %add3A_565 : i32 to index
      %swap3A_581 = tpu.vector_load %arg9[%swap3A_580] masked %and3A_579 {strides = array<i32>} : memref<16400xi32, #tpu.memory_space<vmem>>, vector<16xi32>, vector<16xi1>
      tpu.vector_store %arg9[%swap3A_580], %get3A_568 masked %and3A_579 {strides = array<i32>} : memref<16400xi32, #tpu.memory_space<vmem>>, vector<16xi32>, vector<16xi1>
      %swap3A_582 = arith.index_cast %add3A_565 : i32 to index
      %swap3A_583 = tpu.vector_load %arg10[%swap3A_582] masked %and3A_579 {strides = array<i32>} : memref<16400xi32, #tpu.memory_space<vmem>>, vector<16xi32>, vector<16xi1>
      tpu.vector_store %arg10[%swap3A_582], %add3A_574 masked %and3A_579 {strides = array<i32>} : memref<16400xi32, #tpu.memory_space<vmem>>, vector<16xi32>, vector<16xi1>
      %convert_element_type3A_584 = arith.extui %and3A_579 : vector<16xi1> to vector<16xi32>
      %reduce_sum3A_585 = arith.constant true
      %reduce_sum3A_586 = vector.broadcast %reduce_sum3A_585 : i1 to vector<16xi1>
      %reduce_sum3A_587 = tpu.scan <sum>, %convert_element_type3A_584 masked %reduce_sum3A_586 : vector<16xi32>, vector<16xi1> -> vector<16xi32>
      %reduce_sum3A_588 = vector.extract %reduce_sum3A_587[15] : i32 from vector<16xi32>
      %add3A_589 = arith.addi %add3A_565, %reduce_sum3A_588 : i32
      %get3A_590 = arith.index_cast %scan3A_448 : i32 to index
      %get3A_591 = arith.constant 96 : index
      %get3A_592 = tpu.vector_load %arg8[%get3A_590, %get3A_591] {strides = array<i32>} : memref<128x128xi32, #tpu.memory_space<vmem>>, vector<16xi32>,
      %mul3A_593 = arith.constant 128 : i32
      %mul3A_594 = arith.muli %scan3A_448, %mul3A_593 : i32
      %add3A_595 = arith.constant 96 : i32
      %add3A_596 = arith.addi %mul3A_594, %add3A_595 : i32
      %add3A_597 = vector.broadcast %add3A_596 : i32 to vector<16xi32>
      %add3A_598 = arith.addi %add3A_597, %iota3A : vector<16xi32>
      %ge3A_599 = vector.broadcast %mul3A_229 : i32 to vector<16xi32>
      %ge3A_600 = arith.cmpi sge, %get3A_592, %ge3A_599 : vector<16xi32>
      %lt3A_601 = vector.broadcast %add3A_232 : i32 to vector<16xi32>
      %lt3A_602 = arith.cmpi slt, %get3A_592, %lt3A_601 : vector<16xi32>
      %and3A_603 = arith.andi %ge3A_600, %lt3A_602 : vector<16xi1>
      %swap3A_604 = arith.index_cast %add3A_589 : i32 to index
      %swap3A_605 = tpu.vector_load %arg9[%swap3A_604] masked %and3A_603 {strides = array<i32>} : memref<16400xi32, #tpu.memory_space<vmem>>, vector<16xi32>, vector<16xi1>
      tpu.vector_store %arg9[%swap3A_604], %get3A_592 masked %and3A_603 {strides = array<i32>} : memref<16400xi32, #tpu.memory_space<vmem>>, vector<16xi32>, vector<16xi1>
      %swap3A_606 = arith.index_cast %add3A_589 : i32 to index
      %swap3A_607 = tpu.vector_load %arg10[%swap3A_606] masked %and3A_603 {strides = array<i32>} : memref<16400xi32, #tpu.memory_space<vmem>>, vector<16xi32>, vector<16xi1>
      tpu.vector_store %arg10[%swap3A_606], %add3A_598 masked %and3A_603 {strides = array<i32>} : memref<16400xi32, #tpu.memory_space<vmem>>, vector<16xi32>, vector<16xi1>
      %convert_element_type3A_608 = arith.extui %and3A_603 : vector<16xi1> to vector<16xi32>
      %reduce_sum3A_609 = arith.constant true
      %reduce_sum3A_610 = vector.broadcast %reduce_sum3A_609 : i1 to vector<16xi1>
      %reduce_sum3A_611 = tpu.scan <sum>, %convert_element_type3A_608 masked %reduce_sum3A_610 : vector<16xi32>, vector<16xi1> -> vector<16xi32>
      %reduce_sum3A_612 = vector.extract %reduce_sum3A_611[15] : i32 from vector<16xi32>
      %add3A_613 = arith.addi %add3A_589, %reduce_sum3A_612 : i32
      %get3A_614 = arith.index_cast %scan3A_448 : i32 to index
      %get3A_615 = arith.constant 112 : index
      %get3A_616 = tpu.vector_load %arg8[%get3A_614, %get3A_615] {strides = array<i32>} : memref<128x128xi32, #tpu.memory_space<vmem>>, vector<16xi32>,
      %mul3A_617 = arith.constant 128 : i32
      %mul3A_618 = arith.muli %scan3A_448, %mul3A_617 : i32
      %add3A_619 = arith.constant 112 : i32
      %add3A_620 = arith.addi %mul3A_618, %add3A_619 : i32
      %add3A_621 = vector.broadcast %add3A_620 : i32 to vector<16xi32>
      %add3A_622 = arith.addi %add3A_621, %iota3A : vector<16xi32>
      %ge3A_623 = vector.broadcast %mul3A_229 : i32 to vector<16xi32>
      %ge3A_624 = arith.cmpi sge, %get3A_616, %ge3A_623 : vector<16xi32>
      %lt3A_625 = vector.broadcast %add3A_232 : i32 to vector<16xi32>
      %lt3A_626 = arith.cmpi slt, %get3A_616, %lt3A_625 : vector<16xi32>
      %and3A_627 = arith.andi %ge3A_624, %lt3A_626 : vector<16xi1>
      %swap3A_628 = arith.index_cast %add3A_613 : i32 to index
      %swap3A_629 = tpu.vector_load %arg9[%swap3A_628] masked %and3A_627 {strides = array<i32>} : memref<16400xi32, #tpu.memory_space<vmem>>, vector<16xi32>, vector<16xi1>
      tpu.vector_store %arg9[%swap3A_628], %get3A_616 masked %and3A_627 {strides = array<i32>} : memref<16400xi32, #tpu.memory_space<vmem>>, vector<16xi32>, vector<16xi1>
      %swap3A_630 = arith.index_cast %add3A_613 : i32 to index
      %swap3A_631 = tpu.vector_load %arg10[%swap3A_630] masked %and3A_627 {strides = array<i32>} : memref<16400xi32, #tpu.memory_space<vmem>>, vector<16xi32>, vector<16xi1>
      tpu.vector_store %arg10[%swap3A_630], %add3A_622 masked %and3A_627 {strides = array<i32>} : memref<16400xi32, #tpu.memory_space<vmem>>, vector<16xi32>, vector<16xi1>
      %convert_element_type3A_632 = arith.extui %and3A_627 : vector<16xi1> to vector<16xi32>
      %reduce_sum3A_633 = arith.constant true
      %reduce_sum3A_634 = vector.broadcast %reduce_sum3A_633 : i1 to vector<16xi1>
      %reduce_sum3A_635 = tpu.scan <sum>, %convert_element_type3A_632 masked %reduce_sum3A_634 : vector<16xi32>, vector<16xi1> -> vector<16xi32>
      %reduce_sum3A_636 = vector.extract %reduce_sum3A_635[15] : i32 from vector<16xi32>
      %add3A_637 = arith.addi %add3A_613, %reduce_sum3A_636 : i32
      scf.yield %add3A_637 : i32
    }
    %scan3A_279 = arith.constant 128 : i32
    %broadcast_in_dim3A_280 = arith.constant 1073741824 : i32
    %broadcast_in_dim3A_281 = vector.broadcast %broadcast_in_dim3A_280 : i32 to vector<16xi32>
    %swap3A_282 = arith.index_cast %scan3A_278 : i32 to index
    %swap3A_283 = tpu.vector_load %arg9[%swap3A_282] {strides = array<i32>} : memref<16400xi32, #tpu.memory_space<vmem>>, vector<16xi32>,
    tpu.vector_store %arg9[%swap3A_282], %broadcast_in_dim3A_281 {strides = array<i32>} : memref<16400xi32, #tpu.memory_space<vmem>>, vector<16xi32>,
    %add3A_284 = arith.constant 16 : i32
    %add3A_285 = arith.addi %scan3A_278, %add3A_284 : i32
    %sub3A_286 = arith.constant 1 : i32
    %sub3A_287 = arith.subi %add3A_285, %sub3A_286 : i32
    %jit3A_288 = arith.constant 16 : i32
    %div3A_289 = arith.divsi %sub3A_287, %jit3A_288 : i32
    %sign3A_290 = arith.constant 0 : i32
    %sign3A_291 = arith.cmpi sgt, %sub3A_287, %sign3A_290 : i32
    %sign3A_292 = arith.extui %sign3A_291 : i1 to i32
    %sign3A_293 = arith.constant 0 : i32
    %sign3A_294 = arith.cmpi slt, %sub3A_287, %sign3A_293 : i32
    %sign3A_295 = arith.extui %sign3A_294 : i1 to i32
    %sign3A_296 = arith.subi %sign3A_292, %sign3A_295 : i32
    %sign3A_297 = arith.constant 0 : i32
    %sign3A_298 = arith.cmpi sgt, %jit3A_288, %sign3A_297 : i32
    %sign3A_299 = arith.extui %sign3A_298 : i1 to i32
    %sign3A_300 = arith.constant 0 : i32
    %sign3A_301 = arith.cmpi slt, %jit3A_288, %sign3A_300 : i32
    %sign3A_302 = arith.extui %sign3A_301 : i1 to i32
    %sign3A_303 = arith.subi %sign3A_299, %sign3A_302 : i32
    %ne3A_304 = arith.cmpi ne, %sign3A_296, %sign3A_303 : i32
    %rem3A_305 = arith.remsi %sub3A_287, %jit3A_288 : i32
    %ne3A_306 = arith.constant 0 : i32
    %ne3A_307 = arith.cmpi ne, %rem3A_305, %ne3A_306 : i32
    %and3A_308 = arith.andi %ne3A_304, %ne3A_307 : i1
    %sub3A_309 = arith.constant 1 : i32
    %sub3A_310 = arith.subi %div3A_289, %sub3A_309 : i32
    %select_n3A_311 = arith.select %and3A_308, %sub3A_310, %div3A_289 : i32
    %add3A_312 = arith.constant 0 : i32
    %add3A_313 = arith.addi %add3A_227, %add3A_312 : i32
    %mul3A_314 = arith.constant 512 : i32
    %mul3A_315 = arith.muli %add3A_313, %mul3A_314 : i32
    %multiple_of3A_316 = tpu.assume_multiple %mul3A_315, 512 : i32
    %dma_start3A_317 = arith.constant 0 : i32
    %dma_start3A_318 = arith.constant 0 : i32
    %dma_start3A_319 = arith.constant 0 : i32
    %dma_start3A_320 = tpu.memref_slice %arg11[%dma_start3A_317, %dma_start3A_318, %dma_start3A_319] : memref<3x32x512xf32, #tpu.memory_space<vmem>> -> memref<1x32x512xf32, #tpu.memory_space<vmem>>
    %dma_start3A_321 = tpu.memref_squeeze %dma_start3A_320 : memref<1x32x512xf32, #tpu.memory_space<vmem>> -> memref<32x512xf32, #tpu.memory_space<vmem>>
    %dma_start3A_322 = arith.constant 0 : i32
    %dma_start3A_323 = tpu.memref_slice %arg5[%dma_start3A_322, %multiple_of3A_316] : memref<32x100000xf32, #tpu.memory_space<hbm>> -> memref<32x512xf32, #tpu.memory_space<hbm>>
    %dma_start3A_324 = arith.constant 0 : i32
    %dma_start3A_325 = arith.constant 0 : i32
    %dma_start3A_326 = tpu.memref_slice %arg11[%dma_start3A_317, %dma_start3A_324, %dma_start3A_325] : memref<3x32x512xf32, #tpu.memory_space<vmem>> -> memref<1x32x512xf32, #tpu.memory_space<vmem>>
    %dma_start3A_327 = tpu.memref_squeeze %dma_start3A_326 : memref<1x32x512xf32, #tpu.memory_space<vmem>> -> memref<32x512xf32, #tpu.memory_space<vmem>>
    %dma_start3A_328 = arith.constant 0 : i32
    %dma_start3A_329 = tpu.memref_slice %arg5[%dma_start3A_328, %multiple_of3A_316] : memref<32x100000xf32, #tpu.memory_space<hbm>> -> memref<32x512xf32, #tpu.memory_space<hbm>>
    tpu.enqueue_dma source(%dma_start3A_329 : memref<32x512xf32, #tpu.memory_space<hbm>>) target(%dma_start3A_327 : memref<32x512xf32, #tpu.memory_space<vmem>>) target_semaphore(%arg14 : memref<!tpu.dma_semaphore, #tpu.memory_space<semaphore_mem>>)
    %add3A_330 = arith.constant 1 : i32
    %add3A_331 = arith.addi %add3A_227, %add3A_330 : i32
    %mul3A_332 = arith.constant 512 : i32
    %mul3A_333 = arith.muli %add3A_331, %mul3A_332 : i32
    %multiple_of3A_334 = tpu.assume_multiple %mul3A_333, 512 : i32
    %dma_start3A_335 = arith.constant 1 : i32
    %dma_start3A_336 = arith.constant 0 : i32
    %dma_start3A_337 = arith.constant 0 : i32
    %dma_start3A_338 = tpu.memref_slice %arg11[%dma_start3A_335, %dma_start3A_336, %dma_start3A_337] : memref<3x32x512xf32, #tpu.memory_space<vmem>> -> memref<1x32x512xf32, #tpu.memory_space<vmem>>
    %dma_start3A_339 = tpu.memref_squeeze %dma_start3A_338 : memref<1x32x512xf32, #tpu.memory_space<vmem>> -> memref<32x512xf32, #tpu.memory_space<vmem>>
    %dma_start3A_340 = arith.constant 0 : i32
    %dma_start3A_341 = tpu.memref_slice %arg5[%dma_start3A_340, %multiple_of3A_334] : memref<32x100000xf32, #tpu.memory_space<hbm>> -> memref<32x512xf32, #tpu.memory_space<hbm>>
    %dma_start3A_342 = arith.constant 0 : i32
    %dma_start3A_343 = arith.constant 0 : i32
    %dma_start3A_344 = tpu.memref_slice %arg11[%dma_start3A_335, %dma_start3A_342, %dma_start3A_343] : memref<3x32x512xf32, #tpu.memory_space<vmem>> -> memref<1x32x512xf32, #tpu.memory_space<vmem>>
    %dma_start3A_345 = tpu.memref_squeeze %dma_start3A_344 : memref<1x32x512xf32, #tpu.memory_space<vmem>> -> memref<32x512xf32, #tpu.memory_space<vmem>>
    %dma_start3A_346 = arith.constant 0 : i32
    %dma_start3A_347 = tpu.memref_slice %arg5[%dma_start3A_346, %multiple_of3A_334] : memref<32x100000xf32, #tpu.memory_space<hbm>> -> memref<32x512xf32, #tpu.memory_space<hbm>>
    tpu.enqueue_dma source(%dma_start3A_347 : memref<32x512xf32, #tpu.memory_space<hbm>>) target(%dma_start3A_345 : memref<32x512xf32, #tpu.memory_space<vmem>>) target_semaphore(%arg14 : memref<!tpu.dma_semaphore, #tpu.memory_space<semaphore_mem>>)
    %while3A_348 = arith.constant 0 : i32
    %while3A_349 = arith.constant 0 : i32
    %while3A_350 = arith.subi %add3A_222, %while3A_348 : i32
    %while3A_351 = arith.addi %while3A_348, %while3A_350 : i32
    %while3A_352 = arith.constant 1 : i32
    %while3A_353 = arith.divsi %while3A_350, %while3A_352 : i32
    %while3A_354 = arith.muli %while3A_353, %while3A_352 : i32
    %while3A_355 = arith.addi %while3A_348, %while3A_354 : i32
    %while3A_356 = arith.constant 1 : i32
    %while3A_357 = scf.for %while3A_448 = %while3A_348 to %while3A_355 step %while3A_356 iter_args(%while3A_449 = %while3A_349) -> (i32)  : i32 {
      %rem3A_450 = arith.constant 3 : i32
      %rem3A_451 = arith.remsi %while3A_448, %rem3A_450 : i32
      %add3A_452 = arith.addi %add3A_227, %while3A_448 : i32
      %mul3A_453 = arith.constant 512 : i32
      %mul3A_454 = arith.muli %add3A_452, %mul3A_453 : i32
      %multiple_of3A_455 = tpu.assume_multiple %mul3A_454, 512 : i32
      %dma_wait3A_456 = arith.constant 0 : i32
      %dma_wait3A_457 = arith.constant 0 : i32
      %dma_wait3A_458 = tpu.memref_slice %arg11[%rem3A_451, %dma_wait3A_456, %dma_wait3A_457] : memref<3x32x512xf32, #tpu.memory_space<vmem>> -> memref<1x32x512xf32, #tpu.memory_space<vmem>>
      %dma_wait3A_459 = tpu.memref_squeeze %dma_wait3A_458 : memref<1x32x512xf32, #tpu.memory_space<vmem>> -> memref<32x512xf32, #tpu.memory_space<vmem>>
      %dma_wait3A_460 = arith.constant 0 : i32
      %dma_wait3A_461 = tpu.memref_slice %arg5[%dma_wait3A_460, %multiple_of3A_455] : memref<32x100000xf32, #tpu.memory_space<hbm>> -> memref<32x512xf32, #tpu.memory_space<hbm>>
      %dma_wait3A_462 = arith.constant 0 : i32
      %dma_wait3A_463 = arith.constant 0 : i32
      %dma_wait3A_464 = tpu.memref_slice %arg11[%rem3A_451, %dma_wait3A_462, %dma_wait3A_463] : memref<3x32x512xf32, #tpu.memory_space<vmem>> -> memref<1x32x512xf32, #tpu.memory_space<vmem>>
      %dma_wait3A_465 = tpu.memref_squeeze %dma_wait3A_464 : memref<1x32x512xf32, #tpu.memory_space<vmem>> -> memref<32x512xf32, #tpu.memory_space<vmem>>
      %dma_wait3A_466 = arith.constant 0 : i32
      %dma_wait3A_467 = tpu.memref_slice %arg5[%dma_wait3A_466, %multiple_of3A_455] : memref<32x100000xf32, #tpu.memory_space<hbm>> -> memref<32x512xf32, #tpu.memory_space<hbm>>
      tpu.wait_dma2 semaphore(%arg14 : memref<!tpu.dma_semaphore, #tpu.memory_space<semaphore_mem>>) src(%dma_wait3A_467 : memref<32x512xf32, #tpu.memory_space<hbm>>) dst(%dma_wait3A_465 : memref<32x512xf32, #tpu.memory_space<vmem>>)
      %add3A_468 = arith.constant 2 : i32
      %add3A_469 = arith.addi %while3A_448, %add3A_468 : i32
      %sub3A_470 = arith.constant 1 : i32
      %sub3A_471 = arith.subi %add3A_222, %sub3A_470 : i32
      %min3A_472 = arith.minsi %add3A_469, %sub3A_471 : i32
      %add3A_473 = arith.constant 2 : i32
      %add3A_474 = arith.addi %while3A_448, %add3A_473 : i32
      %rem3A_475 = arith.constant 3 : i32
      %rem3A_476 = arith.remsi %add3A_474, %rem3A_475 : i32
      %add3A_477 = arith.addi %add3A_227, %min3A_472 : i32
      %mul3A_478 = arith.constant 512 : i32
      %mul3A_479 = arith.muli %add3A_477, %mul3A_478 : i32
      %multiple_of3A_480 = tpu.assume_multiple %mul3A_479, 512 : i32
      %dma_start3A_481 = arith.constant 0 : i32
      %dma_start3A_482 = arith.constant 0 : i32
      %dma_start3A_483 = tpu.memref_slice %arg11[%rem3A_476, %dma_start3A_481, %dma_start3A_482] : memref<3x32x512xf32, #tpu.memory_space<vmem>> -> memref<1x32x512xf32, #tpu.memory_space<vmem>>
      %dma_start3A_484 = tpu.memref_squeeze %dma_start3A_483 : memref<1x32x512xf32, #tpu.memory_space<vmem>> -> memref<32x512xf32, #tpu.memory_space<vmem>>
      %dma_start3A_485 = arith.constant 0 : i32
      %dma_start3A_486 = tpu.memref_slice %arg5[%dma_start3A_485, %multiple_of3A_480] : memref<32x100000xf32, #tpu.memory_space<hbm>> -> memref<32x512xf32, #tpu.memory_space<hbm>>
      %dma_start3A_487 = arith.constant 0 : i32
      %dma_start3A_488 = arith.constant 0 : i32
      %dma_start3A_489 = tpu.memref_slice %arg11[%rem3A_476, %dma_start3A_487, %dma_start3A_488] : memref<3x32x512xf32, #tpu.memory_space<vmem>> -> memref<1x32x512xf32, #tpu.memory_space<vmem>>
      %dma_start3A_490 = tpu.memref_squeeze %dma_start3A_489 : memref<1x32x512xf32, #tpu.memory_space<vmem>> -> memref<32x512xf32, #tpu.memory_space<vmem>>
      %dma_start3A_491 = arith.constant 0 : i32
      %dma_start3A_492 = tpu.memref_slice %arg5[%dma_start3A_491, %multiple_of3A_480] : memref<32x100000xf32, #tpu.memory_space<hbm>> -> memref<32x512xf32, #tpu.memory_space<hbm>>
      tpu.enqueue_dma source(%dma_start3A_492 : memref<32x512xf32, #tpu.memory_space<hbm>>) target(%dma_start3A_490 : memref<32x512xf32, #tpu.memory_space<vmem>>) target_semaphore(%arg14 : memref<!tpu.dma_semaphore, #tpu.memory_space<semaphore_mem>>)
      %add3A_493 = arith.addi %add3A_227, %while3A_448 : i32
      %mul3A_494 = arith.constant 512 : i32
      %mul3A_495 = arith.muli %add3A_493, %mul3A_494 : i32
      %while3A_496 = arith.constant 0 : i32
      %while3A_497 = arith.subi %select_n3A_311, %while3A_496 : i32
      %while3A_498 = arith.addi %while3A_496, %while3A_497 : i32
      %while3A_499 = arith.constant 1 : i32
      %while3A_500 = arith.divsi %while3A_497, %while3A_499 : i32
      %while3A_501 = arith.muli %while3A_500, %while3A_499 : i32
      %while3A_502 = arith.addi %while3A_496, %while3A_501 : i32
      %while3A_503 = arith.constant 1 : i32
      %while3A_504 = scf.for %while3A_507 = %while3A_496 to %while3A_502 step %while3A_503 iter_args(%while3A_508 = %while3A_449) -> (i32)  : i32 {
        %mul3A_509 = arith.constant 16 : i32
        %mul3A_510 = arith.muli %while3A_507, %mul3A_509 : i32
        %get3A = arith.index_cast %mul3A_510 : i32 to index
        %get3A_511 = tpu.vector_load %arg9[%get3A] {strides = array<i32>} : memref<16400xi32, #tpu.memory_space<vmem>>, vector<16xi32>,
        %mul3A_512 = arith.constant 16 : i32
        %mul3A_513 = arith.muli %while3A_507, %mul3A_512 : i32
        %get3A_514 = arith.index_cast %mul3A_513 : i32 to index
        %get3A_515 = tpu.vector_load %arg10[%get3A_514] {strides = array<i32>} : memref<16400xi32, #tpu.memory_space<vmem>>, vector<16xi32>,
        %ge3A = vector.broadcast %mul3A_495 : i32 to vector<16xi32>
        %ge3A_516 = arith.cmpi sge, %get3A_511, %ge3A : vector<16xi32>
        %add3A_517 = arith.constant 512 : i32
        %add3A_518 = arith.addi %mul3A_495, %add3A_517 : i32
        %lt3A_519 = vector.broadcast %add3A_518 : i32 to vector<16xi32>
        %lt3A_520 = arith.cmpi slt, %get3A_511, %lt3A_519 : vector<16xi32>
        %and3A_521 = arith.andi %ge3A_516, %lt3A_520 : vector<16xi1>
        %convert_element_type3A = arith.extui %and3A_521 : vector<16xi1> to vector<16xi32>
        %reduce_sum3A = arith.constant true
        %reduce_sum3A_522 = vector.broadcast %reduce_sum3A : i1 to vector<16xi1>
        %reduce_sum3A_523 = tpu.scan <sum>, %convert_element_type3A masked %reduce_sum3A_522 : vector<16xi32>, vector<16xi1> -> vector<16xi32>
        %reduce_sum3A_524 = vector.extract %reduce_sum3A_523[15] : i32 from vector<16xi32>
        %gt3A = arith.constant 0 : i32
        %gt3A_525 = arith.cmpi sgt, %reduce_sum3A_524, %gt3A : i32
        %convert_element_type3A_526 = arith.extui %gt3A_525 : i1 to i32
        %cond3A = arith.constant 0 : i32
        %cond3A_527 = arith.cmpi ne, %convert_element_type3A_526, %cond3A : i32
        %cond3A_528 = scf.if %cond3A_527 -> (i32) {
          %add3A_529 = arith.addi %while3A_508, %reduce_sum3A_524 : i32
          %gt3A_530 = arith.constant 128 : i32
          %gt3A_531 = arith.cmpi sgt, %add3A_529, %gt3A_530 : i32
          %convert_element_type3A_532 = arith.extui %gt3A_531 : i1 to i32
          %cond3A_533 = arith.constant 0 : i32
          %cond3A_534 = arith.cmpi ne, %convert_element_type3A_532, %cond3A_533 : i32
          %cond3A_535 = scf.if %cond3A_534 -> (i32) {
            %dma_start3A_839 = arith.constant 0 : i32
            %dma_start3A_840 = arith.constant 0 : i32
            %dma_start3A_841 = tpu.memref_slice %arg7[%dma_start3A_839, %dma_start3A_840] : memref<16512x128xf32, #tpu.memory_space<hbm>> -> memref<16512x128xf32, #tpu.memory_space<hbm>>
            tpu.enqueue_indirect_dma source(%arg12 : memref<128x128xf32, #tpu.memory_space<vmem>>) target(%dma_start3A_841 : memref<16512x128xf32, #tpu.memory_space<hbm>>) offsets(%arg13 : memref<128xi32, #tpu.memory_space<vmem>>) semaphore(%arg16 : memref<!tpu.dma_semaphore, #tpu.memory_space<semaphore_mem>>)
            %dma_wait3A_842 = arith.constant 0 : i32
            %dma_wait3A_843 = arith.constant 0 : i32
            %dma_wait3A_844 = tpu.memref_slice %arg7[%dma_wait3A_842, %dma_wait3A_843] : memref<16512x128xf32, #tpu.memory_space<hbm>> -> memref<16512x128xf32, #tpu.memory_space<hbm>>
            tpu.wait_indirect_dma semaphore(%arg16 : memref<!tpu.dma_semaphore, #tpu.memory_space<semaphore_mem>>) src(%arg12 : memref<128x128xf32, #tpu.memory_space<vmem>>) dst(%dma_wait3A_844 : memref<16512x128xf32, #tpu.memory_space<hbm>>)
            %add3A_845 = arith.constant 16384 : i32
            %add3A_846 = vector.broadcast %add3A_845 : i32 to vector<16xi32>
            %add3A_847 = arith.addi %add3A_846, %iota3A : vector<16xi32>
            %swap3A_848 = arith.constant 0 : index
            %swap3A_849 = tpu.vector_load %arg13[%swap3A_848] {strides = array<i32>} : memref<128xi32, #tpu.memory_space<vmem>>, vector<16xi32>,
            tpu.vector_store %arg13[%swap3A_848], %add3A_847 {strides = array<i32>} : memref<128xi32, #tpu.memory_space<vmem>>, vector<16xi32>,
            %add3A_850 = arith.constant 16400 : i32
            %add3A_851 = vector.broadcast %add3A_850 : i32 to vector<16xi32>
            %add3A_852 = arith.addi %add3A_851, %iota3A : vector<16xi32>
            %swap3A_853 = arith.constant 16 : index
            %swap3A_854 = tpu.vector_load %arg13[%swap3A_853] {strides = array<i32>} : memref<128xi32, #tpu.memory_space<vmem>>, vector<16xi32>,
            tpu.vector_store %arg13[%swap3A_853], %add3A_852 {strides = array<i32>} : memref<128xi32, #tpu.memory_space<vmem>>, vector<16xi32>,
            %add3A_855 = arith.constant 16416 : i32
            %add3A_856 = vector.broadcast %add3A_855 : i32 to vector<16xi32>
            %add3A_857 = arith.addi %add3A_856, %iota3A : vector<16xi32>
            %swap3A_858 = arith.constant 32 : index
            %swap3A_859 = tpu.vector_load %arg13[%swap3A_858] {strides = array<i32>} : memref<128xi32, #tpu.memory_space<vmem>>, vector<16xi32>,
            tpu.vector_store %arg13[%swap3A_858], %add3A_857 {strides = array<i32>} : memref<128xi32, #tpu.memory_space<vmem>>, vector<16xi32>,
            %add3A_860 = arith.constant 16432 : i32
            %add3A_861 = vector.broadcast %add3A_860 : i32 to vector<16xi32>
            %add3A_862 = arith.addi %add3A_861, %iota3A : vector<16xi32>
            %swap3A_863 = arith.constant 48 : index
            %swap3A_864 = tpu.vector_load %arg13[%swap3A_863] {strides = array<i32>} : memref<128xi32, #tpu.memory_space<vmem>>, vector<16xi32>,
            tpu.vector_store %arg13[%swap3A_863], %add3A_862 {strides = array<i32>} : memref<128xi32, #tpu.memory_space<vmem>>, vector<16xi32>,
            %add3A_865 = arith.constant 16448 : i32
            %add3A_866 = vector.broadcast %add3A_865 : i32 to vector<16xi32>
            %add3A_867 = arith.addi %add3A_866, %iota3A : vector<16xi32>
            %swap3A_868 = arith.constant 64 : index
            %swap3A_869 = tpu.vector_load %arg13[%swap3A_868] {strides = array<i32>} : memref<128xi32, #tpu.memory_space<vmem>>, vector<16xi32>,
            tpu.vector_store %arg13[%swap3A_868], %add3A_867 {strides = array<i32>} : memref<128xi32, #tpu.memory_space<vmem>>, vector<16xi32>,
            %add3A_870 = arith.constant 16464 : i32
            %add3A_871 = vector.broadcast %add3A_870 : i32 to vector<16xi32>
            %add3A_872 = arith.addi %add3A_871, %iota3A : vector<16xi32>
            %swap3A_873 = arith.constant 80 : index
            %swap3A_874 = tpu.vector_load %arg13[%swap3A_873] {strides = array<i32>} : memref<128xi32, #tpu.memory_space<vmem>>, vector<16xi32>,
            tpu.vector_store %arg13[%swap3A_873], %add3A_872 {strides = array<i32>} : memref<128xi32, #tpu.memory_space<vmem>>, vector<16xi32>,
            %add3A_875 = arith.constant 16480 : i32
            %add3A_876 = vector.broadcast %add3A_875 : i32 to vector<16xi32>
            %add3A_877 = arith.addi %add3A_876, %iota3A : vector<16xi32>
            %swap3A_878 = arith.constant 96 : index
            %swap3A_879 = tpu.vector_load %arg13[%swap3A_878] {strides = array<i32>} : memref<128xi32, #tpu.memory_space<vmem>>, vector<16xi32>,
            tpu.vector_store %arg13[%swap3A_878], %add3A_877 {strides = array<i32>} : memref<128xi32, #tpu.memory_space<vmem>>, vector<16xi32>,
            %add3A_880 = arith.constant 16496 : i32
            %add3A_881 = vector.broadcast %add3A_880 : i32 to vector<16xi32>
            %add3A_882 = arith.addi %add3A_881, %iota3A : vector<16xi32>
            %swap3A_883 = arith.constant 112 : index
            %swap3A_884 = tpu.vector_load %arg13[%swap3A_883] {strides = array<i32>} : memref<128xi32, #tpu.memory_space<vmem>>, vector<16xi32>,
            tpu.vector_store %arg13[%swap3A_883], %add3A_882 {strides = array<i32>} : memref<128xi32, #tpu.memory_space<vmem>>, vector<16xi32>,
            %cond3A_885 = arith.constant 0 : i32
            scf.yield %cond3A_885 : i32
          } else {
            scf.yield %while3A_508 : i32
          }
          %convert_element_type3A_536 = arith.extui %and3A_521 : vector<16xi1> to vector<16xi32>
          %broadcast_in_dim3A_537 = arith.constant true
          %broadcast_in_dim3A_538 = vector.broadcast %broadcast_in_dim3A_537 : i1 to vector<16xi1>
          %masked_cumsum3A = tpu.scan <sum>, %convert_element_type3A_536 masked %broadcast_in_dim3A_538 : vector<16xi32>, vector<16xi1> -> vector<16xi32>
          %add3A_539 = vector.broadcast %cond3A_535 : i32 to vector<16xi32>
          %add3A_540 = arith.addi %add3A_539, %masked_cumsum3A : vector<16xi32>
          %sub3A_541 = arith.constant 1 : i32
          %sub3A_542 = vector.broadcast %sub3A_541 : i32 to vector<16xi32>
          %sub3A_543 = arith.subi %add3A_540, %sub3A_542 : vector<16xi32>
          %sub3A_544 = vector.broadcast %mul3A_495 : i32 to vector<16xi32>
          %sub3A_545 = arith.subi %get3A_511, %sub3A_544 : vector<16xi32>
          %jit3A_546 = arith.constant 0 : i32
          %jit3A_547 = arith.constant 511 : i32
          %max3A = vector.broadcast %jit3A_546 : i32 to vector<16xi32>
          %max3A_548 = arith.maxsi %max3A, %sub3A_545 : vector<16xi32>
          %min3A_549 = vector.broadcast %jit3A_547 : i32 to vector<16xi32>
          %min3A_550 = arith.minsi %min3A_549, %max3A_548 : vector<16xi32>
          %broadcast_in_dim3A_551 = arith.constant 0 : i32
          %broadcast_in_dim3A_552 = vector.broadcast %broadcast_in_dim3A_551 : i32 to vector<16xi32>
          %gather3A = arith.constant 0 : i32
          %gather3A_553 = arith.constant 0 : i32
          %gather3A_554 = tpu.memref_slice %arg11[%rem3A_451, %gather3A, %gather3A_553] : memref<3x32x512xf32, #tpu.memory_space<vmem>> -> memref<1x32x512xf32, #tpu.memory_space<vmem>>
          %gather3A_555 = tpu.memref_squeeze %gather3A_554 : memref<1x32x512xf32, #tpu.memory_space<vmem>> -> memref<32x512xf32, #tpu.memory_space<vmem>>
          %gather3A_556 = tpu.vector_load_idx %gather3A_555[%broadcast_in_dim3A_552, %min3A_550] : memref<32x512xf32, #tpu.memory_space<vmem>>[vector<16xi32>, vector<16xi32>], vector<16xf32>,
          %broadcast_in_dim3A_557 = arith.constant 0 : i32
          %broadcast_in_dim3A_558 = vector.broadcast %broadcast_in_dim3A_557 : i32 to vector<16xi32>
          tpu.vector_store_idx %arg12[%sub3A_543, %broadcast_in_dim3A_558], %gather3A_556 masked %and3A_521 : memref<128x128xf32, #tpu.memory_space<vmem>>[vector<16xi32>, vector<16xi32>], vector<16xf32>, vector<16xi1>
          %broadcast_in_dim3A_559 = arith.constant 1 : i32
          %broadcast_in_dim3A_560 = vector.broadcast %broadcast_in_dim3A_559 : i32 to vector<16xi32>
          %gather3A_561 = arith.constant 0 : i32
          %gather3A_562 = arith.constant 0 : i32
          %gather3A_563 = tpu.memref_slice %arg11[%rem3A_451, %gather3A_561, %gather3A_562] : memref<3x32x512xf32, #tpu.memory_space<vmem>> -> memref<1x32x512xf32, #tpu.memory_space<vmem>>
          %gather3A_564 = tpu.memref_squeeze %gather3A_563 : memref<1x32x512xf32, #tpu.memory_space<vmem>> -> memref<32x512xf32, #tpu.memory_space<vmem>>
          %gather3A_565 = tpu.vector_load_idx %gather3A_564[%broadcast_in_dim3A_560, %min3A_550] : memref<32x512xf32, #tpu.memory_space<vmem>>[vector<16xi32>, vector<16xi32>], vector<16xf32>,
          %broadcast_in_dim3A_566 = arith.constant 1 : i32
          %broadcast_in_dim3A_567 = vector.broadcast %broadcast_in_dim3A_566 : i32 to vector<16xi32>
          tpu.vector_store_idx %arg12[%sub3A_543, %broadcast_in_dim3A_567], %gather3A_565 masked %and3A_521 : memref<128x128xf32, #tpu.memory_space<vmem>>[vector<16xi32>, vector<16xi32>], vector<16xf32>, vector<16xi1>
          %broadcast_in_dim3A_568 = arith.constant 2 : i32
          %broadcast_in_dim3A_569 = vector.broadcast %broadcast_in_dim3A_568 : i32 to vector<16xi32>
          %gather3A_570 = arith.constant 0 : i32
          %gather3A_571 = arith.constant 0 : i32
          %gather3A_572 = tpu.memref_slice %arg11[%rem3A_451, %gather3A_570, %gather3A_571] : memref<3x32x512xf32, #tpu.memory_space<vmem>> -> memref<1x32x512xf32, #tpu.memory_space<vmem>>
          %gather3A_573 = tpu.memref_squeeze %gather3A_572 : memref<1x32x512xf32, #tpu.memory_space<vmem>> -> memref<32x512xf32, #tpu.memory_space<vmem>>
          %gather3A_574 = tpu.vector_load_idx %gather3A_573[%broadcast_in_dim3A_569, %min3A_550] : memref<32x512xf32, #tpu.memory_space<vmem>>[vector<16xi32>, vector<16xi32>], vector<16xf32>,
          %broadcast_in_dim3A_575 = arith.constant 2 : i32
          %broadcast_in_dim3A_576 = vector.broadcast %broadcast_in_dim3A_575 : i32 to vector<16xi32>
          tpu.vector_store_idx %arg12[%sub3A_543, %broadcast_in_dim3A_576], %gather3A_574 masked %and3A_521 : memref<128x128xf32, #tpu.memory_space<vmem>>[vector<16xi32>, vector<16xi32>], vector<16xf32>, vector<16xi1>
          %broadcast_in_dim3A_577 = arith.constant 3 : i32
          %broadcast_in_dim3A_578 = vector.broadcast %broadcast_in_dim3A_577 : i32 to vector<16xi32>
          %gather3A_579 = arith.constant 0 : i32
          %gather3A_580 = arith.constant 0 : i32
          %gather3A_581 = tpu.memref_slice %arg11[%rem3A_451, %gather3A_579, %gather3A_580] : memref<3x32x512xf32, #tpu.memory_space<vmem>> -> memref<1x32x512xf32, #tpu.memory_space<vmem>>
          %gather3A_582 = tpu.memref_squeeze %gather3A_581 : memref<1x32x512xf32, #tpu.memory_space<vmem>> -> memref<32x512xf32, #tpu.memory_space<vmem>>
          %gather3A_583 = tpu.vector_load_idx %gather3A_582[%broadcast_in_dim3A_578, %min3A_550] : memref<32x512xf32, #tpu.memory_space<vmem>>[vector<16xi32>, vector<16xi32>], vector<16xf32>,
          %broadcast_in_dim3A_584 = arith.constant 3 : i32
          %broadcast_in_dim3A_585 = vector.broadcast %broadcast_in_dim3A_584 : i32 to vector<16xi32>
          tpu.vector_store_idx %arg12[%sub3A_543, %broadcast_in_dim3A_585], %gather3A_583 masked %and3A_521 : memref<128x128xf32, #tpu.memory_space<vmem>>[vector<16xi32>, vector<16xi32>], vector<16xf32>, vector<16xi1>
          %broadcast_in_dim3A_586 = arith.constant 4 : i32
          %broadcast_in_dim3A_587 = vector.broadcast %broadcast_in_dim3A_586 : i32 to vector<16xi32>
          %gather3A_588 = arith.constant 0 : i32
          %gather3A_589 = arith.constant 0 : i32
          %gather3A_590 = tpu.memref_slice %arg11[%rem3A_451, %gather3A_588, %gather3A_589] : memref<3x32x512xf32, #tpu.memory_space<vmem>> -> memref<1x32x512xf32, #tpu.memory_space<vmem>>
          %gather3A_591 = tpu.memref_squeeze %gather3A_590 : memref<1x32x512xf32, #tpu.memory_space<vmem>> -> memref<32x512xf32, #tpu.memory_space<vmem>>
          %gather3A_592 = tpu.vector_load_idx %gather3A_591[%broadcast_in_dim3A_587, %min3A_550] : memref<32x512xf32, #tpu.memory_space<vmem>>[vector<16xi32>, vector<16xi32>], vector<16xf32>,
          %broadcast_in_dim3A_593 = arith.constant 4 : i32
          %broadcast_in_dim3A_594 = vector.broadcast %broadcast_in_dim3A_593 : i32 to vector<16xi32>
          tpu.vector_store_idx %arg12[%sub3A_543, %broadcast_in_dim3A_594], %gather3A_592 masked %and3A_521 : memref<128x128xf32, #tpu.memory_space<vmem>>[vector<16xi32>, vector<16xi32>], vector<16xf32>, vector<16xi1>
          %broadcast_in_dim3A_595 = arith.constant 5 : i32
          %broadcast_in_dim3A_596 = vector.broadcast %broadcast_in_dim3A_595 : i32 to vector<16xi32>
          %gather3A_597 = arith.constant 0 : i32
          %gather3A_598 = arith.constant 0 : i32
          %gather3A_599 = tpu.memref_slice %arg11[%rem3A_451, %gather3A_597, %gather3A_598] : memref<3x32x512xf32, #tpu.memory_space<vmem>> -> memref<1x32x512xf32, #tpu.memory_space<vmem>>
          %gather3A_600 = tpu.memref_squeeze %gather3A_599 : memref<1x32x512xf32, #tpu.memory_space<vmem>> -> memref<32x512xf32, #tpu.memory_space<vmem>>
          %gather3A_601 = tpu.vector_load_idx %gather3A_600[%broadcast_in_dim3A_596, %min3A_550] : memref<32x512xf32, #tpu.memory_space<vmem>>[vector<16xi32>, vector<16xi32>], vector<16xf32>,
          %broadcast_in_dim3A_602 = arith.constant 5 : i32
          %broadcast_in_dim3A_603 = vector.broadcast %broadcast_in_dim3A_602 : i32 to vector<16xi32>
          tpu.vector_store_idx %arg12[%sub3A_543, %broadcast_in_dim3A_603], %gather3A_601 masked %and3A_521 : memref<128x128xf32, #tpu.memory_space<vmem>>[vector<16xi32>, vector<16xi32>], vector<16xf32>, vector<16xi1>
          %broadcast_in_dim3A_604 = arith.constant 6 : i32
          %broadcast_in_dim3A_605 = vector.broadcast %broadcast_in_dim3A_604 : i32 to vector<16xi32>
          %gather3A_606 = arith.constant 0 : i32
          %gather3A_607 = arith.constant 0 : i32
          %gather3A_608 = tpu.memref_slice %arg11[%rem3A_451, %gather3A_606, %gather3A_607] : memref<3x32x512xf32, #tpu.memory_space<vmem>> -> memref<1x32x512xf32, #tpu.memory_space<vmem>>
          %gather3A_609 = tpu.memref_squeeze %gather3A_608 : memref<1x32x512xf32, #tpu.memory_space<vmem>> -> memref<32x512xf32, #tpu.memory_space<vmem>>
          %gather3A_610 = tpu.vector_load_idx %gather3A_609[%broadcast_in_dim3A_605, %min3A_550] : memref<32x512xf32, #tpu.memory_space<vmem>>[vector<16xi32>, vector<16xi32>], vector<16xf32>,
          %broadcast_in_dim3A_611 = arith.constant 6 : i32
          %broadcast_in_dim3A_612 = vector.broadcast %broadcast_in_dim3A_611 : i32 to vector<16xi32>
          tpu.vector_store_idx %arg12[%sub3A_543, %broadcast_in_dim3A_612], %gather3A_610 masked %and3A_521 : memref<128x128xf32, #tpu.memory_space<vmem>>[vector<16xi32>, vector<16xi32>], vector<16xf32>, vector<16xi1>
          %broadcast_in_dim3A_613 = arith.constant 7 : i32
          %broadcast_in_dim3A_614 = vector.broadcast %broadcast_in_dim3A_613 : i32 to vector<16xi32>
          %gather3A_615 = arith.constant 0 : i32
          %gather3A_616 = arith.constant 0 : i32
          %gather3A_617 = tpu.memref_slice %arg11[%rem3A_451, %gather3A_615, %gather3A_616] : memref<3x32x512xf32, #tpu.memory_space<vmem>> -> memref<1x32x512xf32, #tpu.memory_space<vmem>>
          %gather3A_618 = tpu.memref_squeeze %gather3A_617 : memref<1x32x512xf32, #tpu.memory_space<vmem>> -> memref<32x512xf32, #tpu.memory_space<vmem>>
          %gather3A_619 = tpu.vector_load_idx %gather3A_618[%broadcast_in_dim3A_614, %min3A_550] : memref<32x512xf32, #tpu.memory_space<vmem>>[vector<16xi32>, vector<16xi32>], vector<16xf32>,
          %broadcast_in_dim3A_620 = arith.constant 7 : i32
          %broadcast_in_dim3A_621 = vector.broadcast %broadcast_in_dim3A_620 : i32 to vector<16xi32>
          tpu.vector_store_idx %arg12[%sub3A_543, %broadcast_in_dim3A_621], %gather3A_619 masked %and3A_521 : memref<128x128xf32, #tpu.memory_space<vmem>>[vector<16xi32>, vector<16xi32>], vector<16xf32>, vector<16xi1>
          %broadcast_in_dim3A_622 = arith.constant 8 : i32
          %broadcast_in_dim3A_623 = vector.broadcast %broadcast_in_dim3A_622 : i32 to vector<16xi32>
          %gather3A_624 = arith.constant 0 : i32
          %gather3A_625 = arith.constant 0 : i32
          %gather3A_626 = tpu.memref_slice %arg11[%rem3A_451, %gather3A_624, %gather3A_625] : memref<3x32x512xf32, #tpu.memory_space<vmem>> -> memref<1x32x512xf32, #tpu.memory_space<vmem>>
          %gather3A_627 = tpu.memref_squeeze %gather3A_626 : memref<1x32x512xf32, #tpu.memory_space<vmem>> -> memref<32x512xf32, #tpu.memory_space<vmem>>
          %gather3A_628 = tpu.vector_load_idx %gather3A_627[%broadcast_in_dim3A_623, %min3A_550] : memref<32x512xf32, #tpu.memory_space<vmem>>[vector<16xi32>, vector<16xi32>], vector<16xf32>,
          %broadcast_in_dim3A_629 = arith.constant 8 : i32
          %broadcast_in_dim3A_630 = vector.broadcast %broadcast_in_dim3A_629 : i32 to vector<16xi32>
          tpu.vector_store_idx %arg12[%sub3A_543, %broadcast_in_dim3A_630], %gather3A_628 masked %and3A_521 : memref<128x128xf32, #tpu.memory_space<vmem>>[vector<16xi32>, vector<16xi32>], vector<16xf32>, vector<16xi1>
          %broadcast_in_dim3A_631 = arith.constant 9 : i32
          %broadcast_in_dim3A_632 = vector.broadcast %broadcast_in_dim3A_631 : i32 to vector<16xi32>
          %gather3A_633 = arith.constant 0 : i32
          %gather3A_634 = arith.constant 0 : i32
          %gather3A_635 = tpu.memref_slice %arg11[%rem3A_451, %gather3A_633, %gather3A_634] : memref<3x32x512xf32, #tpu.memory_space<vmem>> -> memref<1x32x512xf32, #tpu.memory_space<vmem>>
          %gather3A_636 = tpu.memref_squeeze %gather3A_635 : memref<1x32x512xf32, #tpu.memory_space<vmem>> -> memref<32x512xf32, #tpu.memory_space<vmem>>
          %gather3A_637 = tpu.vector_load_idx %gather3A_636[%broadcast_in_dim3A_632, %min3A_550] : memref<32x512xf32, #tpu.memory_space<vmem>>[vector<16xi32>, vector<16xi32>], vector<16xf32>,
          %broadcast_in_dim3A_638 = arith.constant 9 : i32
          %broadcast_in_dim3A_639 = vector.broadcast %broadcast_in_dim3A_638 : i32 to vector<16xi32>
          tpu.vector_store_idx %arg12[%sub3A_543, %broadcast_in_dim3A_639], %gather3A_637 masked %and3A_521 : memref<128x128xf32, #tpu.memory_space<vmem>>[vector<16xi32>, vector<16xi32>], vector<16xf32>, vector<16xi1>
          %broadcast_in_dim3A_640 = arith.constant 10 : i32
          %broadcast_in_dim3A_641 = vector.broadcast %broadcast_in_dim3A_640 : i32 to vector<16xi32>
          %gather3A_642 = arith.constant 0 : i32
          %gather3A_643 = arith.constant 0 : i32
          %gather3A_644 = tpu.memref_slice %arg11[%rem3A_451, %gather3A_642, %gather3A_643] : memref<3x32x512xf32, #tpu.memory_space<vmem>> -> memref<1x32x512xf32, #tpu.memory_space<vmem>>
          %gather3A_645 = tpu.memref_squeeze %gather3A_644 : memref<1x32x512xf32, #tpu.memory_space<vmem>> -> memref<32x512xf32, #tpu.memory_space<vmem>>
          %gather3A_646 = tpu.vector_load_idx %gather3A_645[%broadcast_in_dim3A_641, %min3A_550] : memref<32x512xf32, #tpu.memory_space<vmem>>[vector<16xi32>, vector<16xi32>], vector<16xf32>,
          %broadcast_in_dim3A_647 = arith.constant 10 : i32
          %broadcast_in_dim3A_648 = vector.broadcast %broadcast_in_dim3A_647 : i32 to vector<16xi32>
          tpu.vector_store_idx %arg12[%sub3A_543, %broadcast_in_dim3A_648], %gather3A_646 masked %and3A_521 : memref<128x128xf32, #tpu.memory_space<vmem>>[vector<16xi32>, vector<16xi32>], vector<16xf32>, vector<16xi1>
          %broadcast_in_dim3A_649 = arith.constant 11 : i32
          %broadcast_in_dim3A_650 = vector.broadcast %broadcast_in_dim3A_649 : i32 to vector<16xi32>
          %gather3A_651 = arith.constant 0 : i32
          %gather3A_652 = arith.constant 0 : i32
          %gather3A_653 = tpu.memref_slice %arg11[%rem3A_451, %gather3A_651, %gather3A_652] : memref<3x32x512xf32, #tpu.memory_space<vmem>> -> memref<1x32x512xf32, #tpu.memory_space<vmem>>
          %gather3A_654 = tpu.memref_squeeze %gather3A_653 : memref<1x32x512xf32, #tpu.memory_space<vmem>> -> memref<32x512xf32, #tpu.memory_space<vmem>>
          %gather3A_655 = tpu.vector_load_idx %gather3A_654[%broadcast_in_dim3A_650, %min3A_550] : memref<32x512xf32, #tpu.memory_space<vmem>>[vector<16xi32>, vector<16xi32>], vector<16xf32>,
          %broadcast_in_dim3A_656 = arith.constant 11 : i32
          %broadcast_in_dim3A_657 = vector.broadcast %broadcast_in_dim3A_656 : i32 to vector<16xi32>
          tpu.vector_store_idx %arg12[%sub3A_543, %broadcast_in_dim3A_657], %gather3A_655 masked %and3A_521 : memref<128x128xf32, #tpu.memory_space<vmem>>[vector<16xi32>, vector<16xi32>], vector<16xf32>, vector<16xi1>
          %broadcast_in_dim3A_658 = arith.constant 12 : i32
          %broadcast_in_dim3A_659 = vector.broadcast %broadcast_in_dim3A_658 : i32 to vector<16xi32>
          %gather3A_660 = arith.constant 0 : i32
          %gather3A_661 = arith.constant 0 : i32
          %gather3A_662 = tpu.memref_slice %arg11[%rem3A_451, %gather3A_660, %gather3A_661] : memref<3x32x512xf32, #tpu.memory_space<vmem>> -> memref<1x32x512xf32, #tpu.memory_space<vmem>>
          %gather3A_663 = tpu.memref_squeeze %gather3A_662 : memref<1x32x512xf32, #tpu.memory_space<vmem>> -> memref<32x512xf32, #tpu.memory_space<vmem>>
          %gather3A_664 = tpu.vector_load_idx %gather3A_663[%broadcast_in_dim3A_659, %min3A_550] : memref<32x512xf32, #tpu.memory_space<vmem>>[vector<16xi32>, vector<16xi32>], vector<16xf32>,
          %broadcast_in_dim3A_665 = arith.constant 12 : i32
          %broadcast_in_dim3A_666 = vector.broadcast %broadcast_in_dim3A_665 : i32 to vector<16xi32>
          tpu.vector_store_idx %arg12[%sub3A_543, %broadcast_in_dim3A_666], %gather3A_664 masked %and3A_521 : memref<128x128xf32, #tpu.memory_space<vmem>>[vector<16xi32>, vector<16xi32>], vector<16xf32>, vector<16xi1>
          %broadcast_in_dim3A_667 = arith.constant 13 : i32
          %broadcast_in_dim3A_668 = vector.broadcast %broadcast_in_dim3A_667 : i32 to vector<16xi32>
          %gather3A_669 = arith.constant 0 : i32
          %gather3A_670 = arith.constant 0 : i32
          %gather3A_671 = tpu.memref_slice %arg11[%rem3A_451, %gather3A_669, %gather3A_670] : memref<3x32x512xf32, #tpu.memory_space<vmem>> -> memref<1x32x512xf32, #tpu.memory_space<vmem>>
          %gather3A_672 = tpu.memref_squeeze %gather3A_671 : memref<1x32x512xf32, #tpu.memory_space<vmem>> -> memref<32x512xf32, #tpu.memory_space<vmem>>
          %gather3A_673 = tpu.vector_load_idx %gather3A_672[%broadcast_in_dim3A_668, %min3A_550] : memref<32x512xf32, #tpu.memory_space<vmem>>[vector<16xi32>, vector<16xi32>], vector<16xf32>,
          %broadcast_in_dim3A_674 = arith.constant 13 : i32
          %broadcast_in_dim3A_675 = vector.broadcast %broadcast_in_dim3A_674 : i32 to vector<16xi32>
          tpu.vector_store_idx %arg12[%sub3A_543, %broadcast_in_dim3A_675], %gather3A_673 masked %and3A_521 : memref<128x128xf32, #tpu.memory_space<vmem>>[vector<16xi32>, vector<16xi32>], vector<16xf32>, vector<16xi1>
          %broadcast_in_dim3A_676 = arith.constant 14 : i32
          %broadcast_in_dim3A_677 = vector.broadcast %broadcast_in_dim3A_676 : i32 to vector<16xi32>
          %gather3A_678 = arith.constant 0 : i32
          %gather3A_679 = arith.constant 0 : i32
          %gather3A_680 = tpu.memref_slice %arg11[%rem3A_451, %gather3A_678, %gather3A_679] : memref<3x32x512xf32, #tpu.memory_space<vmem>> -> memref<1x32x512xf32, #tpu.memory_space<vmem>>
          %gather3A_681 = tpu.memref_squeeze %gather3A_680 : memref<1x32x512xf32, #tpu.memory_space<vmem>> -> memref<32x512xf32, #tpu.memory_space<vmem>>
          %gather3A_682 = tpu.vector_load_idx %gather3A_681[%broadcast_in_dim3A_677, %min3A_550] : memref<32x512xf32, #tpu.memory_space<vmem>>[vector<16xi32>, vector<16xi32>], vector<16xf32>,
          %broadcast_in_dim3A_683 = arith.constant 14 : i32
          %broadcast_in_dim3A_684 = vector.broadcast %broadcast_in_dim3A_683 : i32 to vector<16xi32>
          tpu.vector_store_idx %arg12[%sub3A_543, %broadcast_in_dim3A_684], %gather3A_682 masked %and3A_521 : memref<128x128xf32, #tpu.memory_space<vmem>>[vector<16xi32>, vector<16xi32>], vector<16xf32>, vector<16xi1>
          %broadcast_in_dim3A_685 = arith.constant 15 : i32
          %broadcast_in_dim3A_686 = vector.broadcast %broadcast_in_dim3A_685 : i32 to vector<16xi32>
          %gather3A_687 = arith.constant 0 : i32
          %gather3A_688 = arith.constant 0 : i32
          %gather3A_689 = tpu.memref_slice %arg11[%rem3A_451, %gather3A_687, %gather3A_688] : memref<3x32x512xf32, #tpu.memory_space<vmem>> -> memref<1x32x512xf32, #tpu.memory_space<vmem>>
          %gather3A_690 = tpu.memref_squeeze %gather3A_689 : memref<1x32x512xf32, #tpu.memory_space<vmem>> -> memref<32x512xf32, #tpu.memory_space<vmem>>
          %gather3A_691 = tpu.vector_load_idx %gather3A_690[%broadcast_in_dim3A_686, %min3A_550] : memref<32x512xf32, #tpu.memory_space<vmem>>[vector<16xi32>, vector<16xi32>], vector<16xf32>,
          %broadcast_in_dim3A_692 = arith.constant 15 : i32
          %broadcast_in_dim3A_693 = vector.broadcast %broadcast_in_dim3A_692 : i32 to vector<16xi32>
          tpu.vector_store_idx %arg12[%sub3A_543, %broadcast_in_dim3A_693], %gather3A_691 masked %and3A_521 : memref<128x128xf32, #tpu.memory_space<vmem>>[vector<16xi32>, vector<16xi32>], vector<16xf32>, vector<16xi1>
          %broadcast_in_dim3A_694 = arith.constant 16 : i32
          %broadcast_in_dim3A_695 = vector.broadcast %broadcast_in_dim3A_694 : i32 to vector<16xi32>
          %gather3A_696 = arith.constant 0 : i32
          %gather3A_697 = arith.constant 0 : i32
          %gather3A_698 = tpu.memref_slice %arg11[%rem3A_451, %gather3A_696, %gather3A_697] : memref<3x32x512xf32, #tpu.memory_space<vmem>> -> memref<1x32x512xf32, #tpu.memory_space<vmem>>
          %gather3A_699 = tpu.memref_squeeze %gather3A_698 : memref<1x32x512xf32, #tpu.memory_space<vmem>> -> memref<32x512xf32, #tpu.memory_space<vmem>>
          %gather3A_700 = tpu.vector_load_idx %gather3A_699[%broadcast_in_dim3A_695, %min3A_550] : memref<32x512xf32, #tpu.memory_space<vmem>>[vector<16xi32>, vector<16xi32>], vector<16xf32>,
          %broadcast_in_dim3A_701 = arith.constant 16 : i32
          %broadcast_in_dim3A_702 = vector.broadcast %broadcast_in_dim3A_701 : i32 to vector<16xi32>
          tpu.vector_store_idx %arg12[%sub3A_543, %broadcast_in_dim3A_702], %gather3A_700 masked %and3A_521 : memref<128x128xf32, #tpu.memory_space<vmem>>[vector<16xi32>, vector<16xi32>], vector<16xf32>, vector<16xi1>
          %broadcast_in_dim3A_703 = arith.constant 17 : i32
          %broadcast_in_dim3A_704 = vector.broadcast %broadcast_in_dim3A_703 : i32 to vector<16xi32>
          %gather3A_705 = arith.constant 0 : i32
          %gather3A_706 = arith.constant 0 : i32
          %gather3A_707 = tpu.memref_slice %arg11[%rem3A_451, %gather3A_705, %gather3A_706] : memref<3x32x512xf32, #tpu.memory_space<vmem>> -> memref<1x32x512xf32, #tpu.memory_space<vmem>>
          %gather3A_708 = tpu.memref_squeeze %gather3A_707 : memref<1x32x512xf32, #tpu.memory_space<vmem>> -> memref<32x512xf32, #tpu.memory_space<vmem>>
          %gather3A_709 = tpu.vector_load_idx %gather3A_708[%broadcast_in_dim3A_704, %min3A_550] : memref<32x512xf32, #tpu.memory_space<vmem>>[vector<16xi32>, vector<16xi32>], vector<16xf32>,
          %broadcast_in_dim3A_710 = arith.constant 17 : i32
          %broadcast_in_dim3A_711 = vector.broadcast %broadcast_in_dim3A_710 : i32 to vector<16xi32>
          tpu.vector_store_idx %arg12[%sub3A_543, %broadcast_in_dim3A_711], %gather3A_709 masked %and3A_521 : memref<128x128xf32, #tpu.memory_space<vmem>>[vector<16xi32>, vector<16xi32>], vector<16xf32>, vector<16xi1>
          %broadcast_in_dim3A_712 = arith.constant 18 : i32
          %broadcast_in_dim3A_713 = vector.broadcast %broadcast_in_dim3A_712 : i32 to vector<16xi32>
          %gather3A_714 = arith.constant 0 : i32
          %gather3A_715 = arith.constant 0 : i32
          %gather3A_716 = tpu.memref_slice %arg11[%rem3A_451, %gather3A_714, %gather3A_715] : memref<3x32x512xf32, #tpu.memory_space<vmem>> -> memref<1x32x512xf32, #tpu.memory_space<vmem>>
          %gather3A_717 = tpu.memref_squeeze %gather3A_716 : memref<1x32x512xf32, #tpu.memory_space<vmem>> -> memref<32x512xf32, #tpu.memory_space<vmem>>
          %gather3A_718 = tpu.vector_load_idx %gather3A_717[%broadcast_in_dim3A_713, %min3A_550] : memref<32x512xf32, #tpu.memory_space<vmem>>[vector<16xi32>, vector<16xi32>], vector<16xf32>,
          %broadcast_in_dim3A_719 = arith.constant 18 : i32
          %broadcast_in_dim3A_720 = vector.broadcast %broadcast_in_dim3A_719 : i32 to vector<16xi32>
          tpu.vector_store_idx %arg12[%sub3A_543, %broadcast_in_dim3A_720], %gather3A_718 masked %and3A_521 : memref<128x128xf32, #tpu.memory_space<vmem>>[vector<16xi32>, vector<16xi32>], vector<16xf32>, vector<16xi1>
          %broadcast_in_dim3A_721 = arith.constant 19 : i32
          %broadcast_in_dim3A_722 = vector.broadcast %broadcast_in_dim3A_721 : i32 to vector<16xi32>
          %gather3A_723 = arith.constant 0 : i32
          %gather3A_724 = arith.constant 0 : i32
          %gather3A_725 = tpu.memref_slice %arg11[%rem3A_451, %gather3A_723, %gather3A_724] : memref<3x32x512xf32, #tpu.memory_space<vmem>> -> memref<1x32x512xf32, #tpu.memory_space<vmem>>
          %gather3A_726 = tpu.memref_squeeze %gather3A_725 : memref<1x32x512xf32, #tpu.memory_space<vmem>> -> memref<32x512xf32, #tpu.memory_space<vmem>>
          %gather3A_727 = tpu.vector_load_idx %gather3A_726[%broadcast_in_dim3A_722, %min3A_550] : memref<32x512xf32, #tpu.memory_space<vmem>>[vector<16xi32>, vector<16xi32>], vector<16xf32>,
          %broadcast_in_dim3A_728 = arith.constant 19 : i32
          %broadcast_in_dim3A_729 = vector.broadcast %broadcast_in_dim3A_728 : i32 to vector<16xi32>
          tpu.vector_store_idx %arg12[%sub3A_543, %broadcast_in_dim3A_729], %gather3A_727 masked %and3A_521 : memref<128x128xf32, #tpu.memory_space<vmem>>[vector<16xi32>, vector<16xi32>], vector<16xf32>, vector<16xi1>
          %broadcast_in_dim3A_730 = arith.constant 20 : i32
          %broadcast_in_dim3A_731 = vector.broadcast %broadcast_in_dim3A_730 : i32 to vector<16xi32>
          %gather3A_732 = arith.constant 0 : i32
          %gather3A_733 = arith.constant 0 : i32
          %gather3A_734 = tpu.memref_slice %arg11[%rem3A_451, %gather3A_732, %gather3A_733] : memref<3x32x512xf32, #tpu.memory_space<vmem>> -> memref<1x32x512xf32, #tpu.memory_space<vmem>>
          %gather3A_735 = tpu.memref_squeeze %gather3A_734 : memref<1x32x512xf32, #tpu.memory_space<vmem>> -> memref<32x512xf32, #tpu.memory_space<vmem>>
          %gather3A_736 = tpu.vector_load_idx %gather3A_735[%broadcast_in_dim3A_731, %min3A_550] : memref<32x512xf32, #tpu.memory_space<vmem>>[vector<16xi32>, vector<16xi32>], vector<16xf32>,
          %broadcast_in_dim3A_737 = arith.constant 20 : i32
          %broadcast_in_dim3A_738 = vector.broadcast %broadcast_in_dim3A_737 : i32 to vector<16xi32>
          tpu.vector_store_idx %arg12[%sub3A_543, %broadcast_in_dim3A_738], %gather3A_736 masked %and3A_521 : memref<128x128xf32, #tpu.memory_space<vmem>>[vector<16xi32>, vector<16xi32>], vector<16xf32>, vector<16xi1>
          %broadcast_in_dim3A_739 = arith.constant 21 : i32
          %broadcast_in_dim3A_740 = vector.broadcast %broadcast_in_dim3A_739 : i32 to vector<16xi32>
          %gather3A_741 = arith.constant 0 : i32
          %gather3A_742 = arith.constant 0 : i32
          %gather3A_743 = tpu.memref_slice %arg11[%rem3A_451, %gather3A_741, %gather3A_742] : memref<3x32x512xf32, #tpu.memory_space<vmem>> -> memref<1x32x512xf32, #tpu.memory_space<vmem>>
          %gather3A_744 = tpu.memref_squeeze %gather3A_743 : memref<1x32x512xf32, #tpu.memory_space<vmem>> -> memref<32x512xf32, #tpu.memory_space<vmem>>
          %gather3A_745 = tpu.vector_load_idx %gather3A_744[%broadcast_in_dim3A_740, %min3A_550] : memref<32x512xf32, #tpu.memory_space<vmem>>[vector<16xi32>, vector<16xi32>], vector<16xf32>,
          %broadcast_in_dim3A_746 = arith.constant 21 : i32
          %broadcast_in_dim3A_747 = vector.broadcast %broadcast_in_dim3A_746 : i32 to vector<16xi32>
          tpu.vector_store_idx %arg12[%sub3A_543, %broadcast_in_dim3A_747], %gather3A_745 masked %and3A_521 : memref<128x128xf32, #tpu.memory_space<vmem>>[vector<16xi32>, vector<16xi32>], vector<16xf32>, vector<16xi1>
          %broadcast_in_dim3A_748 = arith.constant 22 : i32
          %broadcast_in_dim3A_749 = vector.broadcast %broadcast_in_dim3A_748 : i32 to vector<16xi32>
          %gather3A_750 = arith.constant 0 : i32
          %gather3A_751 = arith.constant 0 : i32
          %gather3A_752 = tpu.memref_slice %arg11[%rem3A_451, %gather3A_750, %gather3A_751] : memref<3x32x512xf32, #tpu.memory_space<vmem>> -> memref<1x32x512xf32, #tpu.memory_space<vmem>>
          %gather3A_753 = tpu.memref_squeeze %gather3A_752 : memref<1x32x512xf32, #tpu.memory_space<vmem>> -> memref<32x512xf32, #tpu.memory_space<vmem>>
          %gather3A_754 = tpu.vector_load_idx %gather3A_753[%broadcast_in_dim3A_749, %min3A_550] : memref<32x512xf32, #tpu.memory_space<vmem>>[vector<16xi32>, vector<16xi32>], vector<16xf32>,
          %broadcast_in_dim3A_755 = arith.constant 22 : i32
          %broadcast_in_dim3A_756 = vector.broadcast %broadcast_in_dim3A_755 : i32 to vector<16xi32>
          tpu.vector_store_idx %arg12[%sub3A_543, %broadcast_in_dim3A_756], %gather3A_754 masked %and3A_521 : memref<128x128xf32, #tpu.memory_space<vmem>>[vector<16xi32>, vector<16xi32>], vector<16xf32>, vector<16xi1>
          %broadcast_in_dim3A_757 = arith.constant 23 : i32
          %broadcast_in_dim3A_758 = vector.broadcast %broadcast_in_dim3A_757 : i32 to vector<16xi32>
          %gather3A_759 = arith.constant 0 : i32
          %gather3A_760 = arith.constant 0 : i32
          %gather3A_761 = tpu.memref_slice %arg11[%rem3A_451, %gather3A_759, %gather3A_760] : memref<3x32x512xf32, #tpu.memory_space<vmem>> -> memref<1x32x512xf32, #tpu.memory_space<vmem>>
          %gather3A_762 = tpu.memref_squeeze %gather3A_761 : memref<1x32x512xf32, #tpu.memory_space<vmem>> -> memref<32x512xf32, #tpu.memory_space<vmem>>
          %gather3A_763 = tpu.vector_load_idx %gather3A_762[%broadcast_in_dim3A_758, %min3A_550] : memref<32x512xf32, #tpu.memory_space<vmem>>[vector<16xi32>, vector<16xi32>], vector<16xf32>,
          %broadcast_in_dim3A_764 = arith.constant 23 : i32
          %broadcast_in_dim3A_765 = vector.broadcast %broadcast_in_dim3A_764 : i32 to vector<16xi32>
          tpu.vector_store_idx %arg12[%sub3A_543, %broadcast_in_dim3A_765], %gather3A_763 masked %and3A_521 : memref<128x128xf32, #tpu.memory_space<vmem>>[vector<16xi32>, vector<16xi32>], vector<16xf32>, vector<16xi1>
          %broadcast_in_dim3A_766 = arith.constant 24 : i32
          %broadcast_in_dim3A_767 = vector.broadcast %broadcast_in_dim3A_766 : i32 to vector<16xi32>
          %gather3A_768 = arith.constant 0 : i32
          %gather3A_769 = arith.constant 0 : i32
          %gather3A_770 = tpu.memref_slice %arg11[%rem3A_451, %gather3A_768, %gather3A_769] : memref<3x32x512xf32, #tpu.memory_space<vmem>> -> memref<1x32x512xf32, #tpu.memory_space<vmem>>
          %gather3A_771 = tpu.memref_squeeze %gather3A_770 : memref<1x32x512xf32, #tpu.memory_space<vmem>> -> memref<32x512xf32, #tpu.memory_space<vmem>>
          %gather3A_772 = tpu.vector_load_idx %gather3A_771[%broadcast_in_dim3A_767, %min3A_550] : memref<32x512xf32, #tpu.memory_space<vmem>>[vector<16xi32>, vector<16xi32>], vector<16xf32>,
          %broadcast_in_dim3A_773 = arith.constant 24 : i32
          %broadcast_in_dim3A_774 = vector.broadcast %broadcast_in_dim3A_773 : i32 to vector<16xi32>
          tpu.vector_store_idx %arg12[%sub3A_543, %broadcast_in_dim3A_774], %gather3A_772 masked %and3A_521 : memref<128x128xf32, #tpu.memory_space<vmem>>[vector<16xi32>, vector<16xi32>], vector<16xf32>, vector<16xi1>
          %broadcast_in_dim3A_775 = arith.constant 25 : i32
          %broadcast_in_dim3A_776 = vector.broadcast %broadcast_in_dim3A_775 : i32 to vector<16xi32>
          %gather3A_777 = arith.constant 0 : i32
          %gather3A_778 = arith.constant 0 : i32
          %gather3A_779 = tpu.memref_slice %arg11[%rem3A_451, %gather3A_777, %gather3A_778] : memref<3x32x512xf32, #tpu.memory_space<vmem>> -> memref<1x32x512xf32, #tpu.memory_space<vmem>>
          %gather3A_780 = tpu.memref_squeeze %gather3A_779 : memref<1x32x512xf32, #tpu.memory_space<vmem>> -> memref<32x512xf32, #tpu.memory_space<vmem>>
          %gather3A_781 = tpu.vector_load_idx %gather3A_780[%broadcast_in_dim3A_776, %min3A_550] : memref<32x512xf32, #tpu.memory_space<vmem>>[vector<16xi32>, vector<16xi32>], vector<16xf32>,
          %broadcast_in_dim3A_782 = arith.constant 25 : i32
          %broadcast_in_dim3A_783 = vector.broadcast %broadcast_in_dim3A_782 : i32 to vector<16xi32>
          tpu.vector_store_idx %arg12[%sub3A_543, %broadcast_in_dim3A_783], %gather3A_781 masked %and3A_521 : memref<128x128xf32, #tpu.memory_space<vmem>>[vector<16xi32>, vector<16xi32>], vector<16xf32>, vector<16xi1>
          %broadcast_in_dim3A_784 = arith.constant 26 : i32
          %broadcast_in_dim3A_785 = vector.broadcast %broadcast_in_dim3A_784 : i32 to vector<16xi32>
          %gather3A_786 = arith.constant 0 : i32
          %gather3A_787 = arith.constant 0 : i32
          %gather3A_788 = tpu.memref_slice %arg11[%rem3A_451, %gather3A_786, %gather3A_787] : memref<3x32x512xf32, #tpu.memory_space<vmem>> -> memref<1x32x512xf32, #tpu.memory_space<vmem>>
          %gather3A_789 = tpu.memref_squeeze %gather3A_788 : memref<1x32x512xf32, #tpu.memory_space<vmem>> -> memref<32x512xf32, #tpu.memory_space<vmem>>
          %gather3A_790 = tpu.vector_load_idx %gather3A_789[%broadcast_in_dim3A_785, %min3A_550] : memref<32x512xf32, #tpu.memory_space<vmem>>[vector<16xi32>, vector<16xi32>], vector<16xf32>,
          %broadcast_in_dim3A_791 = arith.constant 26 : i32
          %broadcast_in_dim3A_792 = vector.broadcast %broadcast_in_dim3A_791 : i32 to vector<16xi32>
          tpu.vector_store_idx %arg12[%sub3A_543, %broadcast_in_dim3A_792], %gather3A_790 masked %and3A_521 : memref<128x128xf32, #tpu.memory_space<vmem>>[vector<16xi32>, vector<16xi32>], vector<16xf32>, vector<16xi1>
          %broadcast_in_dim3A_793 = arith.constant 27 : i32
          %broadcast_in_dim3A_794 = vector.broadcast %broadcast_in_dim3A_793 : i32 to vector<16xi32>
          %gather3A_795 = arith.constant 0 : i32
          %gather3A_796 = arith.constant 0 : i32
          %gather3A_797 = tpu.memref_slice %arg11[%rem3A_451, %gather3A_795, %gather3A_796] : memref<3x32x512xf32, #tpu.memory_space<vmem>> -> memref<1x32x512xf32, #tpu.memory_space<vmem>>
          %gather3A_798 = tpu.memref_squeeze %gather3A_797 : memref<1x32x512xf32, #tpu.memory_space<vmem>> -> memref<32x512xf32, #tpu.memory_space<vmem>>
          %gather3A_799 = tpu.vector_load_idx %gather3A_798[%broadcast_in_dim3A_794, %min3A_550] : memref<32x512xf32, #tpu.memory_space<vmem>>[vector<16xi32>, vector<16xi32>], vector<16xf32>,
          %broadcast_in_dim3A_800 = arith.constant 27 : i32
          %broadcast_in_dim3A_801 = vector.broadcast %broadcast_in_dim3A_800 : i32 to vector<16xi32>
          tpu.vector_store_idx %arg12[%sub3A_543, %broadcast_in_dim3A_801], %gather3A_799 masked %and3A_521 : memref<128x128xf32, #tpu.memory_space<vmem>>[vector<16xi32>, vector<16xi32>], vector<16xf32>, vector<16xi1>
          %broadcast_in_dim3A_802 = arith.constant 28 : i32
          %broadcast_in_dim3A_803 = vector.broadcast %broadcast_in_dim3A_802 : i32 to vector<16xi32>
          %gather3A_804 = arith.constant 0 : i32
          %gather3A_805 = arith.constant 0 : i32
          %gather3A_806 = tpu.memref_slice %arg11[%rem3A_451, %gather3A_804, %gather3A_805] : memref<3x32x512xf32, #tpu.memory_space<vmem>> -> memref<1x32x512xf32, #tpu.memory_space<vmem>>
          %gather3A_807 = tpu.memref_squeeze %gather3A_806 : memref<1x32x512xf32, #tpu.memory_space<vmem>> -> memref<32x512xf32, #tpu.memory_space<vmem>>
          %gather3A_808 = tpu.vector_load_idx %gather3A_807[%broadcast_in_dim3A_803, %min3A_550] : memref<32x512xf32, #tpu.memory_space<vmem>>[vector<16xi32>, vector<16xi32>], vector<16xf32>,
          %broadcast_in_dim3A_809 = arith.constant 28 : i32
          %broadcast_in_dim3A_810 = vector.broadcast %broadcast_in_dim3A_809 : i32 to vector<16xi32>
          tpu.vector_store_idx %arg12[%sub3A_543, %broadcast_in_dim3A_810], %gather3A_808 masked %and3A_521 : memref<128x128xf32, #tpu.memory_space<vmem>>[vector<16xi32>, vector<16xi32>], vector<16xf32>, vector<16xi1>
          %broadcast_in_dim3A_811 = arith.constant 29 : i32
          %broadcast_in_dim3A_812 = vector.broadcast %broadcast_in_dim3A_811 : i32 to vector<16xi32>
          %gather3A_813 = arith.constant 0 : i32
          %gather3A_814 = arith.constant 0 : i32
          %gather3A_815 = tpu.memref_slice %arg11[%rem3A_451, %gather3A_813, %gather3A_814] : memref<3x32x512xf32, #tpu.memory_space<vmem>> -> memref<1x32x512xf32, #tpu.memory_space<vmem>>
          %gather3A_816 = tpu.memref_squeeze %gather3A_815 : memref<1x32x512xf32, #tpu.memory_space<vmem>> -> memref<32x512xf32, #tpu.memory_space<vmem>>
          %gather3A_817 = tpu.vector_load_idx %gather3A_816[%broadcast_in_dim3A_812, %min3A_550] : memref<32x512xf32, #tpu.memory_space<vmem>>[vector<16xi32>, vector<16xi32>], vector<16xf32>,
          %broadcast_in_dim3A_818 = arith.constant 29 : i32
          %broadcast_in_dim3A_819 = vector.broadcast %broadcast_in_dim3A_818 : i32 to vector<16xi32>
          tpu.vector_store_idx %arg12[%sub3A_543, %broadcast_in_dim3A_819], %gather3A_817 masked %and3A_521 : memref<128x128xf32, #tpu.memory_space<vmem>>[vector<16xi32>, vector<16xi32>], vector<16xf32>, vector<16xi1>
          %broadcast_in_dim3A_820 = arith.constant 30 : i32
          %broadcast_in_dim3A_821 = vector.broadcast %broadcast_in_dim3A_820 : i32 to vector<16xi32>
          %gather3A_822 = arith.constant 0 : i32
          %gather3A_823 = arith.constant 0 : i32
          %gather3A_824 = tpu.memref_slice %arg11[%rem3A_451, %gather3A_822, %gather3A_823] : memref<3x32x512xf32, #tpu.memory_space<vmem>> -> memref<1x32x512xf32, #tpu.memory_space<vmem>>
          %gather3A_825 = tpu.memref_squeeze %gather3A_824 : memref<1x32x512xf32, #tpu.memory_space<vmem>> -> memref<32x512xf32, #tpu.memory_space<vmem>>
          %gather3A_826 = tpu.vector_load_idx %gather3A_825[%broadcast_in_dim3A_821, %min3A_550] : memref<32x512xf32, #tpu.memory_space<vmem>>[vector<16xi32>, vector<16xi32>], vector<16xf32>,
          %broadcast_in_dim3A_827 = arith.constant 30 : i32
          %broadcast_in_dim3A_828 = vector.broadcast %broadcast_in_dim3A_827 : i32 to vector<16xi32>
          tpu.vector_store_idx %arg12[%sub3A_543, %broadcast_in_dim3A_828], %gather3A_826 masked %and3A_521 : memref<128x128xf32, #tpu.memory_space<vmem>>[vector<16xi32>, vector<16xi32>], vector<16xf32>, vector<16xi1>
          %broadcast_in_dim3A_829 = arith.constant 31 : i32
          %broadcast_in_dim3A_830 = vector.broadcast %broadcast_in_dim3A_829 : i32 to vector<16xi32>
          %gather3A_831 = arith.constant 0 : i32
          %gather3A_832 = arith.constant 0 : i32
          %gather3A_833 = tpu.memref_slice %arg11[%rem3A_451, %gather3A_831, %gather3A_832] : memref<3x32x512xf32, #tpu.memory_space<vmem>> -> memref<1x32x512xf32, #tpu.memory_space<vmem>>
          %gather3A_834 = tpu.memref_squeeze %gather3A_833 : memref<1x32x512xf32, #tpu.memory_space<vmem>> -> memref<32x512xf32, #tpu.memory_space<vmem>>
          %gather3A_835 = tpu.vector_load_idx %gather3A_834[%broadcast_in_dim3A_830, %min3A_550] : memref<32x512xf32, #tpu.memory_space<vmem>>[vector<16xi32>, vector<16xi32>], vector<16xf32>,
          %broadcast_in_dim3A_836 = arith.constant 31 : i32
          %broadcast_in_dim3A_837 = vector.broadcast %broadcast_in_dim3A_836 : i32 to vector<16xi32>
          tpu.vector_store_idx %arg12[%sub3A_543, %broadcast_in_dim3A_837], %gather3A_835 masked %and3A_521 : memref<128x128xf32, #tpu.memory_space<vmem>>[vector<16xi32>, vector<16xi32>], vector<16xf32>, vector<16xi1>
          tpu.vector_store_idx %arg13[%sub3A_543], %get3A_515 masked %and3A_521 : memref<128xi32, #tpu.memory_space<vmem>>[vector<16xi32>], vector<16xi32>, vector<16xi1>
          %add3A_838 = arith.addi %cond3A_535, %reduce_sum3A_524 : i32
          scf.yield %add3A_838 : i32
        } else {
          scf.yield %while3A_508 : i32
        }
        scf.yield %cond3A_528 : i32
      }
      %while3A_505 = arith.constant 1 : i32
      %while3A_506 = scf.for %while3A_507 = %while3A_502 to %while3A_498 step %while3A_505 iter_args(%while3A_508 = %while3A_504) -> (i32)  : i32 {
        %mul3A_509 = arith.constant 16 : i32
        %mul3A_510 = arith.muli %while3A_507, %mul3A_509 : i32
        %get3A = arith.index_cast %mul3A_510 : i32 to index
        %get3A_511 = tpu.vector_load %arg9[%get3A] {strides = array<i32>} : memref<16400xi32, #tpu.memory_space<vmem>>, vector<16xi32>,
        %mul3A_512 = arith.constant 16 : i32
        %mul3A_513 = arith.muli %while3A_507, %mul3A_512 : i32
        %get3A_514 = arith.index_cast %mul3A_513 : i32 to index
        %get3A_515 = tpu.vector_load %arg10[%get3A_514] {strides = array<i32>} : memref<16400xi32, #tpu.memory_space<vmem>>, vector<16xi32>,
        %ge3A = vector.broadcast %mul3A_495 : i32 to vector<16xi32>
        %ge3A_516 = arith.cmpi sge, %get3A_511, %ge3A : vector<16xi32>
        %add3A_517 = arith.constant 512 : i32
        %add3A_518 = arith.addi %mul3A_495, %add3A_517 : i32
        %lt3A_519 = vector.broadcast %add3A_518 : i32 to vector<16xi32>
        %lt3A_520 = arith.cmpi slt, %get3A_511, %lt3A_519 : vector<16xi32>
        %and3A_521 = arith.andi %ge3A_516, %lt3A_520 : vector<16xi1>
        %convert_element_type3A = arith.extui %and3A_521 : vector<16xi1> to vector<16xi32>
        %reduce_sum3A = arith.constant true
        %reduce_sum3A_522 = vector.broadcast %reduce_sum3A : i1 to vector<16xi1>
        %reduce_sum3A_523 = tpu.scan <sum>, %convert_element_type3A masked %reduce_sum3A_522 : vector<16xi32>, vector<16xi1> -> vector<16xi32>
        %reduce_sum3A_524 = vector.extract %reduce_sum3A_523[15] : i32 from vector<16xi32>
        %gt3A = arith.constant 0 : i32
        %gt3A_525 = arith.cmpi sgt, %reduce_sum3A_524, %gt3A : i32
        %convert_element_type3A_526 = arith.extui %gt3A_525 : i1 to i32
        %cond3A = arith.constant 0 : i32
        %cond3A_527 = arith.cmpi ne, %convert_element_type3A_526, %cond3A : i32
        %cond3A_528 = scf.if %cond3A_527 -> (i32) {
          %add3A_529 = arith.addi %while3A_508, %reduce_sum3A_524 : i32
          %gt3A_530 = arith.constant 128 : i32
          %gt3A_531 = arith.cmpi sgt, %add3A_529, %gt3A_530 : i32
          %convert_element_type3A_532 = arith.extui %gt3A_531 : i1 to i32
          %cond3A_533 = arith.constant 0 : i32
          %cond3A_534 = arith.cmpi ne, %convert_element_type3A_532, %cond3A_533 : i32
          %cond3A_535 = scf.if %cond3A_534 -> (i32) {
            %dma_start3A_839 = arith.constant 0 : i32
            %dma_start3A_840 = arith.constant 0 : i32
            %dma_start3A_841 = tpu.memref_slice %arg7[%dma_start3A_839, %dma_start3A_840] : memref<16512x128xf32, #tpu.memory_space<hbm>> -> memref<16512x128xf32, #tpu.memory_space<hbm>>
            tpu.enqueue_indirect_dma source(%arg12 : memref<128x128xf32, #tpu.memory_space<vmem>>) target(%dma_start3A_841 : memref<16512x128xf32, #tpu.memory_space<hbm>>) offsets(%arg13 : memref<128xi32, #tpu.memory_space<vmem>>) semaphore(%arg16 : memref<!tpu.dma_semaphore, #tpu.memory_space<semaphore_mem>>)
            %dma_wait3A_842 = arith.constant 0 : i32
            %dma_wait3A_843 = arith.constant 0 : i32
            %dma_wait3A_844 = tpu.memref_slice %arg7[%dma_wait3A_842, %dma_wait3A_843] : memref<16512x128xf32, #tpu.memory_space<hbm>> -> memref<16512x128xf32, #tpu.memory_space<hbm>>
            tpu.wait_indirect_dma semaphore(%arg16 : memref<!tpu.dma_semaphore, #tpu.memory_space<semaphore_mem>>) src(%arg12 : memref<128x128xf32, #tpu.memory_space<vmem>>) dst(%dma_wait3A_844 : memref<16512x128xf32, #tpu.memory_space<hbm>>)
            %add3A_845 = arith.constant 16384 : i32
            %add3A_846 = vector.broadcast %add3A_845 : i32 to vector<16xi32>
            %add3A_847 = arith.addi %add3A_846, %iota3A : vector<16xi32>
            %swap3A_848 = arith.constant 0 : index
            %swap3A_849 = tpu.vector_load %arg13[%swap3A_848] {strides = array<i32>} : memref<128xi32, #tpu.memory_space<vmem>>, vector<16xi32>,
            tpu.vector_store %arg13[%swap3A_848], %add3A_847 {strides = array<i32>} : memref<128xi32, #tpu.memory_space<vmem>>, vector<16xi32>,
            %add3A_850 = arith.constant 16400 : i32
            %add3A_851 = vector.broadcast %add3A_850 : i32 to vector<16xi32>
            %add3A_852 = arith.addi %add3A_851, %iota3A : vector<16xi32>
            %swap3A_853 = arith.constant 16 : index
            %swap3A_854 = tpu.vector_load %arg13[%swap3A_853] {strides = array<i32>} : memref<128xi32, #tpu.memory_space<vmem>>, vector<16xi32>,
            tpu.vector_store %arg13[%swap3A_853], %add3A_852 {strides = array<i32>} : memref<128xi32, #tpu.memory_space<vmem>>, vector<16xi32>,
            %add3A_855 = arith.constant 16416 : i32
            %add3A_856 = vector.broadcast %add3A_855 : i32 to vector<16xi32>
            %add3A_857 = arith.addi %add3A_856, %iota3A : vector<16xi32>
            %swap3A_858 = arith.constant 32 : index
            %swap3A_859 = tpu.vector_load %arg13[%swap3A_858] {strides = array<i32>} : memref<128xi32, #tpu.memory_space<vmem>>, vector<16xi32>,
            tpu.vector_store %arg13[%swap3A_858], %add3A_857 {strides = array<i32>} : memref<128xi32, #tpu.memory_space<vmem>>, vector<16xi32>,
            %add3A_860 = arith.constant 16432 : i32
            %add3A_861 = vector.broadcast %add3A_860 : i32 to vector<16xi32>
            %add3A_862 = arith.addi %add3A_861, %iota3A : vector<16xi32>
            %swap3A_863 = arith.constant 48 : index
            %swap3A_864 = tpu.vector_load %arg13[%swap3A_863] {strides = array<i32>} : memref<128xi32, #tpu.memory_space<vmem>>, vector<16xi32>,
            tpu.vector_store %arg13[%swap3A_863], %add3A_862 {strides = array<i32>} : memref<128xi32, #tpu.memory_space<vmem>>, vector<16xi32>,
            %add3A_865 = arith.constant 16448 : i32
            %add3A_866 = vector.broadcast %add3A_865 : i32 to vector<16xi32>
            %add3A_867 = arith.addi %add3A_866, %iota3A : vector<16xi32>
            %swap3A_868 = arith.constant 64 : index
            %swap3A_869 = tpu.vector_load %arg13[%swap3A_868] {strides = array<i32>} : memref<128xi32, #tpu.memory_space<vmem>>, vector<16xi32>,
            tpu.vector_store %arg13[%swap3A_868], %add3A_867 {strides = array<i32>} : memref<128xi32, #tpu.memory_space<vmem>>, vector<16xi32>,
            %add3A_870 = arith.constant 16464 : i32
            %add3A_871 = vector.broadcast %add3A_870 : i32 to vector<16xi32>
            %add3A_872 = arith.addi %add3A_871, %iota3A : vector<16xi32>
            %swap3A_873 = arith.constant 80 : index
            %swap3A_874 = tpu.vector_load %arg13[%swap3A_873] {strides = array<i32>} : memref<128xi32, #tpu.memory_space<vmem>>, vector<16xi32>,
            tpu.vector_store %arg13[%swap3A_873], %add3A_872 {strides = array<i32>} : memref<128xi32, #tpu.memory_space<vmem>>, vector<16xi32>,
            %add3A_875 = arith.constant 16480 : i32
            %add3A_876 = vector.broadcast %add3A_875 : i32 to vector<16xi32>
            %add3A_877 = arith.addi %add3A_876, %iota3A : vector<16xi32>
            %swap3A_878 = arith.constant 96 : index
            %swap3A_879 = tpu.vector_load %arg13[%swap3A_878] {strides = array<i32>} : memref<128xi32, #tpu.memory_space<vmem>>, vector<16xi32>,
            tpu.vector_store %arg13[%swap3A_878], %add3A_877 {strides = array<i32>} : memref<128xi32, #tpu.memory_space<vmem>>, vector<16xi32>,
            %add3A_880 = arith.constant 16496 : i32
            %add3A_881 = vector.broadcast %add3A_880 : i32 to vector<16xi32>
            %add3A_882 = arith.addi %add3A_881, %iota3A : vector<16xi32>
            %swap3A_883 = arith.constant 112 : index
            %swap3A_884 = tpu.vector_load %arg13[%swap3A_883] {strides = array<i32>} : memref<128xi32, #tpu.memory_space<vmem>>, vector<16xi32>,
            tpu.vector_store %arg13[%swap3A_883], %add3A_882 {strides = array<i32>} : memref<128xi32, #tpu.memory_space<vmem>>, vector<16xi32>,
            %cond3A_885 = arith.constant 0 : i32
            scf.yield %cond3A_885 : i32
          } else {
            scf.yield %while3A_508 : i32
          }
          %convert_element_type3A_536 = arith.extui %and3A_521 : vector<16xi1> to vector<16xi32>
          %broadcast_in_dim3A_537 = arith.constant true
          %broadcast_in_dim3A_538 = vector.broadcast %broadcast_in_dim3A_537 : i1 to vector<16xi1>
          %masked_cumsum3A = tpu.scan <sum>, %convert_element_type3A_536 masked %broadcast_in_dim3A_538 : vector<16xi32>, vector<16xi1> -> vector<16xi32>
          %add3A_539 = vector.broadcast %cond3A_535 : i32 to vector<16xi32>
          %add3A_540 = arith.addi %add3A_539, %masked_cumsum3A : vector<16xi32>
          %sub3A_541 = arith.constant 1 : i32
          %sub3A_542 = vector.broadcast %sub3A_541 : i32 to vector<16xi32>
          %sub3A_543 = arith.subi %add3A_540, %sub3A_542 : vector<16xi32>
          %sub3A_544 = vector.broadcast %mul3A_495 : i32 to vector<16xi32>
          %sub3A_545 = arith.subi %get3A_511, %sub3A_544 : vector<16xi32>
          %jit3A_546 = arith.constant 0 : i32
          %jit3A_547 = arith.constant 511 : i32
          %max3A = vector.broadcast %jit3A_546 : i32 to vector<16xi32>
          %max3A_548 = arith.maxsi %max3A, %sub3A_545 : vector<16xi32>
          %min3A_549 = vector.broadcast %jit3A_547 : i32 to vector<16xi32>
          %min3A_550 = arith.minsi %min3A_549, %max3A_548 : vector<16xi32>
          %broadcast_in_dim3A_551 = arith.constant 0 : i32
          %broadcast_in_dim3A_552 = vector.broadcast %broadcast_in_dim3A_551 : i32 to vector<16xi32>
          %gather3A = arith.constant 0 : i32
          %gather3A_553 = arith.constant 0 : i32
          %gather3A_554 = tpu.memref_slice %arg11[%rem3A_451, %gather3A, %gather3A_553] : memref<3x32x512xf32, #tpu.memory_space<vmem>> -> memref<1x32x512xf32, #tpu.memory_space<vmem>>
          %gather3A_555 = tpu.memref_squeeze %gather3A_554 : memref<1x32x512xf32, #tpu.memory_space<vmem>> -> memref<32x512xf32, #tpu.memory_space<vmem>>
          %gather3A_556 = tpu.vector_load_idx %gather3A_555[%broadcast_in_dim3A_552, %min3A_550] : memref<32x512xf32, #tpu.memory_space<vmem>>[vector<16xi32>, vector<16xi32>], vector<16xf32>,
          %broadcast_in_dim3A_557 = arith.constant 0 : i32
          %broadcast_in_dim3A_558 = vector.broadcast %broadcast_in_dim3A_557 : i32 to vector<16xi32>
          tpu.vector_store_idx %arg12[%sub3A_543, %broadcast_in_dim3A_558], %gather3A_556 masked %and3A_521 : memref<128x128xf32, #tpu.memory_space<vmem>>[vector<16xi32>, vector<16xi32>], vector<16xf32>, vector<16xi1>
          %broadcast_in_dim3A_559 = arith.constant 1 : i32
          %broadcast_in_dim3A_560 = vector.broadcast %broadcast_in_dim3A_559 : i32 to vector<16xi32>
          %gather3A_561 = arith.constant 0 : i32
          %gather3A_562 = arith.constant 0 : i32
          %gather3A_563 = tpu.memref_slice %arg11[%rem3A_451, %gather3A_561, %gather3A_562] : memref<3x32x512xf32, #tpu.memory_space<vmem>> -> memref<1x32x512xf32, #tpu.memory_space<vmem>>
          %gather3A_564 = tpu.memref_squeeze %gather3A_563 : memref<1x32x512xf32, #tpu.memory_space<vmem>> -> memref<32x512xf32, #tpu.memory_space<vmem>>
          %gather3A_565 = tpu.vector_load_idx %gather3A_564[%broadcast_in_dim3A_560, %min3A_550] : memref<32x512xf32, #tpu.memory_space<vmem>>[vector<16xi32>, vector<16xi32>], vector<16xf32>,
          %broadcast_in_dim3A_566 = arith.constant 1 : i32
          %broadcast_in_dim3A_567 = vector.broadcast %broadcast_in_dim3A_566 : i32 to vector<16xi32>
          tpu.vector_store_idx %arg12[%sub3A_543, %broadcast_in_dim3A_567], %gather3A_565 masked %and3A_521 : memref<128x128xf32, #tpu.memory_space<vmem>>[vector<16xi32>, vector<16xi32>], vector<16xf32>, vector<16xi1>
          %broadcast_in_dim3A_568 = arith.constant 2 : i32
          %broadcast_in_dim3A_569 = vector.broadcast %broadcast_in_dim3A_568 : i32 to vector<16xi32>
          %gather3A_570 = arith.constant 0 : i32
          %gather3A_571 = arith.constant 0 : i32
          %gather3A_572 = tpu.memref_slice %arg11[%rem3A_451, %gather3A_570, %gather3A_571] : memref<3x32x512xf32, #tpu.memory_space<vmem>> -> memref<1x32x512xf32, #tpu.memory_space<vmem>>
          %gather3A_573 = tpu.memref_squeeze %gather3A_572 : memref<1x32x512xf32, #tpu.memory_space<vmem>> -> memref<32x512xf32, #tpu.memory_space<vmem>>
          %gather3A_574 = tpu.vector_load_idx %gather3A_573[%broadcast_in_dim3A_569, %min3A_550] : memref<32x512xf32, #tpu.memory_space<vmem>>[vector<16xi32>, vector<16xi32>], vector<16xf32>,
          %broadcast_in_dim3A_575 = arith.constant 2 : i32
          %broadcast_in_dim3A_576 = vector.broadcast %broadcast_in_dim3A_575 : i32 to vector<16xi32>
          tpu.vector_store_idx %arg12[%sub3A_543, %broadcast_in_dim3A_576], %gather3A_574 masked %and3A_521 : memref<128x128xf32, #tpu.memory_space<vmem>>[vector<16xi32>, vector<16xi32>], vector<16xf32>, vector<16xi1>
          %broadcast_in_dim3A_577 = arith.constant 3 : i32
          %broadcast_in_dim3A_578 = vector.broadcast %broadcast_in_dim3A_577 : i32 to vector<16xi32>
          %gather3A_579 = arith.constant 0 : i32
          %gather3A_580 = arith.constant 0 : i32
          %gather3A_581 = tpu.memref_slice %arg11[%rem3A_451, %gather3A_579, %gather3A_580] : memref<3x32x512xf32, #tpu.memory_space<vmem>> -> memref<1x32x512xf32, #tpu.memory_space<vmem>>
          %gather3A_582 = tpu.memref_squeeze %gather3A_581 : memref<1x32x512xf32, #tpu.memory_space<vmem>> -> memref<32x512xf32, #tpu.memory_space<vmem>>
          %gather3A_583 = tpu.vector_load_idx %gather3A_582[%broadcast_in_dim3A_578, %min3A_550] : memref<32x512xf32, #tpu.memory_space<vmem>>[vector<16xi32>, vector<16xi32>], vector<16xf32>,
          %broadcast_in_dim3A_584 = arith.constant 3 : i32
          %broadcast_in_dim3A_585 = vector.broadcast %broadcast_in_dim3A_584 : i32 to vector<16xi32>
          tpu.vector_store_idx %arg12[%sub3A_543, %broadcast_in_dim3A_585], %gather3A_583 masked %and3A_521 : memref<128x128xf32, #tpu.memory_space<vmem>>[vector<16xi32>, vector<16xi32>], vector<16xf32>, vector<16xi1>
          %broadcast_in_dim3A_586 = arith.constant 4 : i32
          %broadcast_in_dim3A_587 = vector.broadcast %broadcast_in_dim3A_586 : i32 to vector<16xi32>
          %gather3A_588 = arith.constant 0 : i32
          %gather3A_589 = arith.constant 0 : i32
          %gather3A_590 = tpu.memref_slice %arg11[%rem3A_451, %gather3A_588, %gather3A_589] : memref<3x32x512xf32, #tpu.memory_space<vmem>> -> memref<1x32x512xf32, #tpu.memory_space<vmem>>
          %gather3A_591 = tpu.memref_squeeze %gather3A_590 : memref<1x32x512xf32, #tpu.memory_space<vmem>> -> memref<32x512xf32, #tpu.memory_space<vmem>>
          %gather3A_592 = tpu.vector_load_idx %gather3A_591[%broadcast_in_dim3A_587, %min3A_550] : memref<32x512xf32, #tpu.memory_space<vmem>>[vector<16xi32>, vector<16xi32>], vector<16xf32>,
          %broadcast_in_dim3A_593 = arith.constant 4 : i32
          %broadcast_in_dim3A_594 = vector.broadcast %broadcast_in_dim3A_593 : i32 to vector<16xi32>
          tpu.vector_store_idx %arg12[%sub3A_543, %broadcast_in_dim3A_594], %gather3A_592 masked %and3A_521 : memref<128x128xf32, #tpu.memory_space<vmem>>[vector<16xi32>, vector<16xi32>], vector<16xf32>, vector<16xi1>
          %broadcast_in_dim3A_595 = arith.constant 5 : i32
          %broadcast_in_dim3A_596 = vector.broadcast %broadcast_in_dim3A_595 : i32 to vector<16xi32>
          %gather3A_597 = arith.constant 0 : i32
          %gather3A_598 = arith.constant 0 : i32
          %gather3A_599 = tpu.memref_slice %arg11[%rem3A_451, %gather3A_597, %gather3A_598] : memref<3x32x512xf32, #tpu.memory_space<vmem>> -> memref<1x32x512xf32, #tpu.memory_space<vmem>>
          %gather3A_600 = tpu.memref_squeeze %gather3A_599 : memref<1x32x512xf32, #tpu.memory_space<vmem>> -> memref<32x512xf32, #tpu.memory_space<vmem>>
          %gather3A_601 = tpu.vector_load_idx %gather3A_600[%broadcast_in_dim3A_596, %min3A_550] : memref<32x512xf32, #tpu.memory_space<vmem>>[vector<16xi32>, vector<16xi32>], vector<16xf32>,
          %broadcast_in_dim3A_602 = arith.constant 5 : i32
          %broadcast_in_dim3A_603 = vector.broadcast %broadcast_in_dim3A_602 : i32 to vector<16xi32>
          tpu.vector_store_idx %arg12[%sub3A_543, %broadcast_in_dim3A_603], %gather3A_601 masked %and3A_521 : memref<128x128xf32, #tpu.memory_space<vmem>>[vector<16xi32>, vector<16xi32>], vector<16xf32>, vector<16xi1>
          %broadcast_in_dim3A_604 = arith.constant 6 : i32
          %broadcast_in_dim3A_605 = vector.broadcast %broadcast_in_dim3A_604 : i32 to vector<16xi32>
          %gather3A_606 = arith.constant 0 : i32
          %gather3A_607 = arith.constant 0 : i32
          %gather3A_608 = tpu.memref_slice %arg11[%rem3A_451, %gather3A_606, %gather3A_607] : memref<3x32x512xf32, #tpu.memory_space<vmem>> -> memref<1x32x512xf32, #tpu.memory_space<vmem>>
          %gather3A_609 = tpu.memref_squeeze %gather3A_608 : memref<1x32x512xf32, #tpu.memory_space<vmem>> -> memref<32x512xf32, #tpu.memory_space<vmem>>
          %gather3A_610 = tpu.vector_load_idx %gather3A_609[%broadcast_in_dim3A_605, %min3A_550] : memref<32x512xf32, #tpu.memory_space<vmem>>[vector<16xi32>, vector<16xi32>], vector<16xf32>,
          %broadcast_in_dim3A_611 = arith.constant 6 : i32
          %broadcast_in_dim3A_612 = vector.broadcast %broadcast_in_dim3A_611 : i32 to vector<16xi32>
          tpu.vector_store_idx %arg12[%sub3A_543, %broadcast_in_dim3A_612], %gather3A_610 masked %and3A_521 : memref<128x128xf32, #tpu.memory_space<vmem>>[vector<16xi32>, vector<16xi32>], vector<16xf32>, vector<16xi1>
          %broadcast_in_dim3A_613 = arith.constant 7 : i32
          %broadcast_in_dim3A_614 = vector.broadcast %broadcast_in_dim3A_613 : i32 to vector<16xi32>
          %gather3A_615 = arith.constant 0 : i32
          %gather3A_616 = arith.constant 0 : i32
          %gather3A_617 = tpu.memref_slice %arg11[%rem3A_451, %gather3A_615, %gather3A_616] : memref<3x32x512xf32, #tpu.memory_space<vmem>> -> memref<1x32x512xf32, #tpu.memory_space<vmem>>
          %gather3A_618 = tpu.memref_squeeze %gather3A_617 : memref<1x32x512xf32, #tpu.memory_space<vmem>> -> memref<32x512xf32, #tpu.memory_space<vmem>>
          %gather3A_619 = tpu.vector_load_idx %gather3A_618[%broadcast_in_dim3A_614, %min3A_550] : memref<32x512xf32, #tpu.memory_space<vmem>>[vector<16xi32>, vector<16xi32>], vector<16xf32>,
          %broadcast_in_dim3A_620 = arith.constant 7 : i32
          %broadcast_in_dim3A_621 = vector.broadcast %broadcast_in_dim3A_620 : i32 to vector<16xi32>
          tpu.vector_store_idx %arg12[%sub3A_543, %broadcast_in_dim3A_621], %gather3A_619 masked %and3A_521 : memref<128x128xf32, #tpu.memory_space<vmem>>[vector<16xi32>, vector<16xi32>], vector<16xf32>, vector<16xi1>
          %broadcast_in_dim3A_622 = arith.constant 8 : i32
          %broadcast_in_dim3A_623 = vector.broadcast %broadcast_in_dim3A_622 : i32 to vector<16xi32>
          %gather3A_624 = arith.constant 0 : i32
          %gather3A_625 = arith.constant 0 : i32
          %gather3A_626 = tpu.memref_slice %arg11[%rem3A_451, %gather3A_624, %gather3A_625] : memref<3x32x512xf32, #tpu.memory_space<vmem>> -> memref<1x32x512xf32, #tpu.memory_space<vmem>>
          %gather3A_627 = tpu.memref_squeeze %gather3A_626 : memref<1x32x512xf32, #tpu.memory_space<vmem>> -> memref<32x512xf32, #tpu.memory_space<vmem>>
          %gather3A_628 = tpu.vector_load_idx %gather3A_627[%broadcast_in_dim3A_623, %min3A_550] : memref<32x512xf32, #tpu.memory_space<vmem>>[vector<16xi32>, vector<16xi32>], vector<16xf32>,
          %broadcast_in_dim3A_629 = arith.constant 8 : i32
          %broadcast_in_dim3A_630 = vector.broadcast %broadcast_in_dim3A_629 : i32 to vector<16xi32>
          tpu.vector_store_idx %arg12[%sub3A_543, %broadcast_in_dim3A_630], %gather3A_628 masked %and3A_521 : memref<128x128xf32, #tpu.memory_space<vmem>>[vector<16xi32>, vector<16xi32>], vector<16xf32>, vector<16xi1>
          %broadcast_in_dim3A_631 = arith.constant 9 : i32
          %broadcast_in_dim3A_632 = vector.broadcast %broadcast_in_dim3A_631 : i32 to vector<16xi32>
          %gather3A_633 = arith.constant 0 : i32
          %gather3A_634 = arith.constant 0 : i32
          %gather3A_635 = tpu.memref_slice %arg11[%rem3A_451, %gather3A_633, %gather3A_634] : memref<3x32x512xf32, #tpu.memory_space<vmem>> -> memref<1x32x512xf32, #tpu.memory_space<vmem>>
          %gather3A_636 = tpu.memref_squeeze %gather3A_635 : memref<1x32x512xf32, #tpu.memory_space<vmem>> -> memref<32x512xf32, #tpu.memory_space<vmem>>
          %gather3A_637 = tpu.vector_load_idx %gather3A_636[%broadcast_in_dim3A_632, %min3A_550] : memref<32x512xf32, #tpu.memory_space<vmem>>[vector<16xi32>, vector<16xi32>], vector<16xf32>,
          %broadcast_in_dim3A_638 = arith.constant 9 : i32
          %broadcast_in_dim3A_639 = vector.broadcast %broadcast_in_dim3A_638 : i32 to vector<16xi32>
          tpu.vector_store_idx %arg12[%sub3A_543, %broadcast_in_dim3A_639], %gather3A_637 masked %and3A_521 : memref<128x128xf32, #tpu.memory_space<vmem>>[vector<16xi32>, vector<16xi32>], vector<16xf32>, vector<16xi1>
          %broadcast_in_dim3A_640 = arith.constant 10 : i32
          %broadcast_in_dim3A_641 = vector.broadcast %broadcast_in_dim3A_640 : i32 to vector<16xi32>
          %gather3A_642 = arith.constant 0 : i32
          %gather3A_643 = arith.constant 0 : i32
          %gather3A_644 = tpu.memref_slice %arg11[%rem3A_451, %gather3A_642, %gather3A_643] : memref<3x32x512xf32, #tpu.memory_space<vmem>> -> memref<1x32x512xf32, #tpu.memory_space<vmem>>
          %gather3A_645 = tpu.memref_squeeze %gather3A_644 : memref<1x32x512xf32, #tpu.memory_space<vmem>> -> memref<32x512xf32, #tpu.memory_space<vmem>>
          %gather3A_646 = tpu.vector_load_idx %gather3A_645[%broadcast_in_dim3A_641, %min3A_550] : memref<32x512xf32, #tpu.memory_space<vmem>>[vector<16xi32>, vector<16xi32>], vector<16xf32>,
          %broadcast_in_dim3A_647 = arith.constant 10 : i32
          %broadcast_in_dim3A_648 = vector.broadcast %broadcast_in_dim3A_647 : i32 to vector<16xi32>
          tpu.vector_store_idx %arg12[%sub3A_543, %broadcast_in_dim3A_648], %gather3A_646 masked %and3A_521 : memref<128x128xf32, #tpu.memory_space<vmem>>[vector<16xi32>, vector<16xi32>], vector<16xf32>, vector<16xi1>
          %broadcast_in_dim3A_649 = arith.constant 11 : i32
          %broadcast_in_dim3A_650 = vector.broadcast %broadcast_in_dim3A_649 : i32 to vector<16xi32>
          %gather3A_651 = arith.constant 0 : i32
          %gather3A_652 = arith.constant 0 : i32
          %gather3A_653 = tpu.memref_slice %arg11[%rem3A_451, %gather3A_651, %gather3A_652] : memref<3x32x512xf32, #tpu.memory_space<vmem>> -> memref<1x32x512xf32, #tpu.memory_space<vmem>>
          %gather3A_654 = tpu.memref_squeeze %gather3A_653 : memref<1x32x512xf32, #tpu.memory_space<vmem>> -> memref<32x512xf32, #tpu.memory_space<vmem>>
          %gather3A_655 = tpu.vector_load_idx %gather3A_654[%broadcast_in_dim3A_650, %min3A_550] : memref<32x512xf32, #tpu.memory_space<vmem>>[vector<16xi32>, vector<16xi32>], vector<16xf32>,
          %broadcast_in_dim3A_656 = arith.constant 11 : i32
          %broadcast_in_dim3A_657 = vector.broadcast %broadcast_in_dim3A_656 : i32 to vector<16xi32>
          tpu.vector_store_idx %arg12[%sub3A_543, %broadcast_in_dim3A_657], %gather3A_655 masked %and3A_521 : memref<128x128xf32, #tpu.memory_space<vmem>>[vector<16xi32>, vector<16xi32>], vector<16xf32>, vector<16xi1>
          %broadcast_in_dim3A_658 = arith.constant 12 : i32
          %broadcast_in_dim3A_659 = vector.broadcast %broadcast_in_dim3A_658 : i32 to vector<16xi32>
          %gather3A_660 = arith.constant 0 : i32
          %gather3A_661 = arith.constant 0 : i32
          %gather3A_662 = tpu.memref_slice %arg11[%rem3A_451, %gather3A_660, %gather3A_661] : memref<3x32x512xf32, #tpu.memory_space<vmem>> -> memref<1x32x512xf32, #tpu.memory_space<vmem>>
          %gather3A_663 = tpu.memref_squeeze %gather3A_662 : memref<1x32x512xf32, #tpu.memory_space<vmem>> -> memref<32x512xf32, #tpu.memory_space<vmem>>
          %gather3A_664 = tpu.vector_load_idx %gather3A_663[%broadcast_in_dim3A_659, %min3A_550] : memref<32x512xf32, #tpu.memory_space<vmem>>[vector<16xi32>, vector<16xi32>], vector<16xf32>,
          %broadcast_in_dim3A_665 = arith.constant 12 : i32
          %broadcast_in_dim3A_666 = vector.broadcast %broadcast_in_dim3A_665 : i32 to vector<16xi32>
          tpu.vector_store_idx %arg12[%sub3A_543, %broadcast_in_dim3A_666], %gather3A_664 masked %and3A_521 : memref<128x128xf32, #tpu.memory_space<vmem>>[vector<16xi32>, vector<16xi32>], vector<16xf32>, vector<16xi1>
          %broadcast_in_dim3A_667 = arith.constant 13 : i32
          %broadcast_in_dim3A_668 = vector.broadcast %broadcast_in_dim3A_667 : i32 to vector<16xi32>
          %gather3A_669 = arith.constant 0 : i32
          %gather3A_670 = arith.constant 0 : i32
          %gather3A_671 = tpu.memref_slice %arg11[%rem3A_451, %gather3A_669, %gather3A_670] : memref<3x32x512xf32, #tpu.memory_space<vmem>> -> memref<1x32x512xf32, #tpu.memory_space<vmem>>
          %gather3A_672 = tpu.memref_squeeze %gather3A_671 : memref<1x32x512xf32, #tpu.memory_space<vmem>> -> memref<32x512xf32, #tpu.memory_space<vmem>>
          %gather3A_673 = tpu.vector_load_idx %gather3A_672[%broadcast_in_dim3A_668, %min3A_550] : memref<32x512xf32, #tpu.memory_space<vmem>>[vector<16xi32>, vector<16xi32>], vector<16xf32>,
          %broadcast_in_dim3A_674 = arith.constant 13 : i32
          %broadcast_in_dim3A_675 = vector.broadcast %broadcast_in_dim3A_674 : i32 to vector<16xi32>
          tpu.vector_store_idx %arg12[%sub3A_543, %broadcast_in_dim3A_675], %gather3A_673 masked %and3A_521 : memref<128x128xf32, #tpu.memory_space<vmem>>[vector<16xi32>, vector<16xi32>], vector<16xf32>, vector<16xi1>
          %broadcast_in_dim3A_676 = arith.constant 14 : i32
          %broadcast_in_dim3A_677 = vector.broadcast %broadcast_in_dim3A_676 : i32 to vector<16xi32>
          %gather3A_678 = arith.constant 0 : i32
          %gather3A_679 = arith.constant 0 : i32
          %gather3A_680 = tpu.memref_slice %arg11[%rem3A_451, %gather3A_678, %gather3A_679] : memref<3x32x512xf32, #tpu.memory_space<vmem>> -> memref<1x32x512xf32, #tpu.memory_space<vmem>>
          %gather3A_681 = tpu.memref_squeeze %gather3A_680 : memref<1x32x512xf32, #tpu.memory_space<vmem>> -> memref<32x512xf32, #tpu.memory_space<vmem>>
          %gather3A_682 = tpu.vector_load_idx %gather3A_681[%broadcast_in_dim3A_677, %min3A_550] : memref<32x512xf32, #tpu.memory_space<vmem>>[vector<16xi32>, vector<16xi32>], vector<16xf32>,
          %broadcast_in_dim3A_683 = arith.constant 14 : i32
          %broadcast_in_dim3A_684 = vector.broadcast %broadcast_in_dim3A_683 : i32 to vector<16xi32>
          tpu.vector_store_idx %arg12[%sub3A_543, %broadcast_in_dim3A_684], %gather3A_682 masked %and3A_521 : memref<128x128xf32, #tpu.memory_space<vmem>>[vector<16xi32>, vector<16xi32>], vector<16xf32>, vector<16xi1>
          %broadcast_in_dim3A_685 = arith.constant 15 : i32
          %broadcast_in_dim3A_686 = vector.broadcast %broadcast_in_dim3A_685 : i32 to vector<16xi32>
          %gather3A_687 = arith.constant 0 : i32
          %gather3A_688 = arith.constant 0 : i32
          %gather3A_689 = tpu.memref_slice %arg11[%rem3A_451, %gather3A_687, %gather3A_688] : memref<3x32x512xf32, #tpu.memory_space<vmem>> -> memref<1x32x512xf32, #tpu.memory_space<vmem>>
          %gather3A_690 = tpu.memref_squeeze %gather3A_689 : memref<1x32x512xf32, #tpu.memory_space<vmem>> -> memref<32x512xf32, #tpu.memory_space<vmem>>
          %gather3A_691 = tpu.vector_load_idx %gather3A_690[%broadcast_in_dim3A_686, %min3A_550] : memref<32x512xf32, #tpu.memory_space<vmem>>[vector<16xi32>, vector<16xi32>], vector<16xf32>,
          %broadcast_in_dim3A_692 = arith.constant 15 : i32
          %broadcast_in_dim3A_693 = vector.broadcast %broadcast_in_dim3A_692 : i32 to vector<16xi32>
          tpu.vector_store_idx %arg12[%sub3A_543, %broadcast_in_dim3A_693], %gather3A_691 masked %and3A_521 : memref<128x128xf32, #tpu.memory_space<vmem>>[vector<16xi32>, vector<16xi32>], vector<16xf32>, vector<16xi1>
          %broadcast_in_dim3A_694 = arith.constant 16 : i32
          %broadcast_in_dim3A_695 = vector.broadcast %broadcast_in_dim3A_694 : i32 to vector<16xi32>
          %gather3A_696 = arith.constant 0 : i32
          %gather3A_697 = arith.constant 0 : i32
          %gather3A_698 = tpu.memref_slice %arg11[%rem3A_451, %gather3A_696, %gather3A_697] : memref<3x32x512xf32, #tpu.memory_space<vmem>> -> memref<1x32x512xf32, #tpu.memory_space<vmem>>
          %gather3A_699 = tpu.memref_squeeze %gather3A_698 : memref<1x32x512xf32, #tpu.memory_space<vmem>> -> memref<32x512xf32, #tpu.memory_space<vmem>>
          %gather3A_700 = tpu.vector_load_idx %gather3A_699[%broadcast_in_dim3A_695, %min3A_550] : memref<32x512xf32, #tpu.memory_space<vmem>>[vector<16xi32>, vector<16xi32>], vector<16xf32>,
          %broadcast_in_dim3A_701 = arith.constant 16 : i32
          %broadcast_in_dim3A_702 = vector.broadcast %broadcast_in_dim3A_701 : i32 to vector<16xi32>
          tpu.vector_store_idx %arg12[%sub3A_543, %broadcast_in_dim3A_702], %gather3A_700 masked %and3A_521 : memref<128x128xf32, #tpu.memory_space<vmem>>[vector<16xi32>, vector<16xi32>], vector<16xf32>, vector<16xi1>
          %broadcast_in_dim3A_703 = arith.constant 17 : i32
          %broadcast_in_dim3A_704 = vector.broadcast %broadcast_in_dim3A_703 : i32 to vector<16xi32>
          %gather3A_705 = arith.constant 0 : i32
          %gather3A_706 = arith.constant 0 : i32
          %gather3A_707 = tpu.memref_slice %arg11[%rem3A_451, %gather3A_705, %gather3A_706] : memref<3x32x512xf32, #tpu.memory_space<vmem>> -> memref<1x32x512xf32, #tpu.memory_space<vmem>>
          %gather3A_708 = tpu.memref_squeeze %gather3A_707 : memref<1x32x512xf32, #tpu.memory_space<vmem>> -> memref<32x512xf32, #tpu.memory_space<vmem>>
          %gather3A_709 = tpu.vector_load_idx %gather3A_708[%broadcast_in_dim3A_704, %min3A_550] : memref<32x512xf32, #tpu.memory_space<vmem>>[vector<16xi32>, vector<16xi32>], vector<16xf32>,
          %broadcast_in_dim3A_710 = arith.constant 17 : i32
          %broadcast_in_dim3A_711 = vector.broadcast %broadcast_in_dim3A_710 : i32 to vector<16xi32>
          tpu.vector_store_idx %arg12[%sub3A_543, %broadcast_in_dim3A_711], %gather3A_709 masked %and3A_521 : memref<128x128xf32, #tpu.memory_space<vmem>>[vector<16xi32>, vector<16xi32>], vector<16xf32>, vector<16xi1>
          %broadcast_in_dim3A_712 = arith.constant 18 : i32
          %broadcast_in_dim3A_713 = vector.broadcast %broadcast_in_dim3A_712 : i32 to vector<16xi32>
          %gather3A_714 = arith.constant 0 : i32
          %gather3A_715 = arith.constant 0 : i32
          %gather3A_716 = tpu.memref_slice %arg11[%rem3A_451, %gather3A_714, %gather3A_715] : memref<3x32x512xf32, #tpu.memory_space<vmem>> -> memref<1x32x512xf32, #tpu.memory_space<vmem>>
          %gather3A_717 = tpu.memref_squeeze %gather3A_716 : memref<1x32x512xf32, #tpu.memory_space<vmem>> -> memref<32x512xf32, #tpu.memory_space<vmem>>
          %gather3A_718 = tpu.vector_load_idx %gather3A_717[%broadcast_in_dim3A_713, %min3A_550] : memref<32x512xf32, #tpu.memory_space<vmem>>[vector<16xi32>, vector<16xi32>], vector<16xf32>,
          %broadcast_in_dim3A_719 = arith.constant 18 : i32
          %broadcast_in_dim3A_720 = vector.broadcast %broadcast_in_dim3A_719 : i32 to vector<16xi32>
          tpu.vector_store_idx %arg12[%sub3A_543, %broadcast_in_dim3A_720], %gather3A_718 masked %and3A_521 : memref<128x128xf32, #tpu.memory_space<vmem>>[vector<16xi32>, vector<16xi32>], vector<16xf32>, vector<16xi1>
          %broadcast_in_dim3A_721 = arith.constant 19 : i32
          %broadcast_in_dim3A_722 = vector.broadcast %broadcast_in_dim3A_721 : i32 to vector<16xi32>
          %gather3A_723 = arith.constant 0 : i32
          %gather3A_724 = arith.constant 0 : i32
          %gather3A_725 = tpu.memref_slice %arg11[%rem3A_451, %gather3A_723, %gather3A_724] : memref<3x32x512xf32, #tpu.memory_space<vmem>> -> memref<1x32x512xf32, #tpu.memory_space<vmem>>
          %gather3A_726 = tpu.memref_squeeze %gather3A_725 : memref<1x32x512xf32, #tpu.memory_space<vmem>> -> memref<32x512xf32, #tpu.memory_space<vmem>>
          %gather3A_727 = tpu.vector_load_idx %gather3A_726[%broadcast_in_dim3A_722, %min3A_550] : memref<32x512xf32, #tpu.memory_space<vmem>>[vector<16xi32>, vector<16xi32>], vector<16xf32>,
          %broadcast_in_dim3A_728 = arith.constant 19 : i32
          %broadcast_in_dim3A_729 = vector.broadcast %broadcast_in_dim3A_728 : i32 to vector<16xi32>
          tpu.vector_store_idx %arg12[%sub3A_543, %broadcast_in_dim3A_729], %gather3A_727 masked %and3A_521 : memref<128x128xf32, #tpu.memory_space<vmem>>[vector<16xi32>, vector<16xi32>], vector<16xf32>, vector<16xi1>
          %broadcast_in_dim3A_730 = arith.constant 20 : i32
          %broadcast_in_dim3A_731 = vector.broadcast %broadcast_in_dim3A_730 : i32 to vector<16xi32>
          %gather3A_732 = arith.constant 0 : i32
          %gather3A_733 = arith.constant 0 : i32
          %gather3A_734 = tpu.memref_slice %arg11[%rem3A_451, %gather3A_732, %gather3A_733] : memref<3x32x512xf32, #tpu.memory_space<vmem>> -> memref<1x32x512xf32, #tpu.memory_space<vmem>>
          %gather3A_735 = tpu.memref_squeeze %gather3A_734 : memref<1x32x512xf32, #tpu.memory_space<vmem>> -> memref<32x512xf32, #tpu.memory_space<vmem>>
          %gather3A_736 = tpu.vector_load_idx %gather3A_735[%broadcast_in_dim3A_731, %min3A_550] : memref<32x512xf32, #tpu.memory_space<vmem>>[vector<16xi32>, vector<16xi32>], vector<16xf32>,
          %broadcast_in_dim3A_737 = arith.constant 20 : i32
          %broadcast_in_dim3A_738 = vector.broadcast %broadcast_in_dim3A_737 : i32 to vector<16xi32>
          tpu.vector_store_idx %arg12[%sub3A_543, %broadcast_in_dim3A_738], %gather3A_736 masked %and3A_521 : memref<128x128xf32, #tpu.memory_space<vmem>>[vector<16xi32>, vector<16xi32>], vector<16xf32>, vector<16xi1>
          %broadcast_in_dim3A_739 = arith.constant 21 : i32
          %broadcast_in_dim3A_740 = vector.broadcast %broadcast_in_dim3A_739 : i32 to vector<16xi32>
          %gather3A_741 = arith.constant 0 : i32
          %gather3A_742 = arith.constant 0 : i32
          %gather3A_743 = tpu.memref_slice %arg11[%rem3A_451, %gather3A_741, %gather3A_742] : memref<3x32x512xf32, #tpu.memory_space<vmem>> -> memref<1x32x512xf32, #tpu.memory_space<vmem>>
          %gather3A_744 = tpu.memref_squeeze %gather3A_743 : memref<1x32x512xf32, #tpu.memory_space<vmem>> -> memref<32x512xf32, #tpu.memory_space<vmem>>
          %gather3A_745 = tpu.vector_load_idx %gather3A_744[%broadcast_in_dim3A_740, %min3A_550] : memref<32x512xf32, #tpu.memory_space<vmem>>[vector<16xi32>, vector<16xi32>], vector<16xf32>,
          %broadcast_in_dim3A_746 = arith.constant 21 : i32
          %broadcast_in_dim3A_747 = vector.broadcast %broadcast_in_dim3A_746 : i32 to vector<16xi32>
          tpu.vector_store_idx %arg12[%sub3A_543, %broadcast_in_dim3A_747], %gather3A_745 masked %and3A_521 : memref<128x128xf32, #tpu.memory_space<vmem>>[vector<16xi32>, vector<16xi32>], vector<16xf32>, vector<16xi1>
          %broadcast_in_dim3A_748 = arith.constant 22 : i32
          %broadcast_in_dim3A_749 = vector.broadcast %broadcast_in_dim3A_748 : i32 to vector<16xi32>
          %gather3A_750 = arith.constant 0 : i32
          %gather3A_751 = arith.constant 0 : i32
          %gather3A_752 = tpu.memref_slice %arg11[%rem3A_451, %gather3A_750, %gather3A_751] : memref<3x32x512xf32, #tpu.memory_space<vmem>> -> memref<1x32x512xf32, #tpu.memory_space<vmem>>
          %gather3A_753 = tpu.memref_squeeze %gather3A_752 : memref<1x32x512xf32, #tpu.memory_space<vmem>> -> memref<32x512xf32, #tpu.memory_space<vmem>>
          %gather3A_754 = tpu.vector_load_idx %gather3A_753[%broadcast_in_dim3A_749, %min3A_550] : memref<32x512xf32, #tpu.memory_space<vmem>>[vector<16xi32>, vector<16xi32>], vector<16xf32>,
          %broadcast_in_dim3A_755 = arith.constant 22 : i32
          %broadcast_in_dim3A_756 = vector.broadcast %broadcast_in_dim3A_755 : i32 to vector<16xi32>
          tpu.vector_store_idx %arg12[%sub3A_543, %broadcast_in_dim3A_756], %gather3A_754 masked %and3A_521 : memref<128x128xf32, #tpu.memory_space<vmem>>[vector<16xi32>, vector<16xi32>], vector<16xf32>, vector<16xi1>
          %broadcast_in_dim3A_757 = arith.constant 23 : i32
          %broadcast_in_dim3A_758 = vector.broadcast %broadcast_in_dim3A_757 : i32 to vector<16xi32>
          %gather3A_759 = arith.constant 0 : i32
          %gather3A_760 = arith.constant 0 : i32
          %gather3A_761 = tpu.memref_slice %arg11[%rem3A_451, %gather3A_759, %gather3A_760] : memref<3x32x512xf32, #tpu.memory_space<vmem>> -> memref<1x32x512xf32, #tpu.memory_space<vmem>>
          %gather3A_762 = tpu.memref_squeeze %gather3A_761 : memref<1x32x512xf32, #tpu.memory_space<vmem>> -> memref<32x512xf32, #tpu.memory_space<vmem>>
          %gather3A_763 = tpu.vector_load_idx %gather3A_762[%broadcast_in_dim3A_758, %min3A_550] : memref<32x512xf32, #tpu.memory_space<vmem>>[vector<16xi32>, vector<16xi32>], vector<16xf32>,
          %broadcast_in_dim3A_764 = arith.constant 23 : i32
          %broadcast_in_dim3A_765 = vector.broadcast %broadcast_in_dim3A_764 : i32 to vector<16xi32>
          tpu.vector_store_idx %arg12[%sub3A_543, %broadcast_in_dim3A_765], %gather3A_763 masked %and3A_521 : memref<128x128xf32, #tpu.memory_space<vmem>>[vector<16xi32>, vector<16xi32>], vector<16xf32>, vector<16xi1>
          %broadcast_in_dim3A_766 = arith.constant 24 : i32
          %broadcast_in_dim3A_767 = vector.broadcast %broadcast_in_dim3A_766 : i32 to vector<16xi32>
          %gather3A_768 = arith.constant 0 : i32
          %gather3A_769 = arith.constant 0 : i32
          %gather3A_770 = tpu.memref_slice %arg11[%rem3A_451, %gather3A_768, %gather3A_769] : memref<3x32x512xf32, #tpu.memory_space<vmem>> -> memref<1x32x512xf32, #tpu.memory_space<vmem>>
          %gather3A_771 = tpu.memref_squeeze %gather3A_770 : memref<1x32x512xf32, #tpu.memory_space<vmem>> -> memref<32x512xf32, #tpu.memory_space<vmem>>
          %gather3A_772 = tpu.vector_load_idx %gather3A_771[%broadcast_in_dim3A_767, %min3A_550] : memref<32x512xf32, #tpu.memory_space<vmem>>[vector<16xi32>, vector<16xi32>], vector<16xf32>,
          %broadcast_in_dim3A_773 = arith.constant 24 : i32
          %broadcast_in_dim3A_774 = vector.broadcast %broadcast_in_dim3A_773 : i32 to vector<16xi32>
          tpu.vector_store_idx %arg12[%sub3A_543, %broadcast_in_dim3A_774], %gather3A_772 masked %and3A_521 : memref<128x128xf32, #tpu.memory_space<vmem>>[vector<16xi32>, vector<16xi32>], vector<16xf32>, vector<16xi1>
          %broadcast_in_dim3A_775 = arith.constant 25 : i32
          %broadcast_in_dim3A_776 = vector.broadcast %broadcast_in_dim3A_775 : i32 to vector<16xi32>
          %gather3A_777 = arith.constant 0 : i32
          %gather3A_778 = arith.constant 0 : i32
          %gather3A_779 = tpu.memref_slice %arg11[%rem3A_451, %gather3A_777, %gather3A_778] : memref<3x32x512xf32, #tpu.memory_space<vmem>> -> memref<1x32x512xf32, #tpu.memory_space<vmem>>
          %gather3A_780 = tpu.memref_squeeze %gather3A_779 : memref<1x32x512xf32, #tpu.memory_space<vmem>> -> memref<32x512xf32, #tpu.memory_space<vmem>>
          %gather3A_781 = tpu.vector_load_idx %gather3A_780[%broadcast_in_dim3A_776, %min3A_550] : memref<32x512xf32, #tpu.memory_space<vmem>>[vector<16xi32>, vector<16xi32>], vector<16xf32>,
          %broadcast_in_dim3A_782 = arith.constant 25 : i32
          %broadcast_in_dim3A_783 = vector.broadcast %broadcast_in_dim3A_782 : i32 to vector<16xi32>
          tpu.vector_store_idx %arg12[%sub3A_543, %broadcast_in_dim3A_783], %gather3A_781 masked %and3A_521 : memref<128x128xf32, #tpu.memory_space<vmem>>[vector<16xi32>, vector<16xi32>], vector<16xf32>, vector<16xi1>
          %broadcast_in_dim3A_784 = arith.constant 26 : i32
          %broadcast_in_dim3A_785 = vector.broadcast %broadcast_in_dim3A_784 : i32 to vector<16xi32>
          %gather3A_786 = arith.constant 0 : i32
          %gather3A_787 = arith.constant 0 : i32
          %gather3A_788 = tpu.memref_slice %arg11[%rem3A_451, %gather3A_786, %gather3A_787] : memref<3x32x512xf32, #tpu.memory_space<vmem>> -> memref<1x32x512xf32, #tpu.memory_space<vmem>>
          %gather3A_789 = tpu.memref_squeeze %gather3A_788 : memref<1x32x512xf32, #tpu.memory_space<vmem>> -> memref<32x512xf32, #tpu.memory_space<vmem>>
          %gather3A_790 = tpu.vector_load_idx %gather3A_789[%broadcast_in_dim3A_785, %min3A_550] : memref<32x512xf32, #tpu.memory_space<vmem>>[vector<16xi32>, vector<16xi32>], vector<16xf32>,
          %broadcast_in_dim3A_791 = arith.constant 26 : i32
          %broadcast_in_dim3A_792 = vector.broadcast %broadcast_in_dim3A_791 : i32 to vector<16xi32>
          tpu.vector_store_idx %arg12[%sub3A_543, %broadcast_in_dim3A_792], %gather3A_790 masked %and3A_521 : memref<128x128xf32, #tpu.memory_space<vmem>>[vector<16xi32>, vector<16xi32>], vector<16xf32>, vector<16xi1>
          %broadcast_in_dim3A_793 = arith.constant 27 : i32
          %broadcast_in_dim3A_794 = vector.broadcast %broadcast_in_dim3A_793 : i32 to vector<16xi32>
          %gather3A_795 = arith.constant 0 : i32
          %gather3A_796 = arith.constant 0 : i32
          %gather3A_797 = tpu.memref_slice %arg11[%rem3A_451, %gather3A_795, %gather3A_796] : memref<3x32x512xf32, #tpu.memory_space<vmem>> -> memref<1x32x512xf32, #tpu.memory_space<vmem>>
          %gather3A_798 = tpu.memref_squeeze %gather3A_797 : memref<1x32x512xf32, #tpu.memory_space<vmem>> -> memref<32x512xf32, #tpu.memory_space<vmem>>
          %gather3A_799 = tpu.vector_load_idx %gather3A_798[%broadcast_in_dim3A_794, %min3A_550] : memref<32x512xf32, #tpu.memory_space<vmem>>[vector<16xi32>, vector<16xi32>], vector<16xf32>,
          %broadcast_in_dim3A_800 = arith.constant 27 : i32
          %broadcast_in_dim3A_801 = vector.broadcast %broadcast_in_dim3A_800 : i32 to vector<16xi32>
          tpu.vector_store_idx %arg12[%sub3A_543, %broadcast_in_dim3A_801], %gather3A_799 masked %and3A_521 : memref<128x128xf32, #tpu.memory_space<vmem>>[vector<16xi32>, vector<16xi32>], vector<16xf32>, vector<16xi1>
          %broadcast_in_dim3A_802 = arith.constant 28 : i32
          %broadcast_in_dim3A_803 = vector.broadcast %broadcast_in_dim3A_802 : i32 to vector<16xi32>
          %gather3A_804 = arith.constant 0 : i32
          %gather3A_805 = arith.constant 0 : i32
          %gather3A_806 = tpu.memref_slice %arg11[%rem3A_451, %gather3A_804, %gather3A_805] : memref<3x32x512xf32, #tpu.memory_space<vmem>> -> memref<1x32x512xf32, #tpu.memory_space<vmem>>
          %gather3A_807 = tpu.memref_squeeze %gather3A_806 : memref<1x32x512xf32, #tpu.memory_space<vmem>> -> memref<32x512xf32, #tpu.memory_space<vmem>>
          %gather3A_808 = tpu.vector_load_idx %gather3A_807[%broadcast_in_dim3A_803, %min3A_550] : memref<32x512xf32, #tpu.memory_space<vmem>>[vector<16xi32>, vector<16xi32>], vector<16xf32>,
          %broadcast_in_dim3A_809 = arith.constant 28 : i32
          %broadcast_in_dim3A_810 = vector.broadcast %broadcast_in_dim3A_809 : i32 to vector<16xi32>
          tpu.vector_store_idx %arg12[%sub3A_543, %broadcast_in_dim3A_810], %gather3A_808 masked %and3A_521 : memref<128x128xf32, #tpu.memory_space<vmem>>[vector<16xi32>, vector<16xi32>], vector<16xf32>, vector<16xi1>
          %broadcast_in_dim3A_811 = arith.constant 29 : i32
          %broadcast_in_dim3A_812 = vector.broadcast %broadcast_in_dim3A_811 : i32 to vector<16xi32>
          %gather3A_813 = arith.constant 0 : i32
          %gather3A_814 = arith.constant 0 : i32
          %gather3A_815 = tpu.memref_slice %arg11[%rem3A_451, %gather3A_813, %gather3A_814] : memref<3x32x512xf32, #tpu.memory_space<vmem>> -> memref<1x32x512xf32, #tpu.memory_space<vmem>>
          %gather3A_816 = tpu.memref_squeeze %gather3A_815 : memref<1x32x512xf32, #tpu.memory_space<vmem>> -> memref<32x512xf32, #tpu.memory_space<vmem>>
          %gather3A_817 = tpu.vector_load_idx %gather3A_816[%broadcast_in_dim3A_812, %min3A_550] : memref<32x512xf32, #tpu.memory_space<vmem>>[vector<16xi32>, vector<16xi32>], vector<16xf32>,
          %broadcast_in_dim3A_818 = arith.constant 29 : i32
          %broadcast_in_dim3A_819 = vector.broadcast %broadcast_in_dim3A_818 : i32 to vector<16xi32>
          tpu.vector_store_idx %arg12[%sub3A_543, %broadcast_in_dim3A_819], %gather3A_817 masked %and3A_521 : memref<128x128xf32, #tpu.memory_space<vmem>>[vector<16xi32>, vector<16xi32>], vector<16xf32>, vector<16xi1>
          %broadcast_in_dim3A_820 = arith.constant 30 : i32
          %broadcast_in_dim3A_821 = vector.broadcast %broadcast_in_dim3A_820 : i32 to vector<16xi32>
          %gather3A_822 = arith.constant 0 : i32
          %gather3A_823 = arith.constant 0 : i32
          %gather3A_824 = tpu.memref_slice %arg11[%rem3A_451, %gather3A_822, %gather3A_823] : memref<3x32x512xf32, #tpu.memory_space<vmem>> -> memref<1x32x512xf32, #tpu.memory_space<vmem>>
          %gather3A_825 = tpu.memref_squeeze %gather3A_824 : memref<1x32x512xf32, #tpu.memory_space<vmem>> -> memref<32x512xf32, #tpu.memory_space<vmem>>
          %gather3A_826 = tpu.vector_load_idx %gather3A_825[%broadcast_in_dim3A_821, %min3A_550] : memref<32x512xf32, #tpu.memory_space<vmem>>[vector<16xi32>, vector<16xi32>], vector<16xf32>,
          %broadcast_in_dim3A_827 = arith.constant 30 : i32
          %broadcast_in_dim3A_828 = vector.broadcast %broadcast_in_dim3A_827 : i32 to vector<16xi32>
          tpu.vector_store_idx %arg12[%sub3A_543, %broadcast_in_dim3A_828], %gather3A_826 masked %and3A_521 : memref<128x128xf32, #tpu.memory_space<vmem>>[vector<16xi32>, vector<16xi32>], vector<16xf32>, vector<16xi1>
          %broadcast_in_dim3A_829 = arith.constant 31 : i32
          %broadcast_in_dim3A_830 = vector.broadcast %broadcast_in_dim3A_829 : i32 to vector<16xi32>
          %gather3A_831 = arith.constant 0 : i32
          %gather3A_832 = arith.constant 0 : i32
          %gather3A_833 = tpu.memref_slice %arg11[%rem3A_451, %gather3A_831, %gather3A_832] : memref<3x32x512xf32, #tpu.memory_space<vmem>> -> memref<1x32x512xf32, #tpu.memory_space<vmem>>
          %gather3A_834 = tpu.memref_squeeze %gather3A_833 : memref<1x32x512xf32, #tpu.memory_space<vmem>> -> memref<32x512xf32, #tpu.memory_space<vmem>>
          %gather3A_835 = tpu.vector_load_idx %gather3A_834[%broadcast_in_dim3A_830, %min3A_550] : memref<32x512xf32, #tpu.memory_space<vmem>>[vector<16xi32>, vector<16xi32>], vector<16xf32>,
          %broadcast_in_dim3A_836 = arith.constant 31 : i32
          %broadcast_in_dim3A_837 = vector.broadcast %broadcast_in_dim3A_836 : i32 to vector<16xi32>
          tpu.vector_store_idx %arg12[%sub3A_543, %broadcast_in_dim3A_837], %gather3A_835 masked %and3A_521 : memref<128x128xf32, #tpu.memory_space<vmem>>[vector<16xi32>, vector<16xi32>], vector<16xf32>, vector<16xi1>
          tpu.vector_store_idx %arg13[%sub3A_543], %get3A_515 masked %and3A_521 : memref<128xi32, #tpu.memory_space<vmem>>[vector<16xi32>], vector<16xi32>, vector<16xi1>
          %add3A_838 = arith.addi %cond3A_535, %reduce_sum3A_524 : i32
          scf.yield %add3A_838 : i32
        } else {
          scf.yield %while3A_508 : i32
        }
        scf.yield %cond3A_528 : i32
      }
      scf.yield %while3A_506 : i32
    }
    %while3A_358 = arith.constant 1 : i32
    %while3A_359 = scf.for %while3A_448 = %while3A_355 to %while3A_351 step %while3A_358 iter_args(%while3A_449 = %while3A_357) -> (i32)  : i32 {
      %rem3A_450 = arith.constant 3 : i32
      %rem3A_451 = arith.remsi %while3A_448, %rem3A_450 : i32
      %add3A_452 = arith.addi %add3A_227, %while3A_448 : i32
      %mul3A_453 = arith.constant 512 : i32
      %mul3A_454 = arith.muli %add3A_452, %mul3A_453 : i32
      %multiple_of3A_455 = tpu.assume_multiple %mul3A_454, 512 : i32
      %dma_wait3A_456 = arith.constant 0 : i32
      %dma_wait3A_457 = arith.constant 0 : i32
      %dma_wait3A_458 = tpu.memref_slice %arg11[%rem3A_451, %dma_wait3A_456, %dma_wait3A_457] : memref<3x32x512xf32, #tpu.memory_space<vmem>> -> memref<1x32x512xf32, #tpu.memory_space<vmem>>
      %dma_wait3A_459 = tpu.memref_squeeze %dma_wait3A_458 : memref<1x32x512xf32, #tpu.memory_space<vmem>> -> memref<32x512xf32, #tpu.memory_space<vmem>>
      %dma_wait3A_460 = arith.constant 0 : i32
      %dma_wait3A_461 = tpu.memref_slice %arg5[%dma_wait3A_460, %multiple_of3A_455] : memref<32x100000xf32, #tpu.memory_space<hbm>> -> memref<32x512xf32, #tpu.memory_space<hbm>>
      %dma_wait3A_462 = arith.constant 0 : i32
      %dma_wait3A_463 = arith.constant 0 : i32
      %dma_wait3A_464 = tpu.memref_slice %arg11[%rem3A_451, %dma_wait3A_462, %dma_wait3A_463] : memref<3x32x512xf32, #tpu.memory_space<vmem>> -> memref<1x32x512xf32, #tpu.memory_space<vmem>>
      %dma_wait3A_465 = tpu.memref_squeeze %dma_wait3A_464 : memref<1x32x512xf32, #tpu.memory_space<vmem>> -> memref<32x512xf32, #tpu.memory_space<vmem>>
      %dma_wait3A_466 = arith.constant 0 : i32
      %dma_wait3A_467 = tpu.memref_slice %arg5[%dma_wait3A_466, %multiple_of3A_455] : memref<32x100000xf32, #tpu.memory_space<hbm>> -> memref<32x512xf32, #tpu.memory_space<hbm>>
      tpu.wait_dma2 semaphore(%arg14 : memref<!tpu.dma_semaphore, #tpu.memory_space<semaphore_mem>>) src(%dma_wait3A_467 : memref<32x512xf32, #tpu.memory_space<hbm>>) dst(%dma_wait3A_465 : memref<32x512xf32, #tpu.memory_space<vmem>>)
      %add3A_468 = arith.constant 2 : i32
      %add3A_469 = arith.addi %while3A_448, %add3A_468 : i32
      %sub3A_470 = arith.constant 1 : i32
      %sub3A_471 = arith.subi %add3A_222, %sub3A_470 : i32
      %min3A_472 = arith.minsi %add3A_469, %sub3A_471 : i32
      %add3A_473 = arith.constant 2 : i32
      %add3A_474 = arith.addi %while3A_448, %add3A_473 : i32
      %rem3A_475 = arith.constant 3 : i32
      %rem3A_476 = arith.remsi %add3A_474, %rem3A_475 : i32
      %add3A_477 = arith.addi %add3A_227, %min3A_472 : i32
      %mul3A_478 = arith.constant 512 : i32
      %mul3A_479 = arith.muli %add3A_477, %mul3A_478 : i32
      %multiple_of3A_480 = tpu.assume_multiple %mul3A_479, 512 : i32
      %dma_start3A_481 = arith.constant 0 : i32
      %dma_start3A_482 = arith.constant 0 : i32
      %dma_start3A_483 = tpu.memref_slice %arg11[%rem3A_476, %dma_start3A_481, %dma_start3A_482] : memref<3x32x512xf32, #tpu.memory_space<vmem>> -> memref<1x32x512xf32, #tpu.memory_space<vmem>>
      %dma_start3A_484 = tpu.memref_squeeze %dma_start3A_483 : memref<1x32x512xf32, #tpu.memory_space<vmem>> -> memref<32x512xf32, #tpu.memory_space<vmem>>
      %dma_start3A_485 = arith.constant 0 : i32
      %dma_start3A_486 = tpu.memref_slice %arg5[%dma_start3A_485, %multiple_of3A_480] : memref<32x100000xf32, #tpu.memory_space<hbm>> -> memref<32x512xf32, #tpu.memory_space<hbm>>
      %dma_start3A_487 = arith.constant 0 : i32
      %dma_start3A_488 = arith.constant 0 : i32
      %dma_start3A_489 = tpu.memref_slice %arg11[%rem3A_476, %dma_start3A_487, %dma_start3A_488] : memref<3x32x512xf32, #tpu.memory_space<vmem>> -> memref<1x32x512xf32, #tpu.memory_space<vmem>>
      %dma_start3A_490 = tpu.memref_squeeze %dma_start3A_489 : memref<1x32x512xf32, #tpu.memory_space<vmem>> -> memref<32x512xf32, #tpu.memory_space<vmem>>
      %dma_start3A_491 = arith.constant 0 : i32
      %dma_start3A_492 = tpu.memref_slice %arg5[%dma_start3A_491, %multiple_of3A_480] : memref<32x100000xf32, #tpu.memory_space<hbm>> -> memref<32x512xf32, #tpu.memory_space<hbm>>
      tpu.enqueue_dma source(%dma_start3A_492 : memref<32x512xf32, #tpu.memory_space<hbm>>) target(%dma_start3A_490 : memref<32x512xf32, #tpu.memory_space<vmem>>) target_semaphore(%arg14 : memref<!tpu.dma_semaphore, #tpu.memory_space<semaphore_mem>>)
      %add3A_493 = arith.addi %add3A_227, %while3A_448 : i32
      %mul3A_494 = arith.constant 512 : i32
      %mul3A_495 = arith.muli %add3A_493, %mul3A_494 : i32
      %while3A_496 = arith.constant 0 : i32
      %while3A_497 = arith.subi %select_n3A_311, %while3A_496 : i32
      %while3A_498 = arith.addi %while3A_496, %while3A_497 : i32
      %while3A_499 = arith.constant 1 : i32
      %while3A_500 = arith.divsi %while3A_497, %while3A_499 : i32
      %while3A_501 = arith.muli %while3A_500, %while3A_499 : i32
      %while3A_502 = arith.addi %while3A_496, %while3A_501 : i32
      %while3A_503 = arith.constant 1 : i32
      %while3A_504 = scf.for %while3A_507 = %while3A_496 to %while3A_502 step %while3A_503 iter_args(%while3A_508 = %while3A_449) -> (i32)  : i32 {
        %mul3A_509 = arith.constant 16 : i32
        %mul3A_510 = arith.muli %while3A_507, %mul3A_509 : i32
        %get3A = arith.index_cast %mul3A_510 : i32 to index
        %get3A_511 = tpu.vector_load %arg9[%get3A] {strides = array<i32>} : memref<16400xi32, #tpu.memory_space<vmem>>, vector<16xi32>,
        %mul3A_512 = arith.constant 16 : i32
        %mul3A_513 = arith.muli %while3A_507, %mul3A_512 : i32
        %get3A_514 = arith.index_cast %mul3A_513 : i32 to index
        %get3A_515 = tpu.vector_load %arg10[%get3A_514] {strides = array<i32>} : memref<16400xi32, #tpu.memory_space<vmem>>, vector<16xi32>,
        %ge3A = vector.broadcast %mul3A_495 : i32 to vector<16xi32>
        %ge3A_516 = arith.cmpi sge, %get3A_511, %ge3A : vector<16xi32>
        %add3A_517 = arith.constant 512 : i32
        %add3A_518 = arith.addi %mul3A_495, %add3A_517 : i32
        %lt3A_519 = vector.broadcast %add3A_518 : i32 to vector<16xi32>
        %lt3A_520 = arith.cmpi slt, %get3A_511, %lt3A_519 : vector<16xi32>
        %and3A_521 = arith.andi %ge3A_516, %lt3A_520 : vector<16xi1>
        %convert_element_type3A = arith.extui %and3A_521 : vector<16xi1> to vector<16xi32>
        %reduce_sum3A = arith.constant true
        %reduce_sum3A_522 = vector.broadcast %reduce_sum3A : i1 to vector<16xi1>
        %reduce_sum3A_523 = tpu.scan <sum>, %convert_element_type3A masked %reduce_sum3A_522 : vector<16xi32>, vector<16xi1> -> vector<16xi32>
        %reduce_sum3A_524 = vector.extract %reduce_sum3A_523[15] : i32 from vector<16xi32>
        %gt3A = arith.constant 0 : i32
        %gt3A_525 = arith.cmpi sgt, %reduce_sum3A_524, %gt3A : i32
        %convert_element_type3A_526 = arith.extui %gt3A_525 : i1 to i32
        %cond3A = arith.constant 0 : i32
        %cond3A_527 = arith.cmpi ne, %convert_element_type3A_526, %cond3A : i32
        %cond3A_528 = scf.if %cond3A_527 -> (i32) {
          %add3A_529 = arith.addi %while3A_508, %reduce_sum3A_524 : i32
          %gt3A_530 = arith.constant 128 : i32
          %gt3A_531 = arith.cmpi sgt, %add3A_529, %gt3A_530 : i32
          %convert_element_type3A_532 = arith.extui %gt3A_531 : i1 to i32
          %cond3A_533 = arith.constant 0 : i32
          %cond3A_534 = arith.cmpi ne, %convert_element_type3A_532, %cond3A_533 : i32
          %cond3A_535 = scf.if %cond3A_534 -> (i32) {
            %dma_start3A_839 = arith.constant 0 : i32
            %dma_start3A_840 = arith.constant 0 : i32
            %dma_start3A_841 = tpu.memref_slice %arg7[%dma_start3A_839, %dma_start3A_840] : memref<16512x128xf32, #tpu.memory_space<hbm>> -> memref<16512x128xf32, #tpu.memory_space<hbm>>
            tpu.enqueue_indirect_dma source(%arg12 : memref<128x128xf32, #tpu.memory_space<vmem>>) target(%dma_start3A_841 : memref<16512x128xf32, #tpu.memory_space<hbm>>) offsets(%arg13 : memref<128xi32, #tpu.memory_space<vmem>>) semaphore(%arg16 : memref<!tpu.dma_semaphore, #tpu.memory_space<semaphore_mem>>)
            %dma_wait3A_842 = arith.constant 0 : i32
            %dma_wait3A_843 = arith.constant 0 : i32
            %dma_wait3A_844 = tpu.memref_slice %arg7[%dma_wait3A_842, %dma_wait3A_843] : memref<16512x128xf32, #tpu.memory_space<hbm>> -> memref<16512x128xf32, #tpu.memory_space<hbm>>
            tpu.wait_indirect_dma semaphore(%arg16 : memref<!tpu.dma_semaphore, #tpu.memory_space<semaphore_mem>>) src(%arg12 : memref<128x128xf32, #tpu.memory_space<vmem>>) dst(%dma_wait3A_844 : memref<16512x128xf32, #tpu.memory_space<hbm>>)
            %add3A_845 = arith.constant 16384 : i32
            %add3A_846 = vector.broadcast %add3A_845 : i32 to vector<16xi32>
            %add3A_847 = arith.addi %add3A_846, %iota3A : vector<16xi32>
            %swap3A_848 = arith.constant 0 : index
            %swap3A_849 = tpu.vector_load %arg13[%swap3A_848] {strides = array<i32>} : memref<128xi32, #tpu.memory_space<vmem>>, vector<16xi32>,
            tpu.vector_store %arg13[%swap3A_848], %add3A_847 {strides = array<i32>} : memref<128xi32, #tpu.memory_space<vmem>>, vector<16xi32>,
            %add3A_850 = arith.constant 16400 : i32
            %add3A_851 = vector.broadcast %add3A_850 : i32 to vector<16xi32>
            %add3A_852 = arith.addi %add3A_851, %iota3A : vector<16xi32>
            %swap3A_853 = arith.constant 16 : index
            %swap3A_854 = tpu.vector_load %arg13[%swap3A_853] {strides = array<i32>} : memref<128xi32, #tpu.memory_space<vmem>>, vector<16xi32>,
            tpu.vector_store %arg13[%swap3A_853], %add3A_852 {strides = array<i32>} : memref<128xi32, #tpu.memory_space<vmem>>, vector<16xi32>,
            %add3A_855 = arith.constant 16416 : i32
            %add3A_856 = vector.broadcast %add3A_855 : i32 to vector<16xi32>
            %add3A_857 = arith.addi %add3A_856, %iota3A : vector<16xi32>
            %swap3A_858 = arith.constant 32 : index
            %swap3A_859 = tpu.vector_load %arg13[%swap3A_858] {strides = array<i32>} : memref<128xi32, #tpu.memory_space<vmem>>, vector<16xi32>,
            tpu.vector_store %arg13[%swap3A_858], %add3A_857 {strides = array<i32>} : memref<128xi32, #tpu.memory_space<vmem>>, vector<16xi32>,
            %add3A_860 = arith.constant 16432 : i32
            %add3A_861 = vector.broadcast %add3A_860 : i32 to vector<16xi32>
            %add3A_862 = arith.addi %add3A_861, %iota3A : vector<16xi32>
            %swap3A_863 = arith.constant 48 : index
            %swap3A_864 = tpu.vector_load %arg13[%swap3A_863] {strides = array<i32>} : memref<128xi32, #tpu.memory_space<vmem>>, vector<16xi32>,
            tpu.vector_store %arg13[%swap3A_863], %add3A_862 {strides = array<i32>} : memref<128xi32, #tpu.memory_space<vmem>>, vector<16xi32>,
            %add3A_865 = arith.constant 16448 : i32
            %add3A_866 = vector.broadcast %add3A_865 : i32 to vector<16xi32>
            %add3A_867 = arith.addi %add3A_866, %iota3A : vector<16xi32>
            %swap3A_868 = arith.constant 64 : index
            %swap3A_869 = tpu.vector_load %arg13[%swap3A_868] {strides = array<i32>} : memref<128xi32, #tpu.memory_space<vmem>>, vector<16xi32>,
            tpu.vector_store %arg13[%swap3A_868], %add3A_867 {strides = array<i32>} : memref<128xi32, #tpu.memory_space<vmem>>, vector<16xi32>,
            %add3A_870 = arith.constant 16464 : i32
            %add3A_871 = vector.broadcast %add3A_870 : i32 to vector<16xi32>
            %add3A_872 = arith.addi %add3A_871, %iota3A : vector<16xi32>
            %swap3A_873 = arith.constant 80 : index
            %swap3A_874 = tpu.vector_load %arg13[%swap3A_873] {strides = array<i32>} : memref<128xi32, #tpu.memory_space<vmem>>, vector<16xi32>,
            tpu.vector_store %arg13[%swap3A_873], %add3A_872 {strides = array<i32>} : memref<128xi32, #tpu.memory_space<vmem>>, vector<16xi32>,
            %add3A_875 = arith.constant 16480 : i32
            %add3A_876 = vector.broadcast %add3A_875 : i32 to vector<16xi32>
            %add3A_877 = arith.addi %add3A_876, %iota3A : vector<16xi32>
            %swap3A_878 = arith.constant 96 : index
            %swap3A_879 = tpu.vector_load %arg13[%swap3A_878] {strides = array<i32>} : memref<128xi32, #tpu.memory_space<vmem>>, vector<16xi32>,
            tpu.vector_store %arg13[%swap3A_878], %add3A_877 {strides = array<i32>} : memref<128xi32, #tpu.memory_space<vmem>>, vector<16xi32>,
            %add3A_880 = arith.constant 16496 : i32
            %add3A_881 = vector.broadcast %add3A_880 : i32 to vector<16xi32>
            %add3A_882 = arith.addi %add3A_881, %iota3A : vector<16xi32>
            %swap3A_883 = arith.constant 112 : index
            %swap3A_884 = tpu.vector_load %arg13[%swap3A_883] {strides = array<i32>} : memref<128xi32, #tpu.memory_space<vmem>>, vector<16xi32>,
            tpu.vector_store %arg13[%swap3A_883], %add3A_882 {strides = array<i32>} : memref<128xi32, #tpu.memory_space<vmem>>, vector<16xi32>,
            %cond3A_885 = arith.constant 0 : i32
            scf.yield %cond3A_885 : i32
          } else {
            scf.yield %while3A_508 : i32
          }
          %convert_element_type3A_536 = arith.extui %and3A_521 : vector<16xi1> to vector<16xi32>
          %broadcast_in_dim3A_537 = arith.constant true
          %broadcast_in_dim3A_538 = vector.broadcast %broadcast_in_dim3A_537 : i1 to vector<16xi1>
          %masked_cumsum3A = tpu.scan <sum>, %convert_element_type3A_536 masked %broadcast_in_dim3A_538 : vector<16xi32>, vector<16xi1> -> vector<16xi32>
          %add3A_539 = vector.broadcast %cond3A_535 : i32 to vector<16xi32>
          %add3A_540 = arith.addi %add3A_539, %masked_cumsum3A : vector<16xi32>
          %sub3A_541 = arith.constant 1 : i32
          %sub3A_542 = vector.broadcast %sub3A_541 : i32 to vector<16xi32>
          %sub3A_543 = arith.subi %add3A_540, %sub3A_542 : vector<16xi32>
          %sub3A_544 = vector.broadcast %mul3A_495 : i32 to vector<16xi32>
          %sub3A_545 = arith.subi %get3A_511, %sub3A_544 : vector<16xi32>
          %jit3A_546 = arith.constant 0 : i32
          %jit3A_547 = arith.constant 511 : i32
          %max3A = vector.broadcast %jit3A_546 : i32 to vector<16xi32>
          %max3A_548 = arith.maxsi %max3A, %sub3A_545 : vector<16xi32>
          %min3A_549 = vector.broadcast %jit3A_547 : i32 to vector<16xi32>
          %min3A_550 = arith.minsi %min3A_549, %max3A_548 : vector<16xi32>
          %broadcast_in_dim3A_551 = arith.constant 0 : i32
          %broadcast_in_dim3A_552 = vector.broadcast %broadcast_in_dim3A_551 : i32 to vector<16xi32>
          %gather3A = arith.constant 0 : i32
          %gather3A_553 = arith.constant 0 : i32
          %gather3A_554 = tpu.memref_slice %arg11[%rem3A_451, %gather3A, %gather3A_553] : memref<3x32x512xf32, #tpu.memory_space<vmem>> -> memref<1x32x512xf32, #tpu.memory_space<vmem>>
          %gather3A_555 = tpu.memref_squeeze %gather3A_554 : memref<1x32x512xf32, #tpu.memory_space<vmem>> -> memref<32x512xf32, #tpu.memory_space<vmem>>
          %gather3A_556 = tpu.vector_load_idx %gather3A_555[%broadcast_in_dim3A_552, %min3A_550] : memref<32x512xf32, #tpu.memory_space<vmem>>[vector<16xi32>, vector<16xi32>], vector<16xf32>,
          %broadcast_in_dim3A_557 = arith.constant 0 : i32
          %broadcast_in_dim3A_558 = vector.broadcast %broadcast_in_dim3A_557 : i32 to vector<16xi32>
          tpu.vector_store_idx %arg12[%sub3A_543, %broadcast_in_dim3A_558], %gather3A_556 masked %and3A_521 : memref<128x128xf32, #tpu.memory_space<vmem>>[vector<16xi32>, vector<16xi32>], vector<16xf32>, vector<16xi1>
          %broadcast_in_dim3A_559 = arith.constant 1 : i32
          %broadcast_in_dim3A_560 = vector.broadcast %broadcast_in_dim3A_559 : i32 to vector<16xi32>
          %gather3A_561 = arith.constant 0 : i32
          %gather3A_562 = arith.constant 0 : i32
          %gather3A_563 = tpu.memref_slice %arg11[%rem3A_451, %gather3A_561, %gather3A_562] : memref<3x32x512xf32, #tpu.memory_space<vmem>> -> memref<1x32x512xf32, #tpu.memory_space<vmem>>
          %gather3A_564 = tpu.memref_squeeze %gather3A_563 : memref<1x32x512xf32, #tpu.memory_space<vmem>> -> memref<32x512xf32, #tpu.memory_space<vmem>>
          %gather3A_565 = tpu.vector_load_idx %gather3A_564[%broadcast_in_dim3A_560, %min3A_550] : memref<32x512xf32, #tpu.memory_space<vmem>>[vector<16xi32>, vector<16xi32>], vector<16xf32>,
          %broadcast_in_dim3A_566 = arith.constant 1 : i32
          %broadcast_in_dim3A_567 = vector.broadcast %broadcast_in_dim3A_566 : i32 to vector<16xi32>
          tpu.vector_store_idx %arg12[%sub3A_543, %broadcast_in_dim3A_567], %gather3A_565 masked %and3A_521 : memref<128x128xf32, #tpu.memory_space<vmem>>[vector<16xi32>, vector<16xi32>], vector<16xf32>, vector<16xi1>
          %broadcast_in_dim3A_568 = arith.constant 2 : i32
          %broadcast_in_dim3A_569 = vector.broadcast %broadcast_in_dim3A_568 : i32 to vector<16xi32>
          %gather3A_570 = arith.constant 0 : i32
          %gather3A_571 = arith.constant 0 : i32
          %gather3A_572 = tpu.memref_slice %arg11[%rem3A_451, %gather3A_570, %gather3A_571] : memref<3x32x512xf32, #tpu.memory_space<vmem>> -> memref<1x32x512xf32, #tpu.memory_space<vmem>>
          %gather3A_573 = tpu.memref_squeeze %gather3A_572 : memref<1x32x512xf32, #tpu.memory_space<vmem>> -> memref<32x512xf32, #tpu.memory_space<vmem>>
          %gather3A_574 = tpu.vector_load_idx %gather3A_573[%broadcast_in_dim3A_569, %min3A_550] : memref<32x512xf32, #tpu.memory_space<vmem>>[vector<16xi32>, vector<16xi32>], vector<16xf32>,
          %broadcast_in_dim3A_575 = arith.constant 2 : i32
          %broadcast_in_dim3A_576 = vector.broadcast %broadcast_in_dim3A_575 : i32 to vector<16xi32>
          tpu.vector_store_idx %arg12[%sub3A_543, %broadcast_in_dim3A_576], %gather3A_574 masked %and3A_521 : memref<128x128xf32, #tpu.memory_space<vmem>>[vector<16xi32>, vector<16xi32>], vector<16xf32>, vector<16xi1>
          %broadcast_in_dim3A_577 = arith.constant 3 : i32
          %broadcast_in_dim3A_578 = vector.broadcast %broadcast_in_dim3A_577 : i32 to vector<16xi32>
          %gather3A_579 = arith.constant 0 : i32
          %gather3A_580 = arith.constant 0 : i32
          %gather3A_581 = tpu.memref_slice %arg11[%rem3A_451, %gather3A_579, %gather3A_580] : memref<3x32x512xf32, #tpu.memory_space<vmem>> -> memref<1x32x512xf32, #tpu.memory_space<vmem>>
          %gather3A_582 = tpu.memref_squeeze %gather3A_581 : memref<1x32x512xf32, #tpu.memory_space<vmem>> -> memref<32x512xf32, #tpu.memory_space<vmem>>
          %gather3A_583 = tpu.vector_load_idx %gather3A_582[%broadcast_in_dim3A_578, %min3A_550] : memref<32x512xf32, #tpu.memory_space<vmem>>[vector<16xi32>, vector<16xi32>], vector<16xf32>,
          %broadcast_in_dim3A_584 = arith.constant 3 : i32
          %broadcast_in_dim3A_585 = vector.broadcast %broadcast_in_dim3A_584 : i32 to vector<16xi32>
          tpu.vector_store_idx %arg12[%sub3A_543, %broadcast_in_dim3A_585], %gather3A_583 masked %and3A_521 : memref<128x128xf32, #tpu.memory_space<vmem>>[vector<16xi32>, vector<16xi32>], vector<16xf32>, vector<16xi1>
          %broadcast_in_dim3A_586 = arith.constant 4 : i32
          %broadcast_in_dim3A_587 = vector.broadcast %broadcast_in_dim3A_586 : i32 to vector<16xi32>
          %gather3A_588 = arith.constant 0 : i32
          %gather3A_589 = arith.constant 0 : i32
          %gather3A_590 = tpu.memref_slice %arg11[%rem3A_451, %gather3A_588, %gather3A_589] : memref<3x32x512xf32, #tpu.memory_space<vmem>> -> memref<1x32x512xf32, #tpu.memory_space<vmem>>
          %gather3A_591 = tpu.memref_squeeze %gather3A_590 : memref<1x32x512xf32, #tpu.memory_space<vmem>> -> memref<32x512xf32, #tpu.memory_space<vmem>>
          %gather3A_592 = tpu.vector_load_idx %gather3A_591[%broadcast_in_dim3A_587, %min3A_550] : memref<32x512xf32, #tpu.memory_space<vmem>>[vector<16xi32>, vector<16xi32>], vector<16xf32>,
          %broadcast_in_dim3A_593 = arith.constant 4 : i32
          %broadcast_in_dim3A_594 = vector.broadcast %broadcast_in_dim3A_593 : i32 to vector<16xi32>
          tpu.vector_store_idx %arg12[%sub3A_543, %broadcast_in_dim3A_594], %gather3A_592 masked %and3A_521 : memref<128x128xf32, #tpu.memory_space<vmem>>[vector<16xi32>, vector<16xi32>], vector<16xf32>, vector<16xi1>
          %broadcast_in_dim3A_595 = arith.constant 5 : i32
          %broadcast_in_dim3A_596 = vector.broadcast %broadcast_in_dim3A_595 : i32 to vector<16xi32>
          %gather3A_597 = arith.constant 0 : i32
          %gather3A_598 = arith.constant 0 : i32
          %gather3A_599 = tpu.memref_slice %arg11[%rem3A_451, %gather3A_597, %gather3A_598] : memref<3x32x512xf32, #tpu.memory_space<vmem>> -> memref<1x32x512xf32, #tpu.memory_space<vmem>>
          %gather3A_600 = tpu.memref_squeeze %gather3A_599 : memref<1x32x512xf32, #tpu.memory_space<vmem>> -> memref<32x512xf32, #tpu.memory_space<vmem>>
          %gather3A_601 = tpu.vector_load_idx %gather3A_600[%broadcast_in_dim3A_596, %min3A_550] : memref<32x512xf32, #tpu.memory_space<vmem>>[vector<16xi32>, vector<16xi32>], vector<16xf32>,
          %broadcast_in_dim3A_602 = arith.constant 5 : i32
          %broadcast_in_dim3A_603 = vector.broadcast %broadcast_in_dim3A_602 : i32 to vector<16xi32>
          tpu.vector_store_idx %arg12[%sub3A_543, %broadcast_in_dim3A_603], %gather3A_601 masked %and3A_521 : memref<128x128xf32, #tpu.memory_space<vmem>>[vector<16xi32>, vector<16xi32>], vector<16xf32>, vector<16xi1>
          %broadcast_in_dim3A_604 = arith.constant 6 : i32
          %broadcast_in_dim3A_605 = vector.broadcast %broadcast_in_dim3A_604 : i32 to vector<16xi32>
          %gather3A_606 = arith.constant 0 : i32
          %gather3A_607 = arith.constant 0 : i32
          %gather3A_608 = tpu.memref_slice %arg11[%rem3A_451, %gather3A_606, %gather3A_607] : memref<3x32x512xf32, #tpu.memory_space<vmem>> -> memref<1x32x512xf32, #tpu.memory_space<vmem>>
          %gather3A_609 = tpu.memref_squeeze %gather3A_608 : memref<1x32x512xf32, #tpu.memory_space<vmem>> -> memref<32x512xf32, #tpu.memory_space<vmem>>
          %gather3A_610 = tpu.vector_load_idx %gather3A_609[%broadcast_in_dim3A_605, %min3A_550] : memref<32x512xf32, #tpu.memory_space<vmem>>[vector<16xi32>, vector<16xi32>], vector<16xf32>,
          %broadcast_in_dim3A_611 = arith.constant 6 : i32
          %broadcast_in_dim3A_612 = vector.broadcast %broadcast_in_dim3A_611 : i32 to vector<16xi32>
          tpu.vector_store_idx %arg12[%sub3A_543, %broadcast_in_dim3A_612], %gather3A_610 masked %and3A_521 : memref<128x128xf32, #tpu.memory_space<vmem>>[vector<16xi32>, vector<16xi32>], vector<16xf32>, vector<16xi1>
          %broadcast_in_dim3A_613 = arith.constant 7 : i32
          %broadcast_in_dim3A_614 = vector.broadcast %broadcast_in_dim3A_613 : i32 to vector<16xi32>
          %gather3A_615 = arith.constant 0 : i32
          %gather3A_616 = arith.constant 0 : i32
          %gather3A_617 = tpu.memref_slice %arg11[%rem3A_451, %gather3A_615, %gather3A_616] : memref<3x32x512xf32, #tpu.memory_space<vmem>> -> memref<1x32x512xf32, #tpu.memory_space<vmem>>
          %gather3A_618 = tpu.memref_squeeze %gather3A_617 : memref<1x32x512xf32, #tpu.memory_space<vmem>> -> memref<32x512xf32, #tpu.memory_space<vmem>>
          %gather3A_619 = tpu.vector_load_idx %gather3A_618[%broadcast_in_dim3A_614, %min3A_550] : memref<32x512xf32, #tpu.memory_space<vmem>>[vector<16xi32>, vector<16xi32>], vector<16xf32>,
          %broadcast_in_dim3A_620 = arith.constant 7 : i32
          %broadcast_in_dim3A_621 = vector.broadcast %broadcast_in_dim3A_620 : i32 to vector<16xi32>
          tpu.vector_store_idx %arg12[%sub3A_543, %broadcast_in_dim3A_621], %gather3A_619 masked %and3A_521 : memref<128x128xf32, #tpu.memory_space<vmem>>[vector<16xi32>, vector<16xi32>], vector<16xf32>, vector<16xi1>
          %broadcast_in_dim3A_622 = arith.constant 8 : i32
          %broadcast_in_dim3A_623 = vector.broadcast %broadcast_in_dim3A_622 : i32 to vector<16xi32>
          %gather3A_624 = arith.constant 0 : i32
          %gather3A_625 = arith.constant 0 : i32
          %gather3A_626 = tpu.memref_slice %arg11[%rem3A_451, %gather3A_624, %gather3A_625] : memref<3x32x512xf32, #tpu.memory_space<vmem>> -> memref<1x32x512xf32, #tpu.memory_space<vmem>>
          %gather3A_627 = tpu.memref_squeeze %gather3A_626 : memref<1x32x512xf32, #tpu.memory_space<vmem>> -> memref<32x512xf32, #tpu.memory_space<vmem>>
          %gather3A_628 = tpu.vector_load_idx %gather3A_627[%broadcast_in_dim3A_623, %min3A_550] : memref<32x512xf32, #tpu.memory_space<vmem>>[vector<16xi32>, vector<16xi32>], vector<16xf32>,
          %broadcast_in_dim3A_629 = arith.constant 8 : i32
          %broadcast_in_dim3A_630 = vector.broadcast %broadcast_in_dim3A_629 : i32 to vector<16xi32>
          tpu.vector_store_idx %arg12[%sub3A_543, %broadcast_in_dim3A_630], %gather3A_628 masked %and3A_521 : memref<128x128xf32, #tpu.memory_space<vmem>>[vector<16xi32>, vector<16xi32>], vector<16xf32>, vector<16xi1>
          %broadcast_in_dim3A_631 = arith.constant 9 : i32
          %broadcast_in_dim3A_632 = vector.broadcast %broadcast_in_dim3A_631 : i32 to vector<16xi32>
          %gather3A_633 = arith.constant 0 : i32
          %gather3A_634 = arith.constant 0 : i32
          %gather3A_635 = tpu.memref_slice %arg11[%rem3A_451, %gather3A_633, %gather3A_634] : memref<3x32x512xf32, #tpu.memory_space<vmem>> -> memref<1x32x512xf32, #tpu.memory_space<vmem>>
          %gather3A_636 = tpu.memref_squeeze %gather3A_635 : memref<1x32x512xf32, #tpu.memory_space<vmem>> -> memref<32x512xf32, #tpu.memory_space<vmem>>
          %gather3A_637 = tpu.vector_load_idx %gather3A_636[%broadcast_in_dim3A_632, %min3A_550] : memref<32x512xf32, #tpu.memory_space<vmem>>[vector<16xi32>, vector<16xi32>], vector<16xf32>,
          %broadcast_in_dim3A_638 = arith.constant 9 : i32
          %broadcast_in_dim3A_639 = vector.broadcast %broadcast_in_dim3A_638 : i32 to vector<16xi32>
          tpu.vector_store_idx %arg12[%sub3A_543, %broadcast_in_dim3A_639], %gather3A_637 masked %and3A_521 : memref<128x128xf32, #tpu.memory_space<vmem>>[vector<16xi32>, vector<16xi32>], vector<16xf32>, vector<16xi1>
          %broadcast_in_dim3A_640 = arith.constant 10 : i32
          %broadcast_in_dim3A_641 = vector.broadcast %broadcast_in_dim3A_640 : i32 to vector<16xi32>
          %gather3A_642 = arith.constant 0 : i32
          %gather3A_643 = arith.constant 0 : i32
          %gather3A_644 = tpu.memref_slice %arg11[%rem3A_451, %gather3A_642, %gather3A_643] : memref<3x32x512xf32, #tpu.memory_space<vmem>> -> memref<1x32x512xf32, #tpu.memory_space<vmem>>
          %gather3A_645 = tpu.memref_squeeze %gather3A_644 : memref<1x32x512xf32, #tpu.memory_space<vmem>> -> memref<32x512xf32, #tpu.memory_space<vmem>>
          %gather3A_646 = tpu.vector_load_idx %gather3A_645[%broadcast_in_dim3A_641, %min3A_550] : memref<32x512xf32, #tpu.memory_space<vmem>>[vector<16xi32>, vector<16xi32>], vector<16xf32>,
          %broadcast_in_dim3A_647 = arith.constant 10 : i32
          %broadcast_in_dim3A_648 = vector.broadcast %broadcast_in_dim3A_647 : i32 to vector<16xi32>
          tpu.vector_store_idx %arg12[%sub3A_543, %broadcast_in_dim3A_648], %gather3A_646 masked %and3A_521 : memref<128x128xf32, #tpu.memory_space<vmem>>[vector<16xi32>, vector<16xi32>], vector<16xf32>, vector<16xi1>
          %broadcast_in_dim3A_649 = arith.constant 11 : i32
          %broadcast_in_dim3A_650 = vector.broadcast %broadcast_in_dim3A_649 : i32 to vector<16xi32>
          %gather3A_651 = arith.constant 0 : i32
          %gather3A_652 = arith.constant 0 : i32
          %gather3A_653 = tpu.memref_slice %arg11[%rem3A_451, %gather3A_651, %gather3A_652] : memref<3x32x512xf32, #tpu.memory_space<vmem>> -> memref<1x32x512xf32, #tpu.memory_space<vmem>>
          %gather3A_654 = tpu.memref_squeeze %gather3A_653 : memref<1x32x512xf32, #tpu.memory_space<vmem>> -> memref<32x512xf32, #tpu.memory_space<vmem>>
          %gather3A_655 = tpu.vector_load_idx %gather3A_654[%broadcast_in_dim3A_650, %min3A_550] : memref<32x512xf32, #tpu.memory_space<vmem>>[vector<16xi32>, vector<16xi32>], vector<16xf32>,
          %broadcast_in_dim3A_656 = arith.constant 11 : i32
          %broadcast_in_dim3A_657 = vector.broadcast %broadcast_in_dim3A_656 : i32 to vector<16xi32>
          tpu.vector_store_idx %arg12[%sub3A_543, %broadcast_in_dim3A_657], %gather3A_655 masked %and3A_521 : memref<128x128xf32, #tpu.memory_space<vmem>>[vector<16xi32>, vector<16xi32>], vector<16xf32>, vector<16xi1>
          %broadcast_in_dim3A_658 = arith.constant 12 : i32
          %broadcast_in_dim3A_659 = vector.broadcast %broadcast_in_dim3A_658 : i32 to vector<16xi32>
          %gather3A_660 = arith.constant 0 : i32
          %gather3A_661 = arith.constant 0 : i32
          %gather3A_662 = tpu.memref_slice %arg11[%rem3A_451, %gather3A_660, %gather3A_661] : memref<3x32x512xf32, #tpu.memory_space<vmem>> -> memref<1x32x512xf32, #tpu.memory_space<vmem>>
          %gather3A_663 = tpu.memref_squeeze %gather3A_662 : memref<1x32x512xf32, #tpu.memory_space<vmem>> -> memref<32x512xf32, #tpu.memory_space<vmem>>
          %gather3A_664 = tpu.vector_load_idx %gather3A_663[%broadcast_in_dim3A_659, %min3A_550] : memref<32x512xf32, #tpu.memory_space<vmem>>[vector<16xi32>, vector<16xi32>], vector<16xf32>,
          %broadcast_in_dim3A_665 = arith.constant 12 : i32
          %broadcast_in_dim3A_666 = vector.broadcast %broadcast_in_dim3A_665 : i32 to vector<16xi32>
          tpu.vector_store_idx %arg12[%sub3A_543, %broadcast_in_dim3A_666], %gather3A_664 masked %and3A_521 : memref<128x128xf32, #tpu.memory_space<vmem>>[vector<16xi32>, vector<16xi32>], vector<16xf32>, vector<16xi1>
          %broadcast_in_dim3A_667 = arith.constant 13 : i32
          %broadcast_in_dim3A_668 = vector.broadcast %broadcast_in_dim3A_667 : i32 to vector<16xi32>
          %gather3A_669 = arith.constant 0 : i32
          %gather3A_670 = arith.constant 0 : i32
          %gather3A_671 = tpu.memref_slice %arg11[%rem3A_451, %gather3A_669, %gather3A_670] : memref<3x32x512xf32, #tpu.memory_space<vmem>> -> memref<1x32x512xf32, #tpu.memory_space<vmem>>
          %gather3A_672 = tpu.memref_squeeze %gather3A_671 : memref<1x32x512xf32, #tpu.memory_space<vmem>> -> memref<32x512xf32, #tpu.memory_space<vmem>>
          %gather3A_673 = tpu.vector_load_idx %gather3A_672[%broadcast_in_dim3A_668, %min3A_550] : memref<32x512xf32, #tpu.memory_space<vmem>>[vector<16xi32>, vector<16xi32>], vector<16xf32>,
          %broadcast_in_dim3A_674 = arith.constant 13 : i32
          %broadcast_in_dim3A_675 = vector.broadcast %broadcast_in_dim3A_674 : i32 to vector<16xi32>
          tpu.vector_store_idx %arg12[%sub3A_543, %broadcast_in_dim3A_675], %gather3A_673 masked %and3A_521 : memref<128x128xf32, #tpu.memory_space<vmem>>[vector<16xi32>, vector<16xi32>], vector<16xf32>, vector<16xi1>
          %broadcast_in_dim3A_676 = arith.constant 14 : i32
          %broadcast_in_dim3A_677 = vector.broadcast %broadcast_in_dim3A_676 : i32 to vector<16xi32>
          %gather3A_678 = arith.constant 0 : i32
          %gather3A_679 = arith.constant 0 : i32
          %gather3A_680 = tpu.memref_slice %arg11[%rem3A_451, %gather3A_678, %gather3A_679] : memref<3x32x512xf32, #tpu.memory_space<vmem>> -> memref<1x32x512xf32, #tpu.memory_space<vmem>>
          %gather3A_681 = tpu.memref_squeeze %gather3A_680 : memref<1x32x512xf32, #tpu.memory_space<vmem>> -> memref<32x512xf32, #tpu.memory_space<vmem>>
          %gather3A_682 = tpu.vector_load_idx %gather3A_681[%broadcast_in_dim3A_677, %min3A_550] : memref<32x512xf32, #tpu.memory_space<vmem>>[vector<16xi32>, vector<16xi32>], vector<16xf32>,
          %broadcast_in_dim3A_683 = arith.constant 14 : i32
          %broadcast_in_dim3A_684 = vector.broadcast %broadcast_in_dim3A_683 : i32 to vector<16xi32>
          tpu.vector_store_idx %arg12[%sub3A_543, %broadcast_in_dim3A_684], %gather3A_682 masked %and3A_521 : memref<128x128xf32, #tpu.memory_space<vmem>>[vector<16xi32>, vector<16xi32>], vector<16xf32>, vector<16xi1>
          %broadcast_in_dim3A_685 = arith.constant 15 : i32
          %broadcast_in_dim3A_686 = vector.broadcast %broadcast_in_dim3A_685 : i32 to vector<16xi32>
          %gather3A_687 = arith.constant 0 : i32
          %gather3A_688 = arith.constant 0 : i32
          %gather3A_689 = tpu.memref_slice %arg11[%rem3A_451, %gather3A_687, %gather3A_688] : memref<3x32x512xf32, #tpu.memory_space<vmem>> -> memref<1x32x512xf32, #tpu.memory_space<vmem>>
          %gather3A_690 = tpu.memref_squeeze %gather3A_689 : memref<1x32x512xf32, #tpu.memory_space<vmem>> -> memref<32x512xf32, #tpu.memory_space<vmem>>
          %gather3A_691 = tpu.vector_load_idx %gather3A_690[%broadcast_in_dim3A_686, %min3A_550] : memref<32x512xf32, #tpu.memory_space<vmem>>[vector<16xi32>, vector<16xi32>], vector<16xf32>,
          %broadcast_in_dim3A_692 = arith.constant 15 : i32
          %broadcast_in_dim3A_693 = vector.broadcast %broadcast_in_dim3A_692 : i32 to vector<16xi32>
          tpu.vector_store_idx %arg12[%sub3A_543, %broadcast_in_dim3A_693], %gather3A_691 masked %and3A_521 : memref<128x128xf32, #tpu.memory_space<vmem>>[vector<16xi32>, vector<16xi32>], vector<16xf32>, vector<16xi1>
          %broadcast_in_dim3A_694 = arith.constant 16 : i32
          %broadcast_in_dim3A_695 = vector.broadcast %broadcast_in_dim3A_694 : i32 to vector<16xi32>
          %gather3A_696 = arith.constant 0 : i32
          %gather3A_697 = arith.constant 0 : i32
          %gather3A_698 = tpu.memref_slice %arg11[%rem3A_451, %gather3A_696, %gather3A_697] : memref<3x32x512xf32, #tpu.memory_space<vmem>> -> memref<1x32x512xf32, #tpu.memory_space<vmem>>
          %gather3A_699 = tpu.memref_squeeze %gather3A_698 : memref<1x32x512xf32, #tpu.memory_space<vmem>> -> memref<32x512xf32, #tpu.memory_space<vmem>>
          %gather3A_700 = tpu.vector_load_idx %gather3A_699[%broadcast_in_dim3A_695, %min3A_550] : memref<32x512xf32, #tpu.memory_space<vmem>>[vector<16xi32>, vector<16xi32>], vector<16xf32>,
          %broadcast_in_dim3A_701 = arith.constant 16 : i32
          %broadcast_in_dim3A_702 = vector.broadcast %broadcast_in_dim3A_701 : i32 to vector<16xi32>
          tpu.vector_store_idx %arg12[%sub3A_543, %broadcast_in_dim3A_702], %gather3A_700 masked %and3A_521 : memref<128x128xf32, #tpu.memory_space<vmem>>[vector<16xi32>, vector<16xi32>], vector<16xf32>, vector<16xi1>
          %broadcast_in_dim3A_703 = arith.constant 17 : i32
          %broadcast_in_dim3A_704 = vector.broadcast %broadcast_in_dim3A_703 : i32 to vector<16xi32>
          %gather3A_705 = arith.constant 0 : i32
          %gather3A_706 = arith.constant 0 : i32
          %gather3A_707 = tpu.memref_slice %arg11[%rem3A_451, %gather3A_705, %gather3A_706] : memref<3x32x512xf32, #tpu.memory_space<vmem>> -> memref<1x32x512xf32, #tpu.memory_space<vmem>>
          %gather3A_708 = tpu.memref_squeeze %gather3A_707 : memref<1x32x512xf32, #tpu.memory_space<vmem>> -> memref<32x512xf32, #tpu.memory_space<vmem>>
          %gather3A_709 = tpu.vector_load_idx %gather3A_708[%broadcast_in_dim3A_704, %min3A_550] : memref<32x512xf32, #tpu.memory_space<vmem>>[vector<16xi32>, vector<16xi32>], vector<16xf32>,
          %broadcast_in_dim3A_710 = arith.constant 17 : i32
          %broadcast_in_dim3A_711 = vector.broadcast %broadcast_in_dim3A_710 : i32 to vector<16xi32>
          tpu.vector_store_idx %arg12[%sub3A_543, %broadcast_in_dim3A_711], %gather3A_709 masked %and3A_521 : memref<128x128xf32, #tpu.memory_space<vmem>>[vector<16xi32>, vector<16xi32>], vector<16xf32>, vector<16xi1>
          %broadcast_in_dim3A_712 = arith.constant 18 : i32
          %broadcast_in_dim3A_713 = vector.broadcast %broadcast_in_dim3A_712 : i32 to vector<16xi32>
          %gather3A_714 = arith.constant 0 : i32
          %gather3A_715 = arith.constant 0 : i32
          %gather3A_716 = tpu.memref_slice %arg11[%rem3A_451, %gather3A_714, %gather3A_715] : memref<3x32x512xf32, #tpu.memory_space<vmem>> -> memref<1x32x512xf32, #tpu.memory_space<vmem>>
          %gather3A_717 = tpu.memref_squeeze %gather3A_716 : memref<1x32x512xf32, #tpu.memory_space<vmem>> -> memref<32x512xf32, #tpu.memory_space<vmem>>
          %gather3A_718 = tpu.vector_load_idx %gather3A_717[%broadcast_in_dim3A_713, %min3A_550] : memref<32x512xf32, #tpu.memory_space<vmem>>[vector<16xi32>, vector<16xi32>], vector<16xf32>,
          %broadcast_in_dim3A_719 = arith.constant 18 : i32
          %broadcast_in_dim3A_720 = vector.broadcast %broadcast_in_dim3A_719 : i32 to vector<16xi32>
          tpu.vector_store_idx %arg12[%sub3A_543, %broadcast_in_dim3A_720], %gather3A_718 masked %and3A_521 : memref<128x128xf32, #tpu.memory_space<vmem>>[vector<16xi32>, vector<16xi32>], vector<16xf32>, vector<16xi1>
          %broadcast_in_dim3A_721 = arith.constant 19 : i32
          %broadcast_in_dim3A_722 = vector.broadcast %broadcast_in_dim3A_721 : i32 to vector<16xi32>
          %gather3A_723 = arith.constant 0 : i32
          %gather3A_724 = arith.constant 0 : i32
          %gather3A_725 = tpu.memref_slice %arg11[%rem3A_451, %gather3A_723, %gather3A_724] : memref<3x32x512xf32, #tpu.memory_space<vmem>> -> memref<1x32x512xf32, #tpu.memory_space<vmem>>
          %gather3A_726 = tpu.memref_squeeze %gather3A_725 : memref<1x32x512xf32, #tpu.memory_space<vmem>> -> memref<32x512xf32, #tpu.memory_space<vmem>>
          %gather3A_727 = tpu.vector_load_idx %gather3A_726[%broadcast_in_dim3A_722, %min3A_550] : memref<32x512xf32, #tpu.memory_space<vmem>>[vector<16xi32>, vector<16xi32>], vector<16xf32>,
          %broadcast_in_dim3A_728 = arith.constant 19 : i32
          %broadcast_in_dim3A_729 = vector.broadcast %broadcast_in_dim3A_728 : i32 to vector<16xi32>
          tpu.vector_store_idx %arg12[%sub3A_543, %broadcast_in_dim3A_729], %gather3A_727 masked %and3A_521 : memref<128x128xf32, #tpu.memory_space<vmem>>[vector<16xi32>, vector<16xi32>], vector<16xf32>, vector<16xi1>
          %broadcast_in_dim3A_730 = arith.constant 20 : i32
          %broadcast_in_dim3A_731 = vector.broadcast %broadcast_in_dim3A_730 : i32 to vector<16xi32>
          %gather3A_732 = arith.constant 0 : i32
          %gather3A_733 = arith.constant 0 : i32
          %gather3A_734 = tpu.memref_slice %arg11[%rem3A_451, %gather3A_732, %gather3A_733] : memref<3x32x512xf32, #tpu.memory_space<vmem>> -> memref<1x32x512xf32, #tpu.memory_space<vmem>>
          %gather3A_735 = tpu.memref_squeeze %gather3A_734 : memref<1x32x512xf32, #tpu.memory_space<vmem>> -> memref<32x512xf32, #tpu.memory_space<vmem>>
          %gather3A_736 = tpu.vector_load_idx %gather3A_735[%broadcast_in_dim3A_731, %min3A_550] : memref<32x512xf32, #tpu.memory_space<vmem>>[vector<16xi32>, vector<16xi32>], vector<16xf32>,
          %broadcast_in_dim3A_737 = arith.constant 20 : i32
          %broadcast_in_dim3A_738 = vector.broadcast %broadcast_in_dim3A_737 : i32 to vector<16xi32>
          tpu.vector_store_idx %arg12[%sub3A_543, %broadcast_in_dim3A_738], %gather3A_736 masked %and3A_521 : memref<128x128xf32, #tpu.memory_space<vmem>>[vector<16xi32>, vector<16xi32>], vector<16xf32>, vector<16xi1>
          %broadcast_in_dim3A_739 = arith.constant 21 : i32
          %broadcast_in_dim3A_740 = vector.broadcast %broadcast_in_dim3A_739 : i32 to vector<16xi32>
          %gather3A_741 = arith.constant 0 : i32
          %gather3A_742 = arith.constant 0 : i32
          %gather3A_743 = tpu.memref_slice %arg11[%rem3A_451, %gather3A_741, %gather3A_742] : memref<3x32x512xf32, #tpu.memory_space<vmem>> -> memref<1x32x512xf32, #tpu.memory_space<vmem>>
          %gather3A_744 = tpu.memref_squeeze %gather3A_743 : memref<1x32x512xf32, #tpu.memory_space<vmem>> -> memref<32x512xf32, #tpu.memory_space<vmem>>
          %gather3A_745 = tpu.vector_load_idx %gather3A_744[%broadcast_in_dim3A_740, %min3A_550] : memref<32x512xf32, #tpu.memory_space<vmem>>[vector<16xi32>, vector<16xi32>], vector<16xf32>,
          %broadcast_in_dim3A_746 = arith.constant 21 : i32
          %broadcast_in_dim3A_747 = vector.broadcast %broadcast_in_dim3A_746 : i32 to vector<16xi32>
          tpu.vector_store_idx %arg12[%sub3A_543, %broadcast_in_dim3A_747], %gather3A_745 masked %and3A_521 : memref<128x128xf32, #tpu.memory_space<vmem>>[vector<16xi32>, vector<16xi32>], vector<16xf32>, vector<16xi1>
          %broadcast_in_dim3A_748 = arith.constant 22 : i32
          %broadcast_in_dim3A_749 = vector.broadcast %broadcast_in_dim3A_748 : i32 to vector<16xi32>
          %gather3A_750 = arith.constant 0 : i32
          %gather3A_751 = arith.constant 0 : i32
          %gather3A_752 = tpu.memref_slice %arg11[%rem3A_451, %gather3A_750, %gather3A_751] : memref<3x32x512xf32, #tpu.memory_space<vmem>> -> memref<1x32x512xf32, #tpu.memory_space<vmem>>
          %gather3A_753 = tpu.memref_squeeze %gather3A_752 : memref<1x32x512xf32, #tpu.memory_space<vmem>> -> memref<32x512xf32, #tpu.memory_space<vmem>>
          %gather3A_754 = tpu.vector_load_idx %gather3A_753[%broadcast_in_dim3A_749, %min3A_550] : memref<32x512xf32, #tpu.memory_space<vmem>>[vector<16xi32>, vector<16xi32>], vector<16xf32>,
          %broadcast_in_dim3A_755 = arith.constant 22 : i32
          %broadcast_in_dim3A_756 = vector.broadcast %broadcast_in_dim3A_755 : i32 to vector<16xi32>
          tpu.vector_store_idx %arg12[%sub3A_543, %broadcast_in_dim3A_756], %gather3A_754 masked %and3A_521 : memref<128x128xf32, #tpu.memory_space<vmem>>[vector<16xi32>, vector<16xi32>], vector<16xf32>, vector<16xi1>
          %broadcast_in_dim3A_757 = arith.constant 23 : i32
          %broadcast_in_dim3A_758 = vector.broadcast %broadcast_in_dim3A_757 : i32 to vector<16xi32>
          %gather3A_759 = arith.constant 0 : i32
          %gather3A_760 = arith.constant 0 : i32
          %gather3A_761 = tpu.memref_slice %arg11[%rem3A_451, %gather3A_759, %gather3A_760] : memref<3x32x512xf32, #tpu.memory_space<vmem>> -> memref<1x32x512xf32, #tpu.memory_space<vmem>>
          %gather3A_762 = tpu.memref_squeeze %gather3A_761 : memref<1x32x512xf32, #tpu.memory_space<vmem>> -> memref<32x512xf32, #tpu.memory_space<vmem>>
          %gather3A_763 = tpu.vector_load_idx %gather3A_762[%broadcast_in_dim3A_758, %min3A_550] : memref<32x512xf32, #tpu.memory_space<vmem>>[vector<16xi32>, vector<16xi32>], vector<16xf32>,
          %broadcast_in_dim3A_764 = arith.constant 23 : i32
          %broadcast_in_dim3A_765 = vector.broadcast %broadcast_in_dim3A_764 : i32 to vector<16xi32>
          tpu.vector_store_idx %arg12[%sub3A_543, %broadcast_in_dim3A_765], %gather3A_763 masked %and3A_521 : memref<128x128xf32, #tpu.memory_space<vmem>>[vector<16xi32>, vector<16xi32>], vector<16xf32>, vector<16xi1>
          %broadcast_in_dim3A_766 = arith.constant 24 : i32
          %broadcast_in_dim3A_767 = vector.broadcast %broadcast_in_dim3A_766 : i32 to vector<16xi32>
          %gather3A_768 = arith.constant 0 : i32
          %gather3A_769 = arith.constant 0 : i32
          %gather3A_770 = tpu.memref_slice %arg11[%rem3A_451, %gather3A_768, %gather3A_769] : memref<3x32x512xf32, #tpu.memory_space<vmem>> -> memref<1x32x512xf32, #tpu.memory_space<vmem>>
          %gather3A_771 = tpu.memref_squeeze %gather3A_770 : memref<1x32x512xf32, #tpu.memory_space<vmem>> -> memref<32x512xf32, #tpu.memory_space<vmem>>
          %gather3A_772 = tpu.vector_load_idx %gather3A_771[%broadcast_in_dim3A_767, %min3A_550] : memref<32x512xf32, #tpu.memory_space<vmem>>[vector<16xi32>, vector<16xi32>], vector<16xf32>,
          %broadcast_in_dim3A_773 = arith.constant 24 : i32
          %broadcast_in_dim3A_774 = vector.broadcast %broadcast_in_dim3A_773 : i32 to vector<16xi32>
          tpu.vector_store_idx %arg12[%sub3A_543, %broadcast_in_dim3A_774], %gather3A_772 masked %and3A_521 : memref<128x128xf32, #tpu.memory_space<vmem>>[vector<16xi32>, vector<16xi32>], vector<16xf32>, vector<16xi1>
          %broadcast_in_dim3A_775 = arith.constant 25 : i32
          %broadcast_in_dim3A_776 = vector.broadcast %broadcast_in_dim3A_775 : i32 to vector<16xi32>
          %gather3A_777 = arith.constant 0 : i32
          %gather3A_778 = arith.constant 0 : i32
          %gather3A_779 = tpu.memref_slice %arg11[%rem3A_451, %gather3A_777, %gather3A_778] : memref<3x32x512xf32, #tpu.memory_space<vmem>> -> memref<1x32x512xf32, #tpu.memory_space<vmem>>
          %gather3A_780 = tpu.memref_squeeze %gather3A_779 : memref<1x32x512xf32, #tpu.memory_space<vmem>> -> memref<32x512xf32, #tpu.memory_space<vmem>>
          %gather3A_781 = tpu.vector_load_idx %gather3A_780[%broadcast_in_dim3A_776, %min3A_550] : memref<32x512xf32, #tpu.memory_space<vmem>>[vector<16xi32>, vector<16xi32>], vector<16xf32>,
          %broadcast_in_dim3A_782 = arith.constant 25 : i32
          %broadcast_in_dim3A_783 = vector.broadcast %broadcast_in_dim3A_782 : i32 to vector<16xi32>
          tpu.vector_store_idx %arg12[%sub3A_543, %broadcast_in_dim3A_783], %gather3A_781 masked %and3A_521 : memref<128x128xf32, #tpu.memory_space<vmem>>[vector<16xi32>, vector<16xi32>], vector<16xf32>, vector<16xi1>
          %broadcast_in_dim3A_784 = arith.constant 26 : i32
          %broadcast_in_dim3A_785 = vector.broadcast %broadcast_in_dim3A_784 : i32 to vector<16xi32>
          %gather3A_786 = arith.constant 0 : i32
          %gather3A_787 = arith.constant 0 : i32
          %gather3A_788 = tpu.memref_slice %arg11[%rem3A_451, %gather3A_786, %gather3A_787] : memref<3x32x512xf32, #tpu.memory_space<vmem>> -> memref<1x32x512xf32, #tpu.memory_space<vmem>>
          %gather3A_789 = tpu.memref_squeeze %gather3A_788 : memref<1x32x512xf32, #tpu.memory_space<vmem>> -> memref<32x512xf32, #tpu.memory_space<vmem>>
          %gather3A_790 = tpu.vector_load_idx %gather3A_789[%broadcast_in_dim3A_785, %min3A_550] : memref<32x512xf32, #tpu.memory_space<vmem>>[vector<16xi32>, vector<16xi32>], vector<16xf32>,
          %broadcast_in_dim3A_791 = arith.constant 26 : i32
          %broadcast_in_dim3A_792 = vector.broadcast %broadcast_in_dim3A_791 : i32 to vector<16xi32>
          tpu.vector_store_idx %arg12[%sub3A_543, %broadcast_in_dim3A_792], %gather3A_790 masked %and3A_521 : memref<128x128xf32, #tpu.memory_space<vmem>>[vector<16xi32>, vector<16xi32>], vector<16xf32>, vector<16xi1>
          %broadcast_in_dim3A_793 = arith.constant 27 : i32
          %broadcast_in_dim3A_794 = vector.broadcast %broadcast_in_dim3A_793 : i32 to vector<16xi32>
          %gather3A_795 = arith.constant 0 : i32
          %gather3A_796 = arith.constant 0 : i32
          %gather3A_797 = tpu.memref_slice %arg11[%rem3A_451, %gather3A_795, %gather3A_796] : memref<3x32x512xf32, #tpu.memory_space<vmem>> -> memref<1x32x512xf32, #tpu.memory_space<vmem>>
          %gather3A_798 = tpu.memref_squeeze %gather3A_797 : memref<1x32x512xf32, #tpu.memory_space<vmem>> -> memref<32x512xf32, #tpu.memory_space<vmem>>
          %gather3A_799 = tpu.vector_load_idx %gather3A_798[%broadcast_in_dim3A_794, %min3A_550] : memref<32x512xf32, #tpu.memory_space<vmem>>[vector<16xi32>, vector<16xi32>], vector<16xf32>,
          %broadcast_in_dim3A_800 = arith.constant 27 : i32
          %broadcast_in_dim3A_801 = vector.broadcast %broadcast_in_dim3A_800 : i32 to vector<16xi32>
          tpu.vector_store_idx %arg12[%sub3A_543, %broadcast_in_dim3A_801], %gather3A_799 masked %and3A_521 : memref<128x128xf32, #tpu.memory_space<vmem>>[vector<16xi32>, vector<16xi32>], vector<16xf32>, vector<16xi1>
          %broadcast_in_dim3A_802 = arith.constant 28 : i32
          %broadcast_in_dim3A_803 = vector.broadcast %broadcast_in_dim3A_802 : i32 to vector<16xi32>
          %gather3A_804 = arith.constant 0 : i32
          %gather3A_805 = arith.constant 0 : i32
          %gather3A_806 = tpu.memref_slice %arg11[%rem3A_451, %gather3A_804, %gather3A_805] : memref<3x32x512xf32, #tpu.memory_space<vmem>> -> memref<1x32x512xf32, #tpu.memory_space<vmem>>
          %gather3A_807 = tpu.memref_squeeze %gather3A_806 : memref<1x32x512xf32, #tpu.memory_space<vmem>> -> memref<32x512xf32, #tpu.memory_space<vmem>>
          %gather3A_808 = tpu.vector_load_idx %gather3A_807[%broadcast_in_dim3A_803, %min3A_550] : memref<32x512xf32, #tpu.memory_space<vmem>>[vector<16xi32>, vector<16xi32>], vector<16xf32>,
          %broadcast_in_dim3A_809 = arith.constant 28 : i32
          %broadcast_in_dim3A_810 = vector.broadcast %broadcast_in_dim3A_809 : i32 to vector<16xi32>
          tpu.vector_store_idx %arg12[%sub3A_543, %broadcast_in_dim3A_810], %gather3A_808 masked %and3A_521 : memref<128x128xf32, #tpu.memory_space<vmem>>[vector<16xi32>, vector<16xi32>], vector<16xf32>, vector<16xi1>
          %broadcast_in_dim3A_811 = arith.constant 29 : i32
          %broadcast_in_dim3A_812 = vector.broadcast %broadcast_in_dim3A_811 : i32 to vector<16xi32>
          %gather3A_813 = arith.constant 0 : i32
          %gather3A_814 = arith.constant 0 : i32
          %gather3A_815 = tpu.memref_slice %arg11[%rem3A_451, %gather3A_813, %gather3A_814] : memref<3x32x512xf32, #tpu.memory_space<vmem>> -> memref<1x32x512xf32, #tpu.memory_space<vmem>>
          %gather3A_816 = tpu.memref_squeeze %gather3A_815 : memref<1x32x512xf32, #tpu.memory_space<vmem>> -> memref<32x512xf32, #tpu.memory_space<vmem>>
          %gather3A_817 = tpu.vector_load_idx %gather3A_816[%broadcast_in_dim3A_812, %min3A_550] : memref<32x512xf32, #tpu.memory_space<vmem>>[vector<16xi32>, vector<16xi32>], vector<16xf32>,
          %broadcast_in_dim3A_818 = arith.constant 29 : i32
          %broadcast_in_dim3A_819 = vector.broadcast %broadcast_in_dim3A_818 : i32 to vector<16xi32>
          tpu.vector_store_idx %arg12[%sub3A_543, %broadcast_in_dim3A_819], %gather3A_817 masked %and3A_521 : memref<128x128xf32, #tpu.memory_space<vmem>>[vector<16xi32>, vector<16xi32>], vector<16xf32>, vector<16xi1>
          %broadcast_in_dim3A_820 = arith.constant 30 : i32
          %broadcast_in_dim3A_821 = vector.broadcast %broadcast_in_dim3A_820 : i32 to vector<16xi32>
          %gather3A_822 = arith.constant 0 : i32
          %gather3A_823 = arith.constant 0 : i32
          %gather3A_824 = tpu.memref_slice %arg11[%rem3A_451, %gather3A_822, %gather3A_823] : memref<3x32x512xf32, #tpu.memory_space<vmem>> -> memref<1x32x512xf32, #tpu.memory_space<vmem>>
          %gather3A_825 = tpu.memref_squeeze %gather3A_824 : memref<1x32x512xf32, #tpu.memory_space<vmem>> -> memref<32x512xf32, #tpu.memory_space<vmem>>
          %gather3A_826 = tpu.vector_load_idx %gather3A_825[%broadcast_in_dim3A_821, %min3A_550] : memref<32x512xf32, #tpu.memory_space<vmem>>[vector<16xi32>, vector<16xi32>], vector<16xf32>,
          %broadcast_in_dim3A_827 = arith.constant 30 : i32
          %broadcast_in_dim3A_828 = vector.broadcast %broadcast_in_dim3A_827 : i32 to vector<16xi32>
          tpu.vector_store_idx %arg12[%sub3A_543, %broadcast_in_dim3A_828], %gather3A_826 masked %and3A_521 : memref<128x128xf32, #tpu.memory_space<vmem>>[vector<16xi32>, vector<16xi32>], vector<16xf32>, vector<16xi1>
          %broadcast_in_dim3A_829 = arith.constant 31 : i32
          %broadcast_in_dim3A_830 = vector.broadcast %broadcast_in_dim3A_829 : i32 to vector<16xi32>
          %gather3A_831 = arith.constant 0 : i32
          %gather3A_832 = arith.constant 0 : i32
          %gather3A_833 = tpu.memref_slice %arg11[%rem3A_451, %gather3A_831, %gather3A_832] : memref<3x32x512xf32, #tpu.memory_space<vmem>> -> memref<1x32x512xf32, #tpu.memory_space<vmem>>
          %gather3A_834 = tpu.memref_squeeze %gather3A_833 : memref<1x32x512xf32, #tpu.memory_space<vmem>> -> memref<32x512xf32, #tpu.memory_space<vmem>>
          %gather3A_835 = tpu.vector_load_idx %gather3A_834[%broadcast_in_dim3A_830, %min3A_550] : memref<32x512xf32, #tpu.memory_space<vmem>>[vector<16xi32>, vector<16xi32>], vector<16xf32>,
          %broadcast_in_dim3A_836 = arith.constant 31 : i32
          %broadcast_in_dim3A_837 = vector.broadcast %broadcast_in_dim3A_836 : i32 to vector<16xi32>
          tpu.vector_store_idx %arg12[%sub3A_543, %broadcast_in_dim3A_837], %gather3A_835 masked %and3A_521 : memref<128x128xf32, #tpu.memory_space<vmem>>[vector<16xi32>, vector<16xi32>], vector<16xf32>, vector<16xi1>
          tpu.vector_store_idx %arg13[%sub3A_543], %get3A_515 masked %and3A_521 : memref<128xi32, #tpu.memory_space<vmem>>[vector<16xi32>], vector<16xi32>, vector<16xi1>
          %add3A_838 = arith.addi %cond3A_535, %reduce_sum3A_524 : i32
          scf.yield %add3A_838 : i32
        } else {
          scf.yield %while3A_508 : i32
        }
        scf.yield %cond3A_528 : i32
      }
      %while3A_505 = arith.constant 1 : i32
      %while3A_506 = scf.for %while3A_507 = %while3A_502 to %while3A_498 step %while3A_505 iter_args(%while3A_508 = %while3A_504) -> (i32)  : i32 {
        %mul3A_509 = arith.constant 16 : i32
        %mul3A_510 = arith.muli %while3A_507, %mul3A_509 : i32
        %get3A = arith.index_cast %mul3A_510 : i32 to index
        %get3A_511 = tpu.vector_load %arg9[%get3A] {strides = array<i32>} : memref<16400xi32, #tpu.memory_space<vmem>>, vector<16xi32>,
        %mul3A_512 = arith.constant 16 : i32
        %mul3A_513 = arith.muli %while3A_507, %mul3A_512 : i32
        %get3A_514 = arith.index_cast %mul3A_513 : i32 to index
        %get3A_515 = tpu.vector_load %arg10[%get3A_514] {strides = array<i32>} : memref<16400xi32, #tpu.memory_space<vmem>>, vector<16xi32>,
        %ge3A = vector.broadcast %mul3A_495 : i32 to vector<16xi32>
        %ge3A_516 = arith.cmpi sge, %get3A_511, %ge3A : vector<16xi32>
        %add3A_517 = arith.constant 512 : i32
        %add3A_518 = arith.addi %mul3A_495, %add3A_517 : i32
        %lt3A_519 = vector.broadcast %add3A_518 : i32 to vector<16xi32>
        %lt3A_520 = arith.cmpi slt, %get3A_511, %lt3A_519 : vector<16xi32>
        %and3A_521 = arith.andi %ge3A_516, %lt3A_520 : vector<16xi1>
        %convert_element_type3A = arith.extui %and3A_521 : vector<16xi1> to vector<16xi32>
        %reduce_sum3A = arith.constant true
        %reduce_sum3A_522 = vector.broadcast %reduce_sum3A : i1 to vector<16xi1>
        %reduce_sum3A_523 = tpu.scan <sum>, %convert_element_type3A masked %reduce_sum3A_522 : vector<16xi32>, vector<16xi1> -> vector<16xi32>
        %reduce_sum3A_524 = vector.extract %reduce_sum3A_523[15] : i32 from vector<16xi32>
        %gt3A = arith.constant 0 : i32
        %gt3A_525 = arith.cmpi sgt, %reduce_sum3A_524, %gt3A : i32
        %convert_element_type3A_526 = arith.extui %gt3A_525 : i1 to i32
        %cond3A = arith.constant 0 : i32
        %cond3A_527 = arith.cmpi ne, %convert_element_type3A_526, %cond3A : i32
        %cond3A_528 = scf.if %cond3A_527 -> (i32) {
          %add3A_529 = arith.addi %while3A_508, %reduce_sum3A_524 : i32
          %gt3A_530 = arith.constant 128 : i32
          %gt3A_531 = arith.cmpi sgt, %add3A_529, %gt3A_530 : i32
          %convert_element_type3A_532 = arith.extui %gt3A_531 : i1 to i32
          %cond3A_533 = arith.constant 0 : i32
          %cond3A_534 = arith.cmpi ne, %convert_element_type3A_532, %cond3A_533 : i32
          %cond3A_535 = scf.if %cond3A_534 -> (i32) {
            %dma_start3A_839 = arith.constant 0 : i32
            %dma_start3A_840 = arith.constant 0 : i32
            %dma_start3A_841 = tpu.memref_slice %arg7[%dma_start3A_839, %dma_start3A_840] : memref<16512x128xf32, #tpu.memory_space<hbm>> -> memref<16512x128xf32, #tpu.memory_space<hbm>>
            tpu.enqueue_indirect_dma source(%arg12 : memref<128x128xf32, #tpu.memory_space<vmem>>) target(%dma_start3A_841 : memref<16512x128xf32, #tpu.memory_space<hbm>>) offsets(%arg13 : memref<128xi32, #tpu.memory_space<vmem>>) semaphore(%arg16 : memref<!tpu.dma_semaphore, #tpu.memory_space<semaphore_mem>>)
            %dma_wait3A_842 = arith.constant 0 : i32
            %dma_wait3A_843 = arith.constant 0 : i32
            %dma_wait3A_844 = tpu.memref_slice %arg7[%dma_wait3A_842, %dma_wait3A_843] : memref<16512x128xf32, #tpu.memory_space<hbm>> -> memref<16512x128xf32, #tpu.memory_space<hbm>>
            tpu.wait_indirect_dma semaphore(%arg16 : memref<!tpu.dma_semaphore, #tpu.memory_space<semaphore_mem>>) src(%arg12 : memref<128x128xf32, #tpu.memory_space<vmem>>) dst(%dma_wait3A_844 : memref<16512x128xf32, #tpu.memory_space<hbm>>)
            %add3A_845 = arith.constant 16384 : i32
            %add3A_846 = vector.broadcast %add3A_845 : i32 to vector<16xi32>
            %add3A_847 = arith.addi %add3A_846, %iota3A : vector<16xi32>
            %swap3A_848 = arith.constant 0 : index
            %swap3A_849 = tpu.vector_load %arg13[%swap3A_848] {strides = array<i32>} : memref<128xi32, #tpu.memory_space<vmem>>, vector<16xi32>,
            tpu.vector_store %arg13[%swap3A_848], %add3A_847 {strides = array<i32>} : memref<128xi32, #tpu.memory_space<vmem>>, vector<16xi32>,
            %add3A_850 = arith.constant 16400 : i32
            %add3A_851 = vector.broadcast %add3A_850 : i32 to vector<16xi32>
            %add3A_852 = arith.addi %add3A_851, %iota3A : vector<16xi32>
            %swap3A_853 = arith.constant 16 : index
            %swap3A_854 = tpu.vector_load %arg13[%swap3A_853] {strides = array<i32>} : memref<128xi32, #tpu.memory_space<vmem>>, vector<16xi32>,
            tpu.vector_store %arg13[%swap3A_853], %add3A_852 {strides = array<i32>} : memref<128xi32, #tpu.memory_space<vmem>>, vector<16xi32>,
            %add3A_855 = arith.constant 16416 : i32
            %add3A_856 = vector.broadcast %add3A_855 : i32 to vector<16xi32>
            %add3A_857 = arith.addi %add3A_856, %iota3A : vector<16xi32>
            %swap3A_858 = arith.constant 32 : index
            %swap3A_859 = tpu.vector_load %arg13[%swap3A_858] {strides = array<i32>} : memref<128xi32, #tpu.memory_space<vmem>>, vector<16xi32>,
            tpu.vector_store %arg13[%swap3A_858], %add3A_857 {strides = array<i32>} : memref<128xi32, #tpu.memory_space<vmem>>, vector<16xi32>,
            %add3A_860 = arith.constant 16432 : i32
            %add3A_861 = vector.broadcast %add3A_860 : i32 to vector<16xi32>
            %add3A_862 = arith.addi %add3A_861, %iota3A : vector<16xi32>
            %swap3A_863 = arith.constant 48 : index
            %swap3A_864 = tpu.vector_load %arg13[%swap3A_863] {strides = array<i32>} : memref<128xi32, #tpu.memory_space<vmem>>, vector<16xi32>,
            tpu.vector_store %arg13[%swap3A_863], %add3A_862 {strides = array<i32>} : memref<128xi32, #tpu.memory_space<vmem>>, vector<16xi32>,
            %add3A_865 = arith.constant 16448 : i32
            %add3A_866 = vector.broadcast %add3A_865 : i32 to vector<16xi32>
            %add3A_867 = arith.addi %add3A_866, %iota3A : vector<16xi32>
            %swap3A_868 = arith.constant 64 : index
            %swap3A_869 = tpu.vector_load %arg13[%swap3A_868] {strides = array<i32>} : memref<128xi32, #tpu.memory_space<vmem>>, vector<16xi32>,
            tpu.vector_store %arg13[%swap3A_868], %add3A_867 {strides = array<i32>} : memref<128xi32, #tpu.memory_space<vmem>>, vector<16xi32>,
            %add3A_870 = arith.constant 16464 : i32
            %add3A_871 = vector.broadcast %add3A_870 : i32 to vector<16xi32>
            %add3A_872 = arith.addi %add3A_871, %iota3A : vector<16xi32>
            %swap3A_873 = arith.constant 80 : index
            %swap3A_874 = tpu.vector_load %arg13[%swap3A_873] {strides = array<i32>} : memref<128xi32, #tpu.memory_space<vmem>>, vector<16xi32>,
            tpu.vector_store %arg13[%swap3A_873], %add3A_872 {strides = array<i32>} : memref<128xi32, #tpu.memory_space<vmem>>, vector<16xi32>,
            %add3A_875 = arith.constant 16480 : i32
            %add3A_876 = vector.broadcast %add3A_875 : i32 to vector<16xi32>
            %add3A_877 = arith.addi %add3A_876, %iota3A : vector<16xi32>
            %swap3A_878 = arith.constant 96 : index
            %swap3A_879 = tpu.vector_load %arg13[%swap3A_878] {strides = array<i32>} : memref<128xi32, #tpu.memory_space<vmem>>, vector<16xi32>,
            tpu.vector_store %arg13[%swap3A_878], %add3A_877 {strides = array<i32>} : memref<128xi32, #tpu.memory_space<vmem>>, vector<16xi32>,
            %add3A_880 = arith.constant 16496 : i32
            %add3A_881 = vector.broadcast %add3A_880 : i32 to vector<16xi32>
            %add3A_882 = arith.addi %add3A_881, %iota3A : vector<16xi32>
            %swap3A_883 = arith.constant 112 : index
            %swap3A_884 = tpu.vector_load %arg13[%swap3A_883] {strides = array<i32>} : memref<128xi32, #tpu.memory_space<vmem>>, vector<16xi32>,
            tpu.vector_store %arg13[%swap3A_883], %add3A_882 {strides = array<i32>} : memref<128xi32, #tpu.memory_space<vmem>>, vector<16xi32>,
            %cond3A_885 = arith.constant 0 : i32
            scf.yield %cond3A_885 : i32
          } else {
            scf.yield %while3A_508 : i32
          }
          %convert_element_type3A_536 = arith.extui %and3A_521 : vector<16xi1> to vector<16xi32>
          %broadcast_in_dim3A_537 = arith.constant true
          %broadcast_in_dim3A_538 = vector.broadcast %broadcast_in_dim3A_537 : i1 to vector<16xi1>
          %masked_cumsum3A = tpu.scan <sum>, %convert_element_type3A_536 masked %broadcast_in_dim3A_538 : vector<16xi32>, vector<16xi1> -> vector<16xi32>
          %add3A_539 = vector.broadcast %cond3A_535 : i32 to vector<16xi32>
          %add3A_540 = arith.addi %add3A_539, %masked_cumsum3A : vector<16xi32>
          %sub3A_541 = arith.constant 1 : i32
          %sub3A_542 = vector.broadcast %sub3A_541 : i32 to vector<16xi32>
          %sub3A_543 = arith.subi %add3A_540, %sub3A_542 : vector<16xi32>
          %sub3A_544 = vector.broadcast %mul3A_495 : i32 to vector<16xi32>
          %sub3A_545 = arith.subi %get3A_511, %sub3A_544 : vector<16xi32>
          %jit3A_546 = arith.constant 0 : i32
          %jit3A_547 = arith.constant 511 : i32
          %max3A = vector.broadcast %jit3A_546 : i32 to vector<16xi32>
          %max3A_548 = arith.maxsi %max3A, %sub3A_545 : vector<16xi32>
          %min3A_549 = vector.broadcast %jit3A_547 : i32 to vector<16xi32>
          %min3A_550 = arith.minsi %min3A_549, %max3A_548 : vector<16xi32>
          %broadcast_in_dim3A_551 = arith.constant 0 : i32
          %broadcast_in_dim3A_552 = vector.broadcast %broadcast_in_dim3A_551 : i32 to vector<16xi32>
          %gather3A = arith.constant 0 : i32
          %gather3A_553 = arith.constant 0 : i32
          %gather3A_554 = tpu.memref_slice %arg11[%rem3A_451, %gather3A, %gather3A_553] : memref<3x32x512xf32, #tpu.memory_space<vmem>> -> memref<1x32x512xf32, #tpu.memory_space<vmem>>
          %gather3A_555 = tpu.memref_squeeze %gather3A_554 : memref<1x32x512xf32, #tpu.memory_space<vmem>> -> memref<32x512xf32, #tpu.memory_space<vmem>>
          %gather3A_556 = tpu.vector_load_idx %gather3A_555[%broadcast_in_dim3A_552, %min3A_550] : memref<32x512xf32, #tpu.memory_space<vmem>>[vector<16xi32>, vector<16xi32>], vector<16xf32>,
          %broadcast_in_dim3A_557 = arith.constant 0 : i32
          %broadcast_in_dim3A_558 = vector.broadcast %broadcast_in_dim3A_557 : i32 to vector<16xi32>
          tpu.vector_store_idx %arg12[%sub3A_543, %broadcast_in_dim3A_558], %gather3A_556 masked %and3A_521 : memref<128x128xf32, #tpu.memory_space<vmem>>[vector<16xi32>, vector<16xi32>], vector<16xf32>, vector<16xi1>
          %broadcast_in_dim3A_559 = arith.constant 1 : i32
          %broadcast_in_dim3A_560 = vector.broadcast %broadcast_in_dim3A_559 : i32 to vector<16xi32>
          %gather3A_561 = arith.constant 0 : i32
          %gather3A_562 = arith.constant 0 : i32
          %gather3A_563 = tpu.memref_slice %arg11[%rem3A_451, %gather3A_561, %gather3A_562] : memref<3x32x512xf32, #tpu.memory_space<vmem>> -> memref<1x32x512xf32, #tpu.memory_space<vmem>>
          %gather3A_564 = tpu.memref_squeeze %gather3A_563 : memref<1x32x512xf32, #tpu.memory_space<vmem>> -> memref<32x512xf32, #tpu.memory_space<vmem>>
          %gather3A_565 = tpu.vector_load_idx %gather3A_564[%broadcast_in_dim3A_560, %min3A_550] : memref<32x512xf32, #tpu.memory_space<vmem>>[vector<16xi32>, vector<16xi32>], vector<16xf32>,
          %broadcast_in_dim3A_566 = arith.constant 1 : i32
          %broadcast_in_dim3A_567 = vector.broadcast %broadcast_in_dim3A_566 : i32 to vector<16xi32>
          tpu.vector_store_idx %arg12[%sub3A_543, %broadcast_in_dim3A_567], %gather3A_565 masked %and3A_521 : memref<128x128xf32, #tpu.memory_space<vmem>>[vector<16xi32>, vector<16xi32>], vector<16xf32>, vector<16xi1>
          %broadcast_in_dim3A_568 = arith.constant 2 : i32
          %broadcast_in_dim3A_569 = vector.broadcast %broadcast_in_dim3A_568 : i32 to vector<16xi32>
          %gather3A_570 = arith.constant 0 : i32
          %gather3A_571 = arith.constant 0 : i32
          %gather3A_572 = tpu.memref_slice %arg11[%rem3A_451, %gather3A_570, %gather3A_571] : memref<3x32x512xf32, #tpu.memory_space<vmem>> -> memref<1x32x512xf32, #tpu.memory_space<vmem>>
          %gather3A_573 = tpu.memref_squeeze %gather3A_572 : memref<1x32x512xf32, #tpu.memory_space<vmem>> -> memref<32x512xf32, #tpu.memory_space<vmem>>
          %gather3A_574 = tpu.vector_load_idx %gather3A_573[%broadcast_in_dim3A_569, %min3A_550] : memref<32x512xf32, #tpu.memory_space<vmem>>[vector<16xi32>, vector<16xi32>], vector<16xf32>,
          %broadcast_in_dim3A_575 = arith.constant 2 : i32
          %broadcast_in_dim3A_576 = vector.broadcast %broadcast_in_dim3A_575 : i32 to vector<16xi32>
          tpu.vector_store_idx %arg12[%sub3A_543, %broadcast_in_dim3A_576], %gather3A_574 masked %and3A_521 : memref<128x128xf32, #tpu.memory_space<vmem>>[vector<16xi32>, vector<16xi32>], vector<16xf32>, vector<16xi1>
          %broadcast_in_dim3A_577 = arith.constant 3 : i32
          %broadcast_in_dim3A_578 = vector.broadcast %broadcast_in_dim3A_577 : i32 to vector<16xi32>
          %gather3A_579 = arith.constant 0 : i32
          %gather3A_580 = arith.constant 0 : i32
          %gather3A_581 = tpu.memref_slice %arg11[%rem3A_451, %gather3A_579, %gather3A_580] : memref<3x32x512xf32, #tpu.memory_space<vmem>> -> memref<1x32x512xf32, #tpu.memory_space<vmem>>
          %gather3A_582 = tpu.memref_squeeze %gather3A_581 : memref<1x32x512xf32, #tpu.memory_space<vmem>> -> memref<32x512xf32, #tpu.memory_space<vmem>>
          %gather3A_583 = tpu.vector_load_idx %gather3A_582[%broadcast_in_dim3A_578, %min3A_550] : memref<32x512xf32, #tpu.memory_space<vmem>>[vector<16xi32>, vector<16xi32>], vector<16xf32>,
          %broadcast_in_dim3A_584 = arith.constant 3 : i32
          %broadcast_in_dim3A_585 = vector.broadcast %broadcast_in_dim3A_584 : i32 to vector<16xi32>
          tpu.vector_store_idx %arg12[%sub3A_543, %broadcast_in_dim3A_585], %gather3A_583 masked %and3A_521 : memref<128x128xf32, #tpu.memory_space<vmem>>[vector<16xi32>, vector<16xi32>], vector<16xf32>, vector<16xi1>
          %broadcast_in_dim3A_586 = arith.constant 4 : i32
          %broadcast_in_dim3A_587 = vector.broadcast %broadcast_in_dim3A_586 : i32 to vector<16xi32>
          %gather3A_588 = arith.constant 0 : i32
          %gather3A_589 = arith.constant 0 : i32
          %gather3A_590 = tpu.memref_slice %arg11[%rem3A_451, %gather3A_588, %gather3A_589] : memref<3x32x512xf32, #tpu.memory_space<vmem>> -> memref<1x32x512xf32, #tpu.memory_space<vmem>>
          %gather3A_591 = tpu.memref_squeeze %gather3A_590 : memref<1x32x512xf32, #tpu.memory_space<vmem>> -> memref<32x512xf32, #tpu.memory_space<vmem>>
          %gather3A_592 = tpu.vector_load_idx %gather3A_591[%broadcast_in_dim3A_587, %min3A_550] : memref<32x512xf32, #tpu.memory_space<vmem>>[vector<16xi32>, vector<16xi32>], vector<16xf32>,
          %broadcast_in_dim3A_593 = arith.constant 4 : i32
          %broadcast_in_dim3A_594 = vector.broadcast %broadcast_in_dim3A_593 : i32 to vector<16xi32>
          tpu.vector_store_idx %arg12[%sub3A_543, %broadcast_in_dim3A_594], %gather3A_592 masked %and3A_521 : memref<128x128xf32, #tpu.memory_space<vmem>>[vector<16xi32>, vector<16xi32>], vector<16xf32>, vector<16xi1>
          %broadcast_in_dim3A_595 = arith.constant 5 : i32
          %broadcast_in_dim3A_596 = vector.broadcast %broadcast_in_dim3A_595 : i32 to vector<16xi32>
          %gather3A_597 = arith.constant 0 : i32
          %gather3A_598 = arith.constant 0 : i32
          %gather3A_599 = tpu.memref_slice %arg11[%rem3A_451, %gather3A_597, %gather3A_598] : memref<3x32x512xf32, #tpu.memory_space<vmem>> -> memref<1x32x512xf32, #tpu.memory_space<vmem>>
          %gather3A_600 = tpu.memref_squeeze %gather3A_599 : memref<1x32x512xf32, #tpu.memory_space<vmem>> -> memref<32x512xf32, #tpu.memory_space<vmem>>
          %gather3A_601 = tpu.vector_load_idx %gather3A_600[%broadcast_in_dim3A_596, %min3A_550] : memref<32x512xf32, #tpu.memory_space<vmem>>[vector<16xi32>, vector<16xi32>], vector<16xf32>,
          %broadcast_in_dim3A_602 = arith.constant 5 : i32
          %broadcast_in_dim3A_603 = vector.broadcast %broadcast_in_dim3A_602 : i32 to vector<16xi32>
          tpu.vector_store_idx %arg12[%sub3A_543, %broadcast_in_dim3A_603], %gather3A_601 masked %and3A_521 : memref<128x128xf32, #tpu.memory_space<vmem>>[vector<16xi32>, vector<16xi32>], vector<16xf32>, vector<16xi1>
          %broadcast_in_dim3A_604 = arith.constant 6 : i32
          %broadcast_in_dim3A_605 = vector.broadcast %broadcast_in_dim3A_604 : i32 to vector<16xi32>
          %gather3A_606 = arith.constant 0 : i32
          %gather3A_607 = arith.constant 0 : i32
          %gather3A_608 = tpu.memref_slice %arg11[%rem3A_451, %gather3A_606, %gather3A_607] : memref<3x32x512xf32, #tpu.memory_space<vmem>> -> memref<1x32x512xf32, #tpu.memory_space<vmem>>
          %gather3A_609 = tpu.memref_squeeze %gather3A_608 : memref<1x32x512xf32, #tpu.memory_space<vmem>> -> memref<32x512xf32, #tpu.memory_space<vmem>>
          %gather3A_610 = tpu.vector_load_idx %gather3A_609[%broadcast_in_dim3A_605, %min3A_550] : memref<32x512xf32, #tpu.memory_space<vmem>>[vector<16xi32>, vector<16xi32>], vector<16xf32>,
          %broadcast_in_dim3A_611 = arith.constant 6 : i32
          %broadcast_in_dim3A_612 = vector.broadcast %broadcast_in_dim3A_611 : i32 to vector<16xi32>
          tpu.vector_store_idx %arg12[%sub3A_543, %broadcast_in_dim3A_612], %gather3A_610 masked %and3A_521 : memref<128x128xf32, #tpu.memory_space<vmem>>[vector<16xi32>, vector<16xi32>], vector<16xf32>, vector<16xi1>
          %broadcast_in_dim3A_613 = arith.constant 7 : i32
          %broadcast_in_dim3A_614 = vector.broadcast %broadcast_in_dim3A_613 : i32 to vector<16xi32>
          %gather3A_615 = arith.constant 0 : i32
          %gather3A_616 = arith.constant 0 : i32
          %gather3A_617 = tpu.memref_slice %arg11[%rem3A_451, %gather3A_615, %gather3A_616] : memref<3x32x512xf32, #tpu.memory_space<vmem>> -> memref<1x32x512xf32, #tpu.memory_space<vmem>>
          %gather3A_618 = tpu.memref_squeeze %gather3A_617 : memref<1x32x512xf32, #tpu.memory_space<vmem>> -> memref<32x512xf32, #tpu.memory_space<vmem>>
          %gather3A_619 = tpu.vector_load_idx %gather3A_618[%broadcast_in_dim3A_614, %min3A_550] : memref<32x512xf32, #tpu.memory_space<vmem>>[vector<16xi32>, vector<16xi32>], vector<16xf32>,
          %broadcast_in_dim3A_620 = arith.constant 7 : i32
          %broadcast_in_dim3A_621 = vector.broadcast %broadcast_in_dim3A_620 : i32 to vector<16xi32>
          tpu.vector_store_idx %arg12[%sub3A_543, %broadcast_in_dim3A_621], %gather3A_619 masked %and3A_521 : memref<128x128xf32, #tpu.memory_space<vmem>>[vector<16xi32>, vector<16xi32>], vector<16xf32>, vector<16xi1>
          %broadcast_in_dim3A_622 = arith.constant 8 : i32
          %broadcast_in_dim3A_623 = vector.broadcast %broadcast_in_dim3A_622 : i32 to vector<16xi32>
          %gather3A_624 = arith.constant 0 : i32
          %gather3A_625 = arith.constant 0 : i32
          %gather3A_626 = tpu.memref_slice %arg11[%rem3A_451, %gather3A_624, %gather3A_625] : memref<3x32x512xf32, #tpu.memory_space<vmem>> -> memref<1x32x512xf32, #tpu.memory_space<vmem>>
          %gather3A_627 = tpu.memref_squeeze %gather3A_626 : memref<1x32x512xf32, #tpu.memory_space<vmem>> -> memref<32x512xf32, #tpu.memory_space<vmem>>
          %gather3A_628 = tpu.vector_load_idx %gather3A_627[%broadcast_in_dim3A_623, %min3A_550] : memref<32x512xf32, #tpu.memory_space<vmem>>[vector<16xi32>, vector<16xi32>], vector<16xf32>,
          %broadcast_in_dim3A_629 = arith.constant 8 : i32
          %broadcast_in_dim3A_630 = vector.broadcast %broadcast_in_dim3A_629 : i32 to vector<16xi32>
          tpu.vector_store_idx %arg12[%sub3A_543, %broadcast_in_dim3A_630], %gather3A_628 masked %and3A_521 : memref<128x128xf32, #tpu.memory_space<vmem>>[vector<16xi32>, vector<16xi32>], vector<16xf32>, vector<16xi1>
          %broadcast_in_dim3A_631 = arith.constant 9 : i32
          %broadcast_in_dim3A_632 = vector.broadcast %broadcast_in_dim3A_631 : i32 to vector<16xi32>
          %gather3A_633 = arith.constant 0 : i32
          %gather3A_634 = arith.constant 0 : i32
          %gather3A_635 = tpu.memref_slice %arg11[%rem3A_451, %gather3A_633, %gather3A_634] : memref<3x32x512xf32, #tpu.memory_space<vmem>> -> memref<1x32x512xf32, #tpu.memory_space<vmem>>
          %gather3A_636 = tpu.memref_squeeze %gather3A_635 : memref<1x32x512xf32, #tpu.memory_space<vmem>> -> memref<32x512xf32, #tpu.memory_space<vmem>>
          %gather3A_637 = tpu.vector_load_idx %gather3A_636[%broadcast_in_dim3A_632, %min3A_550] : memref<32x512xf32, #tpu.memory_space<vmem>>[vector<16xi32>, vector<16xi32>], vector<16xf32>,
          %broadcast_in_dim3A_638 = arith.constant 9 : i32
          %broadcast_in_dim3A_639 = vector.broadcast %broadcast_in_dim3A_638 : i32 to vector<16xi32>
          tpu.vector_store_idx %arg12[%sub3A_543, %broadcast_in_dim3A_639], %gather3A_637 masked %and3A_521 : memref<128x128xf32, #tpu.memory_space<vmem>>[vector<16xi32>, vector<16xi32>], vector<16xf32>, vector<16xi1>
          %broadcast_in_dim3A_640 = arith.constant 10 : i32
          %broadcast_in_dim3A_641 = vector.broadcast %broadcast_in_dim3A_640 : i32 to vector<16xi32>
          %gather3A_642 = arith.constant 0 : i32
          %gather3A_643 = arith.constant 0 : i32
          %gather3A_644 = tpu.memref_slice %arg11[%rem3A_451, %gather3A_642, %gather3A_643] : memref<3x32x512xf32, #tpu.memory_space<vmem>> -> memref<1x32x512xf32, #tpu.memory_space<vmem>>
          %gather3A_645 = tpu.memref_squeeze %gather3A_644 : memref<1x32x512xf32, #tpu.memory_space<vmem>> -> memref<32x512xf32, #tpu.memory_space<vmem>>
          %gather3A_646 = tpu.vector_load_idx %gather3A_645[%broadcast_in_dim3A_641, %min3A_550] : memref<32x512xf32, #tpu.memory_space<vmem>>[vector<16xi32>, vector<16xi32>], vector<16xf32>,
          %broadcast_in_dim3A_647 = arith.constant 10 : i32
          %broadcast_in_dim3A_648 = vector.broadcast %broadcast_in_dim3A_647 : i32 to vector<16xi32>
          tpu.vector_store_idx %arg12[%sub3A_543, %broadcast_in_dim3A_648], %gather3A_646 masked %and3A_521 : memref<128x128xf32, #tpu.memory_space<vmem>>[vector<16xi32>, vector<16xi32>], vector<16xf32>, vector<16xi1>
          %broadcast_in_dim3A_649 = arith.constant 11 : i32
          %broadcast_in_dim3A_650 = vector.broadcast %broadcast_in_dim3A_649 : i32 to vector<16xi32>
          %gather3A_651 = arith.constant 0 : i32
          %gather3A_652 = arith.constant 0 : i32
          %gather3A_653 = tpu.memref_slice %arg11[%rem3A_451, %gather3A_651, %gather3A_652] : memref<3x32x512xf32, #tpu.memory_space<vmem>> -> memref<1x32x512xf32, #tpu.memory_space<vmem>>
          %gather3A_654 = tpu.memref_squeeze %gather3A_653 : memref<1x32x512xf32, #tpu.memory_space<vmem>> -> memref<32x512xf32, #tpu.memory_space<vmem>>
          %gather3A_655 = tpu.vector_load_idx %gather3A_654[%broadcast_in_dim3A_650, %min3A_550] : memref<32x512xf32, #tpu.memory_space<vmem>>[vector<16xi32>, vector<16xi32>], vector<16xf32>,
          %broadcast_in_dim3A_656 = arith.constant 11 : i32
          %broadcast_in_dim3A_657 = vector.broadcast %broadcast_in_dim3A_656 : i32 to vector<16xi32>
          tpu.vector_store_idx %arg12[%sub3A_543, %broadcast_in_dim3A_657], %gather3A_655 masked %and3A_521 : memref<128x128xf32, #tpu.memory_space<vmem>>[vector<16xi32>, vector<16xi32>], vector<16xf32>, vector<16xi1>
          %broadcast_in_dim3A_658 = arith.constant 12 : i32
          %broadcast_in_dim3A_659 = vector.broadcast %broadcast_in_dim3A_658 : i32 to vector<16xi32>
          %gather3A_660 = arith.constant 0 : i32
          %gather3A_661 = arith.constant 0 : i32
          %gather3A_662 = tpu.memref_slice %arg11[%rem3A_451, %gather3A_660, %gather3A_661] : memref<3x32x512xf32, #tpu.memory_space<vmem>> -> memref<1x32x512xf32, #tpu.memory_space<vmem>>
          %gather3A_663 = tpu.memref_squeeze %gather3A_662 : memref<1x32x512xf32, #tpu.memory_space<vmem>> -> memref<32x512xf32, #tpu.memory_space<vmem>>
          %gather3A_664 = tpu.vector_load_idx %gather3A_663[%broadcast_in_dim3A_659, %min3A_550] : memref<32x512xf32, #tpu.memory_space<vmem>>[vector<16xi32>, vector<16xi32>], vector<16xf32>,
          %broadcast_in_dim3A_665 = arith.constant 12 : i32
          %broadcast_in_dim3A_666 = vector.broadcast %broadcast_in_dim3A_665 : i32 to vector<16xi32>
          tpu.vector_store_idx %arg12[%sub3A_543, %broadcast_in_dim3A_666], %gather3A_664 masked %and3A_521 : memref<128x128xf32, #tpu.memory_space<vmem>>[vector<16xi32>, vector<16xi32>], vector<16xf32>, vector<16xi1>
          %broadcast_in_dim3A_667 = arith.constant 13 : i32
          %broadcast_in_dim3A_668 = vector.broadcast %broadcast_in_dim3A_667 : i32 to vector<16xi32>
          %gather3A_669 = arith.constant 0 : i32
          %gather3A_670 = arith.constant 0 : i32
          %gather3A_671 = tpu.memref_slice %arg11[%rem3A_451, %gather3A_669, %gather3A_670] : memref<3x32x512xf32, #tpu.memory_space<vmem>> -> memref<1x32x512xf32, #tpu.memory_space<vmem>>
          %gather3A_672 = tpu.memref_squeeze %gather3A_671 : memref<1x32x512xf32, #tpu.memory_space<vmem>> -> memref<32x512xf32, #tpu.memory_space<vmem>>
          %gather3A_673 = tpu.vector_load_idx %gather3A_672[%broadcast_in_dim3A_668, %min3A_550] : memref<32x512xf32, #tpu.memory_space<vmem>>[vector<16xi32>, vector<16xi32>], vector<16xf32>,
          %broadcast_in_dim3A_674 = arith.constant 13 : i32
          %broadcast_in_dim3A_675 = vector.broadcast %broadcast_in_dim3A_674 : i32 to vector<16xi32>
          tpu.vector_store_idx %arg12[%sub3A_543, %broadcast_in_dim3A_675], %gather3A_673 masked %and3A_521 : memref<128x128xf32, #tpu.memory_space<vmem>>[vector<16xi32>, vector<16xi32>], vector<16xf32>, vector<16xi1>
          %broadcast_in_dim3A_676 = arith.constant 14 : i32
          %broadcast_in_dim3A_677 = vector.broadcast %broadcast_in_dim3A_676 : i32 to vector<16xi32>
          %gather3A_678 = arith.constant 0 : i32
          %gather3A_679 = arith.constant 0 : i32
          %gather3A_680 = tpu.memref_slice %arg11[%rem3A_451, %gather3A_678, %gather3A_679] : memref<3x32x512xf32, #tpu.memory_space<vmem>> -> memref<1x32x512xf32, #tpu.memory_space<vmem>>
          %gather3A_681 = tpu.memref_squeeze %gather3A_680 : memref<1x32x512xf32, #tpu.memory_space<vmem>> -> memref<32x512xf32, #tpu.memory_space<vmem>>
          %gather3A_682 = tpu.vector_load_idx %gather3A_681[%broadcast_in_dim3A_677, %min3A_550] : memref<32x512xf32, #tpu.memory_space<vmem>>[vector<16xi32>, vector<16xi32>], vector<16xf32>,
          %broadcast_in_dim3A_683 = arith.constant 14 : i32
          %broadcast_in_dim3A_684 = vector.broadcast %broadcast_in_dim3A_683 : i32 to vector<16xi32>
          tpu.vector_store_idx %arg12[%sub3A_543, %broadcast_in_dim3A_684], %gather3A_682 masked %and3A_521 : memref<128x128xf32, #tpu.memory_space<vmem>>[vector<16xi32>, vector<16xi32>], vector<16xf32>, vector<16xi1>
          %broadcast_in_dim3A_685 = arith.constant 15 : i32
          %broadcast_in_dim3A_686 = vector.broadcast %broadcast_in_dim3A_685 : i32 to vector<16xi32>
          %gather3A_687 = arith.constant 0 : i32
          %gather3A_688 = arith.constant 0 : i32
          %gather3A_689 = tpu.memref_slice %arg11[%rem3A_451, %gather3A_687, %gather3A_688] : memref<3x32x512xf32, #tpu.memory_space<vmem>> -> memref<1x32x512xf32, #tpu.memory_space<vmem>>
          %gather3A_690 = tpu.memref_squeeze %gather3A_689 : memref<1x32x512xf32, #tpu.memory_space<vmem>> -> memref<32x512xf32, #tpu.memory_space<vmem>>
          %gather3A_691 = tpu.vector_load_idx %gather3A_690[%broadcast_in_dim3A_686, %min3A_550] : memref<32x512xf32, #tpu.memory_space<vmem>>[vector<16xi32>, vector<16xi32>], vector<16xf32>,
          %broadcast_in_dim3A_692 = arith.constant 15 : i32
          %broadcast_in_dim3A_693 = vector.broadcast %broadcast_in_dim3A_692 : i32 to vector<16xi32>
          tpu.vector_store_idx %arg12[%sub3A_543, %broadcast_in_dim3A_693], %gather3A_691 masked %and3A_521 : memref<128x128xf32, #tpu.memory_space<vmem>>[vector<16xi32>, vector<16xi32>], vector<16xf32>, vector<16xi1>
          %broadcast_in_dim3A_694 = arith.constant 16 : i32
          %broadcast_in_dim3A_695 = vector.broadcast %broadcast_in_dim3A_694 : i32 to vector<16xi32>
          %gather3A_696 = arith.constant 0 : i32
          %gather3A_697 = arith.constant 0 : i32
          %gather3A_698 = tpu.memref_slice %arg11[%rem3A_451, %gather3A_696, %gather3A_697] : memref<3x32x512xf32, #tpu.memory_space<vmem>> -> memref<1x32x512xf32, #tpu.memory_space<vmem>>
          %gather3A_699 = tpu.memref_squeeze %gather3A_698 : memref<1x32x512xf32, #tpu.memory_space<vmem>> -> memref<32x512xf32, #tpu.memory_space<vmem>>
          %gather3A_700 = tpu.vector_load_idx %gather3A_699[%broadcast_in_dim3A_695, %min3A_550] : memref<32x512xf32, #tpu.memory_space<vmem>>[vector<16xi32>, vector<16xi32>], vector<16xf32>,
          %broadcast_in_dim3A_701 = arith.constant 16 : i32
          %broadcast_in_dim3A_702 = vector.broadcast %broadcast_in_dim3A_701 : i32 to vector<16xi32>
          tpu.vector_store_idx %arg12[%sub3A_543, %broadcast_in_dim3A_702], %gather3A_700 masked %and3A_521 : memref<128x128xf32, #tpu.memory_space<vmem>>[vector<16xi32>, vector<16xi32>], vector<16xf32>, vector<16xi1>
          %broadcast_in_dim3A_703 = arith.constant 17 : i32
          %broadcast_in_dim3A_704 = vector.broadcast %broadcast_in_dim3A_703 : i32 to vector<16xi32>
          %gather3A_705 = arith.constant 0 : i32
          %gather3A_706 = arith.constant 0 : i32
          %gather3A_707 = tpu.memref_slice %arg11[%rem3A_451, %gather3A_705, %gather3A_706] : memref<3x32x512xf32, #tpu.memory_space<vmem>> -> memref<1x32x512xf32, #tpu.memory_space<vmem>>
          %gather3A_708 = tpu.memref_squeeze %gather3A_707 : memref<1x32x512xf32, #tpu.memory_space<vmem>> -> memref<32x512xf32, #tpu.memory_space<vmem>>
          %gather3A_709 = tpu.vector_load_idx %gather3A_708[%broadcast_in_dim3A_704, %min3A_550] : memref<32x512xf32, #tpu.memory_space<vmem>>[vector<16xi32>, vector<16xi32>], vector<16xf32>,
          %broadcast_in_dim3A_710 = arith.constant 17 : i32
          %broadcast_in_dim3A_711 = vector.broadcast %broadcast_in_dim3A_710 : i32 to vector<16xi32>
          tpu.vector_store_idx %arg12[%sub3A_543, %broadcast_in_dim3A_711], %gather3A_709 masked %and3A_521 : memref<128x128xf32, #tpu.memory_space<vmem>>[vector<16xi32>, vector<16xi32>], vector<16xf32>, vector<16xi1>
          %broadcast_in_dim3A_712 = arith.constant 18 : i32
          %broadcast_in_dim3A_713 = vector.broadcast %broadcast_in_dim3A_712 : i32 to vector<16xi32>
          %gather3A_714 = arith.constant 0 : i32
          %gather3A_715 = arith.constant 0 : i32
          %gather3A_716 = tpu.memref_slice %arg11[%rem3A_451, %gather3A_714, %gather3A_715] : memref<3x32x512xf32, #tpu.memory_space<vmem>> -> memref<1x32x512xf32, #tpu.memory_space<vmem>>
          %gather3A_717 = tpu.memref_squeeze %gather3A_716 : memref<1x32x512xf32, #tpu.memory_space<vmem>> -> memref<32x512xf32, #tpu.memory_space<vmem>>
          %gather3A_718 = tpu.vector_load_idx %gather3A_717[%broadcast_in_dim3A_713, %min3A_550] : memref<32x512xf32, #tpu.memory_space<vmem>>[vector<16xi32>, vector<16xi32>], vector<16xf32>,
          %broadcast_in_dim3A_719 = arith.constant 18 : i32
          %broadcast_in_dim3A_720 = vector.broadcast %broadcast_in_dim3A_719 : i32 to vector<16xi32>
          tpu.vector_store_idx %arg12[%sub3A_543, %broadcast_in_dim3A_720], %gather3A_718 masked %and3A_521 : memref<128x128xf32, #tpu.memory_space<vmem>>[vector<16xi32>, vector<16xi32>], vector<16xf32>, vector<16xi1>
          %broadcast_in_dim3A_721 = arith.constant 19 : i32
          %broadcast_in_dim3A_722 = vector.broadcast %broadcast_in_dim3A_721 : i32 to vector<16xi32>
          %gather3A_723 = arith.constant 0 : i32
          %gather3A_724 = arith.constant 0 : i32
          %gather3A_725 = tpu.memref_slice %arg11[%rem3A_451, %gather3A_723, %gather3A_724] : memref<3x32x512xf32, #tpu.memory_space<vmem>> -> memref<1x32x512xf32, #tpu.memory_space<vmem>>
          %gather3A_726 = tpu.memref_squeeze %gather3A_725 : memref<1x32x512xf32, #tpu.memory_space<vmem>> -> memref<32x512xf32, #tpu.memory_space<vmem>>
          %gather3A_727 = tpu.vector_load_idx %gather3A_726[%broadcast_in_dim3A_722, %min3A_550] : memref<32x512xf32, #tpu.memory_space<vmem>>[vector<16xi32>, vector<16xi32>], vector<16xf32>,
          %broadcast_in_dim3A_728 = arith.constant 19 : i32
          %broadcast_in_dim3A_729 = vector.broadcast %broadcast_in_dim3A_728 : i32 to vector<16xi32>
          tpu.vector_store_idx %arg12[%sub3A_543, %broadcast_in_dim3A_729], %gather3A_727 masked %and3A_521 : memref<128x128xf32, #tpu.memory_space<vmem>>[vector<16xi32>, vector<16xi32>], vector<16xf32>, vector<16xi1>
          %broadcast_in_dim3A_730 = arith.constant 20 : i32
          %broadcast_in_dim3A_731 = vector.broadcast %broadcast_in_dim3A_730 : i32 to vector<16xi32>
          %gather3A_732 = arith.constant 0 : i32
          %gather3A_733 = arith.constant 0 : i32
          %gather3A_734 = tpu.memref_slice %arg11[%rem3A_451, %gather3A_732, %gather3A_733] : memref<3x32x512xf32, #tpu.memory_space<vmem>> -> memref<1x32x512xf32, #tpu.memory_space<vmem>>
          %gather3A_735 = tpu.memref_squeeze %gather3A_734 : memref<1x32x512xf32, #tpu.memory_space<vmem>> -> memref<32x512xf32, #tpu.memory_space<vmem>>
          %gather3A_736 = tpu.vector_load_idx %gather3A_735[%broadcast_in_dim3A_731, %min3A_550] : memref<32x512xf32, #tpu.memory_space<vmem>>[vector<16xi32>, vector<16xi32>], vector<16xf32>,
          %broadcast_in_dim3A_737 = arith.constant 20 : i32
          %broadcast_in_dim3A_738 = vector.broadcast %broadcast_in_dim3A_737 : i32 to vector<16xi32>
          tpu.vector_store_idx %arg12[%sub3A_543, %broadcast_in_dim3A_738], %gather3A_736 masked %and3A_521 : memref<128x128xf32, #tpu.memory_space<vmem>>[vector<16xi32>, vector<16xi32>], vector<16xf32>, vector<16xi1>
          %broadcast_in_dim3A_739 = arith.constant 21 : i32
          %broadcast_in_dim3A_740 = vector.broadcast %broadcast_in_dim3A_739 : i32 to vector<16xi32>
          %gather3A_741 = arith.constant 0 : i32
          %gather3A_742 = arith.constant 0 : i32
          %gather3A_743 = tpu.memref_slice %arg11[%rem3A_451, %gather3A_741, %gather3A_742] : memref<3x32x512xf32, #tpu.memory_space<vmem>> -> memref<1x32x512xf32, #tpu.memory_space<vmem>>
          %gather3A_744 = tpu.memref_squeeze %gather3A_743 : memref<1x32x512xf32, #tpu.memory_space<vmem>> -> memref<32x512xf32, #tpu.memory_space<vmem>>
          %gather3A_745 = tpu.vector_load_idx %gather3A_744[%broadcast_in_dim3A_740, %min3A_550] : memref<32x512xf32, #tpu.memory_space<vmem>>[vector<16xi32>, vector<16xi32>], vector<16xf32>,
          %broadcast_in_dim3A_746 = arith.constant 21 : i32
          %broadcast_in_dim3A_747 = vector.broadcast %broadcast_in_dim3A_746 : i32 to vector<16xi32>
          tpu.vector_store_idx %arg12[%sub3A_543, %broadcast_in_dim3A_747], %gather3A_745 masked %and3A_521 : memref<128x128xf32, #tpu.memory_space<vmem>>[vector<16xi32>, vector<16xi32>], vector<16xf32>, vector<16xi1>
          %broadcast_in_dim3A_748 = arith.constant 22 : i32
          %broadcast_in_dim3A_749 = vector.broadcast %broadcast_in_dim3A_748 : i32 to vector<16xi32>
          %gather3A_750 = arith.constant 0 : i32
          %gather3A_751 = arith.constant 0 : i32
          %gather3A_752 = tpu.memref_slice %arg11[%rem3A_451, %gather3A_750, %gather3A_751] : memref<3x32x512xf32, #tpu.memory_space<vmem>> -> memref<1x32x512xf32, #tpu.memory_space<vmem>>
          %gather3A_753 = tpu.memref_squeeze %gather3A_752 : memref<1x32x512xf32, #tpu.memory_space<vmem>> -> memref<32x512xf32, #tpu.memory_space<vmem>>
          %gather3A_754 = tpu.vector_load_idx %gather3A_753[%broadcast_in_dim3A_749, %min3A_550] : memref<32x512xf32, #tpu.memory_space<vmem>>[vector<16xi32>, vector<16xi32>], vector<16xf32>,
          %broadcast_in_dim3A_755 = arith.constant 22 : i32
          %broadcast_in_dim3A_756 = vector.broadcast %broadcast_in_dim3A_755 : i32 to vector<16xi32>
          tpu.vector_store_idx %arg12[%sub3A_543, %broadcast_in_dim3A_756], %gather3A_754 masked %and3A_521 : memref<128x128xf32, #tpu.memory_space<vmem>>[vector<16xi32>, vector<16xi32>], vector<16xf32>, vector<16xi1>
          %broadcast_in_dim3A_757 = arith.constant 23 : i32
          %broadcast_in_dim3A_758 = vector.broadcast %broadcast_in_dim3A_757 : i32 to vector<16xi32>
          %gather3A_759 = arith.constant 0 : i32
          %gather3A_760 = arith.constant 0 : i32
          %gather3A_761 = tpu.memref_slice %arg11[%rem3A_451, %gather3A_759, %gather3A_760] : memref<3x32x512xf32, #tpu.memory_space<vmem>> -> memref<1x32x512xf32, #tpu.memory_space<vmem>>
          %gather3A_762 = tpu.memref_squeeze %gather3A_761 : memref<1x32x512xf32, #tpu.memory_space<vmem>> -> memref<32x512xf32, #tpu.memory_space<vmem>>
          %gather3A_763 = tpu.vector_load_idx %gather3A_762[%broadcast_in_dim3A_758, %min3A_550] : memref<32x512xf32, #tpu.memory_space<vmem>>[vector<16xi32>, vector<16xi32>], vector<16xf32>,
          %broadcast_in_dim3A_764 = arith.constant 23 : i32
          %broadcast_in_dim3A_765 = vector.broadcast %broadcast_in_dim3A_764 : i32 to vector<16xi32>
          tpu.vector_store_idx %arg12[%sub3A_543, %broadcast_in_dim3A_765], %gather3A_763 masked %and3A_521 : memref<128x128xf32, #tpu.memory_space<vmem>>[vector<16xi32>, vector<16xi32>], vector<16xf32>, vector<16xi1>
          %broadcast_in_dim3A_766 = arith.constant 24 : i32
          %broadcast_in_dim3A_767 = vector.broadcast %broadcast_in_dim3A_766 : i32 to vector<16xi32>
          %gather3A_768 = arith.constant 0 : i32
          %gather3A_769 = arith.constant 0 : i32
          %gather3A_770 = tpu.memref_slice %arg11[%rem3A_451, %gather3A_768, %gather3A_769] : memref<3x32x512xf32, #tpu.memory_space<vmem>> -> memref<1x32x512xf32, #tpu.memory_space<vmem>>
          %gather3A_771 = tpu.memref_squeeze %gather3A_770 : memref<1x32x512xf32, #tpu.memory_space<vmem>> -> memref<32x512xf32, #tpu.memory_space<vmem>>
          %gather3A_772 = tpu.vector_load_idx %gather3A_771[%broadcast_in_dim3A_767, %min3A_550] : memref<32x512xf32, #tpu.memory_space<vmem>>[vector<16xi32>, vector<16xi32>], vector<16xf32>,
          %broadcast_in_dim3A_773 = arith.constant 24 : i32
          %broadcast_in_dim3A_774 = vector.broadcast %broadcast_in_dim3A_773 : i32 to vector<16xi32>
          tpu.vector_store_idx %arg12[%sub3A_543, %broadcast_in_dim3A_774], %gather3A_772 masked %and3A_521 : memref<128x128xf32, #tpu.memory_space<vmem>>[vector<16xi32>, vector<16xi32>], vector<16xf32>, vector<16xi1>
          %broadcast_in_dim3A_775 = arith.constant 25 : i32
          %broadcast_in_dim3A_776 = vector.broadcast %broadcast_in_dim3A_775 : i32 to vector<16xi32>
          %gather3A_777 = arith.constant 0 : i32
          %gather3A_778 = arith.constant 0 : i32
          %gather3A_779 = tpu.memref_slice %arg11[%rem3A_451, %gather3A_777, %gather3A_778] : memref<3x32x512xf32, #tpu.memory_space<vmem>> -> memref<1x32x512xf32, #tpu.memory_space<vmem>>
          %gather3A_780 = tpu.memref_squeeze %gather3A_779 : memref<1x32x512xf32, #tpu.memory_space<vmem>> -> memref<32x512xf32, #tpu.memory_space<vmem>>
          %gather3A_781 = tpu.vector_load_idx %gather3A_780[%broadcast_in_dim3A_776, %min3A_550] : memref<32x512xf32, #tpu.memory_space<vmem>>[vector<16xi32>, vector<16xi32>], vector<16xf32>,
          %broadcast_in_dim3A_782 = arith.constant 25 : i32
          %broadcast_in_dim3A_783 = vector.broadcast %broadcast_in_dim3A_782 : i32 to vector<16xi32>
          tpu.vector_store_idx %arg12[%sub3A_543, %broadcast_in_dim3A_783], %gather3A_781 masked %and3A_521 : memref<128x128xf32, #tpu.memory_space<vmem>>[vector<16xi32>, vector<16xi32>], vector<16xf32>, vector<16xi1>
          %broadcast_in_dim3A_784 = arith.constant 26 : i32
          %broadcast_in_dim3A_785 = vector.broadcast %broadcast_in_dim3A_784 : i32 to vector<16xi32>
          %gather3A_786 = arith.constant 0 : i32
          %gather3A_787 = arith.constant 0 : i32
          %gather3A_788 = tpu.memref_slice %arg11[%rem3A_451, %gather3A_786, %gather3A_787] : memref<3x32x512xf32, #tpu.memory_space<vmem>> -> memref<1x32x512xf32, #tpu.memory_space<vmem>>
          %gather3A_789 = tpu.memref_squeeze %gather3A_788 : memref<1x32x512xf32, #tpu.memory_space<vmem>> -> memref<32x512xf32, #tpu.memory_space<vmem>>
          %gather3A_790 = tpu.vector_load_idx %gather3A_789[%broadcast_in_dim3A_785, %min3A_550] : memref<32x512xf32, #tpu.memory_space<vmem>>[vector<16xi32>, vector<16xi32>], vector<16xf32>,
          %broadcast_in_dim3A_791 = arith.constant 26 : i32
          %broadcast_in_dim3A_792 = vector.broadcast %broadcast_in_dim3A_791 : i32 to vector<16xi32>
          tpu.vector_store_idx %arg12[%sub3A_543, %broadcast_in_dim3A_792], %gather3A_790 masked %and3A_521 : memref<128x128xf32, #tpu.memory_space<vmem>>[vector<16xi32>, vector<16xi32>], vector<16xf32>, vector<16xi1>
          %broadcast_in_dim3A_793 = arith.constant 27 : i32
          %broadcast_in_dim3A_794 = vector.broadcast %broadcast_in_dim3A_793 : i32 to vector<16xi32>
          %gather3A_795 = arith.constant 0 : i32
          %gather3A_796 = arith.constant 0 : i32
          %gather3A_797 = tpu.memref_slice %arg11[%rem3A_451, %gather3A_795, %gather3A_796] : memref<3x32x512xf32, #tpu.memory_space<vmem>> -> memref<1x32x512xf32, #tpu.memory_space<vmem>>
          %gather3A_798 = tpu.memref_squeeze %gather3A_797 : memref<1x32x512xf32, #tpu.memory_space<vmem>> -> memref<32x512xf32, #tpu.memory_space<vmem>>
          %gather3A_799 = tpu.vector_load_idx %gather3A_798[%broadcast_in_dim3A_794, %min3A_550] : memref<32x512xf32, #tpu.memory_space<vmem>>[vector<16xi32>, vector<16xi32>], vector<16xf32>,
          %broadcast_in_dim3A_800 = arith.constant 27 : i32
          %broadcast_in_dim3A_801 = vector.broadcast %broadcast_in_dim3A_800 : i32 to vector<16xi32>
          tpu.vector_store_idx %arg12[%sub3A_543, %broadcast_in_dim3A_801], %gather3A_799 masked %and3A_521 : memref<128x128xf32, #tpu.memory_space<vmem>>[vector<16xi32>, vector<16xi32>], vector<16xf32>, vector<16xi1>
          %broadcast_in_dim3A_802 = arith.constant 28 : i32
          %broadcast_in_dim3A_803 = vector.broadcast %broadcast_in_dim3A_802 : i32 to vector<16xi32>
          %gather3A_804 = arith.constant 0 : i32
          %gather3A_805 = arith.constant 0 : i32
          %gather3A_806 = tpu.memref_slice %arg11[%rem3A_451, %gather3A_804, %gather3A_805] : memref<3x32x512xf32, #tpu.memory_space<vmem>> -> memref<1x32x512xf32, #tpu.memory_space<vmem>>
          %gather3A_807 = tpu.memref_squeeze %gather3A_806 : memref<1x32x512xf32, #tpu.memory_space<vmem>> -> memref<32x512xf32, #tpu.memory_space<vmem>>
          %gather3A_808 = tpu.vector_load_idx %gather3A_807[%broadcast_in_dim3A_803, %min3A_550] : memref<32x512xf32, #tpu.memory_space<vmem>>[vector<16xi32>, vector<16xi32>], vector<16xf32>,
          %broadcast_in_dim3A_809 = arith.constant 28 : i32
          %broadcast_in_dim3A_810 = vector.broadcast %broadcast_in_dim3A_809 : i32 to vector<16xi32>
          tpu.vector_store_idx %arg12[%sub3A_543, %broadcast_in_dim3A_810], %gather3A_808 masked %and3A_521 : memref<128x128xf32, #tpu.memory_space<vmem>>[vector<16xi32>, vector<16xi32>], vector<16xf32>, vector<16xi1>
          %broadcast_in_dim3A_811 = arith.constant 29 : i32
          %broadcast_in_dim3A_812 = vector.broadcast %broadcast_in_dim3A_811 : i32 to vector<16xi32>
          %gather3A_813 = arith.constant 0 : i32
          %gather3A_814 = arith.constant 0 : i32
          %gather3A_815 = tpu.memref_slice %arg11[%rem3A_451, %gather3A_813, %gather3A_814] : memref<3x32x512xf32, #tpu.memory_space<vmem>> -> memref<1x32x512xf32, #tpu.memory_space<vmem>>
          %gather3A_816 = tpu.memref_squeeze %gather3A_815 : memref<1x32x512xf32, #tpu.memory_space<vmem>> -> memref<32x512xf32, #tpu.memory_space<vmem>>
          %gather3A_817 = tpu.vector_load_idx %gather3A_816[%broadcast_in_dim3A_812, %min3A_550] : memref<32x512xf32, #tpu.memory_space<vmem>>[vector<16xi32>, vector<16xi32>], vector<16xf32>,
          %broadcast_in_dim3A_818 = arith.constant 29 : i32
          %broadcast_in_dim3A_819 = vector.broadcast %broadcast_in_dim3A_818 : i32 to vector<16xi32>
          tpu.vector_store_idx %arg12[%sub3A_543, %broadcast_in_dim3A_819], %gather3A_817 masked %and3A_521 : memref<128x128xf32, #tpu.memory_space<vmem>>[vector<16xi32>, vector<16xi32>], vector<16xf32>, vector<16xi1>
          %broadcast_in_dim3A_820 = arith.constant 30 : i32
          %broadcast_in_dim3A_821 = vector.broadcast %broadcast_in_dim3A_820 : i32 to vector<16xi32>
          %gather3A_822 = arith.constant 0 : i32
          %gather3A_823 = arith.constant 0 : i32
          %gather3A_824 = tpu.memref_slice %arg11[%rem3A_451, %gather3A_822, %gather3A_823] : memref<3x32x512xf32, #tpu.memory_space<vmem>> -> memref<1x32x512xf32, #tpu.memory_space<vmem>>
          %gather3A_825 = tpu.memref_squeeze %gather3A_824 : memref<1x32x512xf32, #tpu.memory_space<vmem>> -> memref<32x512xf32, #tpu.memory_space<vmem>>
          %gather3A_826 = tpu.vector_load_idx %gather3A_825[%broadcast_in_dim3A_821, %min3A_550] : memref<32x512xf32, #tpu.memory_space<vmem>>[vector<16xi32>, vector<16xi32>], vector<16xf32>,
          %broadcast_in_dim3A_827 = arith.constant 30 : i32
          %broadcast_in_dim3A_828 = vector.broadcast %broadcast_in_dim3A_827 : i32 to vector<16xi32>
          tpu.vector_store_idx %arg12[%sub3A_543, %broadcast_in_dim3A_828], %gather3A_826 masked %and3A_521 : memref<128x128xf32, #tpu.memory_space<vmem>>[vector<16xi32>, vector<16xi32>], vector<16xf32>, vector<16xi1>
          %broadcast_in_dim3A_829 = arith.constant 31 : i32
          %broadcast_in_dim3A_830 = vector.broadcast %broadcast_in_dim3A_829 : i32 to vector<16xi32>
          %gather3A_831 = arith.constant 0 : i32
          %gather3A_832 = arith.constant 0 : i32
          %gather3A_833 = tpu.memref_slice %arg11[%rem3A_451, %gather3A_831, %gather3A_832] : memref<3x32x512xf32, #tpu.memory_space<vmem>> -> memref<1x32x512xf32, #tpu.memory_space<vmem>>
          %gather3A_834 = tpu.memref_squeeze %gather3A_833 : memref<1x32x512xf32, #tpu.memory_space<vmem>> -> memref<32x512xf32, #tpu.memory_space<vmem>>
          %gather3A_835 = tpu.vector_load_idx %gather3A_834[%broadcast_in_dim3A_830, %min3A_550] : memref<32x512xf32, #tpu.memory_space<vmem>>[vector<16xi32>, vector<16xi32>], vector<16xf32>,
          %broadcast_in_dim3A_836 = arith.constant 31 : i32
          %broadcast_in_dim3A_837 = vector.broadcast %broadcast_in_dim3A_836 : i32 to vector<16xi32>
          tpu.vector_store_idx %arg12[%sub3A_543, %broadcast_in_dim3A_837], %gather3A_835 masked %and3A_521 : memref<128x128xf32, #tpu.memory_space<vmem>>[vector<16xi32>, vector<16xi32>], vector<16xf32>, vector<16xi1>
          tpu.vector_store_idx %arg13[%sub3A_543], %get3A_515 masked %and3A_521 : memref<128xi32, #tpu.memory_space<vmem>>[vector<16xi32>], vector<16xi32>, vector<16xi1>
          %add3A_838 = arith.addi %cond3A_535, %reduce_sum3A_524 : i32
          scf.yield %add3A_838 : i32
        } else {
          scf.yield %while3A_508 : i32
        }
        scf.yield %cond3A_528 : i32
      }
      scf.yield %while3A_506 : i32
    }
    %sub3A_360 = arith.constant 1 : i32
    %sub3A_361 = arith.subi %add3A_222, %sub3A_360 : i32
    %rem3A_362 = arith.constant 3 : i32
    %rem3A_363 = arith.remsi %add3A_222, %rem3A_362 : i32
    %add3A_364 = arith.addi %add3A_227, %sub3A_361 : i32
    %mul3A_365 = arith.constant 512 : i32
    %mul3A_366 = arith.muli %add3A_364, %mul3A_365 : i32
    %multiple_of3A_367 = tpu.assume_multiple %mul3A_366, 512 : i32
    %dma_wait3A_368 = arith.constant 0 : i32
    %dma_wait3A_369 = arith.constant 0 : i32
    %dma_wait3A_370 = tpu.memref_slice %arg11[%rem3A_363, %dma_wait3A_368, %dma_wait3A_369] : memref<3x32x512xf32, #tpu.memory_space<vmem>> -> memref<1x32x512xf32, #tpu.memory_space<vmem>>
    %dma_wait3A_371 = tpu.memref_squeeze %dma_wait3A_370 : memref<1x32x512xf32, #tpu.memory_space<vmem>> -> memref<32x512xf32, #tpu.memory_space<vmem>>
    %dma_wait3A_372 = arith.constant 0 : i32
    %dma_wait3A_373 = tpu.memref_slice %arg5[%dma_wait3A_372, %multiple_of3A_367] : memref<32x100000xf32, #tpu.memory_space<hbm>> -> memref<32x512xf32, #tpu.memory_space<hbm>>
    %dma_wait3A_374 = arith.constant 0 : i32
    %dma_wait3A_375 = arith.constant 0 : i32
    %dma_wait3A_376 = tpu.memref_slice %arg11[%rem3A_363, %dma_wait3A_374, %dma_wait3A_375] : memref<3x32x512xf32, #tpu.memory_space<vmem>> -> memref<1x32x512xf32, #tpu.memory_space<vmem>>
    %dma_wait3A_377 = tpu.memref_squeeze %dma_wait3A_376 : memref<1x32x512xf32, #tpu.memory_space<vmem>> -> memref<32x512xf32, #tpu.memory_space<vmem>>
    %dma_wait3A_378 = arith.constant 0 : i32
    %dma_wait3A_379 = tpu.memref_slice %arg5[%dma_wait3A_378, %multiple_of3A_367] : memref<32x100000xf32, #tpu.memory_space<hbm>> -> memref<32x512xf32, #tpu.memory_space<hbm>>
    tpu.wait_dma2 semaphore(%arg14 : memref<!tpu.dma_semaphore, #tpu.memory_space<semaphore_mem>>) src(%dma_wait3A_379 : memref<32x512xf32, #tpu.memory_space<hbm>>) dst(%dma_wait3A_377 : memref<32x512xf32, #tpu.memory_space<vmem>>)
    %sub3A_380 = arith.constant 1 : i32
    %sub3A_381 = arith.subi %add3A_222, %sub3A_380 : i32
    %add3A_382 = arith.constant 1 : i32
    %add3A_383 = arith.addi %add3A_222, %add3A_382 : i32
    %rem3A_384 = arith.constant 3 : i32
    %rem3A_385 = arith.remsi %add3A_383, %rem3A_384 : i32
    %add3A_386 = arith.addi %add3A_227, %sub3A_381 : i32
    %mul3A_387 = arith.constant 512 : i32
    %mul3A_388 = arith.muli %add3A_386, %mul3A_387 : i32
    %multiple_of3A_389 = tpu.assume_multiple %mul3A_388, 512 : i32
    %dma_wait3A_390 = arith.constant 0 : i32
    %dma_wait3A_391 = arith.constant 0 : i32
    %dma_wait3A_392 = tpu.memref_slice %arg11[%rem3A_385, %dma_wait3A_390, %dma_wait3A_391] : memref<3x32x512xf32, #tpu.memory_space<vmem>> -> memref<1x32x512xf32, #tpu.memory_space<vmem>>
    %dma_wait3A_393 = tpu.memref_squeeze %dma_wait3A_392 : memref<1x32x512xf32, #tpu.memory_space<vmem>> -> memref<32x512xf32, #tpu.memory_space<vmem>>
    %dma_wait3A_394 = arith.constant 0 : i32
    %dma_wait3A_395 = tpu.memref_slice %arg5[%dma_wait3A_394, %multiple_of3A_389] : memref<32x100000xf32, #tpu.memory_space<hbm>> -> memref<32x512xf32, #tpu.memory_space<hbm>>
    %dma_wait3A_396 = arith.constant 0 : i32
    %dma_wait3A_397 = arith.constant 0 : i32
    %dma_wait3A_398 = tpu.memref_slice %arg11[%rem3A_385, %dma_wait3A_396, %dma_wait3A_397] : memref<3x32x512xf32, #tpu.memory_space<vmem>> -> memref<1x32x512xf32, #tpu.memory_space<vmem>>
    %dma_wait3A_399 = tpu.memref_squeeze %dma_wait3A_398 : memref<1x32x512xf32, #tpu.memory_space<vmem>> -> memref<32x512xf32, #tpu.memory_space<vmem>>
    %dma_wait3A_400 = arith.constant 0 : i32
    %dma_wait3A_401 = tpu.memref_slice %arg5[%dma_wait3A_400, %multiple_of3A_389] : memref<32x100000xf32, #tpu.memory_space<hbm>> -> memref<32x512xf32, #tpu.memory_space<hbm>>
    tpu.wait_dma2 semaphore(%arg14 : memref<!tpu.dma_semaphore, #tpu.memory_space<semaphore_mem>>) src(%dma_wait3A_401 : memref<32x512xf32, #tpu.memory_space<hbm>>) dst(%dma_wait3A_399 : memref<32x512xf32, #tpu.memory_space<vmem>>)
    %dma_start3A_402 = arith.constant 0 : i32
    %dma_start3A_403 = arith.constant 0 : i32
    %dma_start3A_404 = tpu.memref_slice %arg7[%dma_start3A_402, %dma_start3A_403] : memref<16512x128xf32, #tpu.memory_space<hbm>> -> memref<16512x128xf32, #tpu.memory_space<hbm>>
    tpu.enqueue_indirect_dma source(%arg12 : memref<128x128xf32, #tpu.memory_space<vmem>>) target(%dma_start3A_404 : memref<16512x128xf32, #tpu.memory_space<hbm>>) offsets(%arg13 : memref<128xi32, #tpu.memory_space<vmem>>) semaphore(%arg16 : memref<!tpu.dma_semaphore, #tpu.memory_space<semaphore_mem>>)
    %dma_wait3A_405 = arith.constant 0 : i32
    %dma_wait3A_406 = arith.constant 0 : i32
    %dma_wait3A_407 = tpu.memref_slice %arg7[%dma_wait3A_405, %dma_wait3A_406] : memref<16512x128xf32, #tpu.memory_space<hbm>> -> memref<16512x128xf32, #tpu.memory_space<hbm>>
    tpu.wait_indirect_dma semaphore(%arg16 : memref<!tpu.dma_semaphore, #tpu.memory_space<semaphore_mem>>) src(%arg12 : memref<128x128xf32, #tpu.memory_space<vmem>>) dst(%dma_wait3A_407 : memref<16512x128xf32, #tpu.memory_space<hbm>>)
    %add3A_408 = arith.constant 16384 : i32
    %add3A_409 = vector.broadcast %add3A_408 : i32 to vector<16xi32>
    %add3A_410 = arith.addi %add3A_409, %iota3A : vector<16xi32>
    %swap3A_411 = arith.constant 0 : index
    %swap3A_412 = tpu.vector_load %arg13[%swap3A_411] {strides = array<i32>} : memref<128xi32, #tpu.memory_space<vmem>>, vector<16xi32>,
    tpu.vector_store %arg13[%swap3A_411], %add3A_410 {strides = array<i32>} : memref<128xi32, #tpu.memory_space<vmem>>, vector<16xi32>,
    %add3A_413 = arith.constant 16400 : i32
    %add3A_414 = vector.broadcast %add3A_413 : i32 to vector<16xi32>
    %add3A_415 = arith.addi %add3A_414, %iota3A : vector<16xi32>
    %swap3A_416 = arith.constant 16 : index
    %swap3A_417 = tpu.vector_load %arg13[%swap3A_416] {strides = array<i32>} : memref<128xi32, #tpu.memory_space<vmem>>, vector<16xi32>,
    tpu.vector_store %arg13[%swap3A_416], %add3A_415 {strides = array<i32>} : memref<128xi32, #tpu.memory_space<vmem>>, vector<16xi32>,
    %add3A_418 = arith.constant 16416 : i32
    %add3A_419 = vector.broadcast %add3A_418 : i32 to vector<16xi32>
    %add3A_420 = arith.addi %add3A_419, %iota3A : vector<16xi32>
    %swap3A_421 = arith.constant 32 : index
    %swap3A_422 = tpu.vector_load %arg13[%swap3A_421] {strides = array<i32>} : memref<128xi32, #tpu.memory_space<vmem>>, vector<16xi32>,
    tpu.vector_store %arg13[%swap3A_421], %add3A_420 {strides = array<i32>} : memref<128xi32, #tpu.memory_space<vmem>>, vector<16xi32>,
    %add3A_423 = arith.constant 16432 : i32
    %add3A_424 = vector.broadcast %add3A_423 : i32 to vector<16xi32>
    %add3A_425 = arith.addi %add3A_424, %iota3A : vector<16xi32>
    %swap3A_426 = arith.constant 48 : index
    %swap3A_427 = tpu.vector_load %arg13[%swap3A_426] {strides = array<i32>} : memref<128xi32, #tpu.memory_space<vmem>>, vector<16xi32>,
    tpu.vector_store %arg13[%swap3A_426], %add3A_425 {strides = array<i32>} : memref<128xi32, #tpu.memory_space<vmem>>, vector<16xi32>,
    %add3A_428 = arith.constant 16448 : i32
    %add3A_429 = vector.broadcast %add3A_428 : i32 to vector<16xi32>
    %add3A_430 = arith.addi %add3A_429, %iota3A : vector<16xi32>
    %swap3A_431 = arith.constant 64 : index
    %swap3A_432 = tpu.vector_load %arg13[%swap3A_431] {strides = array<i32>} : memref<128xi32, #tpu.memory_space<vmem>>, vector<16xi32>,
    tpu.vector_store %arg13[%swap3A_431], %add3A_430 {strides = array<i32>} : memref<128xi32, #tpu.memory_space<vmem>>, vector<16xi32>,
    %add3A_433 = arith.constant 16464 : i32
    %add3A_434 = vector.broadcast %add3A_433 : i32 to vector<16xi32>
    %add3A_435 = arith.addi %add3A_434, %iota3A : vector<16xi32>
    %swap3A_436 = arith.constant 80 : index
    %swap3A_437 = tpu.vector_load %arg13[%swap3A_436] {strides = array<i32>} : memref<128xi32, #tpu.memory_space<vmem>>, vector<16xi32>,
    tpu.vector_store %arg13[%swap3A_436], %add3A_435 {strides = array<i32>} : memref<128xi32, #tpu.memory_space<vmem>>, vector<16xi32>,
    %add3A_438 = arith.constant 16480 : i32
    %add3A_439 = vector.broadcast %add3A_438 : i32 to vector<16xi32>
    %add3A_440 = arith.addi %add3A_439, %iota3A : vector<16xi32>
    %swap3A_441 = arith.constant 96 : index
    %swap3A_442 = tpu.vector_load %arg13[%swap3A_441] {strides = array<i32>} : memref<128xi32, #tpu.memory_space<vmem>>, vector<16xi32>,
    tpu.vector_store %arg13[%swap3A_441], %add3A_440 {strides = array<i32>} : memref<128xi32, #tpu.memory_space<vmem>>, vector<16xi32>,
    %add3A_443 = arith.constant 16496 : i32
    %add3A_444 = vector.broadcast %add3A_443 : i32 to vector<16xi32>
    %add3A_445 = arith.addi %add3A_444, %iota3A : vector<16xi32>
    %swap3A_446 = arith.constant 112 : index
    %swap3A_447 = tpu.vector_load %arg13[%swap3A_446] {strides = array<i32>} : memref<128xi32, #tpu.memory_space<vmem>>, vector<16xi32>,
    tpu.vector_store %arg13[%swap3A_446], %add3A_445 {strides = array<i32>} : memref<128xi32, #tpu.memory_space<vmem>>, vector<16xi32>,
    return
  }
}

module attributes {stable_mosaic.version = 14 : i64} {
  func.func @_mlp_body(%arg0: i32, %arg1: memref<2048x128xf32, #tpu.memory_space<vmem>>, %arg2: memref<2048x128xf32, #tpu.memory_space<vmem>>, %arg3: memref<2048x1xi32, #tpu.memory_space<vmem>>, %arg4: memref<2048x1xi32, #tpu.memory_space<vmem>>, %arg5: memref<64x32xf32, #tpu.memory_space<vmem>>, %arg6: memref<160x32xf32, #tpu.memory_space<vmem>>, %arg7: memref<64x32xf32, #tpu.memory_space<vmem>>, %arg8: memref<1x32xf32, #tpu.memory_space<vmem>>, %arg9: memref<32x16xf32, #tpu.memory_space<vmem>>, %arg10: memref<1x16xf32, #tpu.memory_space<vmem>>, %arg11: memref<16x8xf32, #tpu.memory_space<vmem>>, %arg12: memref<1x8xf32, #tpu.memory_space<vmem>>, %arg13: memref<8x1xf32, #tpu.memory_space<vmem>>, %arg14: memref<1x1xf32, #tpu.memory_space<vmem>>, %arg15: memref<2048x1xf32, #tpu.memory_space<vmem>>) attributes {dimension_semantics = [#tpu.dimension_semantics<arbitrary>], iteration_bounds = array<i64: 8>, scalar_prefetch = 0 : i64, scratch_operands = 0 : i64, tpu.core_type = #tpu.core_type<tc>, window_params = [{transform_indices = @transform_0, window_bounds = array<i64: 2048, 128>}, {transform_indices = @transform_1, window_bounds = array<i64: 2048, 128>}, {transform_indices = @transform_2, window_bounds = array<i64: 2048, 1>}, {transform_indices = @transform_3, window_bounds = array<i64: 2048, 1>}, {pipeline_mode = #tpu.pipeline_mode<synchronous>, transform_indices = @transform_4, window_bounds = array<i64: 64, 32>}, {pipeline_mode = #tpu.pipeline_mode<synchronous>, transform_indices = @transform_5, window_bounds = array<i64: 160, 32>}, {pipeline_mode = #tpu.pipeline_mode<synchronous>, transform_indices = @transform_6, window_bounds = array<i64: 64, 32>}, {pipeline_mode = #tpu.pipeline_mode<synchronous>, transform_indices = @transform_7, window_bounds = array<i64: 1, 32>}, {pipeline_mode = #tpu.pipeline_mode<synchronous>, transform_indices = @transform_8, window_bounds = array<i64: 32, 16>}, {pipeline_mode = #tpu.pipeline_mode<synchronous>, transform_indices = @transform_9, window_bounds = array<i64: 1, 16>}, {pipeline_mode = #tpu.pipeline_mode<synchronous>, transform_indices = @transform_10, window_bounds = array<i64: 16, 8>}, {pipeline_mode = #tpu.pipeline_mode<synchronous>, transform_indices = @transform_11, window_bounds = array<i64: 1, 8>}, {pipeline_mode = #tpu.pipeline_mode<synchronous>, transform_indices = @transform_12, window_bounds = array<i64: 8, 1>}, {pipeline_mode = #tpu.pipeline_mode<synchronous>, transform_indices = @transform_13, window_bounds = array<i64: 1, 1>}, {transform_indices = @transform_14, window_bounds = array<i64: 2048, 1>}]} {
    %get3A = arith.constant 0 : index
    %get3A_0 = arith.constant 0 : index
    %get3A_1 = vector.load %arg1[%get3A, %get3A_0] : memref<2048x128xf32, #tpu.memory_space<vmem>>, vector<2048x32xf32>
    %get3A_2 = arith.constant 0 : index
    %get3A_3 = arith.constant 0 : index
    %get3A_4 = vector.load %arg2[%get3A_2, %get3A_3] : memref<2048x128xf32, #tpu.memory_space<vmem>>, vector<2048x32xf32>
    %get3A_5 = arith.constant 0 : index
    %get3A_6 = arith.constant 0 : index
    %get3A_7 = vector.load %arg3[%get3A_5, %get3A_6] : memref<2048x1xi32, #tpu.memory_space<vmem>>, vector<2048x1xi32>
    %get3A_8 = arith.constant 0 : index
    %get3A_9 = arith.constant 0 : index
    %get3A_10 = vector.load %arg4[%get3A_8, %get3A_9] : memref<2048x1xi32, #tpu.memory_space<vmem>>, vector<2048x1xi32>
    %sub3A = arith.constant 999936 : i32
    %sub3A_11 = vector.broadcast %sub3A : i32 to vector<2048x1xi32>
    %sub3A_12 = arith.subi %get3A_7, %sub3A_11 : vector<2048x1xi32>
    %iota3A = tpu.iota {dimensions = array<i32: 1>} : vector<1x64xi32>
    %eq3A = vector.broadcast %sub3A_12 : vector<2048x1xi32> to vector<2048x64xi32>
    %eq3A_13 = vector.broadcast %iota3A : vector<1x64xi32> to vector<2048x64xi32>
    %eq3A_14 = arith.cmpi eq, %eq3A, %eq3A_13 : vector<2048x64xi32>
    %convert_element_type3A = arith.extui %eq3A_14 : vector<2048x64xi1> to vector<2048x64xi32>
    %convert_element_type3A_15 = arith.sitofp %convert_element_type3A : vector<2048x64xi32> to vector<2048x64xf32>
    %sub3A_16 = arith.constant 99840 : i32
    %sub3A_17 = vector.broadcast %sub3A_16 : i32 to vector<2048x1xi32>
    %sub3A_18 = arith.subi %get3A_10, %sub3A_17 : vector<2048x1xi32>
    %iota3A_19 = tpu.iota {dimensions = array<i32: 1>} : vector<1x160xi32>
    %eq3A_20 = vector.broadcast %sub3A_18 : vector<2048x1xi32> to vector<2048x160xi32>
    %eq3A_21 = vector.broadcast %iota3A_19 : vector<1x160xi32> to vector<2048x160xi32>
    %eq3A_22 = arith.cmpi eq, %eq3A_20, %eq3A_21 : vector<2048x160xi32>
    %convert_element_type3A_23 = arith.extui %eq3A_22 : vector<2048x160xi1> to vector<2048x160xi32>
    %convert_element_type3A_24 = arith.sitofp %convert_element_type3A_23 : vector<2048x160xi32> to vector<2048x160xf32>
    %get3A_25 = arith.constant 0 : index
    %get3A_26 = arith.constant 0 : index
    %get3A_27 = vector.load %arg5[%get3A_25, %get3A_26] : memref<64x32xf32, #tpu.memory_space<vmem>>, vector<64x32xf32>
    %dot_general3A = arith.constant dense<0.000000e+00> : vector<2048x32xf32>
    %dot_general3A_28 = tpu.matmul %convert_element_type3A_15, %get3A_27, %dot_general3A {dimension_numbers = #tpu.dot_dimension_numbers<[1], [0], [0], [1], [0, 0, 1, 1], [], []>, transpose_lhs_hint = false} : vector<2048x64xf32>, vector<64x32xf32>, vector<2048x32xf32> -> vector<2048x32xf32>
    %get3A_29 = arith.constant 0 : index
    %get3A_30 = arith.constant 0 : index
    %get3A_31 = vector.load %arg6[%get3A_29, %get3A_30] : memref<160x32xf32, #tpu.memory_space<vmem>>, vector<160x32xf32>
    %dot_general3A_32 = arith.constant dense<0.000000e+00> : vector<2048x32xf32>
    %dot_general3A_33 = tpu.matmul %convert_element_type3A_24, %get3A_31, %dot_general3A_32 {dimension_numbers = #tpu.dot_dimension_numbers<[1], [0], [0], [1], [0, 0, 1, 1], [], []>, transpose_lhs_hint = false} : vector<2048x160xf32>, vector<160x32xf32>, vector<2048x32xf32> -> vector<2048x32xf32>
    %lt3A = arith.constant 999936 : i32
    %lt3A_34 = vector.broadcast %lt3A : i32 to vector<2048x1xi32>
    %lt3A_35 = arith.cmpi slt, %get3A_7, %lt3A_34 : vector<2048x1xi32>
    %broadcast_in_dim3A = vector.shape_cast %lt3A_35 : vector<2048x1xi1> to vector<2048x1xi1>
    %broadcast_in_dim3A_36 = vector.broadcast %broadcast_in_dim3A : vector<2048x1xi1> to vector<2048x32xi1>
    %select_n3A = arith.select %broadcast_in_dim3A_36, %get3A_1, %dot_general3A_28 : vector<2048x32xi1>, vector<2048x32xf32>
    %lt3A_37 = arith.constant 99840 : i32
    %lt3A_38 = vector.broadcast %lt3A_37 : i32 to vector<2048x1xi32>
    %lt3A_39 = arith.cmpi slt, %get3A_10, %lt3A_38 : vector<2048x1xi32>
    %broadcast_in_dim3A_40 = vector.shape_cast %lt3A_39 : vector<2048x1xi1> to vector<2048x1xi1>
    %broadcast_in_dim3A_41 = vector.broadcast %broadcast_in_dim3A_40 : vector<2048x1xi1> to vector<2048x32xi1>
    %select_n3A_42 = arith.select %broadcast_in_dim3A_41, %get3A_4, %dot_general3A_33 : vector<2048x32xi1>, vector<2048x32xf32>
    %get3A_43 = arith.constant 0 : index
    %get3A_44 = arith.constant 0 : index
    %get3A_45 = vector.load %arg7[%get3A_43, %get3A_44] : memref<64x32xf32, #tpu.memory_space<vmem>>, vector<32x32xf32>
    %dot_general3A_46 = arith.constant dense<0.000000e+00> : vector<2048x32xf32>
    %dot_general3A_47 = tpu.matmul %select_n3A, %get3A_45, %dot_general3A_46 {dimension_numbers = #tpu.dot_dimension_numbers<[1], [0], [0], [1], [0, 0, 1, 1], [], []>, transpose_lhs_hint = false} : vector<2048x32xf32>, vector<32x32xf32>, vector<2048x32xf32> -> vector<2048x32xf32>
    %get3A_48 = arith.constant 32 : index
    %get3A_49 = arith.constant 0 : index
    %get3A_50 = vector.load %arg7[%get3A_48, %get3A_49] : memref<64x32xf32, #tpu.memory_space<vmem>>, vector<32x32xf32>
    %dot_general3A_51 = arith.constant dense<0.000000e+00> : vector<2048x32xf32>
    %dot_general3A_52 = tpu.matmul %select_n3A_42, %get3A_50, %dot_general3A_51 {dimension_numbers = #tpu.dot_dimension_numbers<[1], [0], [0], [1], [0, 0, 1, 1], [], []>, transpose_lhs_hint = false} : vector<2048x32xf32>, vector<32x32xf32>, vector<2048x32xf32> -> vector<2048x32xf32>
    %add3A = arith.addf %dot_general3A_47, %dot_general3A_52 : vector<2048x32xf32>
    %get3A_53 = arith.constant 0 : index
    %get3A_54 = arith.constant 0 : index
    %get3A_55 = vector.load %arg8[%get3A_53, %get3A_54] : memref<1x32xf32, #tpu.memory_space<vmem>>, vector<1x32xf32>
    %add3A_56 = vector.broadcast %get3A_55 : vector<1x32xf32> to vector<2048x32xf32>
    %add3A_57 = arith.addf %add3A, %add3A_56 : vector<2048x32xf32>
    %max3A = arith.constant 0.000000e+00 : f32
    %max3A_58 = vector.broadcast %max3A : f32 to vector<2048x32xf32>
    %max3A_59 = arith.maximumf %add3A_57, %max3A_58 : vector<2048x32xf32>
    %get3A_60 = arith.constant 0 : index
    %get3A_61 = arith.constant 0 : index
    %get3A_62 = vector.load %arg9[%get3A_60, %get3A_61] : memref<32x16xf32, #tpu.memory_space<vmem>>, vector<32x16xf32>
    %dot_general3A_63 = arith.constant dense<0.000000e+00> : vector<2048x16xf32>
    %dot_general3A_64 = tpu.matmul %max3A_59, %get3A_62, %dot_general3A_63 {dimension_numbers = #tpu.dot_dimension_numbers<[1], [0], [0], [1], [0, 0, 1, 1], [], []>, transpose_lhs_hint = false} : vector<2048x32xf32>, vector<32x16xf32>, vector<2048x16xf32> -> vector<2048x16xf32>
    %get3A_65 = arith.constant 0 : index
    %get3A_66 = arith.constant 0 : index
    %get3A_67 = vector.load %arg10[%get3A_65, %get3A_66] : memref<1x16xf32, #tpu.memory_space<vmem>>, vector<1x16xf32>
    %add3A_68 = vector.broadcast %get3A_67 : vector<1x16xf32> to vector<2048x16xf32>
    %add3A_69 = arith.addf %dot_general3A_64, %add3A_68 : vector<2048x16xf32>
    %max3A_70 = arith.constant 0.000000e+00 : f32
    %max3A_71 = vector.broadcast %max3A_70 : f32 to vector<2048x16xf32>
    %max3A_72 = arith.maximumf %add3A_69, %max3A_71 : vector<2048x16xf32>
    %get3A_73 = arith.constant 0 : index
    %get3A_74 = arith.constant 0 : index
    %get3A_75 = vector.load %arg11[%get3A_73, %get3A_74] : memref<16x8xf32, #tpu.memory_space<vmem>>, vector<16x8xf32>
    %dot_general3A_76 = arith.constant dense<0.000000e+00> : vector<2048x8xf32>
    %dot_general3A_77 = tpu.matmul %max3A_72, %get3A_75, %dot_general3A_76 {dimension_numbers = #tpu.dot_dimension_numbers<[1], [0], [0], [1], [0, 0, 1, 1], [], []>, transpose_lhs_hint = false} : vector<2048x16xf32>, vector<16x8xf32>, vector<2048x8xf32> -> vector<2048x8xf32>
    %get3A_78 = arith.constant 0 : index
    %get3A_79 = arith.constant 0 : index
    %get3A_80 = vector.load %arg12[%get3A_78, %get3A_79] : memref<1x8xf32, #tpu.memory_space<vmem>>, vector<1x8xf32>
    %add3A_81 = vector.broadcast %get3A_80 : vector<1x8xf32> to vector<2048x8xf32>
    %add3A_82 = arith.addf %dot_general3A_77, %add3A_81 : vector<2048x8xf32>
    %max3A_83 = arith.constant 0.000000e+00 : f32
    %max3A_84 = vector.broadcast %max3A_83 : f32 to vector<2048x8xf32>
    %max3A_85 = arith.maximumf %add3A_82, %max3A_84 : vector<2048x8xf32>
    %get3A_86 = arith.constant 0 : index
    %get3A_87 = arith.constant 0 : index
    %get3A_88 = vector.load %arg13[%get3A_86, %get3A_87] : memref<8x1xf32, #tpu.memory_space<vmem>>, vector<8x1xf32>
    %dot_general3A_89 = arith.constant dense<0.000000e+00> : vector<2048x1xf32>
    %dot_general3A_90 = tpu.matmul %max3A_85, %get3A_88, %dot_general3A_89 {dimension_numbers = #tpu.dot_dimension_numbers<[1], [0], [0], [1], [0, 0, 1, 1], [], []>, transpose_lhs_hint = false} : vector<2048x8xf32>, vector<8x1xf32>, vector<2048x1xf32> -> vector<2048x1xf32>
    %get3A_91 = arith.constant 0 : index
    %get3A_92 = arith.constant 0 : index
    %get3A_93 = vector.load %arg14[%get3A_91, %get3A_92] : memref<1x1xf32, #tpu.memory_space<vmem>>, vector<1x1xf32>
    %add3A_94 = vector.broadcast %get3A_93 : vector<1x1xf32> to vector<2048x1xf32>
    %add3A_95 = arith.addf %dot_general3A_90, %add3A_94 : vector<2048x1xf32>
    %logistic3A = arith.negf %add3A_95 : vector<2048x1xf32>
    %logistic3A_96 = math.exp %logistic3A : vector<2048x1xf32>
    %logistic3A_97 = arith.constant 1.000000e+00 : f32
    %logistic3A_98 = vector.broadcast %logistic3A_97 : f32 to vector<2048x1xf32>
    %logistic3A_99 = arith.addf %logistic3A_98, %logistic3A_96 : vector<2048x1xf32>
    %logistic3A_100 = arith.divf %logistic3A_98, %logistic3A_99 : vector<2048x1xf32>
    %mul3A = arith.constant 5.000000e+00 : f32
    %mul3A_101 = vector.broadcast %mul3A : f32 to vector<2048x1xf32>
    %mul3A_102 = arith.mulf %logistic3A_100, %mul3A_101 : vector<2048x1xf32>
    %add3A_103 = arith.constant 1.000000e+00 : f32
    %add3A_104 = vector.broadcast %add3A_103 : f32 to vector<2048x1xf32>
    %add3A_105 = arith.addf %mul3A_102, %add3A_104 : vector<2048x1xf32>
    %swap3A = arith.constant 0 : index
    %swap3A_106 = arith.constant 0 : index
    %swap3A_107 = vector.load %arg15[%swap3A, %swap3A_106] : memref<2048x1xf32, #tpu.memory_space<vmem>>, vector<2048x1xf32>
    tpu.vector_store %arg15[%swap3A, %swap3A_106], %add3A_105 {strides = array<i32>} : memref<2048x1xf32, #tpu.memory_space<vmem>>, vector<2048x1xf32>,
    return
  }
  func.func @transform_0(%arg0: i32) -> (i32, i32) {
    %c0_i32 = arith.constant 0 : i32
    %c0_i32_0 = arith.constant 0 : i32
    return %arg0, %c0_i32 : i32, i32
  }
  func.func @transform_1(%arg0: i32) -> (i32, i32) {
    %c0_i32 = arith.constant 0 : i32
    %c0_i32_0 = arith.constant 0 : i32
    return %arg0, %c0_i32 : i32, i32
  }
  func.func @transform_2(%arg0: i32) -> (i32, i32) {
    %c0_i32 = arith.constant 0 : i32
    %c0_i32_0 = arith.constant 0 : i32
    return %arg0, %c0_i32 : i32, i32
  }
  func.func @transform_3(%arg0: i32) -> (i32, i32) {
    %c0_i32 = arith.constant 0 : i32
    %c0_i32_0 = arith.constant 0 : i32
    return %arg0, %c0_i32 : i32, i32
  }
  func.func @transform_4(%arg0: i32) -> (i32, i32) {
    %c0_i32 = arith.constant 0 : i32
    %c0_i32_0 = arith.constant 0 : i32
    %c0_i32_1 = arith.constant 0 : i32
    return %c0_i32, %c0_i32_0 : i32, i32
  }
  func.func @transform_5(%arg0: i32) -> (i32, i32) {
    %c0_i32 = arith.constant 0 : i32
    %c0_i32_0 = arith.constant 0 : i32
    %c0_i32_1 = arith.constant 0 : i32
    return %c0_i32, %c0_i32_0 : i32, i32
  }
  func.func @transform_6(%arg0: i32) -> (i32, i32) {
    %c0_i32 = arith.constant 0 : i32
    %c0_i32_0 = arith.constant 0 : i32
    %c0_i32_1 = arith.constant 0 : i32
    return %c0_i32, %c0_i32_0 : i32, i32
  }
  func.func @transform_7(%arg0: i32) -> (i32, i32) {
    %c0_i32 = arith.constant 0 : i32
    %c0_i32_0 = arith.constant 0 : i32
    %c0_i32_1 = arith.constant 0 : i32
    return %c0_i32, %c0_i32_0 : i32, i32
  }
  func.func @transform_8(%arg0: i32) -> (i32, i32) {
    %c0_i32 = arith.constant 0 : i32
    %c0_i32_0 = arith.constant 0 : i32
    %c0_i32_1 = arith.constant 0 : i32
    return %c0_i32, %c0_i32_0 : i32, i32
  }
  func.func @transform_9(%arg0: i32) -> (i32, i32) {
    %c0_i32 = arith.constant 0 : i32
    %c0_i32_0 = arith.constant 0 : i32
    %c0_i32_1 = arith.constant 0 : i32
    return %c0_i32, %c0_i32_0 : i32, i32
  }
  func.func @transform_10(%arg0: i32) -> (i32, i32) {
    %c0_i32 = arith.constant 0 : i32
    %c0_i32_0 = arith.constant 0 : i32
    %c0_i32_1 = arith.constant 0 : i32
    return %c0_i32, %c0_i32_0 : i32, i32
  }
  func.func @transform_11(%arg0: i32) -> (i32, i32) {
    %c0_i32 = arith.constant 0 : i32
    %c0_i32_0 = arith.constant 0 : i32
    %c0_i32_1 = arith.constant 0 : i32
    return %c0_i32, %c0_i32_0 : i32, i32
  }
  func.func @transform_12(%arg0: i32) -> (i32, i32) {
    %c0_i32 = arith.constant 0 : i32
    %c0_i32_0 = arith.constant 0 : i32
    %c0_i32_1 = arith.constant 0 : i32
    return %c0_i32, %c0_i32_0 : i32, i32
  }
  func.func @transform_13(%arg0: i32) -> (i32, i32) {
    %c0_i32 = arith.constant 0 : i32
    %c0_i32_0 = arith.constant 0 : i32
    %c0_i32_1 = arith.constant 0 : i32
    return %c0_i32, %c0_i32_0 : i32, i32
  }
  func.func @transform_14(%arg0: i32) -> (i32, i32) {
    %c0_i32 = arith.constant 0 : i32
    %c0_i32_0 = arith.constant 0 : i32
    return %arg0, %c0_i32 : i32, i32
  }
}

</mosaic_0001>

<sc_bundles>
// kernel: kernel.4.cloned.1.call-start
scs
__scs_entry_jumppad:
0x0: {  	(pc) =	sbr.rel $0x88, $3  }
0x1: {  	(tag) =	ssettag $0x0;
	lr =	simm.s32 $0x1  }
0x2: {  	[smem:$0x3F95] =	sst lr;
	_ =	strace $0xD0000000  }
0x3: {  	_ = 	snop  }
0x4: {  	_ = 	snop  }
0x5: {  	_ = 	snop  }
0x6: {  	_ = 	snop  }
0x7: {  	_ = 	snop  }
__scs_overlays_trampoline_lowered:
0x8: {  	[smem:$0x3FA4] =	sst s0  }
0x9: {  	[smem:$0x3FA5] =	sst s1  }
0xa: {  	[smem:$0x3FA6] =	sst s2  }
0xb: {  	[smem:$0x3FA7] =	sst s3  }
0xc: {  	[smem:$0x3FA8] =	sst s4  }
0xd: {  	[smem:$0x3FA9] =	sst s5  }
0xe: {  	[smem:$0x3FAA] =	sst s6  }
0xf: {  	[smem:$0x3FAB] =	sst s7  }
0x10: {  	[smem:$0x3FAC] =	sst s8  }
0x11: {  	[smem:$0x3FAD] =	sst s9;
	s0 =	simm.s32 @!p0 $0x0  }
0x12: {  	s1 =	sld [smem:$0x3F93];
	s0 =	simm.s32 @p0 $0x1  }
0x13: {  	[smem:$0x3FAE] =	sst s0;
	s0 =	simm.s32 @!p1 $0x0  }
0x14: {  	s2 =	sld [smem:$0x3F92];
	s0 =	simm.s32 @p1 $0x1  }
0x15: {  	[smem:$0x3FAF] =	sst s0;
	s0 =	simm.s32 @!p2 $0x0  }
0x16: {  	s3 =	sld [smem:$0x3FDB];
	s0 =	simm.s32 @p2 $0x1  }
0x17: {  	s4 =	simm.s32 $0x1BF5;
	[smem:$0x3FB1] =	sst s0  }
0x18: {  	s0 =	sld [smem:$0x3F94];
	_ =	swait.ge [sflag:s4], $0x0  }
0x19: {  	s7 =	sld [smem:$0x3F95]  }
0x1a: {  	s8 =	sadd.s32 $0xFFFFE003, lr  }
0x1b: {  	s9 =	sadd.s32 $0xFFFFFEF7, lr;
	s5 =	simm.s32 $0xFFFFFFFF;
	p2 =	slt.u32 s8, $0xFFFFF086  }
0x1c: {  	p1 =	slt.u32 s9, $0xF7A;
	s5 =	simm.s32 @!p2 $0x0  }
0x1d: {  	s5 =	simm.s32 @p1 $0x1;
	p0 =	seq.s32 s7, s2  }
0x1e: {  	s7 =	smul.u32 @!p0 $0xF7A, s2;
	p2 =	seq.s32 @!p0 s5, $0x0  }
0x1f: {  	s9 =	smul.u32 $0xF7A, s1;
	s8 =	simm.s32 @!p0 $0x1BF5;
	p2 =	por !p2, p0  }
0x20: {  	[sflag:s8] =	ssyncset.s32 @!p0 $0xFFFFF086;
	s6 =	sadd.s32 @!p0 s3, s7;
	s7 =	simm.s32 @!p0 $0x108  }
0x21: {  	s3 =	sadd.s32 s3, s9;
	s6 =	sadd.s32 @!p0 $0x88, s6;
	s7 =	simm.s32 @p2 $0x1082  }
0x22: {  	[simem:s7], [sflag:s8] =	dma.local @!p0 [hbm:s6], $0xF7A  }
0x23: {  	s9 =	sor.u32 $0xD0000000, s2;
	s6 =	simm.s32 $0x108;
	_ =	swait.ge @!p0 [sflag:s8], $0x0  }
0x24: {  	s3 =	sadd.s32 $0x88, s3;
	s6 =	simm.s32 @!p1 $0x1082;
	[sflag:s4] =	ssyncset.s32 $0xFFFFF086  }
0x25: {  	[simem:s6], [sflag:s4] =	dma.local [hbm:s3], $0xF7A  }
0x26: {  	[smem:$0x3F95] =	sst s1;
	(tag) =	ssettag s2;
	_ =	strace s9  }
0x27: {  	s1 =	sld [smem:$0x3FA5]  }
0x28: {  	s2 =	sld [smem:$0x3FA6]  }
0x29: {  	s4 =	sld [smem:$0x3FA8]  }
0x2a: {  	p0 =	seq.s32 s5, $0x0;
	s5 =	sld [smem:$0x3FA9]  }
0x2b: {  	s6 =	sld [smem:$0x3FAA]  }
0x2c: {  	s7 =	sld [smem:$0x3FAB]  }
0x2d: {  	s3 =	simm.s32 $0x108;
	s8 =	sld [smem:$0x3FAC]  }
0x2e: {  	s3 =	simm.s32 @!p0 $0x1082;
	s9 =	sld [smem:$0x3FAD]  }
0x2f: {  	lr =	sadd.s32 s0, s3;
	s0 =	sld [smem:$0x3FA4]  }
0x30: {  	s3 =	sld [smem:$0x3FA7]  }
0x31: {  	[smem:$0x3FB0] =	sst s10  }
0x32: {  	s10 =	sld [smem:$0x3FAE];
	_ =	sdelay $0x3  }
0x33: {  	p0 =	seq.s32 s10, $0x1;
	s10 =	sld [smem:$0x3FB0];
	_ =	sdelay $0x3  }
0x34: {  	[smem:$0x3FB0] =	sst s10  }
0x35: {  	s10 =	sld [smem:$0x3FAF];
	_ =	sdelay $0x3  }
0x36: {  	p1 =	seq.s32 s10, $0x1;
	s10 =	sld [smem:$0x3FB0];
	_ =	sdelay $0x3  }
0x37: {  	[smem:$0x3FB0] =	sst s10  }
0x38: {  	s10 =	sld [smem:$0x3FB1]  }
0x39: {  	_ = 	snop;
	(pc) =	sbr.ind lr, $3  }
0x3a: {  	_ = 	snop  }
0x3b: {  	_ = 	snop  }
0x3c: {  	p2 =	seq.s32 s10, $0x1;
	s10 =	sld [smem:$0x3FB0]  }
0x3d: {  	_ =	shalt  }
0x3e: {  	_ =	shalt  }
0x3f: {  	_ =	shalt  }
0x40: {  	_ =	shalt  }
0x41: {  	_ =	shalt  }
0x42: {  	_ =	shalt  }
0x43: {  	_ =	shalt  }
0x44: {  	_ =	shalt  }
0x45: {  	_ =	shalt  }
0x46: {  	_ =	shalt  }
0x47: {  	_ =	shalt  }
0x48: {  	_ =	shalt  }
0x49: {  	_ =	shalt  }
0x4a: {  	_ =	shalt  }
0x4b: {  	_ =	shalt  }
0x4c: {  	_ =	shalt  }
0x4d: {  	_ =	shalt  }
0x4e: {  	_ =	shalt  }
0x4f: {  	_ =	shalt  }
0x50: {  	_ =	shalt  }
0x51: {  	_ =	shalt  }
0x52: {  	_ =	shalt  }
0x53: {  	_ =	shalt  }
0x54: {  	_ =	shalt  }
0x55: {  	_ =	shalt  }
0x56: {  	_ =	shalt  }
0x57: {  	_ =	shalt  }
0x58: {  	_ =	shalt  }
0x59: {  	_ =	shalt  }
0x5a: {  	_ =	shalt  }
0x5b: {  	_ =	shalt  }
0x5c: {  	_ =	shalt  }
0x5d: {  	_ =	shalt  }
0x5e: {  	_ =	shalt  }
0x5f: {  	_ =	shalt  }
0x60: {  	_ =	shalt  }
0x61: {  	_ =	shalt  }
0x62: {  	_ =	shalt  }
0x63: {  	_ =	shalt  }
0x64: {  	_ =	shalt  }
0x65: {  	_ =	shalt  }
0x66: {  	_ =	shalt  }
0x67: {  	_ =	shalt  }
0x68: {  	_ =	shalt  }
0x69: {  	_ =	shalt  }
0x6a: {  	_ =	shalt  }
0x6b: {  	_ =	shalt  }
0x6c: {  	_ =	shalt  }
0x6d: {  	_ =	shalt  }
0x6e: {  	_ =	shalt  }
0x6f: {  	_ =	shalt  }
0x70: {  	_ =	shalt  }
0x71: {  	_ =	shalt  }
0x72: {  	_ =	shalt  }
0x73: {  	_ =	shalt  }
0x74: {  	_ =	shalt  }
0x75: {  	_ =	shalt  }
0x76: {  	_ =	shalt  }
0x77: {  	_ =	shalt  }
0x78: {  	_ =	shalt  }
0x79: {  	_ =	shalt  }
0x7a: {  	_ =	shalt  }
0x7b: {  	_ =	shalt  }
0x7c: {  	_ =	shalt  }
0x7d: {  	_ =	shalt  }
0x7e: {  	_ =	shalt  }
0x7f: {  	_ =	shalt  }
0x80: {  	_ =	shalt  }
0x81: {  	_ =	shalt  }
0x82: {  	_ =	shalt  }
0x83: {  	_ =	shalt  }
0x84: {  	_ =	shalt  }
0x85: {  	_ =	shalt  }
0x86: {  	_ =	shalt  }
0x87: {  	_ =	shalt  }
.Lfunc_end0:
.L_simem_size_0:
called_computation_lowered:
.L_overlay_start_0:
0x88: {  	s2 =	sld [smem:$0x3FD9]  }
0x89: {  	s3 =	sld [smem:$0x3FFE];
	_ =	sdelay $0x1  }
0x8a: {  	s1 =	srdreg.scid  }
0x8b: {  	s0 =	sand.u32 $0x1, s1  }
0x8c: {  	s17 =	sshll.u32 s0, $0xA;
	s2 =	sadd.s32 s3, s2  }
0x8d: {  	s2 =	sadd.s32 s2, s17  }
0x8e: {  	[smem:$0x3FBC] =	sst s2  }
0x8f: {  	_ = 	snop  }
0x90: {  	s2 =	sld [smem:$0x3FC9]  }
0x91: {  	s18 =	sld [smem:$0x3FC8]  }
0x92: {  	s4 =	sld [smem:$0x3FC7]  }
0x93: {  	s5 =	sld [smem:$0x3FC6];
	(tm) =	ssettm $0x1  }
0x94: {  	s6 =	sld [smem:$0x3FFB];
	_ =	sdelay $0x3  }
0x95: {  	_ =	strace s6  }
0x96: {  	s6 =	sld [smem:$0x3FFC];
	_ =	sdelay $0x3  }
0x97: {  	_ =	strace s6  }
0x98: {  	s6 =	sld [smem:$0x3FFD];
	_ =	sdelay $0x3  }
0x99: {  	_ =	strace s6  }
0x9a: {  	_ =	strace $0x8FFFFFFF  }
0x9b: {  	s19 =	sld [smem:$0x3FDB];
	_ =	sdelay $0x1  }
0x9c: {  	s7 =	simm.s32 $_scs_section_size  }
0x9d: {  	s8 =	simm.s32 $_size__tile_overlayer_lowered;
	s9 =	simm.s32 $_tile_overlayer_lowered  }
0x9e: {  	s22 =	simm.s32 $0x1BFF;
	s21 =	sshll.u32 s9, $0x1;
	s6 =	sadd.s32 s7, s19  }
0x9f: {  	s10 =	simm.s32 $0x0;
	s20 =	sshll.u32 s8, $0x1;
	s8 =	sadd.s32 s21, s6  }
0xa0: {  	[timem:s10], [sflag:s22] =	dma.local [hbm:s8], s20  }
0xa1: {  	_ =	swait.ge [sflag:s22], s20  }
0xa2: {  	s7 =	ssub.s32 $0x0, s20;
	[sflag:s22] =	ssyncset.done $0x0  }
0xa3: {  	[sflag:s22] =	ssyncadd.s32 s7;
	_ =	sdelay $0x1  }
0xa4: {  	s23 =	simm.s32 $0x1B8B  }
0xa5: {  	_ =	swait.ge [sflag:s23], $0x1  }
0xa6: {  	[sflag:s23] =	ssyncset.done $0x0  }
0xa7: {  	s25 =	simm.s32 $0x1B8E;
	s24 =	sld [smem:$0x3FFE];
	[sflag:s23] =	ssyncadd.s32 $0xFFFFFFFF  }
0xa8: {  	s26 =	simm.s32 $execute0_lowered;
	[smem:$0x3FD2] =	sst s25  }
0xa9: {  	s8 =	sshll.u32 s26, $0x1;
	_ =	strace $0x80000046;
	[dreg:$0x1] =	wrdreg $0xFFFFFFFF  }
0xaa: {  	s28 =	simm.s32 $_size_execute0_lowered;
	s6 =	sadd.s32 s6, s8;
	[dreg:$0x0] =	wrdreg $0x0  }
0xab: {  	s8 =	sshll.u32 s28, $0x1;
	[dreg:$0x2] =	wrdreg s6  }
0xac: {  	[dreg:$0x3] =	wrdreg s8  }
0xad: {  	[dreg:$0x4] =	wrdreg $0xC0  }
0xae: {  	_ =	task [dreg:s10], $0x5FFFF  }
0xaf: {  	[dreg:$0x1] =	wrdreg $0xFFFFFFFF  }
0xb0: {  	[dreg:$0x0] =	wrdreg $0x60  }
0xb1: {  	[dreg:$0x2] =	wrdreg s2  }
0xb2: {  	[dreg:$0x3] =	wrdreg s18  }
0xb3: {  	[dreg:$0x4] =	wrdreg s4  }
0xb4: {  	[dreg:$0x5] =	wrdreg s5  }
0xb5: {  	[dreg:$0x6] =	wrdreg s24  }
0xb6: {  	[dreg:$0x7] =	wrdreg $0x9  }
0xb7: {  	_ =	task.clear_ibuf [dreg:s10], $0x8FFFF;
	_ =	strace $0x90000046  }
0xb8: {  	s29 =	simm.s32 $0x9;
	_ =	strace $0x80000048  }
0xb9: {  	_ =	swait.ge [sflag:s29], $0x1  }
0xba: {  	[sflag:s29] =	ssyncadd.s32 $0xFFFFFFFF  }
0xbb: {  	_ =	strace $0x90000048  }
0xbc: {  	_ =	sfence  }
0xbd: {  	s30 =	sld [smem:$0x0];
	_ =	sdelay $0x2  }
0xbe: {  	s31 =	sshll.u32 s1, $0xD;
	s1 =	sshrl.u32 s1, $0x2  }
0xbf: {  	s3 =	sand.u32 $0x4000, s31;
	s1 =	sadd.s32 s1, s30  }
0xc0: {  	s0 =	sor.u32 s3, s0;
	s1 =	sshll.u32 s1, $0x11  }
0xc1: {  	s0 =	sor.u32 s1, s0  }
0xc2: {  	s0 =	sadd.s32 $0x8F2B, s0  }
0xc3: {  	[sflag:s0] =	ssyncadd.remote.s32 $0x1  }
0xc4: {  	_ =	sfence.sel $0xFFFF  }
0xc5: {  	[dreg:$0x0] =	wrdreg $0xFFFFFFFF;
	(pc) =	sbr.abs _section_cstart, $3  }
0xc6: {  	[dreg:$0x1] =	wrdreg $0xFFFFFFFF  }
0xc7: {  	_ =	task.clear_ibuf [dreg:s10], $0x2FFFF;
	_ =	strace $0x9FFFFFFF  }
0xc8: {  	(tm) =	ssettm $0x7FFFFFFF  }
0xc9: {  	_ =	shalt  }
tec
execute0_lowered:
.L_overlay_start_1:
0x0: {  	(tag) =	ssettag $0x1  }
0x1: {  	s3 =	rddreg [dreg:$0x2]  }
0x2: {  	s4 =	rddreg [dreg:$0x3]  }
0x3: {  	s0 =	rddreg [dreg:$0x4]  }
0x4: {  	s1 =	simm.s32 $0x0;
	s21 =	srdreg.scid;
	s5 =	stileid.u32  }
0x5: {  	s10 =	simm.s32 $0x1;
	s9 =	simm.s32 $0x3E;
	s11 =	simm.s32 $0x1  }
0x6: {  	s14 =	simm.s32 $0x3D;
	s15 =	simm.s32 $0x7;
	s18 =	simm.s32 $0x6  }
0x7: {  	s28 =	simm.s32 $0x1C100;
	s30 =	simm.s32 $0x2;
	s31 =	simm.s32 $0xC3800  }
0x8: {  	[smem:$0x7FF] =	sst s1;
	s1 =	sand.u32 $0x1, s21;
	s7 =	sadd.s32 $0x1A00, s0  }
0x9: {  	s5 =	sshll.u32 s5, $0x1;
	s8 =	sadd.s32 $0x42200, s0;
	s21 =	simm.s32 $0x3  }
0xa: {  	_ =	strace $0x80000047;
	s2 =	ssub.s32 $0x2, s1;
	s1 =	sor.u32 s1, s5  }
0xb: {  	s22 =	sshrl.u32 s2, $0x1;
	s5 =	smul.u32 $0x3D, s1;
	p1 =	sne.s32 s1, $0x0  }
0xc: {  	p0 =	seq.s32 s1, $0x0;
	s13 =	smul.u32 $0x6, s1;
	s16 =	smin.u32 s1, $0x3  }
0xd: {  	s10 =	simm.s32 @!p1 $0x0;
	s0 =	ssub.s32 s2, s22;
	s9 =	simm.s32 @!p0 $0x3D  }
0xe: {  	p1 =	slt.u32 s1, $0x3;
	s14 =	simm.s32 @!p0 $0x3C;
	s22 =	simm.s32 $0x1000  }
0xf: {  	s10 =	sadd.s32 s10, s5;
	s16 =	sadd.s32 s16, s13;
	s15 =	simm.s32 @!p1 $0x6  }
0x10: {  	s18 =	simm.s32 @!p1 $0x5;
	s0 =	smax.u32 s0, $0x1;
	s23 =	sshll.u32 s10, $0x9  }
0x11: {  	s5 =	sadd.s32 s9, s10;
	s24 =	sshll.u32 s16, $0x9;
	s13 =	sadd.s32 s15, s16  }
.Ltmp0:
0x12: {  	v2 =	vlaneseq.u32;
	v13 =	vimm.s32 $0x0;
	v14 =	vimm.s32 $0x40000000;
	[dreg:$0xa] =	wrdreg s0;
	s6 =	sadd.s32 s3, s23;
	(pc) =	sbr.rel .LBB2_1-.Ltmp0, $4  }
0x13: {  	v4 =	vor.u32 $0x4000, v2;
	v5 =	vor.u32 $0x4010, v2;
	v7 =	vor.u32 $0x4020, v2;
	s0 =	simm.s32 $0x0;
	s25 =	sadd.s32 s4, s24;
	[dreg:$0x6] =	wrdreg s6  }
0x14: {  	v8 =	vor.u32 $0x4030, v2;
	v9 =	vor.u32 $0x4040, v2;
	v10 =	vor.u32 $0x4050, v2;
	s5 =	sshll.u32 s5, $0x9;
	s6 =	sadd.s32 $0x200, s6;
	[dreg:$0x8] =	wrdreg s25  }
0x15: {  	v11 =	vor.u32 $0x4060, v2;
	v12 =	vor.u32 $0x4070, v2;
	v0 =	vmov s23;
	s26 =	sshll.u32 s13, $0x9;
	s29 =	sadd.s32 $0x200, s25;
	[dreg:$0x7] =	wrdreg s6  }
0x16: {  	v3 =	vmov s24;
	s23 =	simm.s32 $0x7A1400;
	v1 =	vmov s5;
	v6 =	vmov s26;
	s26 =	simm.s32 $0x18100;
	[dreg:$0x9] =	wrdreg s29  }
.LBB2_19:
0x17: {  	_ =	swait.ge [sflag:s11], $0x4000  }
0x18: {  	[sflag:s11] =	ssyncset.done $0x0  }
0x19: {  	[sflag:s11] =	ssyncadd.s32 $0xFFFFC000  }
0x1a: {  	_ =	swait.ge [sflag:s11], $0x4000  }
0x1b: {  	[sflag:s11] =	ssyncset.done $0x0  }
0x1c: {  	s1 =	simm.s32 $0x80;
	[sflag:s11] =	ssyncadd.s32 $0xFFFFC000  }
0x1d: {  	[hbm4b:s8+s1] =	stream.indirect.scatter [tilespmem:s26], [sflag:$0x2], $0x80, s28, s1, $0xb8;
	[tilespmem:$0x1C180] =	vst v63  }
0x1e: {  	_ =	swait.ge [sflag:s30], $0x4000  }
0x1f: {  	[sflag:s30] =	ssyncset.done $0x0  }
0x20: {  	[sflag:s30] =	ssyncadd.s32 $0xFFFFC000  }
0x21: {  	[tilespmem:$0x1C100] =	vst v4  }
0x22: {  	s0 =	sadd.s32 $0x1, s0;
	s29 =	rddreg [dreg:$0xa];
	[tilespmem:$0x1C110] =	vst v5  }
0x23: {  	p0 =	sne.s32 s0, s29;
	[tilespmem:$0x1C120] =	vst v7  }
.Ltmp1:
0x24: {  	[tilespmem:$0x1C130] =	vst v8;
	(pc) =	sbr.rel @!p0 .LBB2_20-.Ltmp1, $4  }
0x25: {  	[tilespmem:$0x1C140] =	vst v9  }
0x26: {  	[tilespmem:$0x1C150] =	vst v10  }
0x27: {  	[tilespmem:$0x1C160] =	vst v11  }
0x28: {  	[tilespmem:$0x1C170] =	vst v12  }
.LBB2_1:
0x29: {  	s1 =	rddreg [dreg:$0x0];
	s5 =	simm.s32 $0x0  }
0x2a: {  	[tilespmem:s5], [sflag:$0x3] =	stream.linear.gather [hbm4b:s1+s5], $0x4000, $0x38;
	[tilespmem:$0x1C180] =	vst v63  }
0x2b: {  	_ =	swait.ge [sflag:s21], $0x4000  }
0x2c: {  	[sflag:s21] =	ssyncset.done $0x0  }
0x2d: {  	[sflag:s21] =	ssyncadd.s32 $0xFFFFC000  }
0x2e: {  	[tilespmem:$0x1C100] =	vst v4  }
0x2f: {  	[tilespmem:$0x1C110] =	vst v5  }
0x30: {  	[tilespmem:$0x1C120] =	vst v7  }
0x31: {  	[tilespmem:$0x1C130] =	vst v8  }
0x32: {  	[tilespmem:$0x1C140] =	vst v9  }
0x33: {  	[tilespmem:$0x1C150] =	vst v10  }
0x34: {  	[tilespmem:$0x1C160] =	vst v11  }
0x35: {  	s1 =	simm.s32 $0x40;
	[tilespmem:$0x1C170] =	vst v12  }
0x36: {  	v15 =	vld [tilespmem:s1+$0xFFFFFFC0];
	_ =	sdelay $0x4  }
0x37: {  	vm0 =	vge.s32 v15, v0;
	vm1 =	vlt.s32 v15, v1  }
0x38: {  	s2 =	simm.s32 $0x0;
	vm0 =	vmand vm0, vm1  }
0x39: {  	v16 =	vor.u32 s2, v2;
	[tilespmem:s5+$0x4000] =	vst.msk vm0, v15;
	v15 =	vsel vm0, $0x1, v13  }
0x3a: {  	[tilespmem:s5+$0x8080] =	vst.msk vm0, v16;
	(xrf0) =	vadd.scan.msk.s32 $0xffff, v15  }
0x3b: {  	v15 =	vld [tilespmem:s1+$0xFFFFFFD0];
	_ =	sdelay $0x4  }
0x3c: {  	vm0 =	vge.s32 v15, v0;
	vm1 =	vlt.s32 v15, v1;
	v16, _, _ =	vpop (xrf0)  }
0x3d: {  	vm0 =	vmand vm0, vm1;
	(v2sf) =	vpush v16, $0xF  }
0x3e: {  	v16 =	vsel vm0, $0x1, v13  }
0x3f: {  	(xrf0) =	vadd.scan.msk.s32 $0xffff, v16;
	_ =	sdelay $0x5  }
0x40: {  	v16, _, _ =	vpop (xrf0)  }
0x41: {  	(v2sf) =	vpush v16, $0xF;
	_ =	sdelay $0x5  }
0x42: {  	s19 =	spop (v2sf)  }
0x43: {  	s20 =	simm.s32 $0x10;
	s2 =	sadd.s32 $0x0, s19  }
0x44: {  	v16 =	vor.u32 s20, v2;
	[tilespmem:s2+$0x4000] =	vst.msk vm0, v15  }
0x45: {  	[tilespmem:s2+$0x8080] =	vst.msk vm0, v16  }
0x46: {  	v15 =	vld [tilespmem:s1+$0xFFFFFFE0];
	_ =	sdelay $0x4  }
0x47: {  	vm0 =	vge.s32 v15, v0;
	vm1 =	vlt.s32 v15, v1;
	s24 =	spop (v2sf)  }
0x48: {  	s25 =	simm.s32 $0x20;
	s2 =	sadd.s32 s2, s24;
	vm0 =	vmand vm0, vm1  }
0x49: {  	v16 =	vor.u32 s25, v2;
	[tilespmem:s2+$0x4000] =	vst.msk vm0, v15;
	v15 =	vsel vm0, $0x1, v13  }
0x4a: {  	[tilespmem:s2+$0x8080] =	vst.msk vm0, v16;
	(xrf0) =	vadd.scan.msk.s32 $0xffff, v15  }
0x4b: {  	v15 =	vld [tilespmem:s1+$0xFFFFFFF0];
	_ =	sdelay $0x4  }
0x4c: {  	vm0 =	vge.s32 v15, v0;
	vm1 =	vlt.s32 v15, v1;
	v16, _, _ =	vpop (xrf0)  }
0x4d: {  	vm0 =	vmand vm0, vm1;
	(v2sf) =	vpush v16, $0xF  }
0x4e: {  	v16 =	vsel vm0, $0x1, v13  }
0x4f: {  	(xrf0) =	vadd.scan.msk.s32 $0xffff, v16;
	_ =	sdelay $0x5  }
0x50: {  	v16, _, _ =	vpop (xrf0)  }
0x51: {  	(v2sf) =	vpush v16, $0xF;
	_ =	sdelay $0x5  }
0x52: {  	s29 =	spop (v2sf)  }
0x53: {  	s6 =	simm.s32 $0x30;
	s2 =	sadd.s32 s2, s29  }
0x54: {  	v16 =	vor.u32 s6, v2;
	[tilespmem:s2+$0x4000] =	vst.msk vm0, v15  }
0x55: {  	[tilespmem:s2+$0x8080] =	vst.msk vm0, v16  }
0x56: {  	v15 =	vld [tilespmem:s1+$0x0];
	_ =	sdelay $0x4  }
0x57: {  	vm0 =	vge.s32 v15, v0;
	vm1 =	vlt.s32 v15, v1;
	s12 =	spop (v2sf)  }
0x58: {  	s13 =	simm.s32 $0x40;
	s2 =	sadd.s32 s2, s12;
	vm0 =	vmand vm0, vm1  }
0x59: {  	v16 =	vor.u32 s13, v2;
	[tilespmem:s2+$0x4000] =	vst.msk vm0, v15;
	v15 =	vsel vm0, $0x1, v13  }
0x5a: {  	[tilespmem:s2+$0x8080] =	vst.msk vm0, v16;
	(xrf0) =	vadd.scan.msk.s32 $0xffff, v15  }
0x5b: {  	v15 =	vld [tilespmem:s1+$0x10];
	_ =	sdelay $0x4  }
0x5c: {  	vm0 =	vge.s32 v15, v0;
	vm1 =	vlt.s32 v15, v1;
	v16, _, _ =	vpop (xrf0)  }
0x5d: {  	vm0 =	vmand vm0, vm1;
	(v2sf) =	vpush v16, $0xF  }
0x5e: {  	v16 =	vsel vm0, $0x1, v13  }
0x5f: {  	(xrf0) =	vadd.scan.msk.s32 $0xffff, v16;
	_ =	sdelay $0x5  }
0x60: {  	v16, _, _ =	vpop (xrf0)  }
0x61: {  	(v2sf) =	vpush v16, $0xF;
	_ =	sdelay $0x5  }
0x62: {  	s17 =	spop (v2sf)  }
0x63: {  	s19 =	simm.s32 $0x50;
	s2 =	sadd.s32 s2, s17  }
0x64: {  	v16 =	vor.u32 s19, v2;
	[tilespmem:s2+$0x4000] =	vst.msk vm0, v15  }
0x65: {  	[tilespmem:s2+$0x8080] =	vst.msk vm0, v16  }
0x66: {  	v15 =	vld [tilespmem:s1+$0x20];
	_ =	sdelay $0x4  }
0x67: {  	vm0 =	vge.s32 v15, v0;
	vm1 =	vlt.s32 v15, v1;
	s20 =	spop (v2sf)  }
0x68: {  	s24 =	simm.s32 $0x60;
	s2 =	sadd.s32 s2, s20;
	vm0 =	vmand vm0, vm1  }
0x69: {  	v16 =	vor.u32 s24, v2;
	[tilespmem:s2+$0x4000] =	vst.msk vm0, v15;
	v15 =	vsel vm0, $0x1, v13  }
0x6a: {  	[tilespmem:s2+$0x8080] =	vst.msk vm0, v16;
	(xrf0) =	vadd.scan.msk.s32 $0xffff, v15  }
0x6b: {  	v15 =	vld [tilespmem:s1+$0x30];
	_ =	sdelay $0x4  }
0x6c: {  	vm0 =	vge.s32 v15, v0;
	vm1 =	vlt.s32 v15, v1;
	v16, _, _ =	vpop (xrf0)  }
0x6d: {  	vm0 =	vmand vm0, vm1;
	(v2sf) =	vpush v16, $0xF  }
0x6e: {  	v16 =	vsel vm0, $0x1, v13  }
0x6f: {  	(xrf0) =	vadd.scan.msk.s32 $0xffff, v16;
	_ =	sdelay $0x5  }
0x70: {  	v16, _, _ =	vpop (xrf0)  }
0x71: {  	(v2sf) =	vpush v16, $0xF;
	_ =	sdelay $0x5  }
0x72: {  	s25 =	spop (v2sf)  }
0x73: {  	s29 =	simm.s32 $0x70;
	s19 =	sadd.s32 s2, s25  }
0x74: {  	v16 =	vor.u32 s29, v2;
	[tilespmem:s19+$0x4000] =	vst.msk vm0, v15  }
0x75: {  	s1 =	simm.s32 $0xC0;
	[tilespmem:s19+$0x8080] =	vst.msk vm0, v16  }
0x76: {  	v15 =	vld [tilespmem:s1+$0xFFFFFFC0];
	_ =	sdelay $0x4  }
0x77: {  	s5 =	simm.s32 $0xF0;
	s24 =	simm.s32 $0x170;
	vm0 =	vge.s32 v15, v0;
	vm1 =	vlt.s32 v15, v1;
	s13 =	spop (v2sf)  }
.LBB2_2:
0x78: {  	s25 =	sadd.s32 $0xFFFFFF90, s5  }
0x79: {  	vm0 =	vmand vm0, vm1;
	s19 =	sadd.s32 s19, s13;
	s13 =	smov.u32 s24;
	s2 =	sadd.s32 $0x80, s24  }
0x7a: {  	p0 =	sne.s32 s24, $0x3FF0;
	v16 =	vor.u32 s25, v2;
	[tilespmem:s19+$0x4000] =	vst.msk vm0, v15;
	v15 =	vsel vm0, $0x1, v13  }
0x7b: {  	[tilespmem:s19+$0x8080] =	vst.msk vm0, v16;
	(xrf0) =	vadd.scan.msk.s32 $0xffff, v15  }
0x7c: {  	v15 =	vld [tilespmem:s1+$0xFFFFFFD0];
	_ =	sdelay $0x4  }
0x7d: {  	vm0 =	vge.s32 v15, v0;
	vm1 =	vlt.s32 v15, v1;
	v16, _, _ =	vpop (xrf0)  }
0x7e: {  	vm0 =	vmand vm0, vm1;
	(v2sf) =	vpush v16, $0xF  }
0x7f: {  	v16 =	vsel vm0, $0x1, v13  }
0x80: {  	(xrf0) =	vadd.scan.msk.s32 $0xffff, v16;
	_ =	sdelay $0x5  }
0x81: {  	v16, _, _ =	vpop (xrf0)  }
0x82: {  	(v2sf) =	vpush v16, $0xF;
	_ =	sdelay $0x5  }
0x83: {  	s24 =	spop (v2sf)  }
0x84: {  	s19 =	sadd.s32 s19, s24;
	s24 =	sadd.s32 $0xFFFFFFA0, s5  }
0x85: {  	v16 =	vor.u32 s24, v2;
	[tilespmem:s19+$0x4000] =	vst.msk vm0, v15  }
0x86: {  	[tilespmem:s19+$0x8080] =	vst.msk vm0, v16  }
0x87: {  	v15 =	vld [tilespmem:s1+$0xFFFFFFE0];
	_ =	sdelay $0x4  }
0x88: {  	vm0 =	vge.s32 v15, v0;
	vm1 =	vlt.s32 v15, v1;
	s24 =	spop (v2sf)  }
0x89: {  	s19 =	sadd.s32 s19, s24;
	s24 =	sadd.s32 $0xFFFFFFB0, s5;
	vm0 =	vmand vm0, vm1  }
0x8a: {  	v16 =	vor.u32 s24, v2;
	[tilespmem:s19+$0x4000] =	vst.msk vm0, v15;
	v15 =	vsel vm0, $0x1, v13  }
0x8b: {  	[tilespmem:s19+$0x8080] =	vst.msk vm0, v16;
	(xrf0) =	vadd.scan.msk.s32 $0xffff, v15  }
0x8c: {  	v15 =	vld [tilespmem:s1+$0xFFFFFFF0];
	_ =	sdelay $0x4  }
0x8d: {  	vm0 =	vge.s32 v15, v0;
	vm1 =	vlt.s32 v15, v1;
	v16, _, _ =	vpop (xrf0)  }
0x8e: {  	vm0 =	vmand vm0, vm1;
	(v2sf) =	vpush v16, $0xF  }
0x8f: {  	v16 =	vsel vm0, $0x1, v13  }
0x90: {  	(xrf0) =	vadd.scan.msk.s32 $0xffff, v16;
	_ =	sdelay $0x5  }
0x91: {  	v16, _, _ =	vpop (xrf0)  }
0x92: {  	(v2sf) =	vpush v16, $0xF;
	_ =	sdelay $0x5  }
0x93: {  	s24 =	spop (v2sf)  }
0x94: {  	s19 =	sadd.s32 s19, s24;
	s24 =	sadd.s32 $0xFFFFFFC0, s5  }
0x95: {  	v16 =	vor.u32 s24, v2;
	[tilespmem:s19+$0x4000] =	vst.msk vm0, v15  }
0x96: {  	[tilespmem:s19+$0x8080] =	vst.msk vm0, v16  }
0x97: {  	v15 =	vld [tilespmem:s1+$0x0];
	_ =	sdelay $0x4  }
0x98: {  	vm0 =	vge.s32 v15, v0;
	vm1 =	vlt.s32 v15, v1;
	s24 =	spop (v2sf)  }
0x99: {  	s19 =	sadd.s32 s19, s24;
	s24 =	sadd.s32 $0xFFFFFFD0, s5;
	vm0 =	vmand vm0, vm1  }
0x9a: {  	v16 =	vor.u32 s24, v2;
	[tilespmem:s19+$0x4000] =	vst.msk vm0, v15;
	v15 =	vsel vm0, $0x1, v13  }
0x9b: {  	[tilespmem:s19+$0x8080] =	vst.msk vm0, v16;
	(xrf0) =	vadd.scan.msk.s32 $0xffff, v15  }
0x9c: {  	v15 =	vld [tilespmem:s1+$0x10];
	_ =	sdelay $0x4  }
0x9d: {  	vm0 =	vge.s32 v15, v0;
	vm1 =	vlt.s32 v15, v1;
	v16, _, _ =	vpop (xrf0)  }
0x9e: {  	vm0 =	vmand vm0, vm1;
	(v2sf) =	vpush v16, $0xF  }
0x9f: {  	v16 =	vsel vm0, $0x1, v13  }
0xa0: {  	(xrf0) =	vadd.scan.msk.s32 $0xffff, v16;
	_ =	sdelay $0x5  }
0xa1: {  	v16, _, _ =	vpop (xrf0)  }
0xa2: {  	(v2sf) =	vpush v16, $0xF;
	_ =	sdelay $0x5  }
0xa3: {  	s24 =	spop (v2sf)  }
0xa4: {  	s19 =	sadd.s32 s19, s24;
	s24 =	sadd.s32 $0xFFFFFFE0, s5  }
0xa5: {  	v16 =	vor.u32 s24, v2;
	[tilespmem:s19+$0x4000] =	vst.msk vm0, v15  }
0xa6: {  	[tilespmem:s19+$0x8080] =	vst.msk vm0, v16  }
0xa7: {  	v15 =	vld [tilespmem:s1+$0x20];
	_ =	sdelay $0x4  }
0xa8: {  	vm0 =	vge.s32 v15, v0;
	vm1 =	vlt.s32 v15, v1;
	s24 =	spop (v2sf)  }
0xa9: {  	s19 =	sadd.s32 s19, s24;
	s24 =	sadd.s32 $0xFFFFFFF0, s5;
	vm0 =	vmand vm0, vm1  }
0xaa: {  	v16 =	vor.u32 s24, v2;
	[tilespmem:s19+$0x4000] =	vst.msk vm0, v15;
	v15 =	vsel vm0, $0x1, v13  }
0xab: {  	[tilespmem:s19+$0x8080] =	vst.msk vm0, v16;
	(xrf0) =	vadd.scan.msk.s32 $0xffff, v15  }
0xac: {  	v15 =	vld [tilespmem:s1+$0x30];
	_ =	sdelay $0x4  }
0xad: {  	vm0 =	vge.s32 v15, v0;
	vm1 =	vlt.s32 v15, v1;
	v16, _, _ =	vpop (xrf0)  }
0xae: {  	vm0 =	vmand vm0, vm1;
	(v2sf) =	vpush v16, $0xF  }
0xaf: {  	v16 =	vsel vm0, $0x1, v13  }
0xb0: {  	(xrf0) =	vadd.scan.msk.s32 $0xffff, v16;
	_ =	sdelay $0x5  }
0xb1: {  	v16, _, _ =	vpop (xrf0)  }
0xb2: {  	(v2sf) =	vpush v16, $0xF;
	_ =	sdelay $0x5  }
0xb3: {  	s24 =	spop (v2sf)  }
0xb4: {  	s19 =	sadd.s32 s19, s24  }
0xb5: {  	v16 =	vor.u32 s5, v2;
	s5 =	smov.u32 s13;
	[tilespmem:s19+$0x4000] =	vst.msk vm0, v15  }
0xb6: {  	s1 =	sadd.s32 $0x80, s1;
	[tilespmem:s19+$0x8080] =	vst.msk vm0, v16  }
0xb7: {  	v15 =	vld [tilespmem:s1+$0xFFFFFFC0]  }
.Ltmp2:
0xb8: {  	(pc) =	sbr.rel @p0 .LBB2_2-.Ltmp2, $2  }
0xb9: {  	_ =	sdelay $0x2  }
0xba: {  	s24 =	smov.u32 s2;
	vm0 =	vge.s32 v15, v0;
	vm1 =	vlt.s32 v15, v1;
	s13 =	spop (v2sf)  }
0xbb: {  	s2 =	sadd.s32 $0xFFFFFF90, s5;
	vm0 =	vmand vm0, vm1;
	s13 =	sadd.s32 s19, s13  }
0xbc: {  	v16 =	vor.u32 s2, v2;
	[tilespmem:s13+$0x4000] =	vst.msk vm0, v15;
	v15 =	vsel vm0, $0x1, v13  }
0xbd: {  	[tilespmem:s13+$0x8080] =	vst.msk vm0, v16;
	(xrf0) =	vadd.scan.msk.s32 $0xffff, v15  }
0xbe: {  	v15 =	vld [tilespmem:s1+$0xFFFFFFD0];
	_ =	sdelay $0x4  }
0xbf: {  	vm14 =	vge.s32 v15, v0;
	vm15 =	vlt.s32 v15, v1;
	v47, _, _ =	vpop (xrf0)  }
0xc0: {  	vm0 =	vmand vm14, vm15;
	(v2sf) =	vpush v47, $0xF  }
0xc1: {  	v48 =	vsel vm0, $0x1, v13  }
0xc2: {  	(xrf0) =	vadd.scan.msk.s32 $0xffff, v48;
	_ =	sdelay $0x5  }
0xc3: {  	v16, _, _ =	vpop (xrf0)  }
0xc4: {  	(v2sf) =	vpush v16, $0xF;
	_ =	sdelay $0x5  }
0xc5: {  	s6 =	spop (v2sf)  }
0xc6: {  	s12 =	sadd.s32 $0xFFFFFFA0, s5;
	s2 =	sadd.s32 s13, s6  }
0xc7: {  	v49 =	vor.u32 s12, v2;
	[tilespmem:s2+$0x4000] =	vst.msk vm0, v15  }
0xc8: {  	[tilespmem:s2+$0x8080] =	vst.msk vm0, v49  }
0xc9: {  	v15 =	vld [tilespmem:s1+$0xFFFFFFE0];
	_ =	sdelay $0x4  }
0xca: {  	vm4 =	vge.s32 v15, v0;
	vm5 =	vlt.s32 v15, v1;
	s17 =	spop (v2sf)  }
0xcb: {  	s19 =	sadd.s32 $0xFFFFFFB0, s5;
	s2 =	sadd.s32 s2, s17;
	vm0 =	vmand vm4, vm5  }
0xcc: {  	v50 =	vor.u32 s19, v2;
	[tilespmem:s2+$0x4000] =	vst.msk vm0, v15;
	v15 =	vsel vm0, $0x1, v13  }
0xcd: {  	[tilespmem:s2+$0x8080] =	vst.msk vm0, v50;
	(xrf0) =	vadd.scan.msk.s32 $0xffff, v15  }
0xce: {  	v15 =	vld [tilespmem:s1+$0xFFFFFFF0];
	_ =	sdelay $0x4  }
0xcf: {  	vm6 =	vge.s32 v15, v0;
	vm7 =	vlt.s32 v15, v1;
	v51, _, _ =	vpop (xrf0)  }
0xd0: {  	vm0 =	vmand vm6, vm7;
	(v2sf) =	vpush v51, $0xF  }
0xd1: {  	v52 =	vsel vm0, $0x1, v13  }
0xd2: {  	(xrf0) =	vadd.scan.msk.s32 $0xffff, v52;
	_ =	sdelay $0x5  }
0xd3: {  	v16, _, _ =	vpop (xrf0)  }
0xd4: {  	(v2sf) =	vpush v16, $0xF;
	_ =	sdelay $0x5  }
0xd5: {  	s20 =	spop (v2sf)  }
0xd6: {  	s24 =	sadd.s32 $0xFFFFFFC0, s5;
	s2 =	sadd.s32 s2, s20  }
0xd7: {  	v53 =	vor.u32 s24, v2;
	[tilespmem:s2+$0x4000] =	vst.msk vm0, v15  }
0xd8: {  	[tilespmem:s2+$0x8080] =	vst.msk vm0, v53  }
0xd9: {  	v15 =	vld [tilespmem:s1+$0x0];
	_ =	sdelay $0x4  }
0xda: {  	vm8 =	vge.s32 v15, v0;
	vm9 =	vlt.s32 v15, v1;
	s25 =	spop (v2sf)  }
0xdb: {  	s6 =	sadd.s32 $0xFFFFFFD0, s5;
	s2 =	sadd.s32 s2, s25;
	vm0 =	vmand vm8, vm9  }
0xdc: {  	v54 =	vor.u32 s6, v2;
	[tilespmem:s2+$0x4000] =	vst.msk vm0, v15;
	v15 =	vsel vm0, $0x1, v13  }
0xdd: {  	[tilespmem:s2+$0x8080] =	vst.msk vm0, v54;
	(xrf0) =	vadd.scan.msk.s32 $0xffff, v15  }
0xde: {  	v15 =	vld [tilespmem:s1+$0x10];
	_ =	sdelay $0x4  }
0xdf: {  	vm10 =	vge.s32 v15, v0;
	vm11 =	vlt.s32 v15, v1;
	v55, _, _ =	vpop (xrf0)  }
0xe0: {  	vm0 =	vmand vm10, vm11;
	(v2sf) =	vpush v55, $0xF  }
0xe1: {  	v56 =	vsel vm0, $0x1, v13  }
0xe2: {  	(xrf0) =	vadd.scan.msk.s32 $0xffff, v56;
	_ =	sdelay $0x5  }
0xe3: {  	v16, _, _ =	vpop (xrf0)  }
0xe4: {  	(v2sf) =	vpush v16, $0xF;
	_ =	sdelay $0x5  }
0xe5: {  	s12 =	spop (v2sf)  }
0xe6: {  	s17 =	sadd.s32 $0xFFFFFFE0, s5;
	s2 =	sadd.s32 s2, s12  }
0xe7: {  	v57 =	vor.u32 s17, v2;
	[tilespmem:s2+$0x4000] =	vst.msk vm0, v15  }
0xe8: {  	[tilespmem:s2+$0x8080] =	vst.msk vm0, v57  }
0xe9: {  	v15 =	vld [tilespmem:s1+$0x20];
	_ =	sdelay $0x4  }
0xea: {  	vm12 =	vge.s32 v15, v0;
	vm13 =	vlt.s32 v15, v1;
	s19 =	spop (v2sf)  }
0xeb: {  	s20 =	sadd.s32 $0xFFFFFFF0, s5;
	s2 =	sadd.s32 s2, s19;
	vm0 =	vmand vm12, vm13  }
0xec: {  	v58 =	vor.u32 s20, v2;
	[tilespmem:s2+$0x4000] =	vst.msk vm0, v15  }
0xed: {  	[tilespmem:s2+$0x8080] =	vst.msk vm0, v58  }
0xee: {  	v15 =	vld [tilespmem:s1+$0x30];
	_ =	sdelay $0x4  }
0xef: {  	vm14 =	vge.s32 v15, v0;
	vm2 =	vlt.s32 v15, v1  }
0xf0: {  	v59 =	vsel vm0, $0x1, v13;
	vm15 =	vmand vm14, vm2  }
0xf1: {  	(xrf0) =	vadd.scan.msk.s32 $0xffff, v59;
	v60 =	vsel vm15, $0x1, v13  }
0xf2: {  	(xrf0) =	vadd.scan.msk.s32 $0xffff, v60;
	_ =	sdelay $0x4  }
0xf3: {  	v61, _, _ =	vpop (xrf0)  }
0xf4: {  	(v2sf) =	vpush v61, $0xF;
	v62, _, _ =	vpop (xrf0)  }
0xf5: {  	(v2sf) =	vpush v62, $0xF;
	_ =	sdelay $0xd  }
0xf6: {  	s24 =	spop (v2sf)  }
0xf7: {  	s1 =	sadd.s32 s2, s24;
	s25 =	spop (v2sf)  }
0xf8: {  	s2 =	sadd.s32 s1, s25  }
0xf9: {  	s20 =	rddreg [dreg:$0x6];
	s6 =	sadd.s32 $0xF, s2  }
0xfa: {  	v63 =	vor.u32 s5, v2;
	s24 =	rddreg [dreg:$0x7];
	[tilespmem:s1+$0x4000] =	vst.msk vm15, v15;
	s12 =	sand.u32 $0xF, s6;
	s17 =	sshra.s32 s6, $0x1F  }
0xfb: {  	[tilespmem:s1+$0x8080] =	vst.msk vm15, v63;
	p0 =	slt.s32 s6, $0x1;
	p1 =	sne.s32 s12, $0x0;
	s19 =	sshrl.u32 s17, $0x1C  }
0xfc: {  	[tilespmem:s2+$0x4000] =	vst v14;
	p0 =	por !p0, !p1;
	s1 =	sadd.s32 s19, s6;
	s6 =	simm.s32 $0xC100  }
0xfd: {  	[tilespmem:s6], [sflag:$0x1] =	stream.strided.gather [hbm4b:s20+s22], $0x4000, s23, s22, $0x38;
	[tilespmem:$0x1C180] =	vst v63  }
.Ltmp3:
0xfe: {  	s2 =	simm.s32 $0x1;
	p0 =	por !p0, !p0;
	(pc) =	sbr.rel .LBB2_4-.Ltmp3, $4  }
0xff: {  	s25 =	simm.s32 $0x10100;
	s1 =	sshra.s32 s1, $0x4;
	s2 =	simm.s32 @!p0 $0x0  }
0x100: {  	[tilespmem:s25], [sflag:$0x1] =	stream.strided.gather [hbm4b:s24+s22], $0x4000, s23, s22, $0x38;
	[tilespmem:$0x1C180] =	vst v63  }
0x101: {  	s29 =	ssub.s32 s1, s2  }
0x102: {  	s5 =	simm.s32 $0x0;
	s2 =	simm.s32 $0x0;
	p0 =	slt.s32 s29, $0x1  }
.LBB2_9:
0x103: {  	s5 =	sadd.s32 $0x1, s5  }
0x104: {  	p1 =	sne.s32 s5, s9  }
.Ltmp4:
0x105: {  	_ = 	snop;
	(pc) =	sbr.rel @!p1 .LBB2_10-.Ltmp4, $1  }
0x106: {  	_ =	sdelay $0x3  }
.LBB2_4:
0x107: {  	s1 =	sadd.s32 $0x2, s5  }
0x108: {  	s13 =	smulhi.u32 $0xAAAAAAAB, s1;
	_ =	sdelay $0x1  }
0x109: {  	s19 =	smov.u32 s14;
	p1 =	slt.s32 s1, s14;
	s13 =	sshrl.u32 s13, $0x1  }
0x10a: {  	s19 =	smov.u32 @p1 s1;
	s13 =	smul.u32 $0x3, s13  }
.Ltmp5:
0x10b: {  	s19 =	sadd.s32 s10, s19;
	(pc) =	sbr.rel @p0 .LBB2_9-.Ltmp5, $4  }
0x10c: {  	_ =	swait.ge [sflag:s11], $0x4000;
	s25 =	sshll.u32 s19, $0x9;
	s1 =	ssub.s32 s1, s13  }
0x10d: {  	[sflag:s11] =	ssyncset.done $0x0;
	s13 =	sand.u32 $0x1FFFFE00, s25;
	s1 =	sshll.u32 s1, $0xE  }
0x10e: {  	[sflag:s11] =	ssyncadd.s32 $0xFFFFC000;
	s13 =	sadd.s32 s3, s13;
	s1 =	sadd.s32 $0xC100, s1  }
0x10f: {  	[tilespmem:s1], [sflag:$0x1] =	stream.strided.gather [hbm4b:s13+s22], $0x4000, s23, s22, $0x38;
	[tilespmem:$0x1C180] =	vst v63  }
0x110: {  	s1 =	smulhi.u32 $0xAAAAAAAB, s5;
	_ =	sdelay $0x1  }
0x111: {  	s1 =	sshrl.u32 s1, $0x1  }
0x112: {  	s1 =	smul.u32 $0x3, s1  }
.Ltmp6:
0x113: {  	_ = 	snop;
	(pc) =	sbr.rel .LBB2_6-.Ltmp6, $4  }
0x114: {  	s13 =	sadd.s32 s10, s5  }
0x115: {  	s19 =	sshll.u32 s13, $0x9;
	s1 =	ssub.s32 s5, s1  }
0x116: {  	s25 =	simm.s32 $0x8080;
	s24 =	sadd.s32 $0x200, s19;
	s1 =	sshll.u32 s1, $0xE  }
0x117: {  	v15 =	vmov s19;
	v16 =	vmov s24;
	s24 =	simm.s32 $0x4000;
	s13 =	sadd.s32 $0xC100, s1;
	s1 =	smov.u32 s29  }
.LBB2_8:
0x118: {  	s1 =	sadd.s32 $0xFFFFFFFF, s1  }
0x119: {  	p1 =	sne.s32 s1, $0x0  }
.Ltmp7:
0x11a: {  	_ = 	snop;
	(pc) =	sbr.rel @!p1 .LBB2_9-.Ltmp7, $2  }
0x11b: {  	_ =	sdelay $0x2  }
0x11c: {  	s24 =	sadd.s32 $0x10, s24;
	s25 =	sadd.s32 $0x10, s25  }
.LBB2_6:
0x11d: {  	v18 =	vld [tilespmem:s24+$0x0];
	_ =	sdelay $0x4  }
0x11e: {  	vm0 =	vge.s32 v18, v15;
	vm1 =	vlt.s32 v18, v16  }
0x11f: {  	vm0 =	vmand vm0, vm1  }
0x120: {  	v17 =	vsel vm0, $0x1, v13  }
0x121: {  	(xrf0) =	vadd.scan.msk.s32 $0xffff, v17;
	_ =	sdelay $0x5  }
0x122: {  	v19, _, _ =	vpop (xrf0)  }
0x123: {  	(v2sf) =	vpush v19, $0xF;
	_ =	sdelay $0xe  }
0x124: {  	s19 =	spop (v2sf)  }
0x125: {  	p1 =	slt.s32 s19, $0x1  }
.Ltmp8:
0x126: {  	_ = 	snop;
	(pc) =	sbr.rel @p1 .LBB2_8-.Ltmp8, $2  }
0x127: {  	_ =	sdelay $0x2  }
0x128: {  	v17 =	vld [tilespmem:s25+$0x0]  }
0x129: {  	s20 =	sadd.s32 s2, s19  }
0x12a: {  	p1 =	slt.s32 s20, $0x81  }
0x12b: {  	s12 =	simm.s32 @!p1 $0x80;
	s17 =	simm.s32 @!p1 $0x1C100;
	s6 =	simm.s32 @!p1 $0x18100  }
0x12c: {  	[hbm4b:s7+s12] =	stream.indirect.scatter @!p1 [tilespmem:s6], [sflag:$0x2], $0x80, s17, s12, $0xb8;
	[tilespmem:$0x1C180] =	vst v63  }
0x12d: {  	s6 =	simm.s32 @!p1 $0x2  }
0x12e: {  	v18 =	vsub.s32 v18, v15;
	_ =	swait.ge @!p1 [sflag:s6], $0x4000  }
0x12f: {  	vm1 =	vgt.s32 v18, $0x0;
	v20 =	vlaneseq.u32 @!p1;
	[sflag:s6] =	ssyncset.done @!p1 $0x0  }
0x130: {  	v18 =	vnsel vm1, $0x0, v18;
	v21 =	vor.u32 @!p1 $0x4000, v20;
	[sflag:s6] =	ssyncadd.s32 @!p1 $0xFFFFC000  }
0x131: {  	v22 =	vmin.u32 v18, $0x1FF;
	v18 =	vor.u32 @!p1 $0x4020, v20;
	[tilespmem:$0x1C100] =	vst @!p1 v21  }
0x132: {  	p2 =	sgt.s32 s20, $0x80;
	v39 =	vshll.u32 v22, $0x3;
	v21 =	vor.u32 @!p1 $0x4010, v20;
	[tilespmem:$0x1C120] =	vst @!p1 v18  }
0x133: {  	s2 =	simm.s32 @p2 $0x0;
	v23 =	vand.u32 $0x7F, v22;
	v18 =	vor.u32 @!p1 $0x4030, v20;
	[tilespmem:$0x1C110] =	vst @!p1 v21;
	v21 =	vand.u32 $0xC00, v39  }
0x134: {  	v24 =	vor.u32 @!p1 $0x4040, v20;
	v25 =	vmov s2;
	[tilespmem:$0x1C130] =	vst @!p1 v18;
	v18 =	vor.u32 v23, v21  }
0x135: {  	v40 =	vadd.s32 $0xFFFFFFFF, v25;
	[tilespmem:$0x1C140] =	vst @!p1 v24;
	v23 =	vor.u32 @!p1 $0x4050, v20  }
0x136: {  	v24 =	vbroadcast v40, $0x0;
	[tilespmem:$0x1C150] =	vst @!p1 v23;
	v23 =	vor.u32 @!p1 $0x4060, v20  }
0x137: {  	v20 =	vor.u32 @!p1 $0x4070, v20;
	[tilespmem:$0x1C160] =	vst @!p1 v23  }
0x138: {  	v19 =	vadd.s32 v19, v24;
	[tilespmem:$0x1C170] =	vst @!p1 v20  }
0x139: {  	v23 =	vshll.u32 v19, $0x7;
	v20 =	vld.idx.msk [tilespmem:v18+s13+$0x0], $0xffff  }
0x13a: {  	v41 =	vor.u32 $0x80, v18;
	_ =	sdelay $0x3  }
0x13b: {  	[tilespmem:v23+s26+$0x0] =	vst.idx.msk vm0, v20  }
0x13c: {  	v42 =	vor.u32 $0x1, v23;
	v20 =	vld.idx.msk [tilespmem:v41+s13+$0x0], $0xffff  }
0x13d: {  	v43 =	vor.u32 $0x100, v18;
	_ =	sdelay $0x3  }
0x13e: {  	[tilespmem:v42+s26+$0x0] =	vst.idx.msk vm0, v20  }
0x13f: {  	v21 =	vor.u32 v22, v21;
	v44 =	vor.u32 $0x2, v23;
	v20 =	vld.idx.msk [tilespmem:v43+s13+$0x0], $0xffff  }
0x140: {  	v22 =	vor.u32 $0x180, v21;
	_ =	sdelay $0x3  }
0x141: {  	[tilespmem:v44+s26+$0x0] =	vst.idx.msk vm0, v20  }
0x142: {  	v45 =	vor.u32 $0x3, v23;
	v20 =	vld.idx.msk [tilespmem:v22+s13+$0x0], $0xffff  }
0x143: {  	v46 =	vor.u32 $0x200, v18;
	_ =	sdelay $0x3  }
0x144: {  	[tilespmem:v45+s26+$0x0] =	vst.idx.msk vm0, v20  }
0x145: {  	v47 =	vor.u32 $0x4, v23;
	v20 =	vld.idx.msk [tilespmem:v46+s13+$0x0], $0xffff  }
0x146: {  	v48 =	vor.u32 $0x280, v18;
	_ =	sdelay $0x3  }
0x147: {  	[tilespmem:v47+s26+$0x0] =	vst.idx.msk vm0, v20  }
0x148: {  	v49 =	vor.u32 $0x5, v23;
	v20 =	vld.idx.msk [tilespmem:v48+s13+$0x0], $0xffff  }
0x149: {  	v50 =	vor.u32 $0x300, v18;
	_ =	sdelay $0x3  }
0x14a: {  	[tilespmem:v49+s26+$0x0] =	vst.idx.msk vm0, v20  }
0x14b: {  	v51 =	vor.u32 $0x6, v23;
	v20 =	vld.idx.msk [tilespmem:v50+s13+$0x0], $0xffff  }
0x14c: {  	v52 =	vor.u32 $0x380, v21;
	_ =	sdelay $0x3  }
0x14d: {  	[tilespmem:v51+s26+$0x0] =	vst.idx.msk vm0, v20  }
0x14e: {  	v53 =	vor.u32 $0x7, v23;
	v20 =	vld.idx.msk [tilespmem:v52+s13+$0x0], $0xffff  }
0x14f: {  	v54 =	vor.u32 $0x1000, v18;
	_ =	sdelay $0x3  }
0x150: {  	[tilespmem:v53+s26+$0x0] =	vst.idx.msk vm0, v20  }
0x151: {  	v55 =	vor.u32 $0x8, v23;
	v20 =	vld.idx.msk [tilespmem:v54+s13+$0x0], $0xffff  }
0x152: {  	v56 =	vor.u32 $0x1080, v18;
	_ =	sdelay $0x3  }
0x153: {  	[tilespmem:v55+s26+$0x0] =	vst.idx.msk vm0, v20  }
0x154: {  	v57 =	vor.u32 $0x9, v23;
	v20 =	vld.idx.msk [tilespmem:v56+s13+$0x0], $0xffff  }
0x155: {  	v58 =	vor.u32 $0x1100, v18;
	_ =	sdelay $0x3  }
0x156: {  	[tilespmem:v57+s26+$0x0] =	vst.idx.msk vm0, v20  }
0x157: {  	v59 =	vor.u32 $0xA, v23;
	v20 =	vld.idx.msk [tilespmem:v58+s13+$0x0], $0xffff  }
0x158: {  	v60 =	vor.u32 $0x1180, v21;
	_ =	sdelay $0x3  }
0x159: {  	[tilespmem:v59+s26+$0x0] =	vst.idx.msk vm0, v20  }
0x15a: {  	v61 =	vor.u32 $0xB, v23;
	v20 =	vld.idx.msk [tilespmem:v60+s13+$0x0], $0xffff  }
0x15b: {  	v62 =	vor.u32 $0x1200, v18;
	_ =	sdelay $0x3  }
0x15c: {  	[tilespmem:v61+s26+$0x0] =	vst.idx.msk vm0, v20  }
0x15d: {  	v63 =	vor.u32 $0xC, v23;
	v20 =	vld.idx.msk [tilespmem:v62+s13+$0x0], $0xffff  }
0x15e: {  	v28 =	vor.u32 $0x1280, v18;
	_ =	sdelay $0x3  }
0x15f: {  	[tilespmem:v63+s26+$0x0] =	vst.idx.msk vm0, v20  }
0x160: {  	v29 =	vor.u32 $0xD, v23;
	v20 =	vld.idx.msk [tilespmem:v28+s13+$0x0], $0xffff  }
0x161: {  	v30 =	vor.u32 $0x1300, v18;
	_ =	sdelay $0x3  }
0x162: {  	[tilespmem:v29+s26+$0x0] =	vst.idx.msk vm0, v20  }
0x163: {  	v31 =	vor.u32 $0xE, v23;
	v20 =	vld.idx.msk [tilespmem:v30+s13+$0x0], $0xffff  }
0x164: {  	v32 =	vor.u32 $0x1380, v21;
	_ =	sdelay $0x3  }
0x165: {  	[tilespmem:v31+s26+$0x0] =	vst.idx.msk vm0, v20  }
0x166: {  	v33 =	vor.u32 $0xF, v23;
	v20 =	vld.idx.msk [tilespmem:v32+s13+$0x0], $0xffff  }
0x167: {  	v34 =	vor.u32 $0x2000, v18;
	_ =	sdelay $0x3  }
0x168: {  	[tilespmem:v33+s26+$0x0] =	vst.idx.msk vm0, v20  }
0x169: {  	v35 =	vor.u32 $0x10, v23;
	v20 =	vld.idx.msk [tilespmem:v34+s13+$0x0], $0xffff  }
0x16a: {  	v36 =	vor.u32 $0x2080, v18;
	_ =	sdelay $0x3  }
0x16b: {  	[tilespmem:v35+s26+$0x0] =	vst.idx.msk vm0, v20  }
0x16c: {  	v37 =	vor.u32 $0x11, v23;
	v20 =	vld.idx.msk [tilespmem:v36+s13+$0x0], $0xffff  }
0x16d: {  	v38 =	vor.u32 $0x2100, v18;
	_ =	sdelay $0x3  }
0x16e: {  	[tilespmem:v37+s26+$0x0] =	vst.idx.msk vm0, v20  }
0x16f: {  	v39 =	vor.u32 $0x12, v23;
	v20 =	vld.idx.msk [tilespmem:v38+s13+$0x0], $0xffff  }
0x170: {  	v40 =	vor.u32 $0x2180, v21;
	_ =	sdelay $0x3  }
0x171: {  	[tilespmem:v39+s26+$0x0] =	vst.idx.msk vm0, v20  }
0x172: {  	v41 =	vor.u32 $0x13, v23;
	v20 =	vld.idx.msk [tilespmem:v40+s13+$0x0], $0xffff  }
0x173: {  	v42 =	vor.u32 $0x2200, v18;
	_ =	sdelay $0x3  }
0x174: {  	[tilespmem:v41+s26+$0x0] =	vst.idx.msk vm0, v20  }
0x175: {  	v43 =	vor.u32 $0x14, v23;
	v20 =	vld.idx.msk [tilespmem:v42+s13+$0x0], $0xffff  }
0x176: {  	v44 =	vor.u32 $0x2280, v18;
	_ =	sdelay $0x3  }
0x177: {  	[tilespmem:v43+s26+$0x0] =	vst.idx.msk vm0, v20  }
0x178: {  	v45 =	vor.u32 $0x15, v23;
	v20 =	vld.idx.msk [tilespmem:v44+s13+$0x0], $0xffff  }
0x179: {  	v46 =	vor.u32 $0x2300, v18;
	_ =	sdelay $0x3  }
0x17a: {  	[tilespmem:v45+s26+$0x0] =	vst.idx.msk vm0, v20  }
0x17b: {  	v47 =	vor.u32 $0x16, v23;
	v20 =	vld.idx.msk [tilespmem:v46+s13+$0x0], $0xffff  }
0x17c: {  	v48 =	vor.u32 $0x2380, v21;
	_ =	sdelay $0x3  }
0x17d: {  	[tilespmem:v47+s26+$0x0] =	vst.idx.msk vm0, v20  }
0x17e: {  	v49 =	vor.u32 $0x17, v23;
	v20 =	vld.idx.msk [tilespmem:v48+s13+$0x0], $0xffff  }
0x17f: {  	v50 =	vor.u32 $0x3000, v18;
	_ =	sdelay $0x3  }
0x180: {  	[tilespmem:v49+s26+$0x0] =	vst.idx.msk vm0, v20  }
0x181: {  	v51 =	vor.u32 $0x18, v23;
	v20 =	vld.idx.msk [tilespmem:v50+s13+$0x0], $0xffff  }
0x182: {  	v52 =	vor.u32 $0x3080, v18;
	_ =	sdelay $0x3  }
0x183: {  	[tilespmem:v51+s26+$0x0] =	vst.idx.msk vm0, v20  }
0x184: {  	v53 =	vor.u32 $0x19, v23;
	v20 =	vld.idx.msk [tilespmem:v52+s13+$0x0], $0xffff  }
0x185: {  	v54 =	vor.u32 $0x3100, v18;
	_ =	sdelay $0x3  }
0x186: {  	[tilespmem:v53+s26+$0x0] =	vst.idx.msk vm0, v20  }
0x187: {  	v55 =	vor.u32 $0x1A, v23;
	v20 =	vld.idx.msk [tilespmem:v54+s13+$0x0], $0xffff  }
0x188: {  	v56 =	vor.u32 $0x3180, v21;
	_ =	sdelay $0x3  }
0x189: {  	[tilespmem:v55+s26+$0x0] =	vst.idx.msk vm0, v20  }
0x18a: {  	v57 =	vor.u32 $0x1B, v23;
	v20 =	vld.idx.msk [tilespmem:v56+s13+$0x0], $0xffff  }
0x18b: {  	v58 =	vor.u32 $0x3200, v18;
	_ =	sdelay $0x3  }
0x18c: {  	[tilespmem:v57+s26+$0x0] =	vst.idx.msk vm0, v20  }
0x18d: {  	v59 =	vor.u32 $0x1C, v23;
	v20 =	vld.idx.msk [tilespmem:v58+s13+$0x0], $0xffff  }
0x18e: {  	v60 =	vor.u32 $0x3280, v18;
	_ =	sdelay $0x3  }
0x18f: {  	[tilespmem:v59+s26+$0x0] =	vst.idx.msk vm0, v20  }
0x190: {  	v61 =	vor.u32 $0x1D, v23;
	v20 =	vld.idx.msk [tilespmem:v60+s13+$0x0], $0xffff  }
0x191: {  	v18 =	vor.u32 $0x3300, v18;
	_ =	sdelay $0x3  }
0x192: {  	[tilespmem:v61+s26+$0x0] =	vst.idx.msk vm0, v20  }
0x193: {  	v62 =	vor.u32 $0x1E, v23;
	v18 =	vld.idx.msk [tilespmem:v18+s13+$0x0], $0xffff  }
0x194: {  	v21 =	vor.u32 $0x3380, v21;
	_ =	sdelay $0x3  }
0x195: {  	[tilespmem:v62+s26+$0x0] =	vst.idx.msk vm0, v18  }
0x196: {  	v63 =	vor.u32 $0x1F, v23;
	v18 =	vld.idx.msk [tilespmem:v21+s13+$0x0], $0xffff;
	_ =	sdelay $0x1  }
.Ltmp9:
0x197: {  	_ = 	snop;
	(pc) =	sbr.rel .LBB2_8-.Ltmp9, $3  }
0x198: {  	_ =	sdelay $0x1  }
0x199: {  	[tilespmem:v63+s26+$0x0] =	vst.idx.msk vm0, v18  }
0x19a: {  	s2 =	sadd.s32 s19, s2;
	[tilespmem:v19+s28+$0x0] =	vst.idx.msk vm0, v17  }
.LBB2_10:
0x19b: {  	_ =	swait.ge [sflag:s11], $0x4000  }
0x19c: {  	[sflag:s11] =	ssyncset.done $0x0  }
0x19d: {  	[sflag:s11] =	ssyncadd.s32 $0xFFFFC000  }
0x19e: {  	_ =	swait.ge [sflag:s11], $0x4000  }
0x19f: {  	[sflag:s11] =	ssyncset.done $0x0  }
0x1a0: {  	s1 =	simm.s32 $0x80;
	[sflag:s11] =	ssyncadd.s32 $0xFFFFC000  }
0x1a1: {  	[hbm4b:s7+s1] =	stream.indirect.scatter [tilespmem:s26], [sflag:$0x2], $0x80, s28, s1, $0xb8;
	[tilespmem:$0x1C180] =	vst v63  }
0x1a2: {  	_ =	swait.ge [sflag:s30], $0x4000  }
0x1a3: {  	[sflag:s30] =	ssyncset.done $0x0  }
0x1a4: {  	[sflag:s30] =	ssyncadd.s32 $0xFFFFC000  }
0x1a5: {  	[tilespmem:$0x1C100] =	vst v4  }
0x1a6: {  	[tilespmem:$0x1C110] =	vst v5  }
0x1a7: {  	[tilespmem:$0x1C120] =	vst v7  }
0x1a8: {  	[tilespmem:$0x1C130] =	vst v8  }
0x1a9: {  	[tilespmem:$0x1C140] =	vst v9  }
0x1aa: {  	[tilespmem:$0x1C150] =	vst v10  }
0x1ab: {  	[tilespmem:$0x1C160] =	vst v11  }
0x1ac: {  	s2 =	simm.s32 $0x0;
	[tilespmem:$0x1C170] =	vst v12;
	s17 =	rddreg [dreg:$0x1]  }
0x1ad: {  	[tilespmem:s2], [sflag:$0x3] =	stream.linear.gather [hbm4b:s17+s2], $0x4000, $0x38;
	[tilespmem:$0x1C180] =	vst v63  }
0x1ae: {  	_ =	swait.ge [sflag:s21], $0x4000  }
0x1af: {  	[sflag:s21] =	ssyncset.done $0x0  }
0x1b0: {  	[sflag:s21] =	ssyncadd.s32 $0xFFFFC000  }
0x1b1: {  	[tilespmem:$0x1C100] =	vst v4  }
0x1b2: {  	[tilespmem:$0x1C110] =	vst v5  }
0x1b3: {  	[tilespmem:$0x1C120] =	vst v7  }
0x1b4: {  	[tilespmem:$0x1C130] =	vst v8  }
0x1b5: {  	[tilespmem:$0x1C140] =	vst v9  }
0x1b6: {  	[tilespmem:$0x1C150] =	vst v10  }
0x1b7: {  	[tilespmem:$0x1C160] =	vst v11  }
0x1b8: {  	s1 =	simm.s32 $0x40;
	[tilespmem:$0x1C170] =	vst v12  }
0x1b9: {  	v15 =	vld [tilespmem:s1+$0xFFFFFFC0];
	_ =	sdelay $0x4  }
0x1ba: {  	vm0 =	vge.s32 v15, v3;
	vm1 =	vlt.s32 v15, v6  }
0x1bb: {  	s5 =	simm.s32 $0x0;
	vm0 =	vmand vm0, vm1  }
0x1bc: {  	v16 =	vor.u32 s5, v2;
	[tilespmem:s2+$0x4000] =	vst.msk vm0, v15;
	v15 =	vsel vm0, $0x1, v13  }
0x1bd: {  	[tilespmem:s2+$0x8080] =	vst.msk vm0, v16;
	(xrf0) =	vadd.scan.msk.s32 $0xffff, v15  }
0x1be: {  	v15 =	vld [tilespmem:s1+$0xFFFFFFD0];
	_ =	sdelay $0x4  }
0x1bf: {  	vm0 =	vge.s32 v15, v3;
	vm1 =	vlt.s32 v15, v6;
	v16, _, _ =	vpop (xrf0)  }
0x1c0: {  	vm0 =	vmand vm0, vm1;
	(v2sf) =	vpush v16, $0xF  }
0x1c1: {  	v16 =	vsel vm0, $0x1, v13  }
0x1c2: {  	(xrf0) =	vadd.scan.msk.s32 $0xffff, v16;
	_ =	sdelay $0x5  }
0x1c3: {  	v16, _, _ =	vpop (xrf0)  }
0x1c4: {  	(v2sf) =	vpush v16, $0xF;
	_ =	sdelay $0x5  }
0x1c5: {  	s19 =	spop (v2sf)  }
0x1c6: {  	s20 =	simm.s32 $0x10;
	s2 =	sadd.s32 $0x0, s19  }
0x1c7: {  	v16 =	vor.u32 s20, v2;
	[tilespmem:s2+$0x4000] =	vst.msk vm0, v15  }
0x1c8: {  	[tilespmem:s2+$0x8080] =	vst.msk vm0, v16  }
0x1c9: {  	v15 =	vld [tilespmem:s1+$0xFFFFFFE0];
	_ =	sdelay $0x4  }
0x1ca: {  	vm0 =	vge.s32 v15, v3;
	vm1 =	vlt.s32 v15, v6;
	s24 =	spop (v2sf)  }
0x1cb: {  	s25 =	simm.s32 $0x20;
	s2 =	sadd.s32 s2, s24;
	vm0 =	vmand vm0, vm1  }
0x1cc: {  	v16 =	vor.u32 s25, v2;
	[tilespmem:s2+$0x4000] =	vst.msk vm0, v15;
	v15 =	vsel vm0, $0x1, v13  }
0x1cd: {  	[tilespmem:s2+$0x8080] =	vst.msk vm0, v16;
	(xrf0) =	vadd.scan.msk.s32 $0xffff, v15  }
0x1ce: {  	v15 =	vld [tilespmem:s1+$0xFFFFFFF0];
	_ =	sdelay $0x4  }
0x1cf: {  	vm0 =	vge.s32 v15, v3;
	vm1 =	vlt.s32 v15, v6;
	v16, _, _ =	vpop (xrf0)  }
0x1d0: {  	vm0 =	vmand vm0, vm1;
	(v2sf) =	vpush v16, $0xF  }
0x1d1: {  	v16 =	vsel vm0, $0x1, v13  }
0x1d2: {  	(xrf0) =	vadd.scan.msk.s32 $0xffff, v16;
	_ =	sdelay $0x5  }
0x1d3: {  	v16, _, _ =	vpop (xrf0)  }
0x1d4: {  	(v2sf) =	vpush v16, $0xF;
	_ =	sdelay $0x5  }
0x1d5: {  	s29 =	spop (v2sf)  }
0x1d6: {  	s6 =	simm.s32 $0x30;
	s2 =	sadd.s32 s2, s29  }
0x1d7: {  	v16 =	vor.u32 s6, v2;
	[tilespmem:s2+$0x4000] =	vst.msk vm0, v15  }
0x1d8: {  	[tilespmem:s2+$0x8080] =	vst.msk vm0, v16  }
0x1d9: {  	v15 =	vld [tilespmem:s1+$0x0];
	_ =	sdelay $0x4  }
0x1da: {  	vm0 =	vge.s32 v15, v3;
	vm1 =	vlt.s32 v15, v6;
	s12 =	spop (v2sf)  }
0x1db: {  	s13 =	simm.s32 $0x40;
	s2 =	sadd.s32 s2, s12;
	vm0 =	vmand vm0, vm1  }
0x1dc: {  	v16 =	vor.u32 s13, v2;
	[tilespmem:s2+$0x4000] =	vst.msk vm0, v15;
	v15 =	vsel vm0, $0x1, v13  }
0x1dd: {  	[tilespmem:s2+$0x8080] =	vst.msk vm0, v16;
	(xrf0) =	vadd.scan.msk.s32 $0xffff, v15  }
0x1de: {  	v15 =	vld [tilespmem:s1+$0x10];
	_ =	sdelay $0x4  }
0x1df: {  	vm0 =	vge.s32 v15, v3;
	vm1 =	vlt.s32 v15, v6;
	v16, _, _ =	vpop (xrf0)  }
0x1e0: {  	vm0 =	vmand vm0, vm1;
	(v2sf) =	vpush v16, $0xF  }
0x1e1: {  	v16 =	vsel vm0, $0x1, v13  }
0x1e2: {  	(xrf0) =	vadd.scan.msk.s32 $0xffff, v16;
	_ =	sdelay $0x5  }
0x1e3: {  	v16, _, _ =	vpop (xrf0)  }
0x1e4: {  	(v2sf) =	vpush v16, $0xF;
	_ =	sdelay $0x5  }
0x1e5: {  	s17 =	spop (v2sf)  }
0x1e6: {  	s19 =	simm.s32 $0x50;
	s2 =	sadd.s32 s2, s17  }
0x1e7: {  	v16 =	vor.u32 s19, v2;
	[tilespmem:s2+$0x4000] =	vst.msk vm0, v15  }
0x1e8: {  	[tilespmem:s2+$0x8080] =	vst.msk vm0, v16  }
0x1e9: {  	v15 =	vld [tilespmem:s1+$0x20];
	_ =	sdelay $0x4  }
0x1ea: {  	vm0 =	vge.s32 v15, v3;
	vm1 =	vlt.s32 v15, v6;
	s20 =	spop (v2sf)  }
0x1eb: {  	s24 =	simm.s32 $0x60;
	s2 =	sadd.s32 s2, s20;
	vm0 =	vmand vm0, vm1  }
0x1ec: {  	v16 =	vor.u32 s24, v2;
	[tilespmem:s2+$0x4000] =	vst.msk vm0, v15;
	v15 =	vsel vm0, $0x1, v13  }
0x1ed: {  	[tilespmem:s2+$0x8080] =	vst.msk vm0, v16;
	(xrf0) =	vadd.scan.msk.s32 $0xffff, v15  }
0x1ee: {  	v15 =	vld [tilespmem:s1+$0x30];
	_ =	sdelay $0x4  }
0x1ef: {  	vm0 =	vge.s32 v15, v3;
	vm1 =	vlt.s32 v15, v6;
	v16, _, _ =	vpop (xrf0)  }
0x1f0: {  	vm0 =	vmand vm0, vm1;
	(v2sf) =	vpush v16, $0xF  }
0x1f1: {  	v16 =	vsel vm0, $0x1, v13  }
0x1f2: {  	(xrf0) =	vadd.scan.msk.s32 $0xffff, v16;
	_ =	sdelay $0x5  }
0x1f3: {  	v16, _, _ =	vpop (xrf0)  }
0x1f4: {  	(v2sf) =	vpush v16, $0xF;
	_ =	sdelay $0x5  }
0x1f5: {  	s25 =	spop (v2sf)  }
0x1f6: {  	s29 =	simm.s32 $0x70;
	s19 =	sadd.s32 s2, s25  }
0x1f7: {  	v16 =	vor.u32 s29, v2;
	[tilespmem:s19+$0x4000] =	vst.msk vm0, v15  }
0x1f8: {  	s1 =	simm.s32 $0xC0;
	[tilespmem:s19+$0x8080] =	vst.msk vm0, v16  }
0x1f9: {  	v15 =	vld [tilespmem:s1+$0xFFFFFFC0];
	_ =	sdelay $0x4  }
0x1fa: {  	s5 =	simm.s32 $0xF0;
	s24 =	simm.s32 $0x170;
	vm0 =	vge.s32 v15, v3;
	vm1 =	vlt.s32 v15, v6;
	s13 =	spop (v2sf)  }
.LBB2_11:
0x1fb: {  	s6 =	sadd.s32 $0xFFFFFF90, s5  }
0x1fc: {  	vm0 =	vmand vm0, vm1;
	s12 =	sadd.s32 s19, s13;
	s13 =	smov.u32 s24;
	s2 =	sadd.s32 $0x80, s24  }
0x1fd: {  	p0 =	sne.s32 s24, $0x3FF0;
	v16 =	vor.u32 s6, v2;
	[tilespmem:s12+$0x4000] =	vst.msk vm0, v15;
	v15 =	vsel vm0, $0x1, v13  }
0x1fe: {  	[tilespmem:s12+$0x8080] =	vst.msk vm0, v16;
	(xrf0) =	vadd.scan.msk.s32 $0xffff, v15  }
0x1ff: {  	v15 =	vld [tilespmem:s1+$0xFFFFFFD0];
	_ =	sdelay $0x4  }
0x200: {  	vm0 =	vge.s32 v15, v3;
	vm1 =	vlt.s32 v15, v6;
	v16, _, _ =	vpop (xrf0)  }
0x201: {  	vm0 =	vmand vm0, vm1;
	(v2sf) =	vpush v16, $0xF  }
0x202: {  	v16 =	vsel vm0, $0x1, v13  }
0x203: {  	(xrf0) =	vadd.scan.msk.s32 $0xffff, v16;
	_ =	sdelay $0x5  }
0x204: {  	v16, _, _ =	vpop (xrf0)  }
0x205: {  	(v2sf) =	vpush v16, $0xF;
	_ =	sdelay $0x5  }
0x206: {  	s6 =	spop (v2sf)  }
0x207: {  	s6 =	sadd.s32 s12, s6;
	s12 =	sadd.s32 $0xFFFFFFA0, s5  }
0x208: {  	v16 =	vor.u32 s12, v2;
	[tilespmem:s6+$0x4000] =	vst.msk vm0, v15  }
0x209: {  	[tilespmem:s6+$0x8080] =	vst.msk vm0, v16  }
0x20a: {  	v15 =	vld [tilespmem:s1+$0xFFFFFFE0];
	_ =	sdelay $0x4  }
0x20b: {  	vm0 =	vge.s32 v15, v3;
	vm1 =	vlt.s32 v15, v6;
	s12 =	spop (v2sf)  }
0x20c: {  	s6 =	sadd.s32 s6, s12;
	s12 =	sadd.s32 $0xFFFFFFB0, s5;
	vm0 =	vmand vm0, vm1  }
0x20d: {  	v16 =	vor.u32 s12, v2;
	[tilespmem:s6+$0x4000] =	vst.msk vm0, v15;
	v15 =	vsel vm0, $0x1, v13  }
0x20e: {  	[tilespmem:s6+$0x8080] =	vst.msk vm0, v16;
	(xrf0) =	vadd.scan.msk.s32 $0xffff, v15  }
0x20f: {  	v15 =	vld [tilespmem:s1+$0xFFFFFFF0];
	_ =	sdelay $0x4  }
0x210: {  	vm0 =	vge.s32 v15, v3;
	vm1 =	vlt.s32 v15, v6;
	v16, _, _ =	vpop (xrf0)  }
0x211: {  	vm0 =	vmand vm0, vm1;
	(v2sf) =	vpush v16, $0xF  }
0x212: {  	v16 =	vsel vm0, $0x1, v13  }
0x213: {  	(xrf0) =	vadd.scan.msk.s32 $0xffff, v16;
	_ =	sdelay $0x5  }
0x214: {  	v16, _, _ =	vpop (xrf0)  }
0x215: {  	(v2sf) =	vpush v16, $0xF;
	_ =	sdelay $0x5  }
0x216: {  	s12 =	spop (v2sf)  }
0x217: {  	s6 =	sadd.s32 s6, s12;
	s12 =	sadd.s32 $0xFFFFFFC0, s5  }
0x218: {  	v16 =	vor.u32 s12, v2;
	[tilespmem:s6+$0x4000] =	vst.msk vm0, v15  }
0x219: {  	[tilespmem:s6+$0x8080] =	vst.msk vm0, v16  }
0x21a: {  	v15 =	vld [tilespmem:s1+$0x0];
	_ =	sdelay $0x4  }
0x21b: {  	vm0 =	vge.s32 v15, v3;
	vm1 =	vlt.s32 v15, v6;
	s12 =	spop (v2sf)  }
0x21c: {  	s6 =	sadd.s32 s6, s12;
	s12 =	sadd.s32 $0xFFFFFFD0, s5;
	vm0 =	vmand vm0, vm1  }
0x21d: {  	v16 =	vor.u32 s12, v2;
	[tilespmem:s6+$0x4000] =	vst.msk vm0, v15;
	v15 =	vsel vm0, $0x1, v13  }
0x21e: {  	[tilespmem:s6+$0x8080] =	vst.msk vm0, v16;
	(xrf0) =	vadd.scan.msk.s32 $0xffff, v15  }
0x21f: {  	v15 =	vld [tilespmem:s1+$0x10];
	_ =	sdelay $0x4  }
0x220: {  	vm0 =	vge.s32 v15, v3;
	vm1 =	vlt.s32 v15, v6;
	v16, _, _ =	vpop (xrf0)  }
0x221: {  	vm0 =	vmand vm0, vm1;
	(v2sf) =	vpush v16, $0xF  }
0x222: {  	v16 =	vsel vm0, $0x1, v13  }
0x223: {  	(xrf0) =	vadd.scan.msk.s32 $0xffff, v16;
	_ =	sdelay $0x5  }
0x224: {  	v16, _, _ =	vpop (xrf0)  }
0x225: {  	(v2sf) =	vpush v16, $0xF;
	_ =	sdelay $0x5  }
0x226: {  	s12 =	spop (v2sf)  }
0x227: {  	s6 =	sadd.s32 s6, s12;
	s12 =	sadd.s32 $0xFFFFFFE0, s5  }
0x228: {  	v16 =	vor.u32 s12, v2;
	[tilespmem:s6+$0x4000] =	vst.msk vm0, v15  }
0x229: {  	[tilespmem:s6+$0x8080] =	vst.msk vm0, v16  }
0x22a: {  	v15 =	vld [tilespmem:s1+$0x20];
	_ =	sdelay $0x4  }
0x22b: {  	vm0 =	vge.s32 v15, v3;
	vm1 =	vlt.s32 v15, v6;
	s12 =	spop (v2sf)  }
0x22c: {  	s6 =	sadd.s32 s6, s12;
	s12 =	sadd.s32 $0xFFFFFFF0, s5;
	vm0 =	vmand vm0, vm1  }
0x22d: {  	v16 =	vor.u32 s12, v2;
	[tilespmem:s6+$0x4000] =	vst.msk vm0, v15;
	v15 =	vsel vm0, $0x1, v13  }
0x22e: {  	[tilespmem:s6+$0x8080] =	vst.msk vm0, v16;
	(xrf0) =	vadd.scan.msk.s32 $0xffff, v15  }
0x22f: {  	v15 =	vld [tilespmem:s1+$0x30];
	_ =	sdelay $0x4  }
0x230: {  	vm0 =	vge.s32 v15, v3;
	vm1 =	vlt.s32 v15, v6;
	v16, _, _ =	vpop (xrf0)  }
0x231: {  	vm0 =	vmand vm0, vm1;
	(v2sf) =	vpush v16, $0xF  }
0x232: {  	v16 =	vsel vm0, $0x1, v13  }
0x233: {  	(xrf0) =	vadd.scan.msk.s32 $0xffff, v16;
	_ =	sdelay $0x5  }
0x234: {  	v16, _, _ =	vpop (xrf0)  }
0x235: {  	(v2sf) =	vpush v16, $0xF;
	_ =	sdelay $0x5  }
0x236: {  	s12 =	spop (v2sf)  }
0x237: {  	s19 =	sadd.s32 s6, s12  }
0x238: {  	v16 =	vor.u32 s5, v2;
	s5 =	smov.u32 s13;
	[tilespmem:s19+$0x4000] =	vst.msk vm0, v15  }
0x239: {  	s1 =	sadd.s32 $0x80, s1;
	[tilespmem:s19+$0x8080] =	vst.msk vm0, v16  }
0x23a: {  	v15 =	vld [tilespmem:s1+$0xFFFFFFC0]  }
.Ltmp10:
0x23b: {  	(pc) =	sbr.rel @p0 .LBB2_11-.Ltmp10, $2  }
0x23c: {  	_ =	sdelay $0x2  }
0x23d: {  	s24 =	smov.u32 s2;
	vm0 =	vge.s32 v15, v3;
	vm1 =	vlt.s32 v15, v6;
	s13 =	spop (v2sf)  }
0x23e: {  	s2 =	sadd.s32 $0xFFFFFF90, s5;
	vm0 =	vmand vm0, vm1;
	s6 =	sadd.s32 s19, s13  }
0x23f: {  	v16 =	vor.u32 s2, v2;
	[tilespmem:s6+$0x4000] =	vst.msk vm0, v15;
	v15 =	vsel vm0, $0x1, v13  }
0x240: {  	[tilespmem:s6+$0x8080] =	vst.msk vm0, v16;
	(xrf0) =	vadd.scan.msk.s32 $0xffff, v15  }
0x241: {  	v15 =	vld [tilespmem:s1+$0xFFFFFFD0];
	_ =	sdelay $0x4  }
0x242: {  	vm14 =	vge.s32 v15, v3;
	vm15 =	vlt.s32 v15, v6;
	v47, _, _ =	vpop (xrf0)  }
0x243: {  	vm0 =	vmand vm14, vm15;
	(v2sf) =	vpush v47, $0xF  }
0x244: {  	v48 =	vsel vm0, $0x1, v13  }
0x245: {  	(xrf0) =	vadd.scan.msk.s32 $0xffff, v48;
	_ =	sdelay $0x5  }
0x246: {  	v16, _, _ =	vpop (xrf0)  }
0x247: {  	(v2sf) =	vpush v16, $0xF;
	_ =	sdelay $0x5  }
0x248: {  	s20 =	spop (v2sf)  }
0x249: {  	s24 =	sadd.s32 $0xFFFFFFA0, s5;
	s2 =	sadd.s32 s6, s20  }
0x24a: {  	v49 =	vor.u32 s24, v2;
	[tilespmem:s2+$0x4000] =	vst.msk vm0, v15  }
0x24b: {  	[tilespmem:s2+$0x8080] =	vst.msk vm0, v49  }
0x24c: {  	v15 =	vld [tilespmem:s1+$0xFFFFFFE0];
	_ =	sdelay $0x4  }
0x24d: {  	vm4 =	vge.s32 v15, v3;
	vm5 =	vlt.s32 v15, v6;
	s25 =	spop (v2sf)  }
0x24e: {  	s29 =	sadd.s32 $0xFFFFFFB0, s5;
	s2 =	sadd.s32 s2, s25;
	vm0 =	vmand vm4, vm5  }
0x24f: {  	v50 =	vor.u32 s29, v2;
	[tilespmem:s2+$0x4000] =	vst.msk vm0, v15;
	v15 =	vsel vm0, $0x1, v13  }
0x250: {  	[tilespmem:s2+$0x8080] =	vst.msk vm0, v50;
	(xrf0) =	vadd.scan.msk.s32 $0xffff, v15  }
0x251: {  	v15 =	vld [tilespmem:s1+$0xFFFFFFF0];
	_ =	sdelay $0x4  }
0x252: {  	vm6 =	vge.s32 v15, v3;
	vm7 =	vlt.s32 v15, v6;
	v51, _, _ =	vpop (xrf0)  }
0x253: {  	vm0 =	vmand vm6, vm7;
	(v2sf) =	vpush v51, $0xF  }
0x254: {  	v52 =	vsel vm0, $0x1, v13  }
0x255: {  	(xrf0) =	vadd.scan.msk.s32 $0xffff, v52;
	_ =	sdelay $0x5  }
0x256: {  	v16, _, _ =	vpop (xrf0)  }
0x257: {  	(v2sf) =	vpush v16, $0xF;
	_ =	sdelay $0x5  }
0x258: {  	s12 =	spop (v2sf)  }
0x259: {  	s13 =	sadd.s32 $0xFFFFFFC0, s5;
	s2 =	sadd.s32 s2, s12  }
0x25a: {  	v53 =	vor.u32 s13, v2;
	[tilespmem:s2+$0x4000] =	vst.msk vm0, v15  }
0x25b: {  	[tilespmem:s2+$0x8080] =	vst.msk vm0, v53  }
0x25c: {  	v15 =	vld [tilespmem:s1+$0x0];
	_ =	sdelay $0x4  }
0x25d: {  	vm8 =	vge.s32 v15, v3;
	vm9 =	vlt.s32 v15, v6;
	s17 =	spop (v2sf)  }
0x25e: {  	s19 =	sadd.s32 $0xFFFFFFD0, s5;
	s2 =	sadd.s32 s2, s17;
	vm0 =	vmand vm8, vm9  }
0x25f: {  	v54 =	vor.u32 s19, v2;
	[tilespmem:s2+$0x4000] =	vst.msk vm0, v15;
	v15 =	vsel vm0, $0x1, v13  }
0x260: {  	[tilespmem:s2+$0x8080] =	vst.msk vm0, v54;
	(xrf0) =	vadd.scan.msk.s32 $0xffff, v15  }
0x261: {  	v15 =	vld [tilespmem:s1+$0x10];
	_ =	sdelay $0x4  }
0x262: {  	vm10 =	vge.s32 v15, v3;
	vm11 =	vlt.s32 v15, v6;
	v55, _, _ =	vpop (xrf0)  }
0x263: {  	vm0 =	vmand vm10, vm11;
	(v2sf) =	vpush v55, $0xF  }
0x264: {  	v56 =	vsel vm0, $0x1, v13  }
0x265: {  	(xrf0) =	vadd.scan.msk.s32 $0xffff, v56;
	_ =	sdelay $0x5  }
0x266: {  	v16, _, _ =	vpop (xrf0)  }
0x267: {  	(v2sf) =	vpush v16, $0xF;
	_ =	sdelay $0x5  }
0x268: {  	s20 =	spop (v2sf)  }
0x269: {  	s24 =	sadd.s32 $0xFFFFFFE0, s5;
	s2 =	sadd.s32 s2, s20  }
0x26a: {  	v57 =	vor.u32 s24, v2;
	[tilespmem:s2+$0x4000] =	vst.msk vm0, v15  }
0x26b: {  	[tilespmem:s2+$0x8080] =	vst.msk vm0, v57  }
0x26c: {  	v15 =	vld [tilespmem:s1+$0x20];
	_ =	sdelay $0x4  }
0x26d: {  	vm12 =	vge.s32 v15, v3;
	vm13 =	vlt.s32 v15, v6;
	s25 =	spop (v2sf)  }
0x26e: {  	s29 =	sadd.s32 $0xFFFFFFF0, s5;
	s2 =	sadd.s32 s2, s25;
	vm0 =	vmand vm12, vm13  }
0x26f: {  	v58 =	vor.u32 s29, v2;
	[tilespmem:s2+$0x4000] =	vst.msk vm0, v15  }
0x270: {  	[tilespmem:s2+$0x8080] =	vst.msk vm0, v58  }
0x271: {  	v15 =	vld [tilespmem:s1+$0x30];
	_ =	sdelay $0x4  }
0x272: {  	vm14 =	vge.s32 v15, v3;
	vm2 =	vlt.s32 v15, v6  }
0x273: {  	v59 =	vsel vm0, $0x1, v13;
	vm15 =	vmand vm14, vm2  }
0x274: {  	(xrf0) =	vadd.scan.msk.s32 $0xffff, v59;
	v60 =	vsel vm15, $0x1, v13  }
0x275: {  	(xrf0) =	vadd.scan.msk.s32 $0xffff, v60;
	_ =	sdelay $0x4  }
0x276: {  	v61, _, _ =	vpop (xrf0)  }
0x277: {  	(v2sf) =	vpush v61, $0xF;
	v62, _, _ =	vpop (xrf0)  }
0x278: {  	(v2sf) =	vpush v62, $0xF;
	_ =	sdelay $0xd  }
0x279: {  	s6 =	spop (v2sf)  }
0x27a: {  	s1 =	sadd.s32 s2, s6;
	s12 =	spop (v2sf)  }
0x27b: {  	v63 =	vor.u32 s5, v2;
	[tilespmem:s1+$0x4000] =	vst.msk vm15, v15;
	s2 =	sadd.s32 s1, s12  }
0x27c: {  	s24 =	simm.s32 $0xC100;
	s20 =	rddreg [dreg:$0x8];
	[tilespmem:s1+$0x8080] =	vst.msk vm15, v63;
	s13 =	sadd.s32 $0xF, s2  }
0x27d: {  	s29 =	simm.s32 $0x10100;
	s25 =	rddreg [dreg:$0x9];
	[tilespmem:s2+$0x4000] =	vst v14;
	s12 =	sand.u32 $0xF, s13  }
0x27e: {  	[tilespmem:s24], [sflag:$0x1] =	stream.strided.gather [hbm4b:s20+s22], $0x4000, s31, s22, $0x38;
	[tilespmem:$0x1C180] =	vst v63  }
0x27f: {  	s17 =	sshra.s32 s13, $0x1F;
	p0 =	slt.s32 s13, $0x1;
	p1 =	sne.s32 s12, $0x0  }
0x280: {  	[tilespmem:s29], [sflag:$0x1] =	stream.strided.gather [hbm4b:s25+s22], $0x4000, s31, s22, $0x38;
	[tilespmem:$0x1C180] =	vst v63  }
.Ltmp11:
0x281: {  	s19 =	sshrl.u32 s17, $0x1C;
	p0 =	por !p0, !p1;
	(pc) =	sbr.rel .LBB2_13-.Ltmp11, $4  }
0x282: {  	s2 =	simm.s32 $0x1;
	s1 =	sadd.s32 s19, s13;
	p0 =	por !p0, !p0  }
0x283: {  	s1 =	sshra.s32 s1, $0x4;
	s2 =	simm.s32 @!p0 $0x0  }
0x284: {  	s1 =	ssub.s32 s1, s2  }
0x285: {  	s5 =	simm.s32 $0x0;
	s2 =	simm.s32 $0x0;
	p0 =	slt.s32 s1, $0x1  }
.LBB2_18:
0x286: {  	s5 =	sadd.s32 $0x1, s5  }
0x287: {  	p1 =	sne.s32 s5, s15  }
.Ltmp12:
0x288: {  	_ = 	snop;
	(pc) =	sbr.rel @!p1 .LBB2_19-.Ltmp12, $1  }
0x289: {  	_ =	sdelay $0x3  }
.LBB2_13:
0x28a: {  	s6 =	sadd.s32 $0x2, s5  }
0x28b: {  	s12 =	smulhi.u32 $0xAAAAAAAB, s6;
	_ =	sdelay $0x1  }
0x28c: {  	s13 =	smov.u32 s18;
	p1 =	slt.s32 s6, s18;
	s12 =	sshrl.u32 s12, $0x1  }
0x28d: {  	s13 =	smov.u32 @p1 s6;
	s12 =	smul.u32 $0x3, s12  }
.Ltmp13:
0x28e: {  	s13 =	sadd.s32 s16, s13;
	(pc) =	sbr.rel @p0 .LBB2_18-.Ltmp13, $4  }
0x28f: {  	_ =	swait.ge [sflag:s11], $0x4000;
	s29 =	sshll.u32 s13, $0x9;
	s6 =	ssub.s32 s6, s12  }
0x290: {  	[sflag:s11] =	ssyncset.done $0x0;
	s12 =	sand.u32 $0x1FFFFE00, s29;
	s6 =	sshll.u32 s6, $0xE  }
0x291: {  	[sflag:s11] =	ssyncadd.s32 $0xFFFFC000;
	s12 =	sadd.s32 s4, s12;
	s6 =	sadd.s32 $0xC100, s6  }
0x292: {  	[tilespmem:s6], [sflag:$0x1] =	stream.strided.gather [hbm4b:s12+s22], $0x4000, s31, s22, $0x38;
	[tilespmem:$0x1C180] =	vst v63  }
0x293: {  	s6 =	smulhi.u32 $0xAAAAAAAB, s5;
	_ =	sdelay $0x1  }
0x294: {  	s6 =	sshrl.u32 s6, $0x1  }
0x295: {  	s6 =	smul.u32 $0x3, s6  }
.Ltmp14:
0x296: {  	_ = 	snop;
	(pc) =	sbr.rel .LBB2_15-.Ltmp14, $4  }
0x297: {  	s12 =	sadd.s32 s16, s5  }
0x298: {  	s12 =	sshll.u32 s12, $0x9;
	s6 =	ssub.s32 s5, s6  }
0x299: {  	s24 =	simm.s32 $0x4000;
	s17 =	sadd.s32 $0x200, s12;
	s6 =	sshll.u32 s6, $0xE  }
0x29a: {  	s25 =	simm.s32 $0x8080;
	s29 =	smov.u32 s1;
	v15 =	vmov s12;
	v16 =	vmov s17;
	s13 =	sadd.s32 $0xC100, s6  }
.LBB2_17:
0x29b: {  	s29 =	sadd.s32 $0xFFFFFFFF, s29  }
0x29c: {  	p1 =	sne.s32 s29, $0x0  }
.Ltmp15:
0x29d: {  	_ = 	snop;
	(pc) =	sbr.rel @!p1 .LBB2_18-.Ltmp15, $2  }
0x29e: {  	_ =	sdelay $0x2  }
0x29f: {  	s24 =	sadd.s32 $0x10, s24;
	s25 =	sadd.s32 $0x10, s25  }
.LBB2_15:
0x2a0: {  	v18 =	vld [tilespmem:s24+$0x0];
	_ =	sdelay $0x4  }
0x2a1: {  	vm0 =	vge.s32 v18, v15;
	vm1 =	vlt.s32 v18, v16  }
0x2a2: {  	vm0 =	vmand vm0, vm1  }
0x2a3: {  	v17 =	vsel vm0, $0x1, v13  }
0x2a4: {  	(xrf0) =	vadd.scan.msk.s32 $0xffff, v17;
	_ =	sdelay $0x5  }
0x2a5: {  	v19, _, _ =	vpop (xrf0)  }
0x2a6: {  	(v2sf) =	vpush v19, $0xF;
	_ =	sdelay $0xe  }
0x2a7: {  	s19 =	spop (v2sf)  }
0x2a8: {  	p1 =	slt.s32 s19, $0x1  }
.Ltmp16:
0x2a9: {  	_ = 	snop;
	(pc) =	sbr.rel @p1 .LBB2_17-.Ltmp16, $2  }
0x2aa: {  	_ =	sdelay $0x2  }
0x2ab: {  	v17 =	vld [tilespmem:s25+$0x0]  }
0x2ac: {  	s6 =	sadd.s32 s2, s19  }
0x2ad: {  	p1 =	slt.s32 s6, $0x81  }
0x2ae: {  	s12 =	simm.s32 @!p1 $0x80;
	s17 =	simm.s32 @!p1 $0x1C100;
	s20 =	simm.s32 @!p1 $0x18100  }
0x2af: {  	[hbm4b:s8+s12] =	stream.indirect.scatter @!p1 [tilespmem:s20], [sflag:$0x2], $0x80, s17, s12, $0xb8;
	[tilespmem:$0x1C180] =	vst v63  }
0x2b0: {  	s12 =	simm.s32 @!p1 $0x2  }
0x2b1: {  	v18 =	vsub.s32 v18, v15;
	_ =	swait.ge @!p1 [sflag:s12], $0x4000  }
0x2b2: {  	vm1 =	vgt.s32 v18, $0x0;
	v20 =	vlaneseq.u32 @!p1;
	[sflag:s12] =	ssyncset.done @!p1 $0x0  }
0x2b3: {  	v18 =	vnsel vm1, $0x0, v18;
	v21 =	vor.u32 @!p1 $0x4000, v20;
	[sflag:s12] =	ssyncadd.s32 @!p1 $0xFFFFC000  }
0x2b4: {  	v22 =	vmin.u32 v18, $0x1FF;
	v18 =	vor.u32 @!p1 $0x4020, v20;
	[tilespmem:$0x1C100] =	vst @!p1 v21  }
0x2b5: {  	p2 =	sgt.s32 s6, $0x80;
	v39 =	vshll.u32 v22, $0x3;
	v21 =	vor.u32 @!p1 $0x4010, v20;
	[tilespmem:$0x1C120] =	vst @!p1 v18  }
0x2b6: {  	s2 =	simm.s32 @p2 $0x0;
	v23 =	vand.u32 $0x7F, v22;
	v18 =	vor.u32 @!p1 $0x4030, v20;
	[tilespmem:$0x1C110] =	vst @!p1 v21;
	v21 =	vand.u32 $0xC00, v39  }
0x2b7: {  	v24 =	vor.u32 @!p1 $0x4040, v20;
	v25 =	vmov s2;
	[tilespmem:$0x1C130] =	vst @!p1 v18;
	v18 =	vor.u32 v23, v21  }
0x2b8: {  	v40 =	vadd.s32 $0xFFFFFFFF, v25;
	[tilespmem:$0x1C140] =	vst @!p1 v24;
	v23 =	vor.u32 @!p1 $0x4050, v20  }
0x2b9: {  	v24 =	vbroadcast v40, $0x0;
	[tilespmem:$0x1C150] =	vst @!p1 v23;
	v23 =	vor.u32 @!p1 $0x4060, v20  }
0x2ba: {  	v20 =	vor.u32 @!p1 $0x4070, v20;
	[tilespmem:$0x1C160] =	vst @!p1 v23  }
0x2bb: {  	v19 =	vadd.s32 v19, v24;
	[tilespmem:$0x1C170] =	vst @!p1 v20  }
0x2bc: {  	v23 =	vshll.u32 v19, $0x7;
	v20 =	vld.idx.msk [tilespmem:v18+s13+$0x0], $0xffff  }
0x2bd: {  	v41 =	vor.u32 $0x80, v18;
	_ =	sdelay $0x3  }
0x2be: {  	[tilespmem:v23+s26+$0x0] =	vst.idx.msk vm0, v20  }
0x2bf: {  	v42 =	vor.u32 $0x1, v23;
	v20 =	vld.idx.msk [tilespmem:v41+s13+$0x0], $0xffff  }
0x2c0: {  	v43 =	vor.u32 $0x100, v18;
	_ =	sdelay $0x3  }
0x2c1: {  	[tilespmem:v42+s26+$0x0] =	vst.idx.msk vm0, v20  }
0x2c2: {  	v21 =	vor.u32 v22, v21;
	v44 =	vor.u32 $0x2, v23;
	v20 =	vld.idx.msk [tilespmem:v43+s13+$0x0], $0xffff  }
0x2c3: {  	v22 =	vor.u32 $0x180, v21;
	_ =	sdelay $0x3  }
0x2c4: {  	[tilespmem:v44+s26+$0x0] =	vst.idx.msk vm0, v20  }
0x2c5: {  	v45 =	vor.u32 $0x3, v23;
	v20 =	vld.idx.msk [tilespmem:v22+s13+$0x0], $0xffff  }
0x2c6: {  	v46 =	vor.u32 $0x200, v18;
	_ =	sdelay $0x3  }
0x2c7: {  	[tilespmem:v45+s26+$0x0] =	vst.idx.msk vm0, v20  }
0x2c8: {  	v47 =	vor.u32 $0x4, v23;
	v20 =	vld.idx.msk [tilespmem:v46+s13+$0x0], $0xffff  }
0x2c9: {  	v48 =	vor.u32 $0x280, v18;
	_ =	sdelay $0x3  }
0x2ca: {  	[tilespmem:v47+s26+$0x0] =	vst.idx.msk vm0, v20  }
0x2cb: {  	v49 =	vor.u32 $0x5, v23;
	v20 =	vld.idx.msk [tilespmem:v48+s13+$0x0], $0xffff  }
0x2cc: {  	v50 =	vor.u32 $0x300, v18;
	_ =	sdelay $0x3  }
0x2cd: {  	[tilespmem:v49+s26+$0x0] =	vst.idx.msk vm0, v20  }
0x2ce: {  	v51 =	vor.u32 $0x6, v23;
	v20 =	vld.idx.msk [tilespmem:v50+s13+$0x0], $0xffff  }
0x2cf: {  	v52 =	vor.u32 $0x380, v21;
	_ =	sdelay $0x3  }
0x2d0: {  	[tilespmem:v51+s26+$0x0] =	vst.idx.msk vm0, v20  }
0x2d1: {  	v53 =	vor.u32 $0x7, v23;
	v20 =	vld.idx.msk [tilespmem:v52+s13+$0x0], $0xffff  }
0x2d2: {  	v54 =	vor.u32 $0x1000, v18;
	_ =	sdelay $0x3  }
0x2d3: {  	[tilespmem:v53+s26+$0x0] =	vst.idx.msk vm0, v20  }
0x2d4: {  	v55 =	vor.u32 $0x8, v23;
	v20 =	vld.idx.msk [tilespmem:v54+s13+$0x0], $0xffff  }
0x2d5: {  	v56 =	vor.u32 $0x1080, v18;
	_ =	sdelay $0x3  }
0x2d6: {  	[tilespmem:v55+s26+$0x0] =	vst.idx.msk vm0, v20  }
0x2d7: {  	v57 =	vor.u32 $0x9, v23;
	v20 =	vld.idx.msk [tilespmem:v56+s13+$0x0], $0xffff  }
0x2d8: {  	v58 =	vor.u32 $0x1100, v18;
	_ =	sdelay $0x3  }
0x2d9: {  	[tilespmem:v57+s26+$0x0] =	vst.idx.msk vm0, v20  }
0x2da: {  	v59 =	vor.u32 $0xA, v23;
	v20 =	vld.idx.msk [tilespmem:v58+s13+$0x0], $0xffff  }
0x2db: {  	v60 =	vor.u32 $0x1180, v21;
	_ =	sdelay $0x3  }
0x2dc: {  	[tilespmem:v59+s26+$0x0] =	vst.idx.msk vm0, v20  }
0x2dd: {  	v61 =	vor.u32 $0xB, v23;
	v20 =	vld.idx.msk [tilespmem:v60+s13+$0x0], $0xffff  }
0x2de: {  	v62 =	vor.u32 $0x1200, v18;
	_ =	sdelay $0x3  }
0x2df: {  	[tilespmem:v61+s26+$0x0] =	vst.idx.msk vm0, v20  }
0x2e0: {  	v63 =	vor.u32 $0xC, v23;
	v20 =	vld.idx.msk [tilespmem:v62+s13+$0x0], $0xffff  }
0x2e1: {  	v28 =	vor.u32 $0x1280, v18;
	_ =	sdelay $0x3  }
0x2e2: {  	[tilespmem:v63+s26+$0x0] =	vst.idx.msk vm0, v20  }
0x2e3: {  	v29 =	vor.u32 $0xD, v23;
	v20 =	vld.idx.msk [tilespmem:v28+s13+$0x0], $0xffff  }
0x2e4: {  	v30 =	vor.u32 $0x1300, v18;
	_ =	sdelay $0x3  }
0x2e5: {  	[tilespmem:v29+s26+$0x0] =	vst.idx.msk vm0, v20  }
0x2e6: {  	v31 =	vor.u32 $0xE, v23;
	v20 =	vld.idx.msk [tilespmem:v30+s13+$0x0], $0xffff  }
0x2e7: {  	v32 =	vor.u32 $0x1380, v21;
	_ =	sdelay $0x3  }
0x2e8: {  	[tilespmem:v31+s26+$0x0] =	vst.idx.msk vm0, v20  }
0x2e9: {  	v33 =	vor.u32 $0xF, v23;
	v20 =	vld.idx.msk [tilespmem:v32+s13+$0x0], $0xffff  }
0x2ea: {  	v34 =	vor.u32 $0x2000, v18;
	_ =	sdelay $0x3  }
0x2eb: {  	[tilespmem:v33+s26+$0x0] =	vst.idx.msk vm0, v20  }
0x2ec: {  	v35 =	vor.u32 $0x10, v23;
	v20 =	vld.idx.msk [tilespmem:v34+s13+$0x0], $0xffff  }
0x2ed: {  	v36 =	vor.u32 $0x2080, v18;
	_ =	sdelay $0x3  }
0x2ee: {  	[tilespmem:v35+s26+$0x0] =	vst.idx.msk vm0, v20  }
0x2ef: {  	v37 =	vor.u32 $0x11, v23;
	v20 =	vld.idx.msk [tilespmem:v36+s13+$0x0], $0xffff  }
0x2f0: {  	v38 =	vor.u32 $0x2100, v18;
	_ =	sdelay $0x3  }
0x2f1: {  	[tilespmem:v37+s26+$0x0] =	vst.idx.msk vm0, v20  }
0x2f2: {  	v39 =	vor.u32 $0x12, v23;
	v20 =	vld.idx.msk [tilespmem:v38+s13+$0x0], $0xffff  }
0x2f3: {  	v40 =	vor.u32 $0x2180, v21;
	_ =	sdelay $0x3  }
0x2f4: {  	[tilespmem:v39+s26+$0x0] =	vst.idx.msk vm0, v20  }
0x2f5: {  	v41 =	vor.u32 $0x13, v23;
	v20 =	vld.idx.msk [tilespmem:v40+s13+$0x0], $0xffff  }
0x2f6: {  	v42 =	vor.u32 $0x2200, v18;
	_ =	sdelay $0x3  }
0x2f7: {  	[tilespmem:v41+s26+$0x0] =	vst.idx.msk vm0, v20  }
0x2f8: {  	v43 =	vor.u32 $0x14, v23;
	v20 =	vld.idx.msk [tilespmem:v42+s13+$0x0], $0xffff  }
0x2f9: {  	v44 =	vor.u32 $0x2280, v18;
	_ =	sdelay $0x3  }
0x2fa: {  	[tilespmem:v43+s26+$0x0] =	vst.idx.msk vm0, v20  }
0x2fb: {  	v45 =	vor.u32 $0x15, v23;
	v20 =	vld.idx.msk [tilespmem:v44+s13+$0x0], $0xffff  }
0x2fc: {  	v46 =	vor.u32 $0x2300, v18;
	_ =	sdelay $0x3  }
0x2fd: {  	[tilespmem:v45+s26+$0x0] =	vst.idx.msk vm0, v20  }
0x2fe: {  	v47 =	vor.u32 $0x16, v23;
	v20 =	vld.idx.msk [tilespmem:v46+s13+$0x0], $0xffff  }
0x2ff: {  	v48 =	vor.u32 $0x2380, v21;
	_ =	sdelay $0x3  }
0x300: {  	[tilespmem:v47+s26+$0x0] =	vst.idx.msk vm0, v20  }
0x301: {  	v49 =	vor.u32 $0x17, v23;
	v20 =	vld.idx.msk [tilespmem:v48+s13+$0x0], $0xffff  }
0x302: {  	v50 =	vor.u32 $0x3000, v18;
	_ =	sdelay $0x3  }
0x303: {  	[tilespmem:v49+s26+$0x0] =	vst.idx.msk vm0, v20  }
0x304: {  	v51 =	vor.u32 $0x18, v23;
	v20 =	vld.idx.msk [tilespmem:v50+s13+$0x0], $0xffff  }
0x305: {  	v52 =	vor.u32 $0x3080, v18;
	_ =	sdelay $0x3  }
0x306: {  	[tilespmem:v51+s26+$0x0] =	vst.idx.msk vm0, v20  }
0x307: {  	v53 =	vor.u32 $0x19, v23;
	v20 =	vld.idx.msk [tilespmem:v52+s13+$0x0], $0xffff  }
0x308: {  	v54 =	vor.u32 $0x3100, v18;
	_ =	sdelay $0x3  }
0x309: {  	[tilespmem:v53+s26+$0x0] =	vst.idx.msk vm0, v20  }
0x30a: {  	v55 =	vor.u32 $0x1A, v23;
	v20 =	vld.idx.msk [tilespmem:v54+s13+$0x0], $0xffff  }
0x30b: {  	v56 =	vor.u32 $0x3180, v21;
	_ =	sdelay $0x3  }
0x30c: {  	[tilespmem:v55+s26+$0x0] =	vst.idx.msk vm0, v20  }
0x30d: {  	v57 =	vor.u32 $0x1B, v23;
	v20 =	vld.idx.msk [tilespmem:v56+s13+$0x0], $0xffff  }
0x30e: {  	v58 =	vor.u32 $0x3200, v18;
	_ =	sdelay $0x3  }
0x30f: {  	[tilespmem:v57+s26+$0x0] =	vst.idx.msk vm0, v20  }
0x310: {  	v59 =	vor.u32 $0x1C, v23;
	v20 =	vld.idx.msk [tilespmem:v58+s13+$0x0], $0xffff  }
0x311: {  	v60 =	vor.u32 $0x3280, v18;
	_ =	sdelay $0x3  }
0x312: {  	[tilespmem:v59+s26+$0x0] =	vst.idx.msk vm0, v20  }
0x313: {  	v61 =	vor.u32 $0x1D, v23;
	v20 =	vld.idx.msk [tilespmem:v60+s13+$0x0], $0xffff  }
0x314: {  	v18 =	vor.u32 $0x3300, v18;
	_ =	sdelay $0x3  }
0x315: {  	[tilespmem:v61+s26+$0x0] =	vst.idx.msk vm0, v20  }
0x316: {  	v62 =	vor.u32 $0x1E, v23;
	v18 =	vld.idx.msk [tilespmem:v18+s13+$0x0], $0xffff  }
0x317: {  	v21 =	vor.u32 $0x3380, v21;
	_ =	sdelay $0x3  }
0x318: {  	[tilespmem:v62+s26+$0x0] =	vst.idx.msk vm0, v18  }
0x319: {  	v63 =	vor.u32 $0x1F, v23;
	v18 =	vld.idx.msk [tilespmem:v21+s13+$0x0], $0xffff;
	_ =	sdelay $0x1  }
.Ltmp17:
0x31a: {  	_ = 	snop;
	(pc) =	sbr.rel .LBB2_17-.Ltmp17, $3  }
0x31b: {  	_ =	sdelay $0x1  }
0x31c: {  	[tilespmem:v63+s26+$0x0] =	vst.idx.msk vm0, v18  }
0x31d: {  	s2 =	sadd.s32 s19, s2;
	[tilespmem:v19+s28+$0x0] =	vst.idx.msk vm0, v17  }
.LBB2_20:
0x31e: {  	_ =	sfence.sel $0x180000  }
0x31f: {  	[bflag:$0x0] =	sbarrier.arrive $0xFFFF  }
0x320: {  	_ =	strace $0x90000047  }
0x321: {  	s0 =	stileid.u32;
	[bflag:$0x2] =	sbarrier.arrive $0xFFFF  }
0x322: {  	p0 =	sne.s32 s0, $0x0;
	s0 =	rddreg [dreg:$0x5]  }
0x323: {  	s0 =	sadd.s32 @!p0 $0x100000, s0  }
0x324: {  	[sflag:s0] =	ssyncadd.tile.s32 @!p0 $0x1;
	_ =	shalt  }
.Lfunc_end2:
_tile_overlayer_lowered:
.L_overlay_start_2:
0x325: {  	(tag) =	ssettag $0x2  }
0x326: {  	s0 =	rddreg [dreg:$0x0];
	s2 =	stileid.u32  }
0x327: {  	s1 =	rddreg [dreg:$0x1];
	p0 =	sne.s32 s2, $0x0  }
0x328: {  	s3 =	rddreg [dreg:$0x2];
	[bflag:$0x3] =	sbarrier.arrive $0xFFFF;
	s2 =	simm.s32 @!p0 $0x1C03  }
0x329: {  	[timem:s3], [sflag:s2] =	dma.local @!p0 [hbm:s0], s1  }
0x32a: {  	s0 =	simm.s32 @!p0 $0x3  }
0x32b: {  	_ =	swait.ge @!p0 [sflag:s0], s1  }
0x32c: {  	s1 =	ssub.s32 @!p0 $0x0, s1;
	[sflag:s0] =	ssyncset.done @!p0 $0x0  }
0x32d: {  	[sflag:s0] =	ssyncadd.s32 @!p0 s1  }
0x32e: {  	[bflag:$0x3] =	sbarrier.arrive $0xFFFF  }
0x32f: {  	_ =	shalt  }

</sc_bundles>
